<compile_context>
chip_gen: v7x
topology: tpu7x:2x2x1
jax: 0.10.2.dev20260603
libtpu: 0.0.44.dev20260713+nightly
codegen_flags: <defaults>
</compile_context>

<pallas_src>
import jax
import jax.numpy as jnp
from jax import lax
from jax.experimental import pallas as pl
from jax.experimental.pallas import tpu as pltpu
from jax.experimental.pallas import tpu_sc as plsc

L = 16
NCORES = 2
NSUB = 16
NQ = 4
NPAIR = 8
NEG_INF_PACKED = -8388736


def _double_buffered(nchunks, start, wait, work):
    start(0, 0)
    if nchunks > 1:
        start(1, 1)

    def pair(k2, _):
        for b in range(2):
            k = k2 * 2 + b
            wait(k, b)
            work(k, b)

            @pl.when(k + 2 < nchunks)
            def _prefetch():
                start(k + 2, b)
        return 0

    if nchunks // 2 > 0:
        lax.fori_loop(0, nchunks // 2, pair, 0)
    if nchunks % 2:
        k = nchunks - 1
        wait(k, k % 2)
        work(k, k % 2)


def _lo_f32(w):
    return plsc.bitcast(w << 16, jnp.float32)


def _hi_f32(w):
    return plsc.bitcast(w & jnp.int32(-65536), jnp.float32)


def _sc_segment_max(nodes, adj, w_theta, n_nodes, n_edges):
    N = n_nodes
    EQ = n_edges // NQ
    ECH = 3200 if EQ % 3200 == 0 else EQ
    NCH = 2000 if N % 2000 == 0 else N
    n_echunks = EQ // ECH
    n_nchunks = N // NCH

    def body(nodes_hbm, adj_hbm, w_hbm, m_hbm,
             w_v, nbuf0, nbuf1, pp_v, out_v,
             esrc0, esrc1, edst0, edst1, sem_n, sem_e):
        nbufs = (nbuf0, nbuf1)
        esrcs = (esrc0, esrc1)
        edsts = (edst0, edst1)
        c = lax.axis_index("c")
        s = lax.axis_index("s")
        j = s % NPAIR
        q = c * 2 + s // NPAIR
        iota = lax.iota(jnp.int32, L)

        pltpu.sync_copy(w_hbm, w_v)
        ja = jnp.full((L,), j, jnp.int32)
        wa = [plsc.load_gather(w_v, [ja + r * 16]) for r in range(3)]
        wb = [plsc.load_gather(w_v, [ja + (8 + r * 16)]) for r in range(3)]

        ninf = jnp.full((L,), NEG_INF_PACKED, jnp.int32)

        def init(i, _):
            out_v[pl.ds(i * L, L)] = ninf
            return 0

        lax.fori_loop(0, N // L, init, 0)

        def nstart(k, b):
            pltpu.async_copy(nodes_hbm.at[pl.ds(k * NCH * 3, NCH * 3)],
                             nbufs[b], sem_n.at[b])

        def nwait(k, b):
            pltpu.make_async_copy(nodes_hbm.at[pl.ds(k * NCH * 3, NCH * 3)],
                                  nbufs[b], sem_n.at[b]).wait()

        def nwork(k, b):
            def pg(g, _):
                fidx = (g * L + iota) * 3
                x0 = plsc.load_gather(nbufs[b], [fidx])
                x1 = plsc.load_gather(nbufs[b], [fidx + 1])
                x2 = plsc.load_gather(nbufs[b], [fidx + 2])
                pa = x0 * wa[0] + x1 * wa[1] + x2 * wa[2]
                pb = x0 * wb[0] + x1 * wb[1] + x2 * wb[2]
                packed = plsc.pack(pa, pb, format=plsc.PackFormat.INTERLEAVED)
                pp_v[pl.ds(k * NCH + g * L, L)] = plsc.bitcast(packed,
                                                               jnp.int32)
                return 0

            lax.fori_loop(0, NCH // L, pg, 0)

        _double_buffered(n_nchunks, nstart, nwait, nwork)

        ebase = q * EQ

        def estart(k, b):
            off = ebase + k * ECH
            pltpu.async_copy(adj_hbm.at[0, pl.ds(off, ECH)],
                             esrcs[b], sem_e.at[b])
            pltpu.async_copy(adj_hbm.at[1, pl.ds(off, ECH)],
                             edsts[b], sem_e.at[b])

        def ewait(k, b):
            off = ebase + k * ECH
            pltpu.make_async_copy(adj_hbm.at[0, pl.ds(off, ECH)],
                                  esrcs[b], sem_e.at[b]).wait()
            pltpu.make_async_copy(adj_hbm.at[1, pl.ds(off, ECH)],
                                  edsts[b], sem_e.at[b]).wait()

        def pmax(cur_w, val_bf):
            cur_bf = plsc.bitcast(cur_w, jnp.bfloat16)
            return plsc.bitcast(jnp.maximum(cur_bf, val_bf), jnp.int32)

        U = 25
        assert (ECH // L) % U == 0

        def ework(_k, b):
            def grp(gb, _):
                svs, vals, fails = [], [], []
                for u in range(U):
                    g = gb * U + u
                    sv = esrcs[b][pl.ds(g * L, L)]
                    dv = edsts[b][pl.ds(g * L, L)]
                    val_bf = plsc.bitcast(plsc.load_gather(pp_v, [dv]),
                                          jnp.bfloat16)
                    cur_w = plsc.load_gather(out_v, [sv])
                    plsc.store_scatter(out_v, [sv], pmax(cur_w, val_bf))
                    svs.append(sv)
                    vals.append(val_bf)
                fail_or = None
                for u in range(U):
                    chk_w = plsc.load_gather(out_v, [svs[u]])
                    f = pmax(chk_w, vals[u]) != chk_w
                    fails.append(f)
                    fail_or = f if fail_or is None else (fail_or | f)

                @pl.when(jnp.any(fail_or))
                def _slow():
                    def cond(carry):
                        return carry[0]

                    def rbody(carry):
                        _, ms = carry
                        for u in range(U):
                            cur_w = plsc.load_gather(out_v, [svs[u]])
                            plsc.store_scatter(out_v, [svs[u]],
                                               pmax(cur_w, vals[u]),
                                               mask=ms[u])
                        nms, anyf = [], None
                        for u in range(U):
                            chk_w = plsc.load_gather(out_v, [svs[u]])
                            f = ms[u] & (pmax(chk_w, vals[u]) != chk_w)
                            nms.append(f)
                            anyf = f if anyf is None else (anyf | f)
                        return (jnp.any(anyf), tuple(nms))

                    lax.while_loop(cond, rbody,
                                   (jnp.any(fail_or), tuple(fails)))

                return 0

            lax.fori_loop(0, ECH // (L * U), grp, 0)

        _double_buffered(n_echunks, estart, ewait, ework)

        row = (q * NSUB + j) * N

        def fstart(kk, b):
            pltpu.async_copy(nbufs[b].at[pl.ds(0, NCH)],
                             m_hbm.at[pl.ds(row + kk * NCH, NCH)],
                             sem_n.at[b])
            pltpu.async_copy(nbufs[b].at[pl.ds(NCH, NCH)],
                             m_hbm.at[pl.ds(row + 8 * N + kk * NCH, NCH)],
                             sem_n.at[b])

        def fwait(kk, b):
            pltpu.make_async_copy(nbufs[b].at[pl.ds(0, NCH)],
                                  m_hbm.at[pl.ds(row + kk * NCH, NCH)],
                                  sem_n.at[b]).wait()
            pltpu.make_async_copy(
                nbufs[b].at[pl.ds(NCH, NCH)],
                m_hbm.at[pl.ds(row + 8 * N + kk * NCH, NCH)],
                sem_n.at[b]).wait()

        def ffill(kk, b):
            def fg(g, _g):
                sl = pl.ds(kk * NCH + g * L, L)
                ow = out_v[sl]
                pw = pp_v[sl]
                nbufs[b][pl.ds(g * L, L)] = _lo_f32(ow) - _lo_f32(pw)
                nbufs[b][pl.ds(NCH + g * L, L)] = _hi_f32(ow) - _hi_f32(pw)
                return 0

            lax.fori_loop(0, NCH // L, fg, 0)

        def fpair(k2, _):
            for b in range(2):
                kk = k2 * 2 + b

                @pl.when(kk >= 2)
                def _drain():
                    fwait(kk - 2, b)

                ffill(kk, b)
                fstart(kk, b)
            return 0

        lax.fori_loop(0, n_nchunks // 2, fpair, 0)
        for b in range(n_nchunks % 2):
            kk = n_nchunks - 1
            if n_nchunks >= 3:
                fwait(kk - 2, kk % 2)
            ffill(kk, kk % 2)
            fstart(kk, kk % 2)
        if n_nchunks >= 2:
            fwait(n_nchunks - 2, (n_nchunks - 2) % 2)
        fwait(n_nchunks - 1, (n_nchunks - 1) % 2)

    kern = pl.kernel(
        body,
        out_type=jax.ShapeDtypeStruct((NQ * NSUB * N,), jnp.float32),
        mesh=plsc.VectorSubcoreMesh(core_axis_name="c", subcore_axis_name="s",
                                    num_cores=NCORES, num_subcores=NSUB),
        scratch_types=[
            pltpu.VMEM((3 * L,), jnp.float32),
            pltpu.VMEM((NCH * 3,), jnp.float32),
            pltpu.VMEM((NCH * 3,), jnp.float32),
            pltpu.VMEM((N,), jnp.int32),
            pltpu.VMEM((N,), jnp.int32),
            pltpu.VMEM((ECH,), jnp.int32),
            pltpu.VMEM((ECH,), jnp.int32),
            pltpu.VMEM((ECH,), jnp.int32),
            pltpu.VMEM((ECH,), jnp.int32),
            pltpu.SemaphoreType.DMA((2,)),
            pltpu.SemaphoreType.DMA((2,)),
        ],
        compiler_params=pltpu.CompilerParams(needs_layout_passes=False),
    )
    out = kern(nodes.reshape(-1), adj, w_theta.reshape(-1))
    return out.reshape(NQ, NSUB, N)


def _tc_combine(prev, m, w_phi, n):
    d = w_phi.shape[0]

    def body(prev_ref, m_ref, w_ref, o_ref):
        mx = jnp.maximum(jnp.maximum(m_ref[0], m_ref[1]),
                         jnp.maximum(m_ref[2], m_ref[3]))
        acc = jnp.sum(mx * w_ref[...], axis=0, keepdims=True)
        o_ref[...] = prev_ref[...] + acc * (1.0 / d)

    out = pl.pallas_call(
        body,
        out_shape=jax.ShapeDtypeStruct((1, n), jnp.float32),
    )(prev.reshape(1, n), m, w_phi.reshape(d, 1))
    return out.reshape(n)


def kernel(previous_inclusion_score, nodes, adjacency_indices, W_phi, W_theta):
    n = nodes.shape[0]
    e = adjacency_indices.shape[1]
    m = _sc_segment_max(nodes, adjacency_indices, W_theta, n, e)
    return _tc_combine(previous_inclusion_score, m, W_phi, n)

# --- scband reference (transcript-rebuilt; emitter-appended) ---
"""Pipeline reference for scband-dev-conv-48060684042822 (READ-ONLY COPY).

The authoritative reference and input builder live on the scoring server;
editing this copy changes nothing except your own understanding.
"""

import jax, jax.numpy as jnp
import numpy as np

N = 50000
E = 1600000
D = 16

def setup_inputs(seed: int = 0) -> dict:
    key = jax.random.key(seed)
    k1, k2, k3, k4, k5 = jax.random.split(key, 5)
    previous_inclusion_score = jax.random.normal(k1, (N,), dtype=jnp.float32)
    nodes = jax.random.normal(k2, (N, 3), dtype=jnp.float32)
    adjacency_indices = jax.random.randint(k3, (2, E), 0, N, dtype=jnp.int32)
    W_phi = jax.random.normal(k4, (D,), dtype=jnp.float32)
    W_theta = jax.random.normal(k5, (3, D), dtype=jnp.float32)
    return {
        'previous_inclusion_score': previous_inclusion_score,
        'nodes': nodes,
        'adjacency_indices': adjacency_indices,
        'W_phi': W_phi,
        'W_theta': W_theta,
    }

def reference(previous_inclusion_score, nodes, adjacency_indices, W_phi, W_theta):
    # torch: indices = adjacency_matrix.coalesce().indices()  -> here given directly as [2, E]
    src = adjacency_indices[0]
    dst = adjacency_indices[1]
    # distances = nodes[indices[1]] - nodes[indices[0]]  -> [E, 3] gather
    distances = jnp.take(nodes, dst, axis=0) - jnp.take(nodes, src, axis=0)
    # w_theta_operation = (distances @ W_theta).squeeze() -> [E, D]
    wt = distances @ W_theta
    # grouped max over edges by source node (pad_sequence with -inf then max == segment_max)
    num_segments = previous_inclusion_score.shape[0]
    maxi = jax.ops.segment_max(wt, src, num_segments=num_segments)  # [N, D]
    # list_inc_score = W_phi * maxi -> [N, D]
    list_inc_score = W_phi * maxi
    # previous_inclusion_score is non-empty and list_inc_score is 2D with D>1 cols -> mean over dim 1
    list_inc_score = jnp.mean(list_inc_score, axis=1)  # [N]
    return previous_inclusion_score + list_inc_score

if __name__ == "__main__":
    import jax
    _d = setup_inputs()
    print(jax.jit(kernel)(*tuple(_d.values())))

</pallas_src>

<mosaic_0001>
#map = affine_map<(d0, d1) -> (0)>
#map1 = affine_map<(d0, d1) -> (0, 0)>
module attributes {stable_mosaic.version = 14 : i64} {
  func.func @body(%arg0: i32, %arg1: i32, %arg2: memref<150000xf32, #tpu.memory_space<hbm>>, %arg3: memref<2x1600000xi32, #tpu.memory_space<hbm>>, %arg4: memref<48xf32, #tpu.memory_space<hbm>>, %arg5: memref<3200000xf32, #tpu.memory_space<hbm>>, %arg6: memref<48xf32, #tpu.memory_space<vmem>>, %arg7: memref<6000xf32, #tpu.memory_space<vmem>>, %arg8: memref<6000xf32, #tpu.memory_space<vmem>>, %arg9: memref<50000xi32, #tpu.memory_space<vmem>>, %arg10: memref<50000xi32, #tpu.memory_space<vmem>>, %arg11: memref<3200xi32, #tpu.memory_space<vmem>>, %arg12: memref<3200xi32, #tpu.memory_space<vmem>>, %arg13: memref<3200xi32, #tpu.memory_space<vmem>>, %arg14: memref<3200xi32, #tpu.memory_space<vmem>>, %arg15: memref<2x!tpu.dma_semaphore, #tpu.memory_space<semaphore_mem>>, %arg16: memref<2x!tpu.dma_semaphore, #tpu.memory_space<semaphore_mem>>) attributes {dimension_semantics = [#tpu.dimension_semantics<core_parallel>, #tpu.dimension_semantics<subcore_parallel>], iteration_bounds = array<i64: 2, 16>, scalar_prefetch = 0 : i64, scratch_operands = 11 : i64, tpu.core_type = #tpu.core_type<sc_vector_subcore>, window_params = [{transform_indices = #map}, {transform_indices = #map1}, {transform_indices = #map}, {transform_indices = #map}]} {
    %jit3A = arith.constant 8 : i32
    %eq3A = arith.constant 0 : i32
    %eq3A_0 = arith.cmpi eq, %jit3A, %eq3A : i32
    %jit3A_1 = arith.constant 1 : i32
    %select_n3A = arith.select %eq3A_0, %jit3A_1, %jit3A : i32
    %rem3A = arith.remsi %arg1, %select_n3A : i32
    %ne3A = arith.constant 0 : i32
    %ne3A_2 = arith.cmpi ne, %rem3A, %ne3A : i32
    %lt3A = arith.constant 0 : i32
    %lt3A_3 = arith.cmpi slt, %rem3A, %lt3A : i32
    %lt3A_4 = arith.constant 0 : i32
    %lt3A_5 = arith.cmpi slt, %select_n3A, %lt3A_4 : i32
    %ne3A_6 = arith.xori %lt3A_3, %lt3A_5 : i1
    %and3A = arith.andi %ne3A_6, %ne3A_2 : i1
    %add3A = arith.addi %rem3A, %select_n3A : i32
    %select_n3A_7 = arith.select %and3A, %add3A, %rem3A : i32
    %mul3A = arith.constant 2 : i32
    %mul3A_8 = arith.muli %arg0, %mul3A : i32
    %jit3A_9 = arith.constant 8 : i32
    %div3A = arith.divsi %arg1, %jit3A_9 : i32
    %sign3A = arith.constant 0 : i32
    %sign3A_10 = arith.cmpi sgt, %arg1, %sign3A : i32
    %sign3A_11 = arith.extui %sign3A_10 : i1 to i32
    %sign3A_12 = arith.constant 0 : i32
    %sign3A_13 = arith.cmpi slt, %arg1, %sign3A_12 : i32
    %sign3A_14 = arith.extui %sign3A_13 : i1 to i32
    %sign3A_15 = arith.subi %sign3A_11, %sign3A_14 : i32
    %sign3A_16 = arith.constant 0 : i32
    %sign3A_17 = arith.cmpi sgt, %jit3A_9, %sign3A_16 : i32
    %sign3A_18 = arith.extui %sign3A_17 : i1 to i32
    %sign3A_19 = arith.constant 0 : i32
    %sign3A_20 = arith.cmpi slt, %jit3A_9, %sign3A_19 : i32
    %sign3A_21 = arith.extui %sign3A_20 : i1 to i32
    %sign3A_22 = arith.subi %sign3A_18, %sign3A_21 : i32
    %ne3A_23 = arith.cmpi ne, %sign3A_15, %sign3A_22 : i32
    %rem3A_24 = arith.remsi %arg1, %jit3A_9 : i32
    %ne3A_25 = arith.constant 0 : i32
    %ne3A_26 = arith.cmpi ne, %rem3A_24, %ne3A_25 : i32
    %and3A_27 = arith.andi %ne3A_23, %ne3A_26 : i1
    %sub3A = arith.constant 1 : i32
    %sub3A_28 = arith.subi %div3A, %sub3A : i32
    %select_n3A_29 = arith.select %and3A_27, %sub3A_28, %div3A : i32
    %add3A_30 = arith.addi %mul3A_8, %select_n3A_29 : i32
    %iota3A = tpu.iota {dimensions = array<i32: 0>} : vector<16xi32>
    "tpu.region"() ({
      %run_scoped3A = tpu.sem_alloc : memref<!tpu.dma_semaphore, #tpu.memory_space<semaphore_mem>>
      tpu.enqueue_dma source(%arg4 : memref<48xf32, #tpu.memory_space<hbm>>) target(%arg6 : memref<48xf32, #tpu.memory_space<vmem>>) target_semaphore(%run_scoped3A : memref<!tpu.dma_semaphore, #tpu.memory_space<semaphore_mem>>)
      tpu.wait_dma2 semaphore(%run_scoped3A : memref<!tpu.dma_semaphore, #tpu.memory_space<semaphore_mem>>) src(%arg4 : memref<48xf32, #tpu.memory_space<hbm>>) dst(%arg6 : memref<48xf32, #tpu.memory_space<vmem>>)
      tpu.yield
    }) : () -> ()
    %broadcast_in_dim3A = vector.broadcast %select_n3A_7 : i32 to vector<16xi32>
    %add3A_31 = arith.constant 0 : i32
    %add3A_32 = vector.broadcast %add3A_31 : i32 to vector<16xi32>
    %add3A_33 = arith.addi %broadcast_in_dim3A, %add3A_32 : vector<16xi32>
    %gather3A = tpu.vector_load_idx %arg6[%add3A_33] : memref<48xf32, #tpu.memory_space<vmem>>[vector<16xi32>], vector<16xf32>,
    %add3A_34 = arith.constant 16 : i32
    %add3A_35 = vector.broadcast %add3A_34 : i32 to vector<16xi32>
    %add3A_36 = arith.addi %broadcast_in_dim3A, %add3A_35 : vector<16xi32>
    %gather3A_37 = tpu.vector_load_idx %arg6[%add3A_36] : memref<48xf32, #tpu.memory_space<vmem>>[vector<16xi32>], vector<16xf32>,
    %add3A_38 = arith.constant 32 : i32
    %add3A_39 = vector.broadcast %add3A_38 : i32 to vector<16xi32>
    %add3A_40 = arith.addi %broadcast_in_dim3A, %add3A_39 : vector<16xi32>
    %gather3A_41 = tpu.vector_load_idx %arg6[%add3A_40] : memref<48xf32, #tpu.memory_space<vmem>>[vector<16xi32>], vector<16xf32>,
    %add3A_42 = arith.constant 8 : i32
    %add3A_43 = vector.broadcast %add3A_42 : i32 to vector<16xi32>
    %add3A_44 = arith.addi %broadcast_in_dim3A, %add3A_43 : vector<16xi32>
    %gather3A_45 = tpu.vector_load_idx %arg6[%add3A_44] : memref<48xf32, #tpu.memory_space<vmem>>[vector<16xi32>], vector<16xf32>,
    %add3A_46 = arith.constant 24 : i32
    %add3A_47 = vector.broadcast %add3A_46 : i32 to vector<16xi32>
    %add3A_48 = arith.addi %broadcast_in_dim3A, %add3A_47 : vector<16xi32>
    %gather3A_49 = tpu.vector_load_idx %arg6[%add3A_48] : memref<48xf32, #tpu.memory_space<vmem>>[vector<16xi32>], vector<16xf32>,
    %add3A_50 = arith.constant 40 : i32
    %add3A_51 = vector.broadcast %add3A_50 : i32 to vector<16xi32>
    %add3A_52 = arith.addi %broadcast_in_dim3A, %add3A_51 : vector<16xi32>
    %gather3A_53 = tpu.vector_load_idx %arg6[%add3A_52] : memref<48xf32, #tpu.memory_space<vmem>>[vector<16xi32>], vector<16xf32>,
    %broadcast_in_dim3A_54 = arith.constant -8388736 : i32
    %broadcast_in_dim3A_55 = vector.broadcast %broadcast_in_dim3A_54 : i32 to vector<16xi32>
    %scan3A = arith.constant 0 : i32
    %scan3A_56 = arith.constant 0 : i32
    %scan3A_57 = arith.constant 3125 : i32
    %scan3A_58 = arith.addi %scan3A_56, %scan3A_57 : i32
    %scan3A_59 = arith.constant 1 : i32
    %scan3A_60 = scf.for %scan3A_280 = %scan3A_56 to %scan3A_58 step %scan3A_59 iter_args(%scan3A_281 = %scan3A) -> (i32)  : i32 {
      %mul3A_282 = arith.constant 16 : i32
      %mul3A_283 = arith.muli %scan3A_280, %mul3A_282 : i32
      %swap3A = arith.index_cast %mul3A_283 : i32 to index
      %swap3A_284 = tpu.vector_load %arg10[%swap3A] {strides = array<i32>} : memref<50000xi32, #tpu.memory_space<vmem>>, vector<16xi32>,
      tpu.vector_store %arg10[%swap3A], %broadcast_in_dim3A_55 {strides = array<i32>} : memref<50000xi32, #tpu.memory_space<vmem>>, vector<16xi32>,
      %scan3A_285 = arith.constant 0 : i32
      scf.yield %scan3A_285 : i32
    }
    %scan3A_61 = arith.constant 3125 : i32
    %dma_start3A = arith.constant 0 : i32
    %dma_start3A_62 = arith.constant 0 : i32
    %dma_start3A_63 = tpu.memref_slice %arg2[%dma_start3A_62] : memref<150000xf32, #tpu.memory_space<hbm>> -> memref<6000xf32, #tpu.memory_space<hbm>>
    %dma_start3A_64 = tpu.memref_slice %arg15[%dma_start3A] : memref<2x!tpu.dma_semaphore, #tpu.memory_space<semaphore_mem>> -> memref<1x!tpu.dma_semaphore, #tpu.memory_space<semaphore_mem>>
    %dma_start3A_65 = tpu.memref_squeeze %dma_start3A_64 : memref<1x!tpu.dma_semaphore, #tpu.memory_space<semaphore_mem>> -> memref<!tpu.dma_semaphore, #tpu.memory_space<semaphore_mem>>
    %dma_start3A_66 = arith.constant 0 : i32
    %dma_start3A_67 = tpu.memref_slice %arg2[%dma_start3A_66] : memref<150000xf32, #tpu.memory_space<hbm>> -> memref<6000xf32, #tpu.memory_space<hbm>>
    tpu.enqueue_dma source(%dma_start3A_67 : memref<6000xf32, #tpu.memory_space<hbm>>) target(%arg7 : memref<6000xf32, #tpu.memory_space<vmem>>) target_semaphore(%dma_start3A_65 : memref<!tpu.dma_semaphore, #tpu.memory_space<semaphore_mem>>)
    %dma_start3A_68 = arith.constant 1 : i32
    %dma_start3A_69 = arith.constant 6000 : i32
    %dma_start3A_70 = tpu.memref_slice %arg2[%dma_start3A_69] : memref<150000xf32, #tpu.memory_space<hbm>> -> memref<6000xf32, #tpu.memory_space<hbm>>
    %dma_start3A_71 = tpu.memref_slice %arg15[%dma_start3A_68] : memref<2x!tpu.dma_semaphore, #tpu.memory_space<semaphore_mem>> -> memref<1x!tpu.dma_semaphore, #tpu.memory_space<semaphore_mem>>
    %dma_start3A_72 = tpu.memref_squeeze %dma_start3A_71 : memref<1x!tpu.dma_semaphore, #tpu.memory_space<semaphore_mem>> -> memref<!tpu.dma_semaphore, #tpu.memory_space<semaphore_mem>>
    %dma_start3A_73 = arith.constant 6000 : i32
    %dma_start3A_74 = tpu.memref_slice %arg2[%dma_start3A_73] : memref<150000xf32, #tpu.memory_space<hbm>> -> memref<6000xf32, #tpu.memory_space<hbm>>
    tpu.enqueue_dma source(%dma_start3A_74 : memref<6000xf32, #tpu.memory_space<hbm>>) target(%arg8 : memref<6000xf32, #tpu.memory_space<vmem>>) target_semaphore(%dma_start3A_72 : memref<!tpu.dma_semaphore, #tpu.memory_space<semaphore_mem>>)
    %scan3A_75 = arith.constant 0 : i32
    %scan3A_76 = arith.constant 0 : i32
    %scan3A_77 = arith.constant 12 : i32
    %scan3A_78 = arith.addi %scan3A_76, %scan3A_77 : i32
    %scan3A_79 = arith.constant 1 : i32
    %scan3A_80 = scf.for %scan3A_280 = %scan3A_76 to %scan3A_78 step %scan3A_79 iter_args(%scan3A_281 = %scan3A_75) -> (i32)  : i32 {
      %mul3A_282 = arith.constant 2 : i32
      %mul3A_283 = arith.muli %scan3A_280, %mul3A_282 : i32
      %add3A_284 = arith.constant 0 : i32
      %add3A_285 = arith.addi %mul3A_283, %add3A_284 : i32
      %mul3A_286 = arith.constant 2000 : i32
      %mul3A_287 = arith.muli %add3A_285, %mul3A_286 : i32
      %mul3A_288 = arith.constant 3 : i32
      %mul3A_289 = arith.muli %mul3A_287, %mul3A_288 : i32
      %dma_wait3A_290 = arith.constant 0 : i32
      %dma_wait3A_291 = tpu.memref_slice %arg2[%mul3A_289] : memref<150000xf32, #tpu.memory_space<hbm>> -> memref<6000xf32, #tpu.memory_space<hbm>>
      %dma_wait3A_292 = tpu.memref_slice %arg15[%dma_wait3A_290] : memref<2x!tpu.dma_semaphore, #tpu.memory_space<semaphore_mem>> -> memref<1x!tpu.dma_semaphore, #tpu.memory_space<semaphore_mem>>
      %dma_wait3A_293 = tpu.memref_squeeze %dma_wait3A_292 : memref<1x!tpu.dma_semaphore, #tpu.memory_space<semaphore_mem>> -> memref<!tpu.dma_semaphore, #tpu.memory_space<semaphore_mem>>
      %dma_wait3A_294 = tpu.memref_slice %arg2[%mul3A_289] : memref<150000xf32, #tpu.memory_space<hbm>> -> memref<6000xf32, #tpu.memory_space<hbm>>
      tpu.wait_dma2 semaphore(%dma_wait3A_293 : memref<!tpu.dma_semaphore, #tpu.memory_space<semaphore_mem>>) src(%dma_wait3A_294 : memref<6000xf32, #tpu.memory_space<hbm>>) dst(%arg7 : memref<6000xf32, #tpu.memory_space<vmem>>)
      %scan3A_295 = arith.constant 0 : i32
      %scan3A_296 = arith.constant 0 : i32
      %scan3A_297 = arith.constant 125 : i32
      %scan3A_298 = arith.addi %scan3A_296, %scan3A_297 : i32
      %scan3A_299 = arith.constant 1 : i32
      %scan3A_300 = scf.for %scan3A_335 = %scan3A_296 to %scan3A_298 step %scan3A_299 iter_args(%scan3A_336 = %scan3A_295) -> (i32)  : i32 {
        %mul3A_337 = arith.constant 16 : i32
        %mul3A_338 = arith.muli %scan3A_335, %mul3A_337 : i32
        %add3A_339 = vector.broadcast %mul3A_338 : i32 to vector<16xi32>
        %add3A_340 = arith.addi %add3A_339, %iota3A : vector<16xi32>
        %mul3A_341 = arith.constant 3 : i32
        %mul3A_342 = vector.broadcast %mul3A_341 : i32 to vector<16xi32>
        %mul3A_343 = arith.muli %add3A_340, %mul3A_342 : vector<16xi32>
        %gather3A_344 = tpu.vector_load_idx %arg7[%mul3A_343] : memref<6000xf32, #tpu.memory_space<vmem>>[vector<16xi32>], vector<16xf32>,
        %add3A_345 = arith.constant 1 : i32
        %add3A_346 = vector.broadcast %add3A_345 : i32 to vector<16xi32>
        %add3A_347 = arith.addi %mul3A_343, %add3A_346 : vector<16xi32>
        %gather3A_348 = tpu.vector_load_idx %arg7[%add3A_347] : memref<6000xf32, #tpu.memory_space<vmem>>[vector<16xi32>], vector<16xf32>,
        %add3A_349 = arith.constant 2 : i32
        %add3A_350 = vector.broadcast %add3A_349 : i32 to vector<16xi32>
        %add3A_351 = arith.addi %mul3A_343, %add3A_350 : vector<16xi32>
        %gather3A_352 = tpu.vector_load_idx %arg7[%add3A_351] : memref<6000xf32, #tpu.memory_space<vmem>>[vector<16xi32>], vector<16xf32>,
        %mul3A_353 = arith.mulf %gather3A_344, %gather3A : vector<16xf32>
        %mul3A_354 = arith.mulf %gather3A_348, %gather3A_37 : vector<16xf32>
        %add3A_355 = arith.addf %mul3A_353, %mul3A_354 : vector<16xf32>
        %mul3A_356 = arith.mulf %gather3A_352, %gather3A_41 : vector<16xf32>
        %add3A_357 = arith.addf %add3A_355, %mul3A_356 : vector<16xf32>
        %mul3A_358 = arith.mulf %gather3A_344, %gather3A_45 : vector<16xf32>
        %mul3A_359 = arith.mulf %gather3A_348, %gather3A_49 : vector<16xf32>
        %add3A_360 = arith.addf %mul3A_358, %mul3A_359 : vector<16xf32>
        %mul3A_361 = arith.mulf %gather3A_352, %gather3A_53 : vector<16xf32>
        %add3A_362 = arith.addf %add3A_360, %mul3A_361 : vector<16xf32>
        %pack3A = tpu.pack_subelements %add3A_357, %add3A_362 {pack_format = #tpu.pack_format<interleaved>, positions = array<i32: 0, 1>} : vector<16xf32>, vector<16xf32> -> vector<32xbf16>
        %bitcast3A = vector.bitcast %pack3A : vector<32xbf16> to vector<16xi32>
        %mul3A_363 = arith.constant 2000 : i32
        %mul3A_364 = arith.muli %add3A_285, %mul3A_363 : i32
        %mul3A_365 = arith.constant 16 : i32
        %mul3A_366 = arith.muli %scan3A_335, %mul3A_365 : i32
        %add3A_367 = arith.addi %mul3A_364, %mul3A_366 : i32
        %swap3A = arith.index_cast %add3A_367 : i32 to index
        %swap3A_368 = tpu.vector_load %arg9[%swap3A] {strides = array<i32>} : memref<50000xi32, #tpu.memory_space<vmem>>, vector<16xi32>,
        tpu.vector_store %arg9[%swap3A], %bitcast3A {strides = array<i32>} : memref<50000xi32, #tpu.memory_space<vmem>>, vector<16xi32>,
        %scan3A_369 = arith.constant 0 : i32
        scf.yield %scan3A_369 : i32
      }
      %scan3A_301 = arith.constant 125 : i32
      %add3A_302 = arith.constant 2 : i32
      %add3A_303 = arith.addi %add3A_285, %add3A_302 : i32
      %lt3A_304 = arith.constant 25 : i32
      %lt3A_305 = arith.cmpi slt, %add3A_303, %lt3A_304 : i32
      %convert_element_type3A = arith.extui %lt3A_305 : i1 to i32
      %cond3A = arith.constant 0 : i32
      %cond3A_306 = arith.cmpi ne, %convert_element_type3A, %cond3A : i32
      scf.if %cond3A_306 {
        %add3A_335 = arith.constant 2 : i32
        %add3A_336 = arith.addi %add3A_285, %add3A_335 : i32
        %mul3A_337 = arith.constant 2000 : i32
        %mul3A_338 = arith.muli %add3A_336, %mul3A_337 : i32
        %mul3A_339 = arith.constant 3 : i32
        %mul3A_340 = arith.muli %mul3A_338, %mul3A_339 : i32
        %dma_start3A_341 = arith.constant 0 : i32
        %dma_start3A_342 = tpu.memref_slice %arg2[%mul3A_340] : memref<150000xf32, #tpu.memory_space<hbm>> -> memref<6000xf32, #tpu.memory_space<hbm>>
        %dma_start3A_343 = tpu.memref_slice %arg15[%dma_start3A_341] : memref<2x!tpu.dma_semaphore, #tpu.memory_space<semaphore_mem>> -> memref<1x!tpu.dma_semaphore, #tpu.memory_space<semaphore_mem>>
        %dma_start3A_344 = tpu.memref_squeeze %dma_start3A_343 : memref<1x!tpu.dma_semaphore, #tpu.memory_space<semaphore_mem>> -> memref<!tpu.dma_semaphore, #tpu.memory_space<semaphore_mem>>
        %dma_start3A_345 = tpu.memref_slice %arg2[%mul3A_340] : memref<150000xf32, #tpu.memory_space<hbm>> -> memref<6000xf32, #tpu.memory_space<hbm>>
        tpu.enqueue_dma source(%dma_start3A_345 : memref<6000xf32, #tpu.memory_space<hbm>>) target(%arg7 : memref<6000xf32, #tpu.memory_space<vmem>>) target_semaphore(%dma_start3A_344 : memref<!tpu.dma_semaphore, #tpu.memory_space<semaphore_mem>>)
      } else {
      }
      %mul3A_307 = arith.constant 2 : i32
      %mul3A_308 = arith.muli %scan3A_280, %mul3A_307 : i32
      %add3A_309 = arith.constant 1 : i32
      %add3A_310 = arith.addi %mul3A_308, %add3A_309 : i32
      %mul3A_311 = arith.constant 2000 : i32
      %mul3A_312 = arith.muli %add3A_310, %mul3A_311 : i32
      %mul3A_313 = arith.constant 3 : i32
      %mul3A_314 = arith.muli %mul3A_312, %mul3A_313 : i32
      %dma_wait3A_315 = arith.constant 1 : i32
      %dma_wait3A_316 = tpu.memref_slice %arg2[%mul3A_314] : memref<150000xf32, #tpu.memory_space<hbm>> -> memref<6000xf32, #tpu.memory_space<hbm>>
      %dma_wait3A_317 = tpu.memref_slice %arg15[%dma_wait3A_315] : memref<2x!tpu.dma_semaphore, #tpu.memory_space<semaphore_mem>> -> memref<1x!tpu.dma_semaphore, #tpu.memory_space<semaphore_mem>>
      %dma_wait3A_318 = tpu.memref_squeeze %dma_wait3A_317 : memref<1x!tpu.dma_semaphore, #tpu.memory_space<semaphore_mem>> -> memref<!tpu.dma_semaphore, #tpu.memory_space<semaphore_mem>>
      %dma_wait3A_319 = tpu.memref_slice %arg2[%mul3A_314] : memref<150000xf32, #tpu.memory_space<hbm>> -> memref<6000xf32, #tpu.memory_space<hbm>>
      tpu.wait_dma2 semaphore(%dma_wait3A_318 : memref<!tpu.dma_semaphore, #tpu.memory_space<semaphore_mem>>) src(%dma_wait3A_319 : memref<6000xf32, #tpu.memory_space<hbm>>) dst(%arg8 : memref<6000xf32, #tpu.memory_space<vmem>>)
      %scan3A_320 = arith.constant 0 : i32
      %scan3A_321 = arith.constant 0 : i32
      %scan3A_322 = arith.constant 125 : i32
      %scan3A_323 = arith.addi %scan3A_321, %scan3A_322 : i32
      %scan3A_324 = arith.constant 1 : i32
      %scan3A_325 = scf.for %scan3A_335 = %scan3A_321 to %scan3A_323 step %scan3A_324 iter_args(%scan3A_336 = %scan3A_320) -> (i32)  : i32 {
        %mul3A_337 = arith.constant 16 : i32
        %mul3A_338 = arith.muli %scan3A_335, %mul3A_337 : i32
        %add3A_339 = vector.broadcast %mul3A_338 : i32 to vector<16xi32>
        %add3A_340 = arith.addi %add3A_339, %iota3A : vector<16xi32>
        %mul3A_341 = arith.constant 3 : i32
        %mul3A_342 = vector.broadcast %mul3A_341 : i32 to vector<16xi32>
        %mul3A_343 = arith.muli %add3A_340, %mul3A_342 : vector<16xi32>
        %gather3A_344 = tpu.vector_load_idx %arg8[%mul3A_343] : memref<6000xf32, #tpu.memory_space<vmem>>[vector<16xi32>], vector<16xf32>,
        %add3A_345 = arith.constant 1 : i32
        %add3A_346 = vector.broadcast %add3A_345 : i32 to vector<16xi32>
        %add3A_347 = arith.addi %mul3A_343, %add3A_346 : vector<16xi32>
        %gather3A_348 = tpu.vector_load_idx %arg8[%add3A_347] : memref<6000xf32, #tpu.memory_space<vmem>>[vector<16xi32>], vector<16xf32>,
        %add3A_349 = arith.constant 2 : i32
        %add3A_350 = vector.broadcast %add3A_349 : i32 to vector<16xi32>
        %add3A_351 = arith.addi %mul3A_343, %add3A_350 : vector<16xi32>
        %gather3A_352 = tpu.vector_load_idx %arg8[%add3A_351] : memref<6000xf32, #tpu.memory_space<vmem>>[vector<16xi32>], vector<16xf32>,
        %mul3A_353 = arith.mulf %gather3A_344, %gather3A : vector<16xf32>
        %mul3A_354 = arith.mulf %gather3A_348, %gather3A_37 : vector<16xf32>
        %add3A_355 = arith.addf %mul3A_353, %mul3A_354 : vector<16xf32>
        %mul3A_356 = arith.mulf %gather3A_352, %gather3A_41 : vector<16xf32>
        %add3A_357 = arith.addf %add3A_355, %mul3A_356 : vector<16xf32>
        %mul3A_358 = arith.mulf %gather3A_344, %gather3A_45 : vector<16xf32>
        %mul3A_359 = arith.mulf %gather3A_348, %gather3A_49 : vector<16xf32>
        %add3A_360 = arith.addf %mul3A_358, %mul3A_359 : vector<16xf32>
        %mul3A_361 = arith.mulf %gather3A_352, %gather3A_53 : vector<16xf32>
        %add3A_362 = arith.addf %add3A_360, %mul3A_361 : vector<16xf32>
        %pack3A = tpu.pack_subelements %add3A_357, %add3A_362 {pack_format = #tpu.pack_format<interleaved>, positions = array<i32: 0, 1>} : vector<16xf32>, vector<16xf32> -> vector<32xbf16>
        %bitcast3A = vector.bitcast %pack3A : vector<32xbf16> to vector<16xi32>
        %mul3A_363 = arith.constant 2000 : i32
        %mul3A_364 = arith.muli %add3A_310, %mul3A_363 : i32
        %mul3A_365 = arith.constant 16 : i32
        %mul3A_366 = arith.muli %scan3A_335, %mul3A_365 : i32
        %add3A_367 = arith.addi %mul3A_364, %mul3A_366 : i32
        %swap3A = arith.index_cast %add3A_367 : i32 to index
        %swap3A_368 = tpu.vector_load %arg9[%swap3A] {strides = array<i32>} : memref<50000xi32, #tpu.memory_space<vmem>>, vector<16xi32>,
        tpu.vector_store %arg9[%swap3A], %bitcast3A {strides = array<i32>} : memref<50000xi32, #tpu.memory_space<vmem>>, vector<16xi32>,
        %scan3A_369 = arith.constant 0 : i32
        scf.yield %scan3A_369 : i32
      }
      %scan3A_326 = arith.constant 125 : i32
      %add3A_327 = arith.constant 2 : i32
      %add3A_328 = arith.addi %add3A_310, %add3A_327 : i32
      %lt3A_329 = arith.constant 25 : i32
      %lt3A_330 = arith.cmpi slt, %add3A_328, %lt3A_329 : i32
      %convert_element_type3A_331 = arith.extui %lt3A_330 : i1 to i32
      %cond3A_332 = arith.constant 0 : i32
      %cond3A_333 = arith.cmpi ne, %convert_element_type3A_331, %cond3A_332 : i32
      scf.if %cond3A_333 {
        %add3A_335 = arith.constant 2 : i32
        %add3A_336 = arith.addi %add3A_310, %add3A_335 : i32
        %mul3A_337 = arith.constant 2000 : i32
        %mul3A_338 = arith.muli %add3A_336, %mul3A_337 : i32
        %mul3A_339 = arith.constant 3 : i32
        %mul3A_340 = arith.muli %mul3A_338, %mul3A_339 : i32
        %dma_start3A_341 = arith.constant 1 : i32
        %dma_start3A_342 = tpu.memref_slice %arg2[%mul3A_340] : memref<150000xf32, #tpu.memory_space<hbm>> -> memref<6000xf32, #tpu.memory_space<hbm>>
        %dma_start3A_343 = tpu.memref_slice %arg15[%dma_start3A_341] : memref<2x!tpu.dma_semaphore, #tpu.memory_space<semaphore_mem>> -> memref<1x!tpu.dma_semaphore, #tpu.memory_space<semaphore_mem>>
        %dma_start3A_344 = tpu.memref_squeeze %dma_start3A_343 : memref<1x!tpu.dma_semaphore, #tpu.memory_space<semaphore_mem>> -> memref<!tpu.dma_semaphore, #tpu.memory_space<semaphore_mem>>
        %dma_start3A_345 = tpu.memref_slice %arg2[%mul3A_340] : memref<150000xf32, #tpu.memory_space<hbm>> -> memref<6000xf32, #tpu.memory_space<hbm>>
        tpu.enqueue_dma source(%dma_start3A_345 : memref<6000xf32, #tpu.memory_space<hbm>>) target(%arg8 : memref<6000xf32, #tpu.memory_space<vmem>>) target_semaphore(%dma_start3A_344 : memref<!tpu.dma_semaphore, #tpu.memory_space<semaphore_mem>>)
      } else {
      }
      %scan3A_334 = arith.constant 0 : i32
      scf.yield %scan3A_334 : i32
    }
    %scan3A_81 = arith.constant 12 : i32
    %dma_wait3A = arith.constant 0 : i32
    %dma_wait3A_82 = arith.constant 144000 : i32
    %dma_wait3A_83 = tpu.memref_slice %arg2[%dma_wait3A_82] : memref<150000xf32, #tpu.memory_space<hbm>> -> memref<6000xf32, #tpu.memory_space<hbm>>
    %dma_wait3A_84 = tpu.memref_slice %arg15[%dma_wait3A] : memref<2x!tpu.dma_semaphore, #tpu.memory_space<semaphore_mem>> -> memref<1x!tpu.dma_semaphore, #tpu.memory_space<semaphore_mem>>
    %dma_wait3A_85 = tpu.memref_squeeze %dma_wait3A_84 : memref<1x!tpu.dma_semaphore, #tpu.memory_space<semaphore_mem>> -> memref<!tpu.dma_semaphore, #tpu.memory_space<semaphore_mem>>
    %dma_wait3A_86 = arith.constant 144000 : i32
    %dma_wait3A_87 = tpu.memref_slice %arg2[%dma_wait3A_86] : memref<150000xf32, #tpu.memory_space<hbm>> -> memref<6000xf32, #tpu.memory_space<hbm>>
    tpu.wait_dma2 semaphore(%dma_wait3A_85 : memref<!tpu.dma_semaphore, #tpu.memory_space<semaphore_mem>>) src(%dma_wait3A_87 : memref<6000xf32, #tpu.memory_space<hbm>>) dst(%arg7 : memref<6000xf32, #tpu.memory_space<vmem>>)
    %scan3A_88 = arith.constant 0 : i32
    %scan3A_89 = arith.constant 0 : i32
    %scan3A_90 = arith.constant 125 : i32
    %scan3A_91 = arith.addi %scan3A_89, %scan3A_90 : i32
    %scan3A_92 = arith.constant 1 : i32
    %scan3A_93 = scf.for %scan3A_280 = %scan3A_89 to %scan3A_91 step %scan3A_92 iter_args(%scan3A_281 = %scan3A_88) -> (i32)  : i32 {
      %mul3A_282 = arith.constant 16 : i32
      %mul3A_283 = arith.muli %scan3A_280, %mul3A_282 : i32
      %add3A_284 = vector.broadcast %mul3A_283 : i32 to vector<16xi32>
      %add3A_285 = arith.addi %add3A_284, %iota3A : vector<16xi32>
      %mul3A_286 = arith.constant 3 : i32
      %mul3A_287 = vector.broadcast %mul3A_286 : i32 to vector<16xi32>
      %mul3A_288 = arith.muli %add3A_285, %mul3A_287 : vector<16xi32>
      %gather3A_289 = tpu.vector_load_idx %arg7[%mul3A_288] : memref<6000xf32, #tpu.memory_space<vmem>>[vector<16xi32>], vector<16xf32>,
      %add3A_290 = arith.constant 1 : i32
      %add3A_291 = vector.broadcast %add3A_290 : i32 to vector<16xi32>
      %add3A_292 = arith.addi %mul3A_288, %add3A_291 : vector<16xi32>
      %gather3A_293 = tpu.vector_load_idx %arg7[%add3A_292] : memref<6000xf32, #tpu.memory_space<vmem>>[vector<16xi32>], vector<16xf32>,
      %add3A_294 = arith.constant 2 : i32
      %add3A_295 = vector.broadcast %add3A_294 : i32 to vector<16xi32>
      %add3A_296 = arith.addi %mul3A_288, %add3A_295 : vector<16xi32>
      %gather3A_297 = tpu.vector_load_idx %arg7[%add3A_296] : memref<6000xf32, #tpu.memory_space<vmem>>[vector<16xi32>], vector<16xf32>,
      %mul3A_298 = arith.mulf %gather3A_289, %gather3A : vector<16xf32>
      %mul3A_299 = arith.mulf %gather3A_293, %gather3A_37 : vector<16xf32>
      %add3A_300 = arith.addf %mul3A_298, %mul3A_299 : vector<16xf32>
      %mul3A_301 = arith.mulf %gather3A_297, %gather3A_41 : vector<16xf32>
      %add3A_302 = arith.addf %add3A_300, %mul3A_301 : vector<16xf32>
      %mul3A_303 = arith.mulf %gather3A_289, %gather3A_45 : vector<16xf32>
      %mul3A_304 = arith.mulf %gather3A_293, %gather3A_49 : vector<16xf32>
      %add3A_305 = arith.addf %mul3A_303, %mul3A_304 : vector<16xf32>
      %mul3A_306 = arith.mulf %gather3A_297, %gather3A_53 : vector<16xf32>
      %add3A_307 = arith.addf %add3A_305, %mul3A_306 : vector<16xf32>
      %pack3A = tpu.pack_subelements %add3A_302, %add3A_307 {pack_format = #tpu.pack_format<interleaved>, positions = array<i32: 0, 1>} : vector<16xf32>, vector<16xf32> -> vector<32xbf16>
      %bitcast3A = vector.bitcast %pack3A : vector<32xbf16> to vector<16xi32>
      %mul3A_308 = arith.constant 16 : i32
      %mul3A_309 = arith.muli %scan3A_280, %mul3A_308 : i32
      %add3A_310 = arith.constant 48000 : i32
      %add3A_311 = arith.addi %add3A_310, %mul3A_309 : i32
      %swap3A = arith.index_cast %add3A_311 : i32 to index
      %swap3A_312 = tpu.vector_load %arg9[%swap3A] {strides = array<i32>} : memref<50000xi32, #tpu.memory_space<vmem>>, vector<16xi32>,
      tpu.vector_store %arg9[%swap3A], %bitcast3A {strides = array<i32>} : memref<50000xi32, #tpu.memory_space<vmem>>, vector<16xi32>,
      %scan3A_313 = arith.constant 0 : i32
      scf.yield %scan3A_313 : i32
    }
    %scan3A_94 = arith.constant 125 : i32
    %mul3A_95 = arith.constant 400000 : i32
    %mul3A_96 = arith.muli %add3A_30, %mul3A_95 : i32
    %add3A_97 = arith.constant 0 : i32
    %add3A_98 = arith.addi %mul3A_96, %add3A_97 : i32
    %dma_start3A_99 = arith.constant 0 : i32
    %dma_start3A_100 = arith.constant 0 : i32
    %dma_start3A_101 = tpu.memref_slice %arg3[%dma_start3A_99, %add3A_98] : memref<2x1600000xi32, #tpu.memory_space<hbm>> -> memref<1x3200xi32, #tpu.memory_space<hbm>>
    %dma_start3A_102 = tpu.memref_squeeze %dma_start3A_101 : memref<1x3200xi32, #tpu.memory_space<hbm>> -> memref<3200xi32, #tpu.memory_space<hbm>>
    %dma_start3A_103 = tpu.memref_slice %arg16[%dma_start3A_100] : memref<2x!tpu.dma_semaphore, #tpu.memory_space<semaphore_mem>> -> memref<1x!tpu.dma_semaphore, #tpu.memory_space<semaphore_mem>>
    %dma_start3A_104 = tpu.memref_squeeze %dma_start3A_103 : memref<1x!tpu.dma_semaphore, #tpu.memory_space<semaphore_mem>> -> memref<!tpu.dma_semaphore, #tpu.memory_space<semaphore_mem>>
    %dma_start3A_105 = tpu.memref_slice %arg3[%dma_start3A_99, %add3A_98] : memref<2x1600000xi32, #tpu.memory_space<hbm>> -> memref<1x3200xi32, #tpu.memory_space<hbm>>
    %dma_start3A_106 = tpu.memref_squeeze %dma_start3A_105 : memref<1x3200xi32, #tpu.memory_space<hbm>> -> memref<3200xi32, #tpu.memory_space<hbm>>
    tpu.enqueue_dma source(%dma_start3A_106 : memref<3200xi32, #tpu.memory_space<hbm>>) target(%arg11 : memref<3200xi32, #tpu.memory_space<vmem>>) target_semaphore(%dma_start3A_104 : memref<!tpu.dma_semaphore, #tpu.memory_space<semaphore_mem>>)
    %dma_start3A_107 = arith.constant 1 : i32
    %dma_start3A_108 = arith.constant 0 : i32
    %dma_start3A_109 = tpu.memref_slice %arg3[%dma_start3A_107, %add3A_98] : memref<2x1600000xi32, #tpu.memory_space<hbm>> -> memref<1x3200xi32, #tpu.memory_space<hbm>>
    %dma_start3A_110 = tpu.memref_squeeze %dma_start3A_109 : memref<1x3200xi32, #tpu.memory_space<hbm>> -> memref<3200xi32, #tpu.memory_space<hbm>>
    %dma_start3A_111 = tpu.memref_slice %arg16[%dma_start3A_108] : memref<2x!tpu.dma_semaphore, #tpu.memory_space<semaphore_mem>> -> memref<1x!tpu.dma_semaphore, #tpu.memory_space<semaphore_mem>>
    %dma_start3A_112 = tpu.memref_squeeze %dma_start3A_111 : memref<1x!tpu.dma_semaphore, #tpu.memory_space<semaphore_mem>> -> memref<!tpu.dma_semaphore, #tpu.memory_space<semaphore_mem>>
    %dma_start3A_113 = tpu.memref_slice %arg3[%dma_start3A_107, %add3A_98] : memref<2x1600000xi32, #tpu.memory_space<hbm>> -> memref<1x3200xi32, #tpu.memory_space<hbm>>
    %dma_start3A_114 = tpu.memref_squeeze %dma_start3A_113 : memref<1x3200xi32, #tpu.memory_space<hbm>> -> memref<3200xi32, #tpu.memory_space<hbm>>
    tpu.enqueue_dma source(%dma_start3A_114 : memref<3200xi32, #tpu.memory_space<hbm>>) target(%arg13 : memref<3200xi32, #tpu.memory_space<vmem>>) target_semaphore(%dma_start3A_112 : memref<!tpu.dma_semaphore, #tpu.memory_space<semaphore_mem>>)
    %add3A_115 = arith.constant 3200 : i32
    %add3A_116 = arith.addi %mul3A_96, %add3A_115 : i32
    %dma_start3A_117 = arith.constant 0 : i32
    %dma_start3A_118 = arith.constant 1 : i32
    %dma_start3A_119 = tpu.memref_slice %arg3[%dma_start3A_117, %add3A_116] : memref<2x1600000xi32, #tpu.memory_space<hbm>> -> memref<1x3200xi32, #tpu.memory_space<hbm>>
    %dma_start3A_120 = tpu.memref_squeeze %dma_start3A_119 : memref<1x3200xi32, #tpu.memory_space<hbm>> -> memref<3200xi32, #tpu.memory_space<hbm>>
    %dma_start3A_121 = tpu.memref_slice %arg16[%dma_start3A_118] : memref<2x!tpu.dma_semaphore, #tpu.memory_space<semaphore_mem>> -> memref<1x!tpu.dma_semaphore, #tpu.memory_space<semaphore_mem>>
    %dma_start3A_122 = tpu.memref_squeeze %dma_start3A_121 : memref<1x!tpu.dma_semaphore, #tpu.memory_space<semaphore_mem>> -> memref<!tpu.dma_semaphore, #tpu.memory_space<semaphore_mem>>
    %dma_start3A_123 = tpu.memref_slice %arg3[%dma_start3A_117, %add3A_116] : memref<2x1600000xi32, #tpu.memory_space<hbm>> -> memref<1x3200xi32, #tpu.memory_space<hbm>>
    %dma_start3A_124 = tpu.memref_squeeze %dma_start3A_123 : memref<1x3200xi32, #tpu.memory_space<hbm>> -> memref<3200xi32, #tpu.memory_space<hbm>>
    tpu.enqueue_dma source(%dma_start3A_124 : memref<3200xi32, #tpu.memory_space<hbm>>) target(%arg12 : memref<3200xi32, #tpu.memory_space<vmem>>) target_semaphore(%dma_start3A_122 : memref<!tpu.dma_semaphore, #tpu.memory_space<semaphore_mem>>)
    %dma_start3A_125 = arith.constant 1 : i32
    %dma_start3A_126 = arith.constant 1 : i32
    %dma_start3A_127 = tpu.memref_slice %arg3[%dma_start3A_125, %add3A_116] : memref<2x1600000xi32, #tpu.memory_space<hbm>> -> memref<1x3200xi32, #tpu.memory_space<hbm>>
    %dma_start3A_128 = tpu.memref_squeeze %dma_start3A_127 : memref<1x3200xi32, #tpu.memory_space<hbm>> -> memref<3200xi32, #tpu.memory_space<hbm>>
    %dma_start3A_129 = tpu.memref_slice %arg16[%dma_start3A_126] : memref<2x!tpu.dma_semaphore, #tpu.memory_space<semaphore_mem>> -> memref<1x!tpu.dma_semaphore, #tpu.memory_space<semaphore_mem>>
    %dma_start3A_130 = tpu.memref_squeeze %dma_start3A_129 : memref<1x!tpu.dma_semaphore, #tpu.memory_space<semaphore_mem>> -> memref<!tpu.dma_semaphore, #tpu.memory_space<semaphore_mem>>
    %dma_start3A_131 = tpu.memref_slice %arg3[%dma_start3A_125, %add3A_116] : memref<2x1600000xi32, #tpu.memory_space<hbm>> -> memref<1x3200xi32, #tpu.memory_space<hbm>>
    %dma_start3A_132 = tpu.memref_squeeze %dma_start3A_131 : memref<1x3200xi32, #tpu.memory_space<hbm>> -> memref<3200xi32, #tpu.memory_space<hbm>>
    tpu.enqueue_dma source(%dma_start3A_132 : memref<3200xi32, #tpu.memory_space<hbm>>) target(%arg14 : memref<3200xi32, #tpu.memory_space<vmem>>) target_semaphore(%dma_start3A_130 : memref<!tpu.dma_semaphore, #tpu.memory_space<semaphore_mem>>)
    %scan3A_133 = arith.constant 0 : i32
    %scan3A_134 = arith.constant 0 : i32
    %scan3A_135 = arith.constant 62 : i32
    %scan3A_136 = arith.addi %scan3A_134, %scan3A_135 : i32
    %scan3A_137 = arith.constant 1 : i32
    %scan3A_138 = scf.for %scan3A_280 = %scan3A_134 to %scan3A_136 step %scan3A_137 iter_args(%scan3A_281 = %scan3A_133) -> (i32)  : i32 {
      %mul3A_282 = arith.constant 2 : i32
      %mul3A_283 = arith.muli %scan3A_280, %mul3A_282 : i32
      %add3A_284 = arith.constant 0 : i32
      %add3A_285 = arith.addi %mul3A_283, %add3A_284 : i32
      %mul3A_286 = arith.constant 3200 : i32
      %mul3A_287 = arith.muli %add3A_285, %mul3A_286 : i32
      %add3A_288 = arith.addi %mul3A_96, %mul3A_287 : i32
      %dma_wait3A_289 = arith.constant 0 : i32
      %dma_wait3A_290 = arith.constant 0 : i32
      %dma_wait3A_291 = tpu.memref_slice %arg3[%dma_wait3A_289, %add3A_288] : memref<2x1600000xi32, #tpu.memory_space<hbm>> -> memref<1x3200xi32, #tpu.memory_space<hbm>>
      %dma_wait3A_292 = tpu.memref_squeeze %dma_wait3A_291 : memref<1x3200xi32, #tpu.memory_space<hbm>> -> memref<3200xi32, #tpu.memory_space<hbm>>
      %dma_wait3A_293 = tpu.memref_slice %arg16[%dma_wait3A_290] : memref<2x!tpu.dma_semaphore, #tpu.memory_space<semaphore_mem>> -> memref<1x!tpu.dma_semaphore, #tpu.memory_space<semaphore_mem>>
      %dma_wait3A_294 = tpu.memref_squeeze %dma_wait3A_293 : memref<1x!tpu.dma_semaphore, #tpu.memory_space<semaphore_mem>> -> memref<!tpu.dma_semaphore, #tpu.memory_space<semaphore_mem>>
      %dma_wait3A_295 = tpu.memref_slice %arg3[%dma_wait3A_289, %add3A_288] : memref<2x1600000xi32, #tpu.memory_space<hbm>> -> memref<1x3200xi32, #tpu.memory_space<hbm>>
      %dma_wait3A_296 = tpu.memref_squeeze %dma_wait3A_295 : memref<1x3200xi32, #tpu.memory_space<hbm>> -> memref<3200xi32, #tpu.memory_space<hbm>>
      tpu.wait_dma2 semaphore(%dma_wait3A_294 : memref<!tpu.dma_semaphore, #tpu.memory_space<semaphore_mem>>) src(%dma_wait3A_296 : memref<3200xi32, #tpu.memory_space<hbm>>) dst(%arg11 : memref<3200xi32, #tpu.memory_space<vmem>>)
      %dma_wait3A_297 = arith.constant 1 : i32
      %dma_wait3A_298 = arith.constant 0 : i32
      %dma_wait3A_299 = tpu.memref_slice %arg3[%dma_wait3A_297, %add3A_288] : memref<2x1600000xi32, #tpu.memory_space<hbm>> -> memref<1x3200xi32, #tpu.memory_space<hbm>>
      %dma_wait3A_300 = tpu.memref_squeeze %dma_wait3A_299 : memref<1x3200xi32, #tpu.memory_space<hbm>> -> memref<3200xi32, #tpu.memory_space<hbm>>
      %dma_wait3A_301 = tpu.memref_slice %arg16[%dma_wait3A_298] : memref<2x!tpu.dma_semaphore, #tpu.memory_space<semaphore_mem>> -> memref<1x!tpu.dma_semaphore, #tpu.memory_space<semaphore_mem>>
      %dma_wait3A_302 = tpu.memref_squeeze %dma_wait3A_301 : memref<1x!tpu.dma_semaphore, #tpu.memory_space<semaphore_mem>> -> memref<!tpu.dma_semaphore, #tpu.memory_space<semaphore_mem>>
      %dma_wait3A_303 = tpu.memref_slice %arg3[%dma_wait3A_297, %add3A_288] : memref<2x1600000xi32, #tpu.memory_space<hbm>> -> memref<1x3200xi32, #tpu.memory_space<hbm>>
      %dma_wait3A_304 = tpu.memref_squeeze %dma_wait3A_303 : memref<1x3200xi32, #tpu.memory_space<hbm>> -> memref<3200xi32, #tpu.memory_space<hbm>>
      tpu.wait_dma2 semaphore(%dma_wait3A_302 : memref<!tpu.dma_semaphore, #tpu.memory_space<semaphore_mem>>) src(%dma_wait3A_304 : memref<3200xi32, #tpu.memory_space<hbm>>) dst(%arg13 : memref<3200xi32, #tpu.memory_space<vmem>>)
      %scan3A_305 = arith.constant 0 : i32
      %scan3A_306 = arith.constant 0 : i32
      %scan3A_307 = arith.constant 8 : i32
      %scan3A_308 = arith.addi %scan3A_306, %scan3A_307 : i32
      %scan3A_309 = arith.constant 1 : i32
      %scan3A_310 = scf.for %scan3A_355 = %scan3A_306 to %scan3A_308 step %scan3A_309 iter_args(%scan3A_356 = %scan3A_305) -> (i32)  : i32 {
        %mul3A_357 = arith.constant 25 : i32
        %mul3A_358 = arith.muli %scan3A_355, %mul3A_357 : i32
        %add3A_359 = arith.constant 0 : i32
        %add3A_360 = arith.addi %mul3A_358, %add3A_359 : i32
        %mul3A_361 = arith.constant 16 : i32
        %mul3A_362 = arith.muli %add3A_360, %mul3A_361 : i32
        %get3A = arith.index_cast %mul3A_362 : i32 to index
        %get3A_363 = tpu.vector_load %arg11[%get3A] {strides = array<i32>} : memref<3200xi32, #tpu.memory_space<vmem>>, vector<16xi32>,
        %mul3A_364 = arith.constant 16 : i32
        %mul3A_365 = arith.muli %add3A_360, %mul3A_364 : i32
        %get3A_366 = arith.index_cast %mul3A_365 : i32 to index
        %get3A_367 = tpu.vector_load %arg13[%get3A_366] {strides = array<i32>} : memref<3200xi32, #tpu.memory_space<vmem>>, vector<16xi32>,
        %gather3A_368 = tpu.vector_load_idx %arg9[%get3A_367] : memref<50000xi32, #tpu.memory_space<vmem>>[vector<16xi32>], vector<16xi32>,
        %bitcast3A = vector.bitcast %gather3A_368 : vector<16xi32> to vector<32xbf16>
        %gather3A_369 = tpu.vector_load_idx %arg10[%get3A_363] : memref<50000xi32, #tpu.memory_space<vmem>>[vector<16xi32>], vector<16xi32>,
        %bitcast3A_370 = vector.bitcast %gather3A_369 : vector<16xi32> to vector<32xbf16>
        %max3A = arith.maximumf %bitcast3A_370, %bitcast3A : vector<32xbf16>
        %bitcast3A_371 = vector.bitcast %max3A : vector<32xbf16> to vector<16xi32>
        tpu.vector_store_idx %arg10[%get3A_363], %bitcast3A_371 : memref<50000xi32, #tpu.memory_space<vmem>>[vector<16xi32>], vector<16xi32>,
        %mul3A_372 = arith.constant 25 : i32
        %mul3A_373 = arith.muli %scan3A_355, %mul3A_372 : i32
        %add3A_374 = arith.constant 1 : i32
        %add3A_375 = arith.addi %mul3A_373, %add3A_374 : i32
        %mul3A_376 = arith.constant 16 : i32
        %mul3A_377 = arith.muli %add3A_375, %mul3A_376 : i32
        %get3A_378 = arith.index_cast %mul3A_377 : i32 to index
        %get3A_379 = tpu.vector_load %arg11[%get3A_378] {strides = array<i32>} : memref<3200xi32, #tpu.memory_space<vmem>>, vector<16xi32>,
        %mul3A_380 = arith.constant 16 : i32
        %mul3A_381 = arith.muli %add3A_375, %mul3A_380 : i32
        %get3A_382 = arith.index_cast %mul3A_381 : i32 to index
        %get3A_383 = tpu.vector_load %arg13[%get3A_382] {strides = array<i32>} : memref<3200xi32, #tpu.memory_space<vmem>>, vector<16xi32>,
        %gather3A_384 = tpu.vector_load_idx %arg9[%get3A_383] : memref<50000xi32, #tpu.memory_space<vmem>>[vector<16xi32>], vector<16xi32>,
        %bitcast3A_385 = vector.bitcast %gather3A_384 : vector<16xi32> to vector<32xbf16>
        %gather3A_386 = tpu.vector_load_idx %arg10[%get3A_379] : memref<50000xi32, #tpu.memory_space<vmem>>[vector<16xi32>], vector<16xi32>,
        %bitcast3A_387 = vector.bitcast %gather3A_386 : vector<16xi32> to vector<32xbf16>
        %max3A_388 = arith.maximumf %bitcast3A_387, %bitcast3A_385 : vector<32xbf16>
        %bitcast3A_389 = vector.bitcast %max3A_388 : vector<32xbf16> to vector<16xi32>
        tpu.vector_store_idx %arg10[%get3A_379], %bitcast3A_389 : memref<50000xi32, #tpu.memory_space<vmem>>[vector<16xi32>], vector<16xi32>,
        %mul3A_390 = arith.constant 25 : i32
        %mul3A_391 = arith.muli %scan3A_355, %mul3A_390 : i32
        %add3A_392 = arith.constant 2 : i32
        %add3A_393 = arith.addi %mul3A_391, %add3A_392 : i32
        %mul3A_394 = arith.constant 16 : i32
        %mul3A_395 = arith.muli %add3A_393, %mul3A_394 : i32
        %get3A_396 = arith.index_cast %mul3A_395 : i32 to index
        %get3A_397 = tpu.vector_load %arg11[%get3A_396] {strides = array<i32>} : memref<3200xi32, #tpu.memory_space<vmem>>, vector<16xi32>,
        %mul3A_398 = arith.constant 16 : i32
        %mul3A_399 = arith.muli %add3A_393, %mul3A_398 : i32
        %get3A_400 = arith.index_cast %mul3A_399 : i32 to index
        %get3A_401 = tpu.vector_load %arg13[%get3A_400] {strides = array<i32>} : memref<3200xi32, #tpu.memory_space<vmem>>, vector<16xi32>,
        %gather3A_402 = tpu.vector_load_idx %arg9[%get3A_401] : memref<50000xi32, #tpu.memory_space<vmem>>[vector<16xi32>], vector<16xi32>,
        %bitcast3A_403 = vector.bitcast %gather3A_402 : vector<16xi32> to vector<32xbf16>
        %gather3A_404 = tpu.vector_load_idx %arg10[%get3A_397] : memref<50000xi32, #tpu.memory_space<vmem>>[vector<16xi32>], vector<16xi32>,
        %bitcast3A_405 = vector.bitcast %gather3A_404 : vector<16xi32> to vector<32xbf16>
        %max3A_406 = arith.maximumf %bitcast3A_405, %bitcast3A_403 : vector<32xbf16>
        %bitcast3A_407 = vector.bitcast %max3A_406 : vector<32xbf16> to vector<16xi32>
        tpu.vector_store_idx %arg10[%get3A_397], %bitcast3A_407 : memref<50000xi32, #tpu.memory_space<vmem>>[vector<16xi32>], vector<16xi32>,
        %mul3A_408 = arith.constant 25 : i32
        %mul3A_409 = arith.muli %scan3A_355, %mul3A_408 : i32
        %add3A_410 = arith.constant 3 : i32
        %add3A_411 = arith.addi %mul3A_409, %add3A_410 : i32
        %mul3A_412 = arith.constant 16 : i32
        %mul3A_413 = arith.muli %add3A_411, %mul3A_412 : i32
        %get3A_414 = arith.index_cast %mul3A_413 : i32 to index
        %get3A_415 = tpu.vector_load %arg11[%get3A_414] {strides = array<i32>} : memref<3200xi32, #tpu.memory_space<vmem>>, vector<16xi32>,
        %mul3A_416 = arith.constant 16 : i32
        %mul3A_417 = arith.muli %add3A_411, %mul3A_416 : i32
        %get3A_418 = arith.index_cast %mul3A_417 : i32 to index
        %get3A_419 = tpu.vector_load %arg13[%get3A_418] {strides = array<i32>} : memref<3200xi32, #tpu.memory_space<vmem>>, vector<16xi32>,
        %gather3A_420 = tpu.vector_load_idx %arg9[%get3A_419] : memref<50000xi32, #tpu.memory_space<vmem>>[vector<16xi32>], vector<16xi32>,
        %bitcast3A_421 = vector.bitcast %gather3A_420 : vector<16xi32> to vector<32xbf16>
        %gather3A_422 = tpu.vector_load_idx %arg10[%get3A_415] : memref<50000xi32, #tpu.memory_space<vmem>>[vector<16xi32>], vector<16xi32>,
        %bitcast3A_423 = vector.bitcast %gather3A_422 : vector<16xi32> to vector<32xbf16>
        %max3A_424 = arith.maximumf %bitcast3A_423, %bitcast3A_421 : vector<32xbf16>
        %bitcast3A_425 = vector.bitcast %max3A_424 : vector<32xbf16> to vector<16xi32>
        tpu.vector_store_idx %arg10[%get3A_415], %bitcast3A_425 : memref<50000xi32, #tpu.memory_space<vmem>>[vector<16xi32>], vector<16xi32>,
        %mul3A_426 = arith.constant 25 : i32
        %mul3A_427 = arith.muli %scan3A_355, %mul3A_426 : i32
        %add3A_428 = arith.constant 4 : i32
        %add3A_429 = arith.addi %mul3A_427, %add3A_428 : i32
        %mul3A_430 = arith.constant 16 : i32
        %mul3A_431 = arith.muli %add3A_429, %mul3A_430 : i32
        %get3A_432 = arith.index_cast %mul3A_431 : i32 to index
        %get3A_433 = tpu.vector_load %arg11[%get3A_432] {strides = array<i32>} : memref<3200xi32, #tpu.memory_space<vmem>>, vector<16xi32>,
        %mul3A_434 = arith.constant 16 : i32
        %mul3A_435 = arith.muli %add3A_429, %mul3A_434 : i32
        %get3A_436 = arith.index_cast %mul3A_435 : i32 to index
        %get3A_437 = tpu.vector_load %arg13[%get3A_436] {strides = array<i32>} : memref<3200xi32, #tpu.memory_space<vmem>>, vector<16xi32>,
        %gather3A_438 = tpu.vector_load_idx %arg9[%get3A_437] : memref<50000xi32, #tpu.memory_space<vmem>>[vector<16xi32>], vector<16xi32>,
        %bitcast3A_439 = vector.bitcast %gather3A_438 : vector<16xi32> to vector<32xbf16>
        %gather3A_440 = tpu.vector_load_idx %arg10[%get3A_433] : memref<50000xi32, #tpu.memory_space<vmem>>[vector<16xi32>], vector<16xi32>,
        %bitcast3A_441 = vector.bitcast %gather3A_440 : vector<16xi32> to vector<32xbf16>
        %max3A_442 = arith.maximumf %bitcast3A_441, %bitcast3A_439 : vector<32xbf16>
        %bitcast3A_443 = vector.bitcast %max3A_442 : vector<32xbf16> to vector<16xi32>
        tpu.vector_store_idx %arg10[%get3A_433], %bitcast3A_443 : memref<50000xi32, #tpu.memory_space<vmem>>[vector<16xi32>], vector<16xi32>,
        %mul3A_444 = arith.constant 25 : i32
        %mul3A_445 = arith.muli %scan3A_355, %mul3A_444 : i32
        %add3A_446 = arith.constant 5 : i32
        %add3A_447 = arith.addi %mul3A_445, %add3A_446 : i32
        %mul3A_448 = arith.constant 16 : i32
        %mul3A_449 = arith.muli %add3A_447, %mul3A_448 : i32
        %get3A_450 = arith.index_cast %mul3A_449 : i32 to index
        %get3A_451 = tpu.vector_load %arg11[%get3A_450] {strides = array<i32>} : memref<3200xi32, #tpu.memory_space<vmem>>, vector<16xi32>,
        %mul3A_452 = arith.constant 16 : i32
        %mul3A_453 = arith.muli %add3A_447, %mul3A_452 : i32
        %get3A_454 = arith.index_cast %mul3A_453 : i32 to index
        %get3A_455 = tpu.vector_load %arg13[%get3A_454] {strides = array<i32>} : memref<3200xi32, #tpu.memory_space<vmem>>, vector<16xi32>,
        %gather3A_456 = tpu.vector_load_idx %arg9[%get3A_455] : memref<50000xi32, #tpu.memory_space<vmem>>[vector<16xi32>], vector<16xi32>,
        %bitcast3A_457 = vector.bitcast %gather3A_456 : vector<16xi32> to vector<32xbf16>
        %gather3A_458 = tpu.vector_load_idx %arg10[%get3A_451] : memref<50000xi32, #tpu.memory_space<vmem>>[vector<16xi32>], vector<16xi32>,
        %bitcast3A_459 = vector.bitcast %gather3A_458 : vector<16xi32> to vector<32xbf16>
        %max3A_460 = arith.maximumf %bitcast3A_459, %bitcast3A_457 : vector<32xbf16>
        %bitcast3A_461 = vector.bitcast %max3A_460 : vector<32xbf16> to vector<16xi32>
        tpu.vector_store_idx %arg10[%get3A_451], %bitcast3A_461 : memref<50000xi32, #tpu.memory_space<vmem>>[vector<16xi32>], vector<16xi32>,
        %mul3A_462 = arith.constant 25 : i32
        %mul3A_463 = arith.muli %scan3A_355, %mul3A_462 : i32
        %add3A_464 = arith.constant 6 : i32
        %add3A_465 = arith.addi %mul3A_463, %add3A_464 : i32
        %mul3A_466 = arith.constant 16 : i32
        %mul3A_467 = arith.muli %add3A_465, %mul3A_466 : i32
        %get3A_468 = arith.index_cast %mul3A_467 : i32 to index
        %get3A_469 = tpu.vector_load %arg11[%get3A_468] {strides = array<i32>} : memref<3200xi32, #tpu.memory_space<vmem>>, vector<16xi32>,
        %mul3A_470 = arith.constant 16 : i32
        %mul3A_471 = arith.muli %add3A_465, %mul3A_470 : i32
        %get3A_472 = arith.index_cast %mul3A_471 : i32 to index
        %get3A_473 = tpu.vector_load %arg13[%get3A_472] {strides = array<i32>} : memref<3200xi32, #tpu.memory_space<vmem>>, vector<16xi32>,
        %gather3A_474 = tpu.vector_load_idx %arg9[%get3A_473] : memref<50000xi32, #tpu.memory_space<vmem>>[vector<16xi32>], vector<16xi32>,
        %bitcast3A_475 = vector.bitcast %gather3A_474 : vector<16xi32> to vector<32xbf16>
        %gather3A_476 = tpu.vector_load_idx %arg10[%get3A_469] : memref<50000xi32, #tpu.memory_space<vmem>>[vector<16xi32>], vector<16xi32>,
        %bitcast3A_477 = vector.bitcast %gather3A_476 : vector<16xi32> to vector<32xbf16>
        %max3A_478 = arith.maximumf %bitcast3A_477, %bitcast3A_475 : vector<32xbf16>
        %bitcast3A_479 = vector.bitcast %max3A_478 : vector<32xbf16> to vector<16xi32>
        tpu.vector_store_idx %arg10[%get3A_469], %bitcast3A_479 : memref<50000xi32, #tpu.memory_space<vmem>>[vector<16xi32>], vector<16xi32>,
        %mul3A_480 = arith.constant 25 : i32
        %mul3A_481 = arith.muli %scan3A_355, %mul3A_480 : i32
        %add3A_482 = arith.constant 7 : i32
        %add3A_483 = arith.addi %mul3A_481, %add3A_482 : i32
        %mul3A_484 = arith.constant 16 : i32
        %mul3A_485 = arith.muli %add3A_483, %mul3A_484 : i32
        %get3A_486 = arith.index_cast %mul3A_485 : i32 to index
        %get3A_487 = tpu.vector_load %arg11[%get3A_486] {strides = array<i32>} : memref<3200xi32, #tpu.memory_space<vmem>>, vector<16xi32>,
        %mul3A_488 = arith.constant 16 : i32
        %mul3A_489 = arith.muli %add3A_483, %mul3A_488 : i32
        %get3A_490 = arith.index_cast %mul3A_489 : i32 to index
        %get3A_491 = tpu.vector_load %arg13[%get3A_490] {strides = array<i32>} : memref<3200xi32, #tpu.memory_space<vmem>>, vector<16xi32>,
        %gather3A_492 = tpu.vector_load_idx %arg9[%get3A_491] : memref<50000xi32, #tpu.memory_space<vmem>>[vector<16xi32>], vector<16xi32>,
        %bitcast3A_493 = vector.bitcast %gather3A_492 : vector<16xi32> to vector<32xbf16>
        %gather3A_494 = tpu.vector_load_idx %arg10[%get3A_487] : memref<50000xi32, #tpu.memory_space<vmem>>[vector<16xi32>], vector<16xi32>,
        %bitcast3A_495 = vector.bitcast %gather3A_494 : vector<16xi32> to vector<32xbf16>
        %max3A_496 = arith.maximumf %bitcast3A_495, %bitcast3A_493 : vector<32xbf16>
        %bitcast3A_497 = vector.bitcast %max3A_496 : vector<32xbf16> to vector<16xi32>
        tpu.vector_store_idx %arg10[%get3A_487], %bitcast3A_497 : memref<50000xi32, #tpu.memory_space<vmem>>[vector<16xi32>], vector<16xi32>,
        %mul3A_498 = arith.constant 25 : i32
        %mul3A_499 = arith.muli %scan3A_355, %mul3A_498 : i32
        %add3A_500 = arith.constant 8 : i32
        %add3A_501 = arith.addi %mul3A_499, %add3A_500 : i32
        %mul3A_502 = arith.constant 16 : i32
        %mul3A_503 = arith.muli %add3A_501, %mul3A_502 : i32
        %get3A_504 = arith.index_cast %mul3A_503 : i32 to index
        %get3A_505 = tpu.vector_load %arg11[%get3A_504] {strides = array<i32>} : memref<3200xi32, #tpu.memory_space<vmem>>, vector<16xi32>,
        %mul3A_506 = arith.constant 16 : i32
        %mul3A_507 = arith.muli %add3A_501, %mul3A_506 : i32
        %get3A_508 = arith.index_cast %mul3A_507 : i32 to index
        %get3A_509 = tpu.vector_load %arg13[%get3A_508] {strides = array<i32>} : memref<3200xi32, #tpu.memory_space<vmem>>, vector<16xi32>,
        %gather3A_510 = tpu.vector_load_idx %arg9[%get3A_509] : memref<50000xi32, #tpu.memory_space<vmem>>[vector<16xi32>], vector<16xi32>,
        %bitcast3A_511 = vector.bitcast %gather3A_510 : vector<16xi32> to vector<32xbf16>
        %gather3A_512 = tpu.vector_load_idx %arg10[%get3A_505] : memref<50000xi32, #tpu.memory_space<vmem>>[vector<16xi32>], vector<16xi32>,
        %bitcast3A_513 = vector.bitcast %gather3A_512 : vector<16xi32> to vector<32xbf16>
        %max3A_514 = arith.maximumf %bitcast3A_513, %bitcast3A_511 : vector<32xbf16>
        %bitcast3A_515 = vector.bitcast %max3A_514 : vector<32xbf16> to vector<16xi32>
        tpu.vector_store_idx %arg10[%get3A_505], %bitcast3A_515 : memref<50000xi32, #tpu.memory_space<vmem>>[vector<16xi32>], vector<16xi32>,
        %mul3A_516 = arith.constant 25 : i32
        %mul3A_517 = arith.muli %scan3A_355, %mul3A_516 : i32
        %add3A_518 = arith.constant 9 : i32
        %add3A_519 = arith.addi %mul3A_517, %add3A_518 : i32
        %mul3A_520 = arith.constant 16 : i32
        %mul3A_521 = arith.muli %add3A_519, %mul3A_520 : i32
        %get3A_522 = arith.index_cast %mul3A_521 : i32 to index
        %get3A_523 = tpu.vector_load %arg11[%get3A_522] {strides = array<i32>} : memref<3200xi32, #tpu.memory_space<vmem>>, vector<16xi32>,
        %mul3A_524 = arith.constant 16 : i32
        %mul3A_525 = arith.muli %add3A_519, %mul3A_524 : i32
        %get3A_526 = arith.index_cast %mul3A_525 : i32 to index
        %get3A_527 = tpu.vector_load %arg13[%get3A_526] {strides = array<i32>} : memref<3200xi32, #tpu.memory_space<vmem>>, vector<16xi32>,
        %gather3A_528 = tpu.vector_load_idx %arg9[%get3A_527] : memref<50000xi32, #tpu.memory_space<vmem>>[vector<16xi32>], vector<16xi32>,
        %bitcast3A_529 = vector.bitcast %gather3A_528 : vector<16xi32> to vector<32xbf16>
        %gather3A_530 = tpu.vector_load_idx %arg10[%get3A_523] : memref<50000xi32, #tpu.memory_space<vmem>>[vector<16xi32>], vector<16xi32>,
        %bitcast3A_531 = vector.bitcast %gather3A_530 : vector<16xi32> to vector<32xbf16>
        %max3A_532 = arith.maximumf %bitcast3A_531, %bitcast3A_529 : vector<32xbf16>
        %bitcast3A_533 = vector.bitcast %max3A_532 : vector<32xbf16> to vector<16xi32>
        tpu.vector_store_idx %arg10[%get3A_523], %bitcast3A_533 : memref<50000xi32, #tpu.memory_space<vmem>>[vector<16xi32>], vector<16xi32>,
        %mul3A_534 = arith.constant 25 : i32
        %mul3A_535 = arith.muli %scan3A_355, %mul3A_534 : i32
        %add3A_536 = arith.constant 10 : i32
        %add3A_537 = arith.addi %mul3A_535, %add3A_536 : i32
        %mul3A_538 = arith.constant 16 : i32
        %mul3A_539 = arith.muli %add3A_537, %mul3A_538 : i32
        %get3A_540 = arith.index_cast %mul3A_539 : i32 to index
        %get3A_541 = tpu.vector_load %arg11[%get3A_540] {strides = array<i32>} : memref<3200xi32, #tpu.memory_space<vmem>>, vector<16xi32>,
        %mul3A_542 = arith.constant 16 : i32
        %mul3A_543 = arith.muli %add3A_537, %mul3A_542 : i32
        %get3A_544 = arith.index_cast %mul3A_543 : i32 to index
        %get3A_545 = tpu.vector_load %arg13[%get3A_544] {strides = array<i32>} : memref<3200xi32, #tpu.memory_space<vmem>>, vector<16xi32>,
        %gather3A_546 = tpu.vector_load_idx %arg9[%get3A_545] : memref<50000xi32, #tpu.memory_space<vmem>>[vector<16xi32>], vector<16xi32>,
        %bitcast3A_547 = vector.bitcast %gather3A_546 : vector<16xi32> to vector<32xbf16>
        %gather3A_548 = tpu.vector_load_idx %arg10[%get3A_541] : memref<50000xi32, #tpu.memory_space<vmem>>[vector<16xi32>], vector<16xi32>,
        %bitcast3A_549 = vector.bitcast %gather3A_548 : vector<16xi32> to vector<32xbf16>
        %max3A_550 = arith.maximumf %bitcast3A_549, %bitcast3A_547 : vector<32xbf16>
        %bitcast3A_551 = vector.bitcast %max3A_550 : vector<32xbf16> to vector<16xi32>
        tpu.vector_store_idx %arg10[%get3A_541], %bitcast3A_551 : memref<50000xi32, #tpu.memory_space<vmem>>[vector<16xi32>], vector<16xi32>,
        %mul3A_552 = arith.constant 25 : i32
        %mul3A_553 = arith.muli %scan3A_355, %mul3A_552 : i32
        %add3A_554 = arith.constant 11 : i32
        %add3A_555 = arith.addi %mul3A_553, %add3A_554 : i32
        %mul3A_556 = arith.constant 16 : i32
        %mul3A_557 = arith.muli %add3A_555, %mul3A_556 : i32
        %get3A_558 = arith.index_cast %mul3A_557 : i32 to index
        %get3A_559 = tpu.vector_load %arg11[%get3A_558] {strides = array<i32>} : memref<3200xi32, #tpu.memory_space<vmem>>, vector<16xi32>,
        %mul3A_560 = arith.constant 16 : i32
        %mul3A_561 = arith.muli %add3A_555, %mul3A_560 : i32
        %get3A_562 = arith.index_cast %mul3A_561 : i32 to index
        %get3A_563 = tpu.vector_load %arg13[%get3A_562] {strides = array<i32>} : memref<3200xi32, #tpu.memory_space<vmem>>, vector<16xi32>,
        %gather3A_564 = tpu.vector_load_idx %arg9[%get3A_563] : memref<50000xi32, #tpu.memory_space<vmem>>[vector<16xi32>], vector<16xi32>,
        %bitcast3A_565 = vector.bitcast %gather3A_564 : vector<16xi32> to vector<32xbf16>
        %gather3A_566 = tpu.vector_load_idx %arg10[%get3A_559] : memref<50000xi32, #tpu.memory_space<vmem>>[vector<16xi32>], vector<16xi32>,
        %bitcast3A_567 = vector.bitcast %gather3A_566 : vector<16xi32> to vector<32xbf16>
        %max3A_568 = arith.maximumf %bitcast3A_567, %bitcast3A_565 : vector<32xbf16>
        %bitcast3A_569 = vector.bitcast %max3A_568 : vector<32xbf16> to vector<16xi32>
        tpu.vector_store_idx %arg10[%get3A_559], %bitcast3A_569 : memref<50000xi32, #tpu.memory_space<vmem>>[vector<16xi32>], vector<16xi32>,
        %mul3A_570 = arith.constant 25 : i32
        %mul3A_571 = arith.muli %scan3A_355, %mul3A_570 : i32
        %add3A_572 = arith.constant 12 : i32
        %add3A_573 = arith.addi %mul3A_571, %add3A_572 : i32
        %mul3A_574 = arith.constant 16 : i32
        %mul3A_575 = arith.muli %add3A_573, %mul3A_574 : i32
        %get3A_576 = arith.index_cast %mul3A_575 : i32 to index
        %get3A_577 = tpu.vector_load %arg11[%get3A_576] {strides = array<i32>} : memref<3200xi32, #tpu.memory_space<vmem>>, vector<16xi32>,
        %mul3A_578 = arith.constant 16 : i32
        %mul3A_579 = arith.muli %add3A_573, %mul3A_578 : i32
        %get3A_580 = arith.index_cast %mul3A_579 : i32 to index
        %get3A_581 = tpu.vector_load %arg13[%get3A_580] {strides = array<i32>} : memref<3200xi32, #tpu.memory_space<vmem>>, vector<16xi32>,
        %gather3A_582 = tpu.vector_load_idx %arg9[%get3A_581] : memref<50000xi32, #tpu.memory_space<vmem>>[vector<16xi32>], vector<16xi32>,
        %bitcast3A_583 = vector.bitcast %gather3A_582 : vector<16xi32> to vector<32xbf16>
        %gather3A_584 = tpu.vector_load_idx %arg10[%get3A_577] : memref<50000xi32, #tpu.memory_space<vmem>>[vector<16xi32>], vector<16xi32>,
        %bitcast3A_585 = vector.bitcast %gather3A_584 : vector<16xi32> to vector<32xbf16>
        %max3A_586 = arith.maximumf %bitcast3A_585, %bitcast3A_583 : vector<32xbf16>
        %bitcast3A_587 = vector.bitcast %max3A_586 : vector<32xbf16> to vector<16xi32>
        tpu.vector_store_idx %arg10[%get3A_577], %bitcast3A_587 : memref<50000xi32, #tpu.memory_space<vmem>>[vector<16xi32>], vector<16xi32>,
        %mul3A_588 = arith.constant 25 : i32
        %mul3A_589 = arith.muli %scan3A_355, %mul3A_588 : i32
        %add3A_590 = arith.constant 13 : i32
        %add3A_591 = arith.addi %mul3A_589, %add3A_590 : i32
        %mul3A_592 = arith.constant 16 : i32
        %mul3A_593 = arith.muli %add3A_591, %mul3A_592 : i32
        %get3A_594 = arith.index_cast %mul3A_593 : i32 to index
        %get3A_595 = tpu.vector_load %arg11[%get3A_594] {strides = array<i32>} : memref<3200xi32, #tpu.memory_space<vmem>>, vector<16xi32>,
        %mul3A_596 = arith.constant 16 : i32
        %mul3A_597 = arith.muli %add3A_591, %mul3A_596 : i32
        %get3A_598 = arith.index_cast %mul3A_597 : i32 to index
        %get3A_599 = tpu.vector_load %arg13[%get3A_598] {strides = array<i32>} : memref<3200xi32, #tpu.memory_space<vmem>>, vector<16xi32>,
        %gather3A_600 = tpu.vector_load_idx %arg9[%get3A_599] : memref<50000xi32, #tpu.memory_space<vmem>>[vector<16xi32>], vector<16xi32>,
        %bitcast3A_601 = vector.bitcast %gather3A_600 : vector<16xi32> to vector<32xbf16>
        %gather3A_602 = tpu.vector_load_idx %arg10[%get3A_595] : memref<50000xi32, #tpu.memory_space<vmem>>[vector<16xi32>], vector<16xi32>,
        %bitcast3A_603 = vector.bitcast %gather3A_602 : vector<16xi32> to vector<32xbf16>
        %max3A_604 = arith.maximumf %bitcast3A_603, %bitcast3A_601 : vector<32xbf16>
        %bitcast3A_605 = vector.bitcast %max3A_604 : vector<32xbf16> to vector<16xi32>
        tpu.vector_store_idx %arg10[%get3A_595], %bitcast3A_605 : memref<50000xi32, #tpu.memory_space<vmem>>[vector<16xi32>], vector<16xi32>,
        %mul3A_606 = arith.constant 25 : i32
        %mul3A_607 = arith.muli %scan3A_355, %mul3A_606 : i32
        %add3A_608 = arith.constant 14 : i32
        %add3A_609 = arith.addi %mul3A_607, %add3A_608 : i32
        %mul3A_610 = arith.constant 16 : i32
        %mul3A_611 = arith.muli %add3A_609, %mul3A_610 : i32
        %get3A_612 = arith.index_cast %mul3A_611 : i32 to index
        %get3A_613 = tpu.vector_load %arg11[%get3A_612] {strides = array<i32>} : memref<3200xi32, #tpu.memory_space<vmem>>, vector<16xi32>,
        %mul3A_614 = arith.constant 16 : i32
        %mul3A_615 = arith.muli %add3A_609, %mul3A_614 : i32
        %get3A_616 = arith.index_cast %mul3A_615 : i32 to index
        %get3A_617 = tpu.vector_load %arg13[%get3A_616] {strides = array<i32>} : memref<3200xi32, #tpu.memory_space<vmem>>, vector<16xi32>,
        %gather3A_618 = tpu.vector_load_idx %arg9[%get3A_617] : memref<50000xi32, #tpu.memory_space<vmem>>[vector<16xi32>], vector<16xi32>,
        %bitcast3A_619 = vector.bitcast %gather3A_618 : vector<16xi32> to vector<32xbf16>
        %gather3A_620 = tpu.vector_load_idx %arg10[%get3A_613] : memref<50000xi32, #tpu.memory_space<vmem>>[vector<16xi32>], vector<16xi32>,
        %bitcast3A_621 = vector.bitcast %gather3A_620 : vector<16xi32> to vector<32xbf16>
        %max3A_622 = arith.maximumf %bitcast3A_621, %bitcast3A_619 : vector<32xbf16>
        %bitcast3A_623 = vector.bitcast %max3A_622 : vector<32xbf16> to vector<16xi32>
        tpu.vector_store_idx %arg10[%get3A_613], %bitcast3A_623 : memref<50000xi32, #tpu.memory_space<vmem>>[vector<16xi32>], vector<16xi32>,
        %mul3A_624 = arith.constant 25 : i32
        %mul3A_625 = arith.muli %scan3A_355, %mul3A_624 : i32
        %add3A_626 = arith.constant 15 : i32
        %add3A_627 = arith.addi %mul3A_625, %add3A_626 : i32
        %mul3A_628 = arith.constant 16 : i32
        %mul3A_629 = arith.muli %add3A_627, %mul3A_628 : i32
        %get3A_630 = arith.index_cast %mul3A_629 : i32 to index
        %get3A_631 = tpu.vector_load %arg11[%get3A_630] {strides = array<i32>} : memref<3200xi32, #tpu.memory_space<vmem>>, vector<16xi32>,
        %mul3A_632 = arith.constant 16 : i32
        %mul3A_633 = arith.muli %add3A_627, %mul3A_632 : i32
        %get3A_634 = arith.index_cast %mul3A_633 : i32 to index
        %get3A_635 = tpu.vector_load %arg13[%get3A_634] {strides = array<i32>} : memref<3200xi32, #tpu.memory_space<vmem>>, vector<16xi32>,
        %gather3A_636 = tpu.vector_load_idx %arg9[%get3A_635] : memref<50000xi32, #tpu.memory_space<vmem>>[vector<16xi32>], vector<16xi32>,
        %bitcast3A_637 = vector.bitcast %gather3A_636 : vector<16xi32> to vector<32xbf16>
        %gather3A_638 = tpu.vector_load_idx %arg10[%get3A_631] : memref<50000xi32, #tpu.memory_space<vmem>>[vector<16xi32>], vector<16xi32>,
        %bitcast3A_639 = vector.bitcast %gather3A_638 : vector<16xi32> to vector<32xbf16>
        %max3A_640 = arith.maximumf %bitcast3A_639, %bitcast3A_637 : vector<32xbf16>
        %bitcast3A_641 = vector.bitcast %max3A_640 : vector<32xbf16> to vector<16xi32>
        tpu.vector_store_idx %arg10[%get3A_631], %bitcast3A_641 : memref<50000xi32, #tpu.memory_space<vmem>>[vector<16xi32>], vector<16xi32>,
        %mul3A_642 = arith.constant 25 : i32
        %mul3A_643 = arith.muli %scan3A_355, %mul3A_642 : i32
        %add3A_644 = arith.constant 16 : i32
        %add3A_645 = arith.addi %mul3A_643, %add3A_644 : i32
        %mul3A_646 = arith.constant 16 : i32
        %mul3A_647 = arith.muli %add3A_645, %mul3A_646 : i32
        %get3A_648 = arith.index_cast %mul3A_647 : i32 to index
        %get3A_649 = tpu.vector_load %arg11[%get3A_648] {strides = array<i32>} : memref<3200xi32, #tpu.memory_space<vmem>>, vector<16xi32>,
        %mul3A_650 = arith.constant 16 : i32
        %mul3A_651 = arith.muli %add3A_645, %mul3A_650 : i32
        %get3A_652 = arith.index_cast %mul3A_651 : i32 to index
        %get3A_653 = tpu.vector_load %arg13[%get3A_652] {strides = array<i32>} : memref<3200xi32, #tpu.memory_space<vmem>>, vector<16xi32>,
        %gather3A_654 = tpu.vector_load_idx %arg9[%get3A_653] : memref<50000xi32, #tpu.memory_space<vmem>>[vector<16xi32>], vector<16xi32>,
        %bitcast3A_655 = vector.bitcast %gather3A_654 : vector<16xi32> to vector<32xbf16>
        %gather3A_656 = tpu.vector_load_idx %arg10[%get3A_649] : memref<50000xi32, #tpu.memory_space<vmem>>[vector<16xi32>], vector<16xi32>,
        %bitcast3A_657 = vector.bitcast %gather3A_656 : vector<16xi32> to vector<32xbf16>
        %max3A_658 = arith.maximumf %bitcast3A_657, %bitcast3A_655 : vector<32xbf16>
        %bitcast3A_659 = vector.bitcast %max3A_658 : vector<32xbf16> to vector<16xi32>
        tpu.vector_store_idx %arg10[%get3A_649], %bitcast3A_659 : memref<50000xi32, #tpu.memory_space<vmem>>[vector<16xi32>], vector<16xi32>,
        %mul3A_660 = arith.constant 25 : i32
        %mul3A_661 = arith.muli %scan3A_355, %mul3A_660 : i32
        %add3A_662 = arith.constant 17 : i32
        %add3A_663 = arith.addi %mul3A_661, %add3A_662 : i32
        %mul3A_664 = arith.constant 16 : i32
        %mul3A_665 = arith.muli %add3A_663, %mul3A_664 : i32
        %get3A_666 = arith.index_cast %mul3A_665 : i32 to index
        %get3A_667 = tpu.vector_load %arg11[%get3A_666] {strides = array<i32>} : memref<3200xi32, #tpu.memory_space<vmem>>, vector<16xi32>,
        %mul3A_668 = arith.constant 16 : i32
        %mul3A_669 = arith.muli %add3A_663, %mul3A_668 : i32
        %get3A_670 = arith.index_cast %mul3A_669 : i32 to index
        %get3A_671 = tpu.vector_load %arg13[%get3A_670] {strides = array<i32>} : memref<3200xi32, #tpu.memory_space<vmem>>, vector<16xi32>,
        %gather3A_672 = tpu.vector_load_idx %arg9[%get3A_671] : memref<50000xi32, #tpu.memory_space<vmem>>[vector<16xi32>], vector<16xi32>,
        %bitcast3A_673 = vector.bitcast %gather3A_672 : vector<16xi32> to vector<32xbf16>
        %gather3A_674 = tpu.vector_load_idx %arg10[%get3A_667] : memref<50000xi32, #tpu.memory_space<vmem>>[vector<16xi32>], vector<16xi32>,
        %bitcast3A_675 = vector.bitcast %gather3A_674 : vector<16xi32> to vector<32xbf16>
        %max3A_676 = arith.maximumf %bitcast3A_675, %bitcast3A_673 : vector<32xbf16>
        %bitcast3A_677 = vector.bitcast %max3A_676 : vector<32xbf16> to vector<16xi32>
        tpu.vector_store_idx %arg10[%get3A_667], %bitcast3A_677 : memref<50000xi32, #tpu.memory_space<vmem>>[vector<16xi32>], vector<16xi32>,
        %mul3A_678 = arith.constant 25 : i32
        %mul3A_679 = arith.muli %scan3A_355, %mul3A_678 : i32
        %add3A_680 = arith.constant 18 : i32
        %add3A_681 = arith.addi %mul3A_679, %add3A_680 : i32
        %mul3A_682 = arith.constant 16 : i32
        %mul3A_683 = arith.muli %add3A_681, %mul3A_682 : i32
        %get3A_684 = arith.index_cast %mul3A_683 : i32 to index
        %get3A_685 = tpu.vector_load %arg11[%get3A_684] {strides = array<i32>} : memref<3200xi32, #tpu.memory_space<vmem>>, vector<16xi32>,
        %mul3A_686 = arith.constant 16 : i32
        %mul3A_687 = arith.muli %add3A_681, %mul3A_686 : i32
        %get3A_688 = arith.index_cast %mul3A_687 : i32 to index
        %get3A_689 = tpu.vector_load %arg13[%get3A_688] {strides = array<i32>} : memref<3200xi32, #tpu.memory_space<vmem>>, vector<16xi32>,
        %gather3A_690 = tpu.vector_load_idx %arg9[%get3A_689] : memref<50000xi32, #tpu.memory_space<vmem>>[vector<16xi32>], vector<16xi32>,
        %bitcast3A_691 = vector.bitcast %gather3A_690 : vector<16xi32> to vector<32xbf16>
        %gather3A_692 = tpu.vector_load_idx %arg10[%get3A_685] : memref<50000xi32, #tpu.memory_space<vmem>>[vector<16xi32>], vector<16xi32>,
        %bitcast3A_693 = vector.bitcast %gather3A_692 : vector<16xi32> to vector<32xbf16>
        %max3A_694 = arith.maximumf %bitcast3A_693, %bitcast3A_691 : vector<32xbf16>
        %bitcast3A_695 = vector.bitcast %max3A_694 : vector<32xbf16> to vector<16xi32>
        tpu.vector_store_idx %arg10[%get3A_685], %bitcast3A_695 : memref<50000xi32, #tpu.memory_space<vmem>>[vector<16xi32>], vector<16xi32>,
        %mul3A_696 = arith.constant 25 : i32
        %mul3A_697 = arith.muli %scan3A_355, %mul3A_696 : i32
        %add3A_698 = arith.constant 19 : i32
        %add3A_699 = arith.addi %mul3A_697, %add3A_698 : i32
        %mul3A_700 = arith.constant 16 : i32
        %mul3A_701 = arith.muli %add3A_699, %mul3A_700 : i32
        %get3A_702 = arith.index_cast %mul3A_701 : i32 to index
        %get3A_703 = tpu.vector_load %arg11[%get3A_702] {strides = array<i32>} : memref<3200xi32, #tpu.memory_space<vmem>>, vector<16xi32>,
        %mul3A_704 = arith.constant 16 : i32
        %mul3A_705 = arith.muli %add3A_699, %mul3A_704 : i32
        %get3A_706 = arith.index_cast %mul3A_705 : i32 to index
        %get3A_707 = tpu.vector_load %arg13[%get3A_706] {strides = array<i32>} : memref<3200xi32, #tpu.memory_space<vmem>>, vector<16xi32>,
        %gather3A_708 = tpu.vector_load_idx %arg9[%get3A_707] : memref<50000xi32, #tpu.memory_space<vmem>>[vector<16xi32>], vector<16xi32>,
        %bitcast3A_709 = vector.bitcast %gather3A_708 : vector<16xi32> to vector<32xbf16>
        %gather3A_710 = tpu.vector_load_idx %arg10[%get3A_703] : memref<50000xi32, #tpu.memory_space<vmem>>[vector<16xi32>], vector<16xi32>,
        %bitcast3A_711 = vector.bitcast %gather3A_710 : vector<16xi32> to vector<32xbf16>
        %max3A_712 = arith.maximumf %bitcast3A_711, %bitcast3A_709 : vector<32xbf16>
        %bitcast3A_713 = vector.bitcast %max3A_712 : vector<32xbf16> to vector<16xi32>
        tpu.vector_store_idx %arg10[%get3A_703], %bitcast3A_713 : memref<50000xi32, #tpu.memory_space<vmem>>[vector<16xi32>], vector<16xi32>,
        %mul3A_714 = arith.constant 25 : i32
        %mul3A_715 = arith.muli %scan3A_355, %mul3A_714 : i32
        %add3A_716 = arith.constant 20 : i32
        %add3A_717 = arith.addi %mul3A_715, %add3A_716 : i32
        %mul3A_718 = arith.constant 16 : i32
        %mul3A_719 = arith.muli %add3A_717, %mul3A_718 : i32
        %get3A_720 = arith.index_cast %mul3A_719 : i32 to index
        %get3A_721 = tpu.vector_load %arg11[%get3A_720] {strides = array<i32>} : memref<3200xi32, #tpu.memory_space<vmem>>, vector<16xi32>,
        %mul3A_722 = arith.constant 16 : i32
        %mul3A_723 = arith.muli %add3A_717, %mul3A_722 : i32
        %get3A_724 = arith.index_cast %mul3A_723 : i32 to index
        %get3A_725 = tpu.vector_load %arg13[%get3A_724] {strides = array<i32>} : memref<3200xi32, #tpu.memory_space<vmem>>, vector<16xi32>,
        %gather3A_726 = tpu.vector_load_idx %arg9[%get3A_725] : memref<50000xi32, #tpu.memory_space<vmem>>[vector<16xi32>], vector<16xi32>,
        %bitcast3A_727 = vector.bitcast %gather3A_726 : vector<16xi32> to vector<32xbf16>
        %gather3A_728 = tpu.vector_load_idx %arg10[%get3A_721] : memref<50000xi32, #tpu.memory_space<vmem>>[vector<16xi32>], vector<16xi32>,
        %bitcast3A_729 = vector.bitcast %gather3A_728 : vector<16xi32> to vector<32xbf16>
        %max3A_730 = arith.maximumf %bitcast3A_729, %bitcast3A_727 : vector<32xbf16>
        %bitcast3A_731 = vector.bitcast %max3A_730 : vector<32xbf16> to vector<16xi32>
        tpu.vector_store_idx %arg10[%get3A_721], %bitcast3A_731 : memref<50000xi32, #tpu.memory_space<vmem>>[vector<16xi32>], vector<16xi32>,
        %mul3A_732 = arith.constant 25 : i32
        %mul3A_733 = arith.muli %scan3A_355, %mul3A_732 : i32
        %add3A_734 = arith.constant 21 : i32
        %add3A_735 = arith.addi %mul3A_733, %add3A_734 : i32
        %mul3A_736 = arith.constant 16 : i32
        %mul3A_737 = arith.muli %add3A_735, %mul3A_736 : i32
        %get3A_738 = arith.index_cast %mul3A_737 : i32 to index
        %get3A_739 = tpu.vector_load %arg11[%get3A_738] {strides = array<i32>} : memref<3200xi32, #tpu.memory_space<vmem>>, vector<16xi32>,
        %mul3A_740 = arith.constant 16 : i32
        %mul3A_741 = arith.muli %add3A_735, %mul3A_740 : i32
        %get3A_742 = arith.index_cast %mul3A_741 : i32 to index
        %get3A_743 = tpu.vector_load %arg13[%get3A_742] {strides = array<i32>} : memref<3200xi32, #tpu.memory_space<vmem>>, vector<16xi32>,
        %gather3A_744 = tpu.vector_load_idx %arg9[%get3A_743] : memref<50000xi32, #tpu.memory_space<vmem>>[vector<16xi32>], vector<16xi32>,
        %bitcast3A_745 = vector.bitcast %gather3A_744 : vector<16xi32> to vector<32xbf16>
        %gather3A_746 = tpu.vector_load_idx %arg10[%get3A_739] : memref<50000xi32, #tpu.memory_space<vmem>>[vector<16xi32>], vector<16xi32>,
        %bitcast3A_747 = vector.bitcast %gather3A_746 : vector<16xi32> to vector<32xbf16>
        %max3A_748 = arith.maximumf %bitcast3A_747, %bitcast3A_745 : vector<32xbf16>
        %bitcast3A_749 = vector.bitcast %max3A_748 : vector<32xbf16> to vector<16xi32>
        tpu.vector_store_idx %arg10[%get3A_739], %bitcast3A_749 : memref<50000xi32, #tpu.memory_space<vmem>>[vector<16xi32>], vector<16xi32>,
        %mul3A_750 = arith.constant 25 : i32
        %mul3A_751 = arith.muli %scan3A_355, %mul3A_750 : i32
        %add3A_752 = arith.constant 22 : i32
        %add3A_753 = arith.addi %mul3A_751, %add3A_752 : i32
        %mul3A_754 = arith.constant 16 : i32
        %mul3A_755 = arith.muli %add3A_753, %mul3A_754 : i32
        %get3A_756 = arith.index_cast %mul3A_755 : i32 to index
        %get3A_757 = tpu.vector_load %arg11[%get3A_756] {strides = array<i32>} : memref<3200xi32, #tpu.memory_space<vmem>>, vector<16xi32>,
        %mul3A_758 = arith.constant 16 : i32
        %mul3A_759 = arith.muli %add3A_753, %mul3A_758 : i32
        %get3A_760 = arith.index_cast %mul3A_759 : i32 to index
        %get3A_761 = tpu.vector_load %arg13[%get3A_760] {strides = array<i32>} : memref<3200xi32, #tpu.memory_space<vmem>>, vector<16xi32>,
        %gather3A_762 = tpu.vector_load_idx %arg9[%get3A_761] : memref<50000xi32, #tpu.memory_space<vmem>>[vector<16xi32>], vector<16xi32>,
        %bitcast3A_763 = vector.bitcast %gather3A_762 : vector<16xi32> to vector<32xbf16>
        %gather3A_764 = tpu.vector_load_idx %arg10[%get3A_757] : memref<50000xi32, #tpu.memory_space<vmem>>[vector<16xi32>], vector<16xi32>,
        %bitcast3A_765 = vector.bitcast %gather3A_764 : vector<16xi32> to vector<32xbf16>
        %max3A_766 = arith.maximumf %bitcast3A_765, %bitcast3A_763 : vector<32xbf16>
        %bitcast3A_767 = vector.bitcast %max3A_766 : vector<32xbf16> to vector<16xi32>
        tpu.vector_store_idx %arg10[%get3A_757], %bitcast3A_767 : memref<50000xi32, #tpu.memory_space<vmem>>[vector<16xi32>], vector<16xi32>,
        %mul3A_768 = arith.constant 25 : i32
        %mul3A_769 = arith.muli %scan3A_355, %mul3A_768 : i32
        %add3A_770 = arith.constant 23 : i32
        %add3A_771 = arith.addi %mul3A_769, %add3A_770 : i32
        %mul3A_772 = arith.constant 16 : i32
        %mul3A_773 = arith.muli %add3A_771, %mul3A_772 : i32
        %get3A_774 = arith.index_cast %mul3A_773 : i32 to index
        %get3A_775 = tpu.vector_load %arg11[%get3A_774] {strides = array<i32>} : memref<3200xi32, #tpu.memory_space<vmem>>, vector<16xi32>,
        %mul3A_776 = arith.constant 16 : i32
        %mul3A_777 = arith.muli %add3A_771, %mul3A_776 : i32
        %get3A_778 = arith.index_cast %mul3A_777 : i32 to index
        %get3A_779 = tpu.vector_load %arg13[%get3A_778] {strides = array<i32>} : memref<3200xi32, #tpu.memory_space<vmem>>, vector<16xi32>,
        %gather3A_780 = tpu.vector_load_idx %arg9[%get3A_779] : memref<50000xi32, #tpu.memory_space<vmem>>[vector<16xi32>], vector<16xi32>,
        %bitcast3A_781 = vector.bitcast %gather3A_780 : vector<16xi32> to vector<32xbf16>
        %gather3A_782 = tpu.vector_load_idx %arg10[%get3A_775] : memref<50000xi32, #tpu.memory_space<vmem>>[vector<16xi32>], vector<16xi32>,
        %bitcast3A_783 = vector.bitcast %gather3A_782 : vector<16xi32> to vector<32xbf16>
        %max3A_784 = arith.maximumf %bitcast3A_783, %bitcast3A_781 : vector<32xbf16>
        %bitcast3A_785 = vector.bitcast %max3A_784 : vector<32xbf16> to vector<16xi32>
        tpu.vector_store_idx %arg10[%get3A_775], %bitcast3A_785 : memref<50000xi32, #tpu.memory_space<vmem>>[vector<16xi32>], vector<16xi32>,
        %mul3A_786 = arith.constant 25 : i32
        %mul3A_787 = arith.muli %scan3A_355, %mul3A_786 : i32
        %add3A_788 = arith.constant 24 : i32
        %add3A_789 = arith.addi %mul3A_787, %add3A_788 : i32
        %mul3A_790 = arith.constant 16 : i32
        %mul3A_791 = arith.muli %add3A_789, %mul3A_790 : i32
        %get3A_792 = arith.index_cast %mul3A_791 : i32 to index
        %get3A_793 = tpu.vector_load %arg11[%get3A_792] {strides = array<i32>} : memref<3200xi32, #tpu.memory_space<vmem>>, vector<16xi32>,
        %mul3A_794 = arith.constant 16 : i32
        %mul3A_795 = arith.muli %add3A_789, %mul3A_794 : i32
        %get3A_796 = arith.index_cast %mul3A_795 : i32 to index
        %get3A_797 = tpu.vector_load %arg13[%get3A_796] {strides = array<i32>} : memref<3200xi32, #tpu.memory_space<vmem>>, vector<16xi32>,
        %gather3A_798 = tpu.vector_load_idx %arg9[%get3A_797] : memref<50000xi32, #tpu.memory_space<vmem>>[vector<16xi32>], vector<16xi32>,
        %bitcast3A_799 = vector.bitcast %gather3A_798 : vector<16xi32> to vector<32xbf16>
        %gather3A_800 = tpu.vector_load_idx %arg10[%get3A_793] : memref<50000xi32, #tpu.memory_space<vmem>>[vector<16xi32>], vector<16xi32>,
        %bitcast3A_801 = vector.bitcast %gather3A_800 : vector<16xi32> to vector<32xbf16>
        %max3A_802 = arith.maximumf %bitcast3A_801, %bitcast3A_799 : vector<32xbf16>
        %bitcast3A_803 = vector.bitcast %max3A_802 : vector<32xbf16> to vector<16xi32>
        tpu.vector_store_idx %arg10[%get3A_793], %bitcast3A_803 : memref<50000xi32, #tpu.memory_space<vmem>>[vector<16xi32>], vector<16xi32>,
        %gather3A_804 = tpu.vector_load_idx %arg10[%get3A_363] : memref<50000xi32, #tpu.memory_space<vmem>>[vector<16xi32>], vector<16xi32>,
        %bitcast3A_805 = vector.bitcast %gather3A_804 : vector<16xi32> to vector<32xbf16>
        %max3A_806 = arith.maximumf %bitcast3A_805, %bitcast3A : vector<32xbf16>
        %bitcast3A_807 = vector.bitcast %max3A_806 : vector<32xbf16> to vector<16xi32>
        %ne3A_808 = arith.cmpi ne, %bitcast3A_807, %gather3A_804 : vector<16xi32>
        %gather3A_809 = tpu.vector_load_idx %arg10[%get3A_379] : memref<50000xi32, #tpu.memory_space<vmem>>[vector<16xi32>], vector<16xi32>,
        %bitcast3A_810 = vector.bitcast %gather3A_809 : vector<16xi32> to vector<32xbf16>
        %max3A_811 = arith.maximumf %bitcast3A_810, %bitcast3A_385 : vector<32xbf16>
        %bitcast3A_812 = vector.bitcast %max3A_811 : vector<32xbf16> to vector<16xi32>
        %ne3A_813 = arith.cmpi ne, %bitcast3A_812, %gather3A_809 : vector<16xi32>
        %or3A = arith.ori %ne3A_808, %ne3A_813 : vector<16xi1>
        %gather3A_814 = tpu.vector_load_idx %arg10[%get3A_397] : memref<50000xi32, #tpu.memory_space<vmem>>[vector<16xi32>], vector<16xi32>,
        %bitcast3A_815 = vector.bitcast %gather3A_814 : vector<16xi32> to vector<32xbf16>
        %max3A_816 = arith.maximumf %bitcast3A_815, %bitcast3A_403 : vector<32xbf16>
        %bitcast3A_817 = vector.bitcast %max3A_816 : vector<32xbf16> to vector<16xi32>
        %ne3A_818 = arith.cmpi ne, %bitcast3A_817, %gather3A_814 : vector<16xi32>
        %or3A_819 = arith.ori %or3A, %ne3A_818 : vector<16xi1>
        %gather3A_820 = tpu.vector_load_idx %arg10[%get3A_415] : memref<50000xi32, #tpu.memory_space<vmem>>[vector<16xi32>], vector<16xi32>,
        %bitcast3A_821 = vector.bitcast %gather3A_820 : vector<16xi32> to vector<32xbf16>
        %max3A_822 = arith.maximumf %bitcast3A_821, %bitcast3A_421 : vector<32xbf16>
        %bitcast3A_823 = vector.bitcast %max3A_822 : vector<32xbf16> to vector<16xi32>
        %ne3A_824 = arith.cmpi ne, %bitcast3A_823, %gather3A_820 : vector<16xi32>
        %or3A_825 = arith.ori %or3A_819, %ne3A_824 : vector<16xi1>
        %gather3A_826 = tpu.vector_load_idx %arg10[%get3A_433] : memref<50000xi32, #tpu.memory_space<vmem>>[vector<16xi32>], vector<16xi32>,
        %bitcast3A_827 = vector.bitcast %gather3A_826 : vector<16xi32> to vector<32xbf16>
        %max3A_828 = arith.maximumf %bitcast3A_827, %bitcast3A_439 : vector<32xbf16>
        %bitcast3A_829 = vector.bitcast %max3A_828 : vector<32xbf16> to vector<16xi32>
        %ne3A_830 = arith.cmpi ne, %bitcast3A_829, %gather3A_826 : vector<16xi32>
        %or3A_831 = arith.ori %or3A_825, %ne3A_830 : vector<16xi1>
        %gather3A_832 = tpu.vector_load_idx %arg10[%get3A_451] : memref<50000xi32, #tpu.memory_space<vmem>>[vector<16xi32>], vector<16xi32>,
        %bitcast3A_833 = vector.bitcast %gather3A_832 : vector<16xi32> to vector<32xbf16>
        %max3A_834 = arith.maximumf %bitcast3A_833, %bitcast3A_457 : vector<32xbf16>
        %bitcast3A_835 = vector.bitcast %max3A_834 : vector<32xbf16> to vector<16xi32>
        %ne3A_836 = arith.cmpi ne, %bitcast3A_835, %gather3A_832 : vector<16xi32>
        %or3A_837 = arith.ori %or3A_831, %ne3A_836 : vector<16xi1>
        %gather3A_838 = tpu.vector_load_idx %arg10[%get3A_469] : memref<50000xi32, #tpu.memory_space<vmem>>[vector<16xi32>], vector<16xi32>,
        %bitcast3A_839 = vector.bitcast %gather3A_838 : vector<16xi32> to vector<32xbf16>
        %max3A_840 = arith.maximumf %bitcast3A_839, %bitcast3A_475 : vector<32xbf16>
        %bitcast3A_841 = vector.bitcast %max3A_840 : vector<32xbf16> to vector<16xi32>
        %ne3A_842 = arith.cmpi ne, %bitcast3A_841, %gather3A_838 : vector<16xi32>
        %or3A_843 = arith.ori %or3A_837, %ne3A_842 : vector<16xi1>
        %gather3A_844 = tpu.vector_load_idx %arg10[%get3A_487] : memref<50000xi32, #tpu.memory_space<vmem>>[vector<16xi32>], vector<16xi32>,
        %bitcast3A_845 = vector.bitcast %gather3A_844 : vector<16xi32> to vector<32xbf16>
        %max3A_846 = arith.maximumf %bitcast3A_845, %bitcast3A_493 : vector<32xbf16>
        %bitcast3A_847 = vector.bitcast %max3A_846 : vector<32xbf16> to vector<16xi32>
        %ne3A_848 = arith.cmpi ne, %bitcast3A_847, %gather3A_844 : vector<16xi32>
        %or3A_849 = arith.ori %or3A_843, %ne3A_848 : vector<16xi1>
        %gather3A_850 = tpu.vector_load_idx %arg10[%get3A_505] : memref<50000xi32, #tpu.memory_space<vmem>>[vector<16xi32>], vector<16xi32>,
        %bitcast3A_851 = vector.bitcast %gather3A_850 : vector<16xi32> to vector<32xbf16>
        %max3A_852 = arith.maximumf %bitcast3A_851, %bitcast3A_511 : vector<32xbf16>
        %bitcast3A_853 = vector.bitcast %max3A_852 : vector<32xbf16> to vector<16xi32>
        %ne3A_854 = arith.cmpi ne, %bitcast3A_853, %gather3A_850 : vector<16xi32>
        %or3A_855 = arith.ori %or3A_849, %ne3A_854 : vector<16xi1>
        %gather3A_856 = tpu.vector_load_idx %arg10[%get3A_523] : memref<50000xi32, #tpu.memory_space<vmem>>[vector<16xi32>], vector<16xi32>,
        %bitcast3A_857 = vector.bitcast %gather3A_856 : vector<16xi32> to vector<32xbf16>
        %max3A_858 = arith.maximumf %bitcast3A_857, %bitcast3A_529 : vector<32xbf16>
        %bitcast3A_859 = vector.bitcast %max3A_858 : vector<32xbf16> to vector<16xi32>
        %ne3A_860 = arith.cmpi ne, %bitcast3A_859, %gather3A_856 : vector<16xi32>
        %or3A_861 = arith.ori %or3A_855, %ne3A_860 : vector<16xi1>
        %gather3A_862 = tpu.vector_load_idx %arg10[%get3A_541] : memref<50000xi32, #tpu.memory_space<vmem>>[vector<16xi32>], vector<16xi32>,
        %bitcast3A_863 = vector.bitcast %gather3A_862 : vector<16xi32> to vector<32xbf16>
        %max3A_864 = arith.maximumf %bitcast3A_863, %bitcast3A_547 : vector<32xbf16>
        %bitcast3A_865 = vector.bitcast %max3A_864 : vector<32xbf16> to vector<16xi32>
        %ne3A_866 = arith.cmpi ne, %bitcast3A_865, %gather3A_862 : vector<16xi32>
        %or3A_867 = arith.ori %or3A_861, %ne3A_866 : vector<16xi1>
        %gather3A_868 = tpu.vector_load_idx %arg10[%get3A_559] : memref<50000xi32, #tpu.memory_space<vmem>>[vector<16xi32>], vector<16xi32>,
        %bitcast3A_869 = vector.bitcast %gather3A_868 : vector<16xi32> to vector<32xbf16>
        %max3A_870 = arith.maximumf %bitcast3A_869, %bitcast3A_565 : vector<32xbf16>
        %bitcast3A_871 = vector.bitcast %max3A_870 : vector<32xbf16> to vector<16xi32>
        %ne3A_872 = arith.cmpi ne, %bitcast3A_871, %gather3A_868 : vector<16xi32>
        %or3A_873 = arith.ori %or3A_867, %ne3A_872 : vector<16xi1>
        %gather3A_874 = tpu.vector_load_idx %arg10[%get3A_577] : memref<50000xi32, #tpu.memory_space<vmem>>[vector<16xi32>], vector<16xi32>,
        %bitcast3A_875 = vector.bitcast %gather3A_874 : vector<16xi32> to vector<32xbf16>
        %max3A_876 = arith.maximumf %bitcast3A_875, %bitcast3A_583 : vector<32xbf16>
        %bitcast3A_877 = vector.bitcast %max3A_876 : vector<32xbf16> to vector<16xi32>
        %ne3A_878 = arith.cmpi ne, %bitcast3A_877, %gather3A_874 : vector<16xi32>
        %or3A_879 = arith.ori %or3A_873, %ne3A_878 : vector<16xi1>
        %gather3A_880 = tpu.vector_load_idx %arg10[%get3A_595] : memref<50000xi32, #tpu.memory_space<vmem>>[vector<16xi32>], vector<16xi32>,
        %bitcast3A_881 = vector.bitcast %gather3A_880 : vector<16xi32> to vector<32xbf16>
        %max3A_882 = arith.maximumf %bitcast3A_881, %bitcast3A_601 : vector<32xbf16>
        %bitcast3A_883 = vector.bitcast %max3A_882 : vector<32xbf16> to vector<16xi32>
        %ne3A_884 = arith.cmpi ne, %bitcast3A_883, %gather3A_880 : vector<16xi32>
        %or3A_885 = arith.ori %or3A_879, %ne3A_884 : vector<16xi1>
        %gather3A_886 = tpu.vector_load_idx %arg10[%get3A_613] : memref<50000xi32, #tpu.memory_space<vmem>>[vector<16xi32>], vector<16xi32>,
        %bitcast3A_887 = vector.bitcast %gather3A_886 : vector<16xi32> to vector<32xbf16>
        %max3A_888 = arith.maximumf %bitcast3A_887, %bitcast3A_619 : vector<32xbf16>
        %bitcast3A_889 = vector.bitcast %max3A_888 : vector<32xbf16> to vector<16xi32>
        %ne3A_890 = arith.cmpi ne, %bitcast3A_889, %gather3A_886 : vector<16xi32>
        %or3A_891 = arith.ori %or3A_885, %ne3A_890 : vector<16xi1>
        %gather3A_892 = tpu.vector_load_idx %arg10[%get3A_631] : memref<50000xi32, #tpu.memory_space<vmem>>[vector<16xi32>], vector<16xi32>,
        %bitcast3A_893 = vector.bitcast %gather3A_892 : vector<16xi32> to vector<32xbf16>
        %max3A_894 = arith.maximumf %bitcast3A_893, %bitcast3A_637 : vector<32xbf16>
        %bitcast3A_895 = vector.bitcast %max3A_894 : vector<32xbf16> to vector<16xi32>
        %ne3A_896 = arith.cmpi ne, %bitcast3A_895, %gather3A_892 : vector<16xi32>
        %or3A_897 = arith.ori %or3A_891, %ne3A_896 : vector<16xi1>
        %gather3A_898 = tpu.vector_load_idx %arg10[%get3A_649] : memref<50000xi32, #tpu.memory_space<vmem>>[vector<16xi32>], vector<16xi32>,
        %bitcast3A_899 = vector.bitcast %gather3A_898 : vector<16xi32> to vector<32xbf16>
        %max3A_900 = arith.maximumf %bitcast3A_899, %bitcast3A_655 : vector<32xbf16>
        %bitcast3A_901 = vector.bitcast %max3A_900 : vector<32xbf16> to vector<16xi32>
        %ne3A_902 = arith.cmpi ne, %bitcast3A_901, %gather3A_898 : vector<16xi32>
        %or3A_903 = arith.ori %or3A_897, %ne3A_902 : vector<16xi1>
        %gather3A_904 = tpu.vector_load_idx %arg10[%get3A_667] : memref<50000xi32, #tpu.memory_space<vmem>>[vector<16xi32>], vector<16xi32>,
        %bitcast3A_905 = vector.bitcast %gather3A_904 : vector<16xi32> to vector<32xbf16>
        %max3A_906 = arith.maximumf %bitcast3A_905, %bitcast3A_673 : vector<32xbf16>
        %bitcast3A_907 = vector.bitcast %max3A_906 : vector<32xbf16> to vector<16xi32>
        %ne3A_908 = arith.cmpi ne, %bitcast3A_907, %gather3A_904 : vector<16xi32>
        %or3A_909 = arith.ori %or3A_903, %ne3A_908 : vector<16xi1>
        %gather3A_910 = tpu.vector_load_idx %arg10[%get3A_685] : memref<50000xi32, #tpu.memory_space<vmem>>[vector<16xi32>], vector<16xi32>,
        %bitcast3A_911 = vector.bitcast %gather3A_910 : vector<16xi32> to vector<32xbf16>
        %max3A_912 = arith.maximumf %bitcast3A_911, %bitcast3A_691 : vector<32xbf16>
        %bitcast3A_913 = vector.bitcast %max3A_912 : vector<32xbf16> to vector<16xi32>
        %ne3A_914 = arith.cmpi ne, %bitcast3A_913, %gather3A_910 : vector<16xi32>
        %or3A_915 = arith.ori %or3A_909, %ne3A_914 : vector<16xi1>
        %gather3A_916 = tpu.vector_load_idx %arg10[%get3A_703] : memref<50000xi32, #tpu.memory_space<vmem>>[vector<16xi32>], vector<16xi32>,
        %bitcast3A_917 = vector.bitcast %gather3A_916 : vector<16xi32> to vector<32xbf16>
        %max3A_918 = arith.maximumf %bitcast3A_917, %bitcast3A_709 : vector<32xbf16>
        %bitcast3A_919 = vector.bitcast %max3A_918 : vector<32xbf16> to vector<16xi32>
        %ne3A_920 = arith.cmpi ne, %bitcast3A_919, %gather3A_916 : vector<16xi32>
        %or3A_921 = arith.ori %or3A_915, %ne3A_920 : vector<16xi1>
        %gather3A_922 = tpu.vector_load_idx %arg10[%get3A_721] : memref<50000xi32, #tpu.memory_space<vmem>>[vector<16xi32>], vector<16xi32>,
        %bitcast3A_923 = vector.bitcast %gather3A_922 : vector<16xi32> to vector<32xbf16>
        %max3A_924 = arith.maximumf %bitcast3A_923, %bitcast3A_727 : vector<32xbf16>
        %bitcast3A_925 = vector.bitcast %max3A_924 : vector<32xbf16> to vector<16xi32>
        %ne3A_926 = arith.cmpi ne, %bitcast3A_925, %gather3A_922 : vector<16xi32>
        %or3A_927 = arith.ori %or3A_921, %ne3A_926 : vector<16xi1>
        %gather3A_928 = tpu.vector_load_idx %arg10[%get3A_739] : memref<50000xi32, #tpu.memory_space<vmem>>[vector<16xi32>], vector<16xi32>,
        %bitcast3A_929 = vector.bitcast %gather3A_928 : vector<16xi32> to vector<32xbf16>
        %max3A_930 = arith.maximumf %bitcast3A_929, %bitcast3A_745 : vector<32xbf16>
        %bitcast3A_931 = vector.bitcast %max3A_930 : vector<32xbf16> to vector<16xi32>
        %ne3A_932 = arith.cmpi ne, %bitcast3A_931, %gather3A_928 : vector<16xi32>
        %or3A_933 = arith.ori %or3A_927, %ne3A_932 : vector<16xi1>
        %gather3A_934 = tpu.vector_load_idx %arg10[%get3A_757] : memref<50000xi32, #tpu.memory_space<vmem>>[vector<16xi32>], vector<16xi32>,
        %bitcast3A_935 = vector.bitcast %gather3A_934 : vector<16xi32> to vector<32xbf16>
        %max3A_936 = arith.maximumf %bitcast3A_935, %bitcast3A_763 : vector<32xbf16>
        %bitcast3A_937 = vector.bitcast %max3A_936 : vector<32xbf16> to vector<16xi32>
        %ne3A_938 = arith.cmpi ne, %bitcast3A_937, %gather3A_934 : vector<16xi32>
        %or3A_939 = arith.ori %or3A_933, %ne3A_938 : vector<16xi1>
        %gather3A_940 = tpu.vector_load_idx %arg10[%get3A_775] : memref<50000xi32, #tpu.memory_space<vmem>>[vector<16xi32>], vector<16xi32>,
        %bitcast3A_941 = vector.bitcast %gather3A_940 : vector<16xi32> to vector<32xbf16>
        %max3A_942 = arith.maximumf %bitcast3A_941, %bitcast3A_781 : vector<32xbf16>
        %bitcast3A_943 = vector.bitcast %max3A_942 : vector<32xbf16> to vector<16xi32>
        %ne3A_944 = arith.cmpi ne, %bitcast3A_943, %gather3A_940 : vector<16xi32>
        %or3A_945 = arith.ori %or3A_939, %ne3A_944 : vector<16xi1>
        %gather3A_946 = tpu.vector_load_idx %arg10[%get3A_793] : memref<50000xi32, #tpu.memory_space<vmem>>[vector<16xi32>], vector<16xi32>,
        %bitcast3A_947 = vector.bitcast %gather3A_946 : vector<16xi32> to vector<32xbf16>
        %max3A_948 = arith.maximumf %bitcast3A_947, %bitcast3A_799 : vector<32xbf16>
        %bitcast3A_949 = vector.bitcast %max3A_948 : vector<32xbf16> to vector<16xi32>
        %ne3A_950 = arith.cmpi ne, %bitcast3A_949, %gather3A_946 : vector<16xi32>
        %or3A_951 = arith.ori %or3A_945, %ne3A_950 : vector<16xi1>
        %reduce_or3A = arith.constant 1.000000e+00 : f32
        %reduce_or3A_952 = arith.constant 0.000000e+00 : f32
        %reduce_or3A_953 = vector.broadcast %reduce_or3A : f32 to vector<16xf32>
        %reduce_or3A_954 = vector.broadcast %reduce_or3A_952 : f32 to vector<16xf32>
        %reduce_or3A_955 = arith.select %or3A_951, %reduce_or3A_953, %reduce_or3A_954 : vector<16xi1>, vector<16xf32>
        %reduce_or3A_956 = arith.constant true
        %reduce_or3A_957 = vector.broadcast %reduce_or3A_956 : i1 to vector<16xi1>
        %reduce_or3A_958 = tpu.scan <max>, %reduce_or3A_955 masked %reduce_or3A_957 : vector<16xf32>, vector<16xi1> -> vector<16xf32>
        %reduce_or3A_959 = vector.extract %reduce_or3A_958[15] : f32 from vector<16xf32>
        %reduce_or3A_960 = arith.constant 0.000000e+00 : f32
        %reduce_or3A_961 = arith.cmpf ogt, %reduce_or3A_959, %reduce_or3A_960 : f32
        %convert_element_type3A_962 = arith.extui %reduce_or3A_961 : i1 to i32
        %cond3A_963 = arith.constant 0 : i32
        %cond3A_964 = arith.cmpi ne, %convert_element_type3A_962, %cond3A_963 : i32
        scf.if %cond3A_964 {
          %reduce_or3A_966 = arith.constant 1.000000e+00 : f32
          %reduce_or3A_967 = arith.constant 0.000000e+00 : f32
          %reduce_or3A_968 = vector.broadcast %reduce_or3A_966 : f32 to vector<16xf32>
          %reduce_or3A_969 = vector.broadcast %reduce_or3A_967 : f32 to vector<16xf32>
          %reduce_or3A_970 = arith.select %or3A_951, %reduce_or3A_968, %reduce_or3A_969 : vector<16xi1>, vector<16xf32>
          %reduce_or3A_971 = arith.constant true
          %reduce_or3A_972 = vector.broadcast %reduce_or3A_971 : i1 to vector<16xi1>
          %reduce_or3A_973 = tpu.scan <max>, %reduce_or3A_970 masked %reduce_or3A_972 : vector<16xf32>, vector<16xi1> -> vector<16xf32>
          %reduce_or3A_974 = vector.extract %reduce_or3A_973[15] : f32 from vector<16xf32>
          %reduce_or3A_975 = arith.constant 0.000000e+00 : f32
          %reduce_or3A_976 = arith.cmpf ogt, %reduce_or3A_974, %reduce_or3A_975 : f32
          %while3A:26 = scf.while (%while3A_977 = %reduce_or3A_976, %while3A_978 = %ne3A_808, %while3A_979 = %ne3A_813, %while3A_980 = %ne3A_818, %while3A_981 = %ne3A_824, %while3A_982 = %ne3A_830, %while3A_983 = %ne3A_836, %while3A_984 = %ne3A_842, %while3A_985 = %ne3A_848, %while3A_986 = %ne3A_854, %while3A_987 = %ne3A_860, %while3A_988 = %ne3A_866, %while3A_989 = %ne3A_872, %while3A_990 = %ne3A_878, %while3A_991 = %ne3A_884, %while3A_992 = %ne3A_890, %while3A_993 = %ne3A_896, %while3A_994 = %ne3A_902, %while3A_995 = %ne3A_908, %while3A_996 = %ne3A_914, %while3A_997 = %ne3A_920, %while3A_998 = %ne3A_926, %while3A_999 = %ne3A_932, %while3A_1000 = %ne3A_938, %while3A_1001 = %ne3A_944, %while3A_1002 = %ne3A_950) : (i1, vector<16xi1>, vector<16xi1>, vector<16xi1>, vector<16xi1>, vector<16xi1>, vector<16xi1>, vector<16xi1>, vector<16xi1>, vector<16xi1>, vector<16xi1>, vector<16xi1>, vector<16xi1>, vector<16xi1>, vector<16xi1>, vector<16xi1>, vector<16xi1>, vector<16xi1>, vector<16xi1>, vector<16xi1>, vector<16xi1>, vector<16xi1>, vector<16xi1>, vector<16xi1>, vector<16xi1>, vector<16xi1>) -> (i1, vector<16xi1>, vector<16xi1>, vector<16xi1>, vector<16xi1>, vector<16xi1>, vector<16xi1>, vector<16xi1>, vector<16xi1>, vector<16xi1>, vector<16xi1>, vector<16xi1>, vector<16xi1>, vector<16xi1>, vector<16xi1>, vector<16xi1>, vector<16xi1>, vector<16xi1>, vector<16xi1>, vector<16xi1>, vector<16xi1>, vector<16xi1>, vector<16xi1>, vector<16xi1>, vector<16xi1>, vector<16xi1>) {
            scf.condition(%while3A_977) %while3A_977, %while3A_978, %while3A_979, %while3A_980, %while3A_981, %while3A_982, %while3A_983, %while3A_984, %while3A_985, %while3A_986, %while3A_987, %while3A_988, %while3A_989, %while3A_990, %while3A_991, %while3A_992, %while3A_993, %while3A_994, %while3A_995, %while3A_996, %while3A_997, %while3A_998, %while3A_999, %while3A_1000, %while3A_1001, %while3A_1002 : i1, vector<16xi1>, vector<16xi1>, vector<16xi1>, vector<16xi1>, vector<16xi1>, vector<16xi1>, vector<16xi1>, vector<16xi1>, vector<16xi1>, vector<16xi1>, vector<16xi1>, vector<16xi1>, vector<16xi1>, vector<16xi1>, vector<16xi1>, vector<16xi1>, vector<16xi1>, vector<16xi1>, vector<16xi1>, vector<16xi1>, vector<16xi1>, vector<16xi1>, vector<16xi1>, vector<16xi1>, vector<16xi1>
          } do {
          ^bb0(%while3A_977: i1, %while3A_978: vector<16xi1>, %while3A_979: vector<16xi1>, %while3A_980: vector<16xi1>, %while3A_981: vector<16xi1>, %while3A_982: vector<16xi1>, %while3A_983: vector<16xi1>, %while3A_984: vector<16xi1>, %while3A_985: vector<16xi1>, %while3A_986: vector<16xi1>, %while3A_987: vector<16xi1>, %while3A_988: vector<16xi1>, %while3A_989: vector<16xi1>, %while3A_990: vector<16xi1>, %while3A_991: vector<16xi1>, %while3A_992: vector<16xi1>, %while3A_993: vector<16xi1>, %while3A_994: vector<16xi1>, %while3A_995: vector<16xi1>, %while3A_996: vector<16xi1>, %while3A_997: vector<16xi1>, %while3A_998: vector<16xi1>, %while3A_999: vector<16xi1>, %while3A_1000: vector<16xi1>, %while3A_1001: vector<16xi1>, %while3A_1002: vector<16xi1>):
            %gather3A_1003 = tpu.vector_load_idx %arg10[%get3A_363] : memref<50000xi32, #tpu.memory_space<vmem>>[vector<16xi32>], vector<16xi32>,
            %bitcast3A_1004 = vector.bitcast %gather3A_1003 : vector<16xi32> to vector<32xbf16>
            %max3A_1005 = arith.maximumf %bitcast3A_1004, %bitcast3A : vector<32xbf16>
            %bitcast3A_1006 = vector.bitcast %max3A_1005 : vector<32xbf16> to vector<16xi32>
            tpu.vector_store_idx %arg10[%get3A_363], %bitcast3A_1006 masked %while3A_978 : memref<50000xi32, #tpu.memory_space<vmem>>[vector<16xi32>], vector<16xi32>, vector<16xi1>
            %gather3A_1007 = tpu.vector_load_idx %arg10[%get3A_379] : memref<50000xi32, #tpu.memory_space<vmem>>[vector<16xi32>], vector<16xi32>,
            %bitcast3A_1008 = vector.bitcast %gather3A_1007 : vector<16xi32> to vector<32xbf16>
            %max3A_1009 = arith.maximumf %bitcast3A_1008, %bitcast3A_385 : vector<32xbf16>
            %bitcast3A_1010 = vector.bitcast %max3A_1009 : vector<32xbf16> to vector<16xi32>
            tpu.vector_store_idx %arg10[%get3A_379], %bitcast3A_1010 masked %while3A_979 : memref<50000xi32, #tpu.memory_space<vmem>>[vector<16xi32>], vector<16xi32>, vector<16xi1>
            %gather3A_1011 = tpu.vector_load_idx %arg10[%get3A_397] : memref<50000xi32, #tpu.memory_space<vmem>>[vector<16xi32>], vector<16xi32>,
            %bitcast3A_1012 = vector.bitcast %gather3A_1011 : vector<16xi32> to vector<32xbf16>
            %max3A_1013 = arith.maximumf %bitcast3A_1012, %bitcast3A_403 : vector<32xbf16>
            %bitcast3A_1014 = vector.bitcast %max3A_1013 : vector<32xbf16> to vector<16xi32>
            tpu.vector_store_idx %arg10[%get3A_397], %bitcast3A_1014 masked %while3A_980 : memref<50000xi32, #tpu.memory_space<vmem>>[vector<16xi32>], vector<16xi32>, vector<16xi1>
            %gather3A_1015 = tpu.vector_load_idx %arg10[%get3A_415] : memref<50000xi32, #tpu.memory_space<vmem>>[vector<16xi32>], vector<16xi32>,
            %bitcast3A_1016 = vector.bitcast %gather3A_1015 : vector<16xi32> to vector<32xbf16>
            %max3A_1017 = arith.maximumf %bitcast3A_1016, %bitcast3A_421 : vector<32xbf16>
            %bitcast3A_1018 = vector.bitcast %max3A_1017 : vector<32xbf16> to vector<16xi32>
            tpu.vector_store_idx %arg10[%get3A_415], %bitcast3A_1018 masked %while3A_981 : memref<50000xi32, #tpu.memory_space<vmem>>[vector<16xi32>], vector<16xi32>, vector<16xi1>
            %gather3A_1019 = tpu.vector_load_idx %arg10[%get3A_433] : memref<50000xi32, #tpu.memory_space<vmem>>[vector<16xi32>], vector<16xi32>,
            %bitcast3A_1020 = vector.bitcast %gather3A_1019 : vector<16xi32> to vector<32xbf16>
            %max3A_1021 = arith.maximumf %bitcast3A_1020, %bitcast3A_439 : vector<32xbf16>
            %bitcast3A_1022 = vector.bitcast %max3A_1021 : vector<32xbf16> to vector<16xi32>
            tpu.vector_store_idx %arg10[%get3A_433], %bitcast3A_1022 masked %while3A_982 : memref<50000xi32, #tpu.memory_space<vmem>>[vector<16xi32>], vector<16xi32>, vector<16xi1>
            %gather3A_1023 = tpu.vector_load_idx %arg10[%get3A_451] : memref<50000xi32, #tpu.memory_space<vmem>>[vector<16xi32>], vector<16xi32>,
            %bitcast3A_1024 = vector.bitcast %gather3A_1023 : vector<16xi32> to vector<32xbf16>
            %max3A_1025 = arith.maximumf %bitcast3A_1024, %bitcast3A_457 : vector<32xbf16>
            %bitcast3A_1026 = vector.bitcast %max3A_1025 : vector<32xbf16> to vector<16xi32>
            tpu.vector_store_idx %arg10[%get3A_451], %bitcast3A_1026 masked %while3A_983 : memref<50000xi32, #tpu.memory_space<vmem>>[vector<16xi32>], vector<16xi32>, vector<16xi1>
            %gather3A_1027 = tpu.vector_load_idx %arg10[%get3A_469] : memref<50000xi32, #tpu.memory_space<vmem>>[vector<16xi32>], vector<16xi32>,
            %bitcast3A_1028 = vector.bitcast %gather3A_1027 : vector<16xi32> to vector<32xbf16>
            %max3A_1029 = arith.maximumf %bitcast3A_1028, %bitcast3A_475 : vector<32xbf16>
            %bitcast3A_1030 = vector.bitcast %max3A_1029 : vector<32xbf16> to vector<16xi32>
            tpu.vector_store_idx %arg10[%get3A_469], %bitcast3A_1030 masked %while3A_984 : memref<50000xi32, #tpu.memory_space<vmem>>[vector<16xi32>], vector<16xi32>, vector<16xi1>
            %gather3A_1031 = tpu.vector_load_idx %arg10[%get3A_487] : memref<50000xi32, #tpu.memory_space<vmem>>[vector<16xi32>], vector<16xi32>,
            %bitcast3A_1032 = vector.bitcast %gather3A_1031 : vector<16xi32> to vector<32xbf16>
            %max3A_1033 = arith.maximumf %bitcast3A_1032, %bitcast3A_493 : vector<32xbf16>
            %bitcast3A_1034 = vector.bitcast %max3A_1033 : vector<32xbf16> to vector<16xi32>
            tpu.vector_store_idx %arg10[%get3A_487], %bitcast3A_1034 masked %while3A_985 : memref<50000xi32, #tpu.memory_space<vmem>>[vector<16xi32>], vector<16xi32>, vector<16xi1>
            %gather3A_1035 = tpu.vector_load_idx %arg10[%get3A_505] : memref<50000xi32, #tpu.memory_space<vmem>>[vector<16xi32>], vector<16xi32>,
            %bitcast3A_1036 = vector.bitcast %gather3A_1035 : vector<16xi32> to vector<32xbf16>
            %max3A_1037 = arith.maximumf %bitcast3A_1036, %bitcast3A_511 : vector<32xbf16>
            %bitcast3A_1038 = vector.bitcast %max3A_1037 : vector<32xbf16> to vector<16xi32>
            tpu.vector_store_idx %arg10[%get3A_505], %bitcast3A_1038 masked %while3A_986 : memref<50000xi32, #tpu.memory_space<vmem>>[vector<16xi32>], vector<16xi32>, vector<16xi1>
            %gather3A_1039 = tpu.vector_load_idx %arg10[%get3A_523] : memref<50000xi32, #tpu.memory_space<vmem>>[vector<16xi32>], vector<16xi32>,
            %bitcast3A_1040 = vector.bitcast %gather3A_1039 : vector<16xi32> to vector<32xbf16>
            %max3A_1041 = arith.maximumf %bitcast3A_1040, %bitcast3A_529 : vector<32xbf16>
            %bitcast3A_1042 = vector.bitcast %max3A_1041 : vector<32xbf16> to vector<16xi32>
            tpu.vector_store_idx %arg10[%get3A_523], %bitcast3A_1042 masked %while3A_987 : memref<50000xi32, #tpu.memory_space<vmem>>[vector<16xi32>], vector<16xi32>, vector<16xi1>
            %gather3A_1043 = tpu.vector_load_idx %arg10[%get3A_541] : memref<50000xi32, #tpu.memory_space<vmem>>[vector<16xi32>], vector<16xi32>,
            %bitcast3A_1044 = vector.bitcast %gather3A_1043 : vector<16xi32> to vector<32xbf16>
            %max3A_1045 = arith.maximumf %bitcast3A_1044, %bitcast3A_547 : vector<32xbf16>
            %bitcast3A_1046 = vector.bitcast %max3A_1045 : vector<32xbf16> to vector<16xi32>
            tpu.vector_store_idx %arg10[%get3A_541], %bitcast3A_1046 masked %while3A_988 : memref<50000xi32, #tpu.memory_space<vmem>>[vector<16xi32>], vector<16xi32>, vector<16xi1>
            %gather3A_1047 = tpu.vector_load_idx %arg10[%get3A_559] : memref<50000xi32, #tpu.memory_space<vmem>>[vector<16xi32>], vector<16xi32>,
            %bitcast3A_1048 = vector.bitcast %gather3A_1047 : vector<16xi32> to vector<32xbf16>
            %max3A_1049 = arith.maximumf %bitcast3A_1048, %bitcast3A_565 : vector<32xbf16>
            %bitcast3A_1050 = vector.bitcast %max3A_1049 : vector<32xbf16> to vector<16xi32>
            tpu.vector_store_idx %arg10[%get3A_559], %bitcast3A_1050 masked %while3A_989 : memref<50000xi32, #tpu.memory_space<vmem>>[vector<16xi32>], vector<16xi32>, vector<16xi1>
            %gather3A_1051 = tpu.vector_load_idx %arg10[%get3A_577] : memref<50000xi32, #tpu.memory_space<vmem>>[vector<16xi32>], vector<16xi32>,
            %bitcast3A_1052 = vector.bitcast %gather3A_1051 : vector<16xi32> to vector<32xbf16>
            %max3A_1053 = arith.maximumf %bitcast3A_1052, %bitcast3A_583 : vector<32xbf16>
            %bitcast3A_1054 = vector.bitcast %max3A_1053 : vector<32xbf16> to vector<16xi32>
            tpu.vector_store_idx %arg10[%get3A_577], %bitcast3A_1054 masked %while3A_990 : memref<50000xi32, #tpu.memory_space<vmem>>[vector<16xi32>], vector<16xi32>, vector<16xi1>
            %gather3A_1055 = tpu.vector_load_idx %arg10[%get3A_595] : memref<50000xi32, #tpu.memory_space<vmem>>[vector<16xi32>], vector<16xi32>,
            %bitcast3A_1056 = vector.bitcast %gather3A_1055 : vector<16xi32> to vector<32xbf16>
            %max3A_1057 = arith.maximumf %bitcast3A_1056, %bitcast3A_601 : vector<32xbf16>
            %bitcast3A_1058 = vector.bitcast %max3A_1057 : vector<32xbf16> to vector<16xi32>
            tpu.vector_store_idx %arg10[%get3A_595], %bitcast3A_1058 masked %while3A_991 : memref<50000xi32, #tpu.memory_space<vmem>>[vector<16xi32>], vector<16xi32>, vector<16xi1>
            %gather3A_1059 = tpu.vector_load_idx %arg10[%get3A_613] : memref<50000xi32, #tpu.memory_space<vmem>>[vector<16xi32>], vector<16xi32>,
            %bitcast3A_1060 = vector.bitcast %gather3A_1059 : vector<16xi32> to vector<32xbf16>
            %max3A_1061 = arith.maximumf %bitcast3A_1060, %bitcast3A_619 : vector<32xbf16>
            %bitcast3A_1062 = vector.bitcast %max3A_1061 : vector<32xbf16> to vector<16xi32>
            tpu.vector_store_idx %arg10[%get3A_613], %bitcast3A_1062 masked %while3A_992 : memref<50000xi32, #tpu.memory_space<vmem>>[vector<16xi32>], vector<16xi32>, vector<16xi1>
            %gather3A_1063 = tpu.vector_load_idx %arg10[%get3A_631] : memref<50000xi32, #tpu.memory_space<vmem>>[vector<16xi32>], vector<16xi32>,
            %bitcast3A_1064 = vector.bitcast %gather3A_1063 : vector<16xi32> to vector<32xbf16>
            %max3A_1065 = arith.maximumf %bitcast3A_1064, %bitcast3A_637 : vector<32xbf16>
            %bitcast3A_1066 = vector.bitcast %max3A_1065 : vector<32xbf16> to vector<16xi32>
            tpu.vector_store_idx %arg10[%get3A_631], %bitcast3A_1066 masked %while3A_993 : memref<50000xi32, #tpu.memory_space<vmem>>[vector<16xi32>], vector<16xi32>, vector<16xi1>
            %gather3A_1067 = tpu.vector_load_idx %arg10[%get3A_649] : memref<50000xi32, #tpu.memory_space<vmem>>[vector<16xi32>], vector<16xi32>,
            %bitcast3A_1068 = vector.bitcast %gather3A_1067 : vector<16xi32> to vector<32xbf16>
            %max3A_1069 = arith.maximumf %bitcast3A_1068, %bitcast3A_655 : vector<32xbf16>
            %bitcast3A_1070 = vector.bitcast %max3A_1069 : vector<32xbf16> to vector<16xi32>
            tpu.vector_store_idx %arg10[%get3A_649], %bitcast3A_1070 masked %while3A_994 : memref<50000xi32, #tpu.memory_space<vmem>>[vector<16xi32>], vector<16xi32>, vector<16xi1>
            %gather3A_1071 = tpu.vector_load_idx %arg10[%get3A_667] : memref<50000xi32, #tpu.memory_space<vmem>>[vector<16xi32>], vector<16xi32>,
            %bitcast3A_1072 = vector.bitcast %gather3A_1071 : vector<16xi32> to vector<32xbf16>
            %max3A_1073 = arith.maximumf %bitcast3A_1072, %bitcast3A_673 : vector<32xbf16>
            %bitcast3A_1074 = vector.bitcast %max3A_1073 : vector<32xbf16> to vector<16xi32>
            tpu.vector_store_idx %arg10[%get3A_667], %bitcast3A_1074 masked %while3A_995 : memref<50000xi32, #tpu.memory_space<vmem>>[vector<16xi32>], vector<16xi32>, vector<16xi1>
            %gather3A_1075 = tpu.vector_load_idx %arg10[%get3A_685] : memref<50000xi32, #tpu.memory_space<vmem>>[vector<16xi32>], vector<16xi32>,
            %bitcast3A_1076 = vector.bitcast %gather3A_1075 : vector<16xi32> to vector<32xbf16>
            %max3A_1077 = arith.maximumf %bitcast3A_1076, %bitcast3A_691 : vector<32xbf16>
            %bitcast3A_1078 = vector.bitcast %max3A_1077 : vector<32xbf16> to vector<16xi32>
            tpu.vector_store_idx %arg10[%get3A_685], %bitcast3A_1078 masked %while3A_996 : memref<50000xi32, #tpu.memory_space<vmem>>[vector<16xi32>], vector<16xi32>, vector<16xi1>
            %gather3A_1079 = tpu.vector_load_idx %arg10[%get3A_703] : memref<50000xi32, #tpu.memory_space<vmem>>[vector<16xi32>], vector<16xi32>,
            %bitcast3A_1080 = vector.bitcast %gather3A_1079 : vector<16xi32> to vector<32xbf16>
            %max3A_1081 = arith.maximumf %bitcast3A_1080, %bitcast3A_709 : vector<32xbf16>
            %bitcast3A_1082 = vector.bitcast %max3A_1081 : vector<32xbf16> to vector<16xi32>
            tpu.vector_store_idx %arg10[%get3A_703], %bitcast3A_1082 masked %while3A_997 : memref<50000xi32, #tpu.memory_space<vmem>>[vector<16xi32>], vector<16xi32>, vector<16xi1>
            %gather3A_1083 = tpu.vector_load_idx %arg10[%get3A_721] : memref<50000xi32, #tpu.memory_space<vmem>>[vector<16xi32>], vector<16xi32>,
            %bitcast3A_1084 = vector.bitcast %gather3A_1083 : vector<16xi32> to vector<32xbf16>
            %max3A_1085 = arith.maximumf %bitcast3A_1084, %bitcast3A_727 : vector<32xbf16>
            %bitcast3A_1086 = vector.bitcast %max3A_1085 : vector<32xbf16> to vector<16xi32>
            tpu.vector_store_idx %arg10[%get3A_721], %bitcast3A_1086 masked %while3A_998 : memref<50000xi32, #tpu.memory_space<vmem>>[vector<16xi32>], vector<16xi32>, vector<16xi1>
            %gather3A_1087 = tpu.vector_load_idx %arg10[%get3A_739] : memref<50000xi32, #tpu.memory_space<vmem>>[vector<16xi32>], vector<16xi32>,
            %bitcast3A_1088 = vector.bitcast %gather3A_1087 : vector<16xi32> to vector<32xbf16>
            %max3A_1089 = arith.maximumf %bitcast3A_1088, %bitcast3A_745 : vector<32xbf16>
            %bitcast3A_1090 = vector.bitcast %max3A_1089 : vector<32xbf16> to vector<16xi32>
            tpu.vector_store_idx %arg10[%get3A_739], %bitcast3A_1090 masked %while3A_999 : memref<50000xi32, #tpu.memory_space<vmem>>[vector<16xi32>], vector<16xi32>, vector<16xi1>
            %gather3A_1091 = tpu.vector_load_idx %arg10[%get3A_757] : memref<50000xi32, #tpu.memory_space<vmem>>[vector<16xi32>], vector<16xi32>,
            %bitcast3A_1092 = vector.bitcast %gather3A_1091 : vector<16xi32> to vector<32xbf16>
            %max3A_1093 = arith.maximumf %bitcast3A_1092, %bitcast3A_763 : vector<32xbf16>
            %bitcast3A_1094 = vector.bitcast %max3A_1093 : vector<32xbf16> to vector<16xi32>
            tpu.vector_store_idx %arg10[%get3A_757], %bitcast3A_1094 masked %while3A_1000 : memref<50000xi32, #tpu.memory_space<vmem>>[vector<16xi32>], vector<16xi32>, vector<16xi1>
            %gather3A_1095 = tpu.vector_load_idx %arg10[%get3A_775] : memref<50000xi32, #tpu.memory_space<vmem>>[vector<16xi32>], vector<16xi32>,
            %bitcast3A_1096 = vector.bitcast %gather3A_1095 : vector<16xi32> to vector<32xbf16>
            %max3A_1097 = arith.maximumf %bitcast3A_1096, %bitcast3A_781 : vector<32xbf16>
            %bitcast3A_1098 = vector.bitcast %max3A_1097 : vector<32xbf16> to vector<16xi32>
            tpu.vector_store_idx %arg10[%get3A_775], %bitcast3A_1098 masked %while3A_1001 : memref<50000xi32, #tpu.memory_space<vmem>>[vector<16xi32>], vector<16xi32>, vector<16xi1>
            %gather3A_1099 = tpu.vector_load_idx %arg10[%get3A_793] : memref<50000xi32, #tpu.memory_space<vmem>>[vector<16xi32>], vector<16xi32>,
            %bitcast3A_1100 = vector.bitcast %gather3A_1099 : vector<16xi32> to vector<32xbf16>
            %max3A_1101 = arith.maximumf %bitcast3A_1100, %bitcast3A_799 : vector<32xbf16>
            %bitcast3A_1102 = vector.bitcast %max3A_1101 : vector<32xbf16> to vector<16xi32>
            tpu.vector_store_idx %arg10[%get3A_793], %bitcast3A_1102 masked %while3A_1002 : memref<50000xi32, #tpu.memory_space<vmem>>[vector<16xi32>], vector<16xi32>, vector<16xi1>
            %gather3A_1103 = tpu.vector_load_idx %arg10[%get3A_363] : memref<50000xi32, #tpu.memory_space<vmem>>[vector<16xi32>], vector<16xi32>,
            %bitcast3A_1104 = vector.bitcast %gather3A_1103 : vector<16xi32> to vector<32xbf16>
            %max3A_1105 = arith.maximumf %bitcast3A_1104, %bitcast3A : vector<32xbf16>
            %bitcast3A_1106 = vector.bitcast %max3A_1105 : vector<32xbf16> to vector<16xi32>
            %ne3A_1107 = arith.cmpi ne, %bitcast3A_1106, %gather3A_1103 : vector<16xi32>
            %and3A_1108 = arith.andi %while3A_978, %ne3A_1107 : vector<16xi1>
            %gather3A_1109 = tpu.vector_load_idx %arg10[%get3A_379] : memref<50000xi32, #tpu.memory_space<vmem>>[vector<16xi32>], vector<16xi32>,
            %bitcast3A_1110 = vector.bitcast %gather3A_1109 : vector<16xi32> to vector<32xbf16>
            %max3A_1111 = arith.maximumf %bitcast3A_1110, %bitcast3A_385 : vector<32xbf16>
            %bitcast3A_1112 = vector.bitcast %max3A_1111 : vector<32xbf16> to vector<16xi32>
            %ne3A_1113 = arith.cmpi ne, %bitcast3A_1112, %gather3A_1109 : vector<16xi32>
            %and3A_1114 = arith.andi %while3A_979, %ne3A_1113 : vector<16xi1>
            %or3A_1115 = arith.ori %and3A_1108, %and3A_1114 : vector<16xi1>
            %gather3A_1116 = tpu.vector_load_idx %arg10[%get3A_397] : memref<50000xi32, #tpu.memory_space<vmem>>[vector<16xi32>], vector<16xi32>,
            %bitcast3A_1117 = vector.bitcast %gather3A_1116 : vector<16xi32> to vector<32xbf16>
            %max3A_1118 = arith.maximumf %bitcast3A_1117, %bitcast3A_403 : vector<32xbf16>
            %bitcast3A_1119 = vector.bitcast %max3A_1118 : vector<32xbf16> to vector<16xi32>
            %ne3A_1120 = arith.cmpi ne, %bitcast3A_1119, %gather3A_1116 : vector<16xi32>
            %and3A_1121 = arith.andi %while3A_980, %ne3A_1120 : vector<16xi1>
            %or3A_1122 = arith.ori %or3A_1115, %and3A_1121 : vector<16xi1>
            %gather3A_1123 = tpu.vector_load_idx %arg10[%get3A_415] : memref<50000xi32, #tpu.memory_space<vmem>>[vector<16xi32>], vector<16xi32>,
            %bitcast3A_1124 = vector.bitcast %gather3A_1123 : vector<16xi32> to vector<32xbf16>
            %max3A_1125 = arith.maximumf %bitcast3A_1124, %bitcast3A_421 : vector<32xbf16>
            %bitcast3A_1126 = vector.bitcast %max3A_1125 : vector<32xbf16> to vector<16xi32>
            %ne3A_1127 = arith.cmpi ne, %bitcast3A_1126, %gather3A_1123 : vector<16xi32>
            %and3A_1128 = arith.andi %while3A_981, %ne3A_1127 : vector<16xi1>
            %or3A_1129 = arith.ori %or3A_1122, %and3A_1128 : vector<16xi1>
            %gather3A_1130 = tpu.vector_load_idx %arg10[%get3A_433] : memref<50000xi32, #tpu.memory_space<vmem>>[vector<16xi32>], vector<16xi32>,
            %bitcast3A_1131 = vector.bitcast %gather3A_1130 : vector<16xi32> to vector<32xbf16>
            %max3A_1132 = arith.maximumf %bitcast3A_1131, %bitcast3A_439 : vector<32xbf16>
            %bitcast3A_1133 = vector.bitcast %max3A_1132 : vector<32xbf16> to vector<16xi32>
            %ne3A_1134 = arith.cmpi ne, %bitcast3A_1133, %gather3A_1130 : vector<16xi32>
            %and3A_1135 = arith.andi %while3A_982, %ne3A_1134 : vector<16xi1>
            %or3A_1136 = arith.ori %or3A_1129, %and3A_1135 : vector<16xi1>
            %gather3A_1137 = tpu.vector_load_idx %arg10[%get3A_451] : memref<50000xi32, #tpu.memory_space<vmem>>[vector<16xi32>], vector<16xi32>,
            %bitcast3A_1138 = vector.bitcast %gather3A_1137 : vector<16xi32> to vector<32xbf16>
            %max3A_1139 = arith.maximumf %bitcast3A_1138, %bitcast3A_457 : vector<32xbf16>
            %bitcast3A_1140 = vector.bitcast %max3A_1139 : vector<32xbf16> to vector<16xi32>
            %ne3A_1141 = arith.cmpi ne, %bitcast3A_1140, %gather3A_1137 : vector<16xi32>
            %and3A_1142 = arith.andi %while3A_983, %ne3A_1141 : vector<16xi1>
            %or3A_1143 = arith.ori %or3A_1136, %and3A_1142 : vector<16xi1>
            %gather3A_1144 = tpu.vector_load_idx %arg10[%get3A_469] : memref<50000xi32, #tpu.memory_space<vmem>>[vector<16xi32>], vector<16xi32>,
            %bitcast3A_1145 = vector.bitcast %gather3A_1144 : vector<16xi32> to vector<32xbf16>
            %max3A_1146 = arith.maximumf %bitcast3A_1145, %bitcast3A_475 : vector<32xbf16>
            %bitcast3A_1147 = vector.bitcast %max3A_1146 : vector<32xbf16> to vector<16xi32>
            %ne3A_1148 = arith.cmpi ne, %bitcast3A_1147, %gather3A_1144 : vector<16xi32>
            %and3A_1149 = arith.andi %while3A_984, %ne3A_1148 : vector<16xi1>
            %or3A_1150 = arith.ori %or3A_1143, %and3A_1149 : vector<16xi1>
            %gather3A_1151 = tpu.vector_load_idx %arg10[%get3A_487] : memref<50000xi32, #tpu.memory_space<vmem>>[vector<16xi32>], vector<16xi32>,
            %bitcast3A_1152 = vector.bitcast %gather3A_1151 : vector<16xi32> to vector<32xbf16>
            %max3A_1153 = arith.maximumf %bitcast3A_1152, %bitcast3A_493 : vector<32xbf16>
            %bitcast3A_1154 = vector.bitcast %max3A_1153 : vector<32xbf16> to vector<16xi32>
            %ne3A_1155 = arith.cmpi ne, %bitcast3A_1154, %gather3A_1151 : vector<16xi32>
            %and3A_1156 = arith.andi %while3A_985, %ne3A_1155 : vector<16xi1>
            %or3A_1157 = arith.ori %or3A_1150, %and3A_1156 : vector<16xi1>
            %gather3A_1158 = tpu.vector_load_idx %arg10[%get3A_505] : memref<50000xi32, #tpu.memory_space<vmem>>[vector<16xi32>], vector<16xi32>,
            %bitcast3A_1159 = vector.bitcast %gather3A_1158 : vector<16xi32> to vector<32xbf16>
            %max3A_1160 = arith.maximumf %bitcast3A_1159, %bitcast3A_511 : vector<32xbf16>
            %bitcast3A_1161 = vector.bitcast %max3A_1160 : vector<32xbf16> to vector<16xi32>
            %ne3A_1162 = arith.cmpi ne, %bitcast3A_1161, %gather3A_1158 : vector<16xi32>
            %and3A_1163 = arith.andi %while3A_986, %ne3A_1162 : vector<16xi1>
            %or3A_1164 = arith.ori %or3A_1157, %and3A_1163 : vector<16xi1>
            %gather3A_1165 = tpu.vector_load_idx %arg10[%get3A_523] : memref<50000xi32, #tpu.memory_space<vmem>>[vector<16xi32>], vector<16xi32>,
            %bitcast3A_1166 = vector.bitcast %gather3A_1165 : vector<16xi32> to vector<32xbf16>
            %max3A_1167 = arith.maximumf %bitcast3A_1166, %bitcast3A_529 : vector<32xbf16>
            %bitcast3A_1168 = vector.bitcast %max3A_1167 : vector<32xbf16> to vector<16xi32>
            %ne3A_1169 = arith.cmpi ne, %bitcast3A_1168, %gather3A_1165 : vector<16xi32>
            %and3A_1170 = arith.andi %while3A_987, %ne3A_1169 : vector<16xi1>
            %or3A_1171 = arith.ori %or3A_1164, %and3A_1170 : vector<16xi1>
            %gather3A_1172 = tpu.vector_load_idx %arg10[%get3A_541] : memref<50000xi32, #tpu.memory_space<vmem>>[vector<16xi32>], vector<16xi32>,
            %bitcast3A_1173 = vector.bitcast %gather3A_1172 : vector<16xi32> to vector<32xbf16>
            %max3A_1174 = arith.maximumf %bitcast3A_1173, %bitcast3A_547 : vector<32xbf16>
            %bitcast3A_1175 = vector.bitcast %max3A_1174 : vector<32xbf16> to vector<16xi32>
            %ne3A_1176 = arith.cmpi ne, %bitcast3A_1175, %gather3A_1172 : vector<16xi32>
            %and3A_1177 = arith.andi %while3A_988, %ne3A_1176 : vector<16xi1>
            %or3A_1178 = arith.ori %or3A_1171, %and3A_1177 : vector<16xi1>
            %gather3A_1179 = tpu.vector_load_idx %arg10[%get3A_559] : memref<50000xi32, #tpu.memory_space<vmem>>[vector<16xi32>], vector<16xi32>,
            %bitcast3A_1180 = vector.bitcast %gather3A_1179 : vector<16xi32> to vector<32xbf16>
            %max3A_1181 = arith.maximumf %bitcast3A_1180, %bitcast3A_565 : vector<32xbf16>
            %bitcast3A_1182 = vector.bitcast %max3A_1181 : vector<32xbf16> to vector<16xi32>
            %ne3A_1183 = arith.cmpi ne, %bitcast3A_1182, %gather3A_1179 : vector<16xi32>
            %and3A_1184 = arith.andi %while3A_989, %ne3A_1183 : vector<16xi1>
            %or3A_1185 = arith.ori %or3A_1178, %and3A_1184 : vector<16xi1>
            %gather3A_1186 = tpu.vector_load_idx %arg10[%get3A_577] : memref<50000xi32, #tpu.memory_space<vmem>>[vector<16xi32>], vector<16xi32>,
            %bitcast3A_1187 = vector.bitcast %gather3A_1186 : vector<16xi32> to vector<32xbf16>
            %max3A_1188 = arith.maximumf %bitcast3A_1187, %bitcast3A_583 : vector<32xbf16>
            %bitcast3A_1189 = vector.bitcast %max3A_1188 : vector<32xbf16> to vector<16xi32>
            %ne3A_1190 = arith.cmpi ne, %bitcast3A_1189, %gather3A_1186 : vector<16xi32>
            %and3A_1191 = arith.andi %while3A_990, %ne3A_1190 : vector<16xi1>
            %or3A_1192 = arith.ori %or3A_1185, %and3A_1191 : vector<16xi1>
            %gather3A_1193 = tpu.vector_load_idx %arg10[%get3A_595] : memref<50000xi32, #tpu.memory_space<vmem>>[vector<16xi32>], vector<16xi32>,
            %bitcast3A_1194 = vector.bitcast %gather3A_1193 : vector<16xi32> to vector<32xbf16>
            %max3A_1195 = arith.maximumf %bitcast3A_1194, %bitcast3A_601 : vector<32xbf16>
            %bitcast3A_1196 = vector.bitcast %max3A_1195 : vector<32xbf16> to vector<16xi32>
            %ne3A_1197 = arith.cmpi ne, %bitcast3A_1196, %gather3A_1193 : vector<16xi32>
            %and3A_1198 = arith.andi %while3A_991, %ne3A_1197 : vector<16xi1>
            %or3A_1199 = arith.ori %or3A_1192, %and3A_1198 : vector<16xi1>
            %gather3A_1200 = tpu.vector_load_idx %arg10[%get3A_613] : memref<50000xi32, #tpu.memory_space<vmem>>[vector<16xi32>], vector<16xi32>,
            %bitcast3A_1201 = vector.bitcast %gather3A_1200 : vector<16xi32> to vector<32xbf16>
            %max3A_1202 = arith.maximumf %bitcast3A_1201, %bitcast3A_619 : vector<32xbf16>
            %bitcast3A_1203 = vector.bitcast %max3A_1202 : vector<32xbf16> to vector<16xi32>
            %ne3A_1204 = arith.cmpi ne, %bitcast3A_1203, %gather3A_1200 : vector<16xi32>
            %and3A_1205 = arith.andi %while3A_992, %ne3A_1204 : vector<16xi1>
            %or3A_1206 = arith.ori %or3A_1199, %and3A_1205 : vector<16xi1>
            %gather3A_1207 = tpu.vector_load_idx %arg10[%get3A_631] : memref<50000xi32, #tpu.memory_space<vmem>>[vector<16xi32>], vector<16xi32>,
            %bitcast3A_1208 = vector.bitcast %gather3A_1207 : vector<16xi32> to vector<32xbf16>
            %max3A_1209 = arith.maximumf %bitcast3A_1208, %bitcast3A_637 : vector<32xbf16>
            %bitcast3A_1210 = vector.bitcast %max3A_1209 : vector<32xbf16> to vector<16xi32>
            %ne3A_1211 = arith.cmpi ne, %bitcast3A_1210, %gather3A_1207 : vector<16xi32>
            %and3A_1212 = arith.andi %while3A_993, %ne3A_1211 : vector<16xi1>
            %or3A_1213 = arith.ori %or3A_1206, %and3A_1212 : vector<16xi1>
            %gather3A_1214 = tpu.vector_load_idx %arg10[%get3A_649] : memref<50000xi32, #tpu.memory_space<vmem>>[vector<16xi32>], vector<16xi32>,
            %bitcast3A_1215 = vector.bitcast %gather3A_1214 : vector<16xi32> to vector<32xbf16>
            %max3A_1216 = arith.maximumf %bitcast3A_1215, %bitcast3A_655 : vector<32xbf16>
            %bitcast3A_1217 = vector.bitcast %max3A_1216 : vector<32xbf16> to vector<16xi32>
            %ne3A_1218 = arith.cmpi ne, %bitcast3A_1217, %gather3A_1214 : vector<16xi32>
            %and3A_1219 = arith.andi %while3A_994, %ne3A_1218 : vector<16xi1>
            %or3A_1220 = arith.ori %or3A_1213, %and3A_1219 : vector<16xi1>
            %gather3A_1221 = tpu.vector_load_idx %arg10[%get3A_667] : memref<50000xi32, #tpu.memory_space<vmem>>[vector<16xi32>], vector<16xi32>,
            %bitcast3A_1222 = vector.bitcast %gather3A_1221 : vector<16xi32> to vector<32xbf16>
            %max3A_1223 = arith.maximumf %bitcast3A_1222, %bitcast3A_673 : vector<32xbf16>
            %bitcast3A_1224 = vector.bitcast %max3A_1223 : vector<32xbf16> to vector<16xi32>
            %ne3A_1225 = arith.cmpi ne, %bitcast3A_1224, %gather3A_1221 : vector<16xi32>
            %and3A_1226 = arith.andi %while3A_995, %ne3A_1225 : vector<16xi1>
            %or3A_1227 = arith.ori %or3A_1220, %and3A_1226 : vector<16xi1>
            %gather3A_1228 = tpu.vector_load_idx %arg10[%get3A_685] : memref<50000xi32, #tpu.memory_space<vmem>>[vector<16xi32>], vector<16xi32>,
            %bitcast3A_1229 = vector.bitcast %gather3A_1228 : vector<16xi32> to vector<32xbf16>
            %max3A_1230 = arith.maximumf %bitcast3A_1229, %bitcast3A_691 : vector<32xbf16>
            %bitcast3A_1231 = vector.bitcast %max3A_1230 : vector<32xbf16> to vector<16xi32>
            %ne3A_1232 = arith.cmpi ne, %bitcast3A_1231, %gather3A_1228 : vector<16xi32>
            %and3A_1233 = arith.andi %while3A_996, %ne3A_1232 : vector<16xi1>
            %or3A_1234 = arith.ori %or3A_1227, %and3A_1233 : vector<16xi1>
            %gather3A_1235 = tpu.vector_load_idx %arg10[%get3A_703] : memref<50000xi32, #tpu.memory_space<vmem>>[vector<16xi32>], vector<16xi32>,
            %bitcast3A_1236 = vector.bitcast %gather3A_1235 : vector<16xi32> to vector<32xbf16>
            %max3A_1237 = arith.maximumf %bitcast3A_1236, %bitcast3A_709 : vector<32xbf16>
            %bitcast3A_1238 = vector.bitcast %max3A_1237 : vector<32xbf16> to vector<16xi32>
            %ne3A_1239 = arith.cmpi ne, %bitcast3A_1238, %gather3A_1235 : vector<16xi32>
            %and3A_1240 = arith.andi %while3A_997, %ne3A_1239 : vector<16xi1>
            %or3A_1241 = arith.ori %or3A_1234, %and3A_1240 : vector<16xi1>
            %gather3A_1242 = tpu.vector_load_idx %arg10[%get3A_721] : memref<50000xi32, #tpu.memory_space<vmem>>[vector<16xi32>], vector<16xi32>,
            %bitcast3A_1243 = vector.bitcast %gather3A_1242 : vector<16xi32> to vector<32xbf16>
            %max3A_1244 = arith.maximumf %bitcast3A_1243, %bitcast3A_727 : vector<32xbf16>
            %bitcast3A_1245 = vector.bitcast %max3A_1244 : vector<32xbf16> to vector<16xi32>
            %ne3A_1246 = arith.cmpi ne, %bitcast3A_1245, %gather3A_1242 : vector<16xi32>
            %and3A_1247 = arith.andi %while3A_998, %ne3A_1246 : vector<16xi1>
            %or3A_1248 = arith.ori %or3A_1241, %and3A_1247 : vector<16xi1>
            %gather3A_1249 = tpu.vector_load_idx %arg10[%get3A_739] : memref<50000xi32, #tpu.memory_space<vmem>>[vector<16xi32>], vector<16xi32>,
            %bitcast3A_1250 = vector.bitcast %gather3A_1249 : vector<16xi32> to vector<32xbf16>
            %max3A_1251 = arith.maximumf %bitcast3A_1250, %bitcast3A_745 : vector<32xbf16>
            %bitcast3A_1252 = vector.bitcast %max3A_1251 : vector<32xbf16> to vector<16xi32>
            %ne3A_1253 = arith.cmpi ne, %bitcast3A_1252, %gather3A_1249 : vector<16xi32>
            %and3A_1254 = arith.andi %while3A_999, %ne3A_1253 : vector<16xi1>
            %or3A_1255 = arith.ori %or3A_1248, %and3A_1254 : vector<16xi1>
            %gather3A_1256 = tpu.vector_load_idx %arg10[%get3A_757] : memref<50000xi32, #tpu.memory_space<vmem>>[vector<16xi32>], vector<16xi32>,
            %bitcast3A_1257 = vector.bitcast %gather3A_1256 : vector<16xi32> to vector<32xbf16>
            %max3A_1258 = arith.maximumf %bitcast3A_1257, %bitcast3A_763 : vector<32xbf16>
            %bitcast3A_1259 = vector.bitcast %max3A_1258 : vector<32xbf16> to vector<16xi32>
            %ne3A_1260 = arith.cmpi ne, %bitcast3A_1259, %gather3A_1256 : vector<16xi32>
            %and3A_1261 = arith.andi %while3A_1000, %ne3A_1260 : vector<16xi1>
            %or3A_1262 = arith.ori %or3A_1255, %and3A_1261 : vector<16xi1>
            %gather3A_1263 = tpu.vector_load_idx %arg10[%get3A_775] : memref<50000xi32, #tpu.memory_space<vmem>>[vector<16xi32>], vector<16xi32>,
            %bitcast3A_1264 = vector.bitcast %gather3A_1263 : vector<16xi32> to vector<32xbf16>
            %max3A_1265 = arith.maximumf %bitcast3A_1264, %bitcast3A_781 : vector<32xbf16>
            %bitcast3A_1266 = vector.bitcast %max3A_1265 : vector<32xbf16> to vector<16xi32>
            %ne3A_1267 = arith.cmpi ne, %bitcast3A_1266, %gather3A_1263 : vector<16xi32>
            %and3A_1268 = arith.andi %while3A_1001, %ne3A_1267 : vector<16xi1>
            %or3A_1269 = arith.ori %or3A_1262, %and3A_1268 : vector<16xi1>
            %gather3A_1270 = tpu.vector_load_idx %arg10[%get3A_793] : memref<50000xi32, #tpu.memory_space<vmem>>[vector<16xi32>], vector<16xi32>,
            %bitcast3A_1271 = vector.bitcast %gather3A_1270 : vector<16xi32> to vector<32xbf16>
            %max3A_1272 = arith.maximumf %bitcast3A_1271, %bitcast3A_799 : vector<32xbf16>
            %bitcast3A_1273 = vector.bitcast %max3A_1272 : vector<32xbf16> to vector<16xi32>
            %ne3A_1274 = arith.cmpi ne, %bitcast3A_1273, %gather3A_1270 : vector<16xi32>
            %and3A_1275 = arith.andi %while3A_1002, %ne3A_1274 : vector<16xi1>
            %or3A_1276 = arith.ori %or3A_1269, %and3A_1275 : vector<16xi1>
            %reduce_or3A_1277 = arith.constant 1.000000e+00 : f32
            %reduce_or3A_1278 = arith.constant 0.000000e+00 : f32
            %reduce_or3A_1279 = vector.broadcast %reduce_or3A_1277 : f32 to vector<16xf32>
            %reduce_or3A_1280 = vector.broadcast %reduce_or3A_1278 : f32 to vector<16xf32>
            %reduce_or3A_1281 = arith.select %or3A_1276, %reduce_or3A_1279, %reduce_or3A_1280 : vector<16xi1>, vector<16xf32>
            %reduce_or3A_1282 = arith.constant true
            %reduce_or3A_1283 = vector.broadcast %reduce_or3A_1282 : i1 to vector<16xi1>
            %reduce_or3A_1284 = tpu.scan <max>, %reduce_or3A_1281 masked %reduce_or3A_1283 : vector<16xf32>, vector<16xi1> -> vector<16xf32>
            %reduce_or3A_1285 = vector.extract %reduce_or3A_1284[15] : f32 from vector<16xf32>
            %reduce_or3A_1286 = arith.constant 0.000000e+00 : f32
            %reduce_or3A_1287 = arith.cmpf ogt, %reduce_or3A_1285, %reduce_or3A_1286 : f32
            scf.yield %reduce_or3A_1287, %and3A_1108, %and3A_1114, %and3A_1121, %and3A_1128, %and3A_1135, %and3A_1142, %and3A_1149, %and3A_1156, %and3A_1163, %and3A_1170, %and3A_1177, %and3A_1184, %and3A_1191, %and3A_1198, %and3A_1205, %and3A_1212, %and3A_1219, %and3A_1226, %and3A_1233, %and3A_1240, %and3A_1247, %and3A_1254, %and3A_1261, %and3A_1268, %and3A_1275 : i1, vector<16xi1>, vector<16xi1>, vector<16xi1>, vector<16xi1>, vector<16xi1>, vector<16xi1>, vector<16xi1>, vector<16xi1>, vector<16xi1>, vector<16xi1>, vector<16xi1>, vector<16xi1>, vector<16xi1>, vector<16xi1>, vector<16xi1>, vector<16xi1>, vector<16xi1>, vector<16xi1>, vector<16xi1>, vector<16xi1>, vector<16xi1>, vector<16xi1>, vector<16xi1>, vector<16xi1>, vector<16xi1>
          }
        } else {
        }
        %scan3A_965 = arith.constant 0 : i32
        scf.yield %scan3A_965 : i32
      }
      %scan3A_311 = arith.constant 8 : i32
      %add3A_312 = arith.constant 2 : i32
      %add3A_313 = arith.addi %add3A_285, %add3A_312 : i32
      %lt3A_314 = arith.constant 125 : i32
      %lt3A_315 = arith.cmpi slt, %add3A_313, %lt3A_314 : i32
      %convert_element_type3A = arith.extui %lt3A_315 : i1 to i32
      %cond3A = arith.constant 0 : i32
      %cond3A_316 = arith.cmpi ne, %convert_element_type3A, %cond3A : i32
      scf.if %cond3A_316 {
        %add3A_355 = arith.constant 2 : i32
        %add3A_356 = arith.addi %add3A_285, %add3A_355 : i32
        %mul3A_357 = arith.constant 3200 : i32
        %mul3A_358 = arith.muli %add3A_356, %mul3A_357 : i32
        %add3A_359 = arith.addi %mul3A_96, %mul3A_358 : i32
        %dma_start3A_360 = arith.constant 0 : i32
        %dma_start3A_361 = arith.constant 0 : i32
        %dma_start3A_362 = tpu.memref_slice %arg3[%dma_start3A_360, %add3A_359] : memref<2x1600000xi32, #tpu.memory_space<hbm>> -> memref<1x3200xi32, #tpu.memory_space<hbm>>
        %dma_start3A_363 = tpu.memref_squeeze %dma_start3A_362 : memref<1x3200xi32, #tpu.memory_space<hbm>> -> memref<3200xi32, #tpu.memory_space<hbm>>
        %dma_start3A_364 = tpu.memref_slice %arg16[%dma_start3A_361] : memref<2x!tpu.dma_semaphore, #tpu.memory_space<semaphore_mem>> -> memref<1x!tpu.dma_semaphore, #tpu.memory_space<semaphore_mem>>
        %dma_start3A_365 = tpu.memref_squeeze %dma_start3A_364 : memref<1x!tpu.dma_semaphore, #tpu.memory_space<semaphore_mem>> -> memref<!tpu.dma_semaphore, #tpu.memory_space<semaphore_mem>>
        %dma_start3A_366 = tpu.memref_slice %arg3[%dma_start3A_360, %add3A_359] : memref<2x1600000xi32, #tpu.memory_space<hbm>> -> memref<1x3200xi32, #tpu.memory_space<hbm>>
        %dma_start3A_367 = tpu.memref_squeeze %dma_start3A_366 : memref<1x3200xi32, #tpu.memory_space<hbm>> -> memref<3200xi32, #tpu.memory_space<hbm>>
        tpu.enqueue_dma source(%dma_start3A_367 : memref<3200xi32, #tpu.memory_space<hbm>>) target(%arg11 : memref<3200xi32, #tpu.memory_space<vmem>>) target_semaphore(%dma_start3A_365 : memref<!tpu.dma_semaphore, #tpu.memory_space<semaphore_mem>>)
        %dma_start3A_368 = arith.constant 1 : i32
        %dma_start3A_369 = arith.constant 0 : i32
        %dma_start3A_370 = tpu.memref_slice %arg3[%dma_start3A_368, %add3A_359] : memref<2x1600000xi32, #tpu.memory_space<hbm>> -> memref<1x3200xi32, #tpu.memory_space<hbm>>
        %dma_start3A_371 = tpu.memref_squeeze %dma_start3A_370 : memref<1x3200xi32, #tpu.memory_space<hbm>> -> memref<3200xi32, #tpu.memory_space<hbm>>
        %dma_start3A_372 = tpu.memref_slice %arg16[%dma_start3A_369] : memref<2x!tpu.dma_semaphore, #tpu.memory_space<semaphore_mem>> -> memref<1x!tpu.dma_semaphore, #tpu.memory_space<semaphore_mem>>
        %dma_start3A_373 = tpu.memref_squeeze %dma_start3A_372 : memref<1x!tpu.dma_semaphore, #tpu.memory_space<semaphore_mem>> -> memref<!tpu.dma_semaphore, #tpu.memory_space<semaphore_mem>>
        %dma_start3A_374 = tpu.memref_slice %arg3[%dma_start3A_368, %add3A_359] : memref<2x1600000xi32, #tpu.memory_space<hbm>> -> memref<1x3200xi32, #tpu.memory_space<hbm>>
        %dma_start3A_375 = tpu.memref_squeeze %dma_start3A_374 : memref<1x3200xi32, #tpu.memory_space<hbm>> -> memref<3200xi32, #tpu.memory_space<hbm>>
        tpu.enqueue_dma source(%dma_start3A_375 : memref<3200xi32, #tpu.memory_space<hbm>>) target(%arg13 : memref<3200xi32, #tpu.memory_space<vmem>>) target_semaphore(%dma_start3A_373 : memref<!tpu.dma_semaphore, #tpu.memory_space<semaphore_mem>>)
      } else {
      }
      %mul3A_317 = arith.constant 2 : i32
      %mul3A_318 = arith.muli %scan3A_280, %mul3A_317 : i32
      %add3A_319 = arith.constant 1 : i32
      %add3A_320 = arith.addi %mul3A_318, %add3A_319 : i32
      %mul3A_321 = arith.constant 3200 : i32
      %mul3A_322 = arith.muli %add3A_320, %mul3A_321 : i32
      %add3A_323 = arith.addi %mul3A_96, %mul3A_322 : i32
      %dma_wait3A_324 = arith.constant 0 : i32
      %dma_wait3A_325 = arith.constant 1 : i32
      %dma_wait3A_326 = tpu.memref_slice %arg3[%dma_wait3A_324, %add3A_323] : memref<2x1600000xi32, #tpu.memory_space<hbm>> -> memref<1x3200xi32, #tpu.memory_space<hbm>>
      %dma_wait3A_327 = tpu.memref_squeeze %dma_wait3A_326 : memref<1x3200xi32, #tpu.memory_space<hbm>> -> memref<3200xi32, #tpu.memory_space<hbm>>
      %dma_wait3A_328 = tpu.memref_slice %arg16[%dma_wait3A_325] : memref<2x!tpu.dma_semaphore, #tpu.memory_space<semaphore_mem>> -> memref<1x!tpu.dma_semaphore, #tpu.memory_space<semaphore_mem>>
      %dma_wait3A_329 = tpu.memref_squeeze %dma_wait3A_328 : memref<1x!tpu.dma_semaphore, #tpu.memory_space<semaphore_mem>> -> memref<!tpu.dma_semaphore, #tpu.memory_space<semaphore_mem>>
      %dma_wait3A_330 = tpu.memref_slice %arg3[%dma_wait3A_324, %add3A_323] : memref<2x1600000xi32, #tpu.memory_space<hbm>> -> memref<1x3200xi32, #tpu.memory_space<hbm>>
      %dma_wait3A_331 = tpu.memref_squeeze %dma_wait3A_330 : memref<1x3200xi32, #tpu.memory_space<hbm>> -> memref<3200xi32, #tpu.memory_space<hbm>>
      tpu.wait_dma2 semaphore(%dma_wait3A_329 : memref<!tpu.dma_semaphore, #tpu.memory_space<semaphore_mem>>) src(%dma_wait3A_331 : memref<3200xi32, #tpu.memory_space<hbm>>) dst(%arg12 : memref<3200xi32, #tpu.memory_space<vmem>>)
      %dma_wait3A_332 = arith.constant 1 : i32
      %dma_wait3A_333 = arith.constant 1 : i32
      %dma_wait3A_334 = tpu.memref_slice %arg3[%dma_wait3A_332, %add3A_323] : memref<2x1600000xi32, #tpu.memory_space<hbm>> -> memref<1x3200xi32, #tpu.memory_space<hbm>>
      %dma_wait3A_335 = tpu.memref_squeeze %dma_wait3A_334 : memref<1x3200xi32, #tpu.memory_space<hbm>> -> memref<3200xi32, #tpu.memory_space<hbm>>
      %dma_wait3A_336 = tpu.memref_slice %arg16[%dma_wait3A_333] : memref<2x!tpu.dma_semaphore, #tpu.memory_space<semaphore_mem>> -> memref<1x!tpu.dma_semaphore, #tpu.memory_space<semaphore_mem>>
      %dma_wait3A_337 = tpu.memref_squeeze %dma_wait3A_336 : memref<1x!tpu.dma_semaphore, #tpu.memory_space<semaphore_mem>> -> memref<!tpu.dma_semaphore, #tpu.memory_space<semaphore_mem>>
      %dma_wait3A_338 = tpu.memref_slice %arg3[%dma_wait3A_332, %add3A_323] : memref<2x1600000xi32, #tpu.memory_space<hbm>> -> memref<1x3200xi32, #tpu.memory_space<hbm>>
      %dma_wait3A_339 = tpu.memref_squeeze %dma_wait3A_338 : memref<1x3200xi32, #tpu.memory_space<hbm>> -> memref<3200xi32, #tpu.memory_space<hbm>>
      tpu.wait_dma2 semaphore(%dma_wait3A_337 : memref<!tpu.dma_semaphore, #tpu.memory_space<semaphore_mem>>) src(%dma_wait3A_339 : memref<3200xi32, #tpu.memory_space<hbm>>) dst(%arg14 : memref<3200xi32, #tpu.memory_space<vmem>>)
      %scan3A_340 = arith.constant 0 : i32
      %scan3A_341 = arith.constant 0 : i32
      %scan3A_342 = arith.constant 8 : i32
      %scan3A_343 = arith.addi %scan3A_341, %scan3A_342 : i32
      %scan3A_344 = arith.constant 1 : i32
      %scan3A_345 = scf.for %scan3A_355 = %scan3A_341 to %scan3A_343 step %scan3A_344 iter_args(%scan3A_356 = %scan3A_340) -> (i32)  : i32 {
        %mul3A_357 = arith.constant 25 : i32
        %mul3A_358 = arith.muli %scan3A_355, %mul3A_357 : i32
        %add3A_359 = arith.constant 0 : i32
        %add3A_360 = arith.addi %mul3A_358, %add3A_359 : i32
        %mul3A_361 = arith.constant 16 : i32
        %mul3A_362 = arith.muli %add3A_360, %mul3A_361 : i32
        %get3A = arith.index_cast %mul3A_362 : i32 to index
        %get3A_363 = tpu.vector_load %arg12[%get3A] {strides = array<i32>} : memref<3200xi32, #tpu.memory_space<vmem>>, vector<16xi32>,
        %mul3A_364 = arith.constant 16 : i32
        %mul3A_365 = arith.muli %add3A_360, %mul3A_364 : i32
        %get3A_366 = arith.index_cast %mul3A_365 : i32 to index
        %get3A_367 = tpu.vector_load %arg14[%get3A_366] {strides = array<i32>} : memref<3200xi32, #tpu.memory_space<vmem>>, vector<16xi32>,
        %gather3A_368 = tpu.vector_load_idx %arg9[%get3A_367] : memref<50000xi32, #tpu.memory_space<vmem>>[vector<16xi32>], vector<16xi32>,
        %bitcast3A = vector.bitcast %gather3A_368 : vector<16xi32> to vector<32xbf16>
        %gather3A_369 = tpu.vector_load_idx %arg10[%get3A_363] : memref<50000xi32, #tpu.memory_space<vmem>>[vector<16xi32>], vector<16xi32>,
        %bitcast3A_370 = vector.bitcast %gather3A_369 : vector<16xi32> to vector<32xbf16>
        %max3A = arith.maximumf %bitcast3A_370, %bitcast3A : vector<32xbf16>
        %bitcast3A_371 = vector.bitcast %max3A : vector<32xbf16> to vector<16xi32>
        tpu.vector_store_idx %arg10[%get3A_363], %bitcast3A_371 : memref<50000xi32, #tpu.memory_space<vmem>>[vector<16xi32>], vector<16xi32>,
        %mul3A_372 = arith.constant 25 : i32
        %mul3A_373 = arith.muli %scan3A_355, %mul3A_372 : i32
        %add3A_374 = arith.constant 1 : i32
        %add3A_375 = arith.addi %mul3A_373, %add3A_374 : i32
        %mul3A_376 = arith.constant 16 : i32
        %mul3A_377 = arith.muli %add3A_375, %mul3A_376 : i32
        %get3A_378 = arith.index_cast %mul3A_377 : i32 to index
        %get3A_379 = tpu.vector_load %arg12[%get3A_378] {strides = array<i32>} : memref<3200xi32, #tpu.memory_space<vmem>>, vector<16xi32>,
        %mul3A_380 = arith.constant 16 : i32
        %mul3A_381 = arith.muli %add3A_375, %mul3A_380 : i32
        %get3A_382 = arith.index_cast %mul3A_381 : i32 to index
        %get3A_383 = tpu.vector_load %arg14[%get3A_382] {strides = array<i32>} : memref<3200xi32, #tpu.memory_space<vmem>>, vector<16xi32>,
        %gather3A_384 = tpu.vector_load_idx %arg9[%get3A_383] : memref<50000xi32, #tpu.memory_space<vmem>>[vector<16xi32>], vector<16xi32>,
        %bitcast3A_385 = vector.bitcast %gather3A_384 : vector<16xi32> to vector<32xbf16>
        %gather3A_386 = tpu.vector_load_idx %arg10[%get3A_379] : memref<50000xi32, #tpu.memory_space<vmem>>[vector<16xi32>], vector<16xi32>,
        %bitcast3A_387 = vector.bitcast %gather3A_386 : vector<16xi32> to vector<32xbf16>
        %max3A_388 = arith.maximumf %bitcast3A_387, %bitcast3A_385 : vector<32xbf16>
        %bitcast3A_389 = vector.bitcast %max3A_388 : vector<32xbf16> to vector<16xi32>
        tpu.vector_store_idx %arg10[%get3A_379], %bitcast3A_389 : memref<50000xi32, #tpu.memory_space<vmem>>[vector<16xi32>], vector<16xi32>,
        %mul3A_390 = arith.constant 25 : i32
        %mul3A_391 = arith.muli %scan3A_355, %mul3A_390 : i32
        %add3A_392 = arith.constant 2 : i32
        %add3A_393 = arith.addi %mul3A_391, %add3A_392 : i32
        %mul3A_394 = arith.constant 16 : i32
        %mul3A_395 = arith.muli %add3A_393, %mul3A_394 : i32
        %get3A_396 = arith.index_cast %mul3A_395 : i32 to index
        %get3A_397 = tpu.vector_load %arg12[%get3A_396] {strides = array<i32>} : memref<3200xi32, #tpu.memory_space<vmem>>, vector<16xi32>,
        %mul3A_398 = arith.constant 16 : i32
        %mul3A_399 = arith.muli %add3A_393, %mul3A_398 : i32
        %get3A_400 = arith.index_cast %mul3A_399 : i32 to index
        %get3A_401 = tpu.vector_load %arg14[%get3A_400] {strides = array<i32>} : memref<3200xi32, #tpu.memory_space<vmem>>, vector<16xi32>,
        %gather3A_402 = tpu.vector_load_idx %arg9[%get3A_401] : memref<50000xi32, #tpu.memory_space<vmem>>[vector<16xi32>], vector<16xi32>,
        %bitcast3A_403 = vector.bitcast %gather3A_402 : vector<16xi32> to vector<32xbf16>
        %gather3A_404 = tpu.vector_load_idx %arg10[%get3A_397] : memref<50000xi32, #tpu.memory_space<vmem>>[vector<16xi32>], vector<16xi32>,
        %bitcast3A_405 = vector.bitcast %gather3A_404 : vector<16xi32> to vector<32xbf16>
        %max3A_406 = arith.maximumf %bitcast3A_405, %bitcast3A_403 : vector<32xbf16>
        %bitcast3A_407 = vector.bitcast %max3A_406 : vector<32xbf16> to vector<16xi32>
        tpu.vector_store_idx %arg10[%get3A_397], %bitcast3A_407 : memref<50000xi32, #tpu.memory_space<vmem>>[vector<16xi32>], vector<16xi32>,
        %mul3A_408 = arith.constant 25 : i32
        %mul3A_409 = arith.muli %scan3A_355, %mul3A_408 : i32
        %add3A_410 = arith.constant 3 : i32
        %add3A_411 = arith.addi %mul3A_409, %add3A_410 : i32
        %mul3A_412 = arith.constant 16 : i32
        %mul3A_413 = arith.muli %add3A_411, %mul3A_412 : i32
        %get3A_414 = arith.index_cast %mul3A_413 : i32 to index
        %get3A_415 = tpu.vector_load %arg12[%get3A_414] {strides = array<i32>} : memref<3200xi32, #tpu.memory_space<vmem>>, vector<16xi32>,
        %mul3A_416 = arith.constant 16 : i32
        %mul3A_417 = arith.muli %add3A_411, %mul3A_416 : i32
        %get3A_418 = arith.index_cast %mul3A_417 : i32 to index
        %get3A_419 = tpu.vector_load %arg14[%get3A_418] {strides = array<i32>} : memref<3200xi32, #tpu.memory_space<vmem>>, vector<16xi32>,
        %gather3A_420 = tpu.vector_load_idx %arg9[%get3A_419] : memref<50000xi32, #tpu.memory_space<vmem>>[vector<16xi32>], vector<16xi32>,
        %bitcast3A_421 = vector.bitcast %gather3A_420 : vector<16xi32> to vector<32xbf16>
        %gather3A_422 = tpu.vector_load_idx %arg10[%get3A_415] : memref<50000xi32, #tpu.memory_space<vmem>>[vector<16xi32>], vector<16xi32>,
        %bitcast3A_423 = vector.bitcast %gather3A_422 : vector<16xi32> to vector<32xbf16>
        %max3A_424 = arith.maximumf %bitcast3A_423, %bitcast3A_421 : vector<32xbf16>
        %bitcast3A_425 = vector.bitcast %max3A_424 : vector<32xbf16> to vector<16xi32>
        tpu.vector_store_idx %arg10[%get3A_415], %bitcast3A_425 : memref<50000xi32, #tpu.memory_space<vmem>>[vector<16xi32>], vector<16xi32>,
        %mul3A_426 = arith.constant 25 : i32
        %mul3A_427 = arith.muli %scan3A_355, %mul3A_426 : i32
        %add3A_428 = arith.constant 4 : i32
        %add3A_429 = arith.addi %mul3A_427, %add3A_428 : i32
        %mul3A_430 = arith.constant 16 : i32
        %mul3A_431 = arith.muli %add3A_429, %mul3A_430 : i32
        %get3A_432 = arith.index_cast %mul3A_431 : i32 to index
        %get3A_433 = tpu.vector_load %arg12[%get3A_432] {strides = array<i32>} : memref<3200xi32, #tpu.memory_space<vmem>>, vector<16xi32>,
        %mul3A_434 = arith.constant 16 : i32
        %mul3A_435 = arith.muli %add3A_429, %mul3A_434 : i32
        %get3A_436 = arith.index_cast %mul3A_435 : i32 to index
        %get3A_437 = tpu.vector_load %arg14[%get3A_436] {strides = array<i32>} : memref<3200xi32, #tpu.memory_space<vmem>>, vector<16xi32>,
        %gather3A_438 = tpu.vector_load_idx %arg9[%get3A_437] : memref<50000xi32, #tpu.memory_space<vmem>>[vector<16xi32>], vector<16xi32>,
        %bitcast3A_439 = vector.bitcast %gather3A_438 : vector<16xi32> to vector<32xbf16>
        %gather3A_440 = tpu.vector_load_idx %arg10[%get3A_433] : memref<50000xi32, #tpu.memory_space<vmem>>[vector<16xi32>], vector<16xi32>,
        %bitcast3A_441 = vector.bitcast %gather3A_440 : vector<16xi32> to vector<32xbf16>
        %max3A_442 = arith.maximumf %bitcast3A_441, %bitcast3A_439 : vector<32xbf16>
        %bitcast3A_443 = vector.bitcast %max3A_442 : vector<32xbf16> to vector<16xi32>
        tpu.vector_store_idx %arg10[%get3A_433], %bitcast3A_443 : memref<50000xi32, #tpu.memory_space<vmem>>[vector<16xi32>], vector<16xi32>,
        %mul3A_444 = arith.constant 25 : i32
        %mul3A_445 = arith.muli %scan3A_355, %mul3A_444 : i32
        %add3A_446 = arith.constant 5 : i32
        %add3A_447 = arith.addi %mul3A_445, %add3A_446 : i32
        %mul3A_448 = arith.constant 16 : i32
        %mul3A_449 = arith.muli %add3A_447, %mul3A_448 : i32
        %get3A_450 = arith.index_cast %mul3A_449 : i32 to index
        %get3A_451 = tpu.vector_load %arg12[%get3A_450] {strides = array<i32>} : memref<3200xi32, #tpu.memory_space<vmem>>, vector<16xi32>,
        %mul3A_452 = arith.constant 16 : i32
        %mul3A_453 = arith.muli %add3A_447, %mul3A_452 : i32
        %get3A_454 = arith.index_cast %mul3A_453 : i32 to index
        %get3A_455 = tpu.vector_load %arg14[%get3A_454] {strides = array<i32>} : memref<3200xi32, #tpu.memory_space<vmem>>, vector<16xi32>,
        %gather3A_456 = tpu.vector_load_idx %arg9[%get3A_455] : memref<50000xi32, #tpu.memory_space<vmem>>[vector<16xi32>], vector<16xi32>,
        %bitcast3A_457 = vector.bitcast %gather3A_456 : vector<16xi32> to vector<32xbf16>
        %gather3A_458 = tpu.vector_load_idx %arg10[%get3A_451] : memref<50000xi32, #tpu.memory_space<vmem>>[vector<16xi32>], vector<16xi32>,
        %bitcast3A_459 = vector.bitcast %gather3A_458 : vector<16xi32> to vector<32xbf16>
        %max3A_460 = arith.maximumf %bitcast3A_459, %bitcast3A_457 : vector<32xbf16>
        %bitcast3A_461 = vector.bitcast %max3A_460 : vector<32xbf16> to vector<16xi32>
        tpu.vector_store_idx %arg10[%get3A_451], %bitcast3A_461 : memref<50000xi32, #tpu.memory_space<vmem>>[vector<16xi32>], vector<16xi32>,
        %mul3A_462 = arith.constant 25 : i32
        %mul3A_463 = arith.muli %scan3A_355, %mul3A_462 : i32
        %add3A_464 = arith.constant 6 : i32
        %add3A_465 = arith.addi %mul3A_463, %add3A_464 : i32
        %mul3A_466 = arith.constant 16 : i32
        %mul3A_467 = arith.muli %add3A_465, %mul3A_466 : i32
        %get3A_468 = arith.index_cast %mul3A_467 : i32 to index
        %get3A_469 = tpu.vector_load %arg12[%get3A_468] {strides = array<i32>} : memref<3200xi32, #tpu.memory_space<vmem>>, vector<16xi32>,
        %mul3A_470 = arith.constant 16 : i32
        %mul3A_471 = arith.muli %add3A_465, %mul3A_470 : i32
        %get3A_472 = arith.index_cast %mul3A_471 : i32 to index
        %get3A_473 = tpu.vector_load %arg14[%get3A_472] {strides = array<i32>} : memref<3200xi32, #tpu.memory_space<vmem>>, vector<16xi32>,
        %gather3A_474 = tpu.vector_load_idx %arg9[%get3A_473] : memref<50000xi32, #tpu.memory_space<vmem>>[vector<16xi32>], vector<16xi32>,
        %bitcast3A_475 = vector.bitcast %gather3A_474 : vector<16xi32> to vector<32xbf16>
        %gather3A_476 = tpu.vector_load_idx %arg10[%get3A_469] : memref<50000xi32, #tpu.memory_space<vmem>>[vector<16xi32>], vector<16xi32>,
        %bitcast3A_477 = vector.bitcast %gather3A_476 : vector<16xi32> to vector<32xbf16>
        %max3A_478 = arith.maximumf %bitcast3A_477, %bitcast3A_475 : vector<32xbf16>
        %bitcast3A_479 = vector.bitcast %max3A_478 : vector<32xbf16> to vector<16xi32>
        tpu.vector_store_idx %arg10[%get3A_469], %bitcast3A_479 : memref<50000xi32, #tpu.memory_space<vmem>>[vector<16xi32>], vector<16xi32>,
        %mul3A_480 = arith.constant 25 : i32
        %mul3A_481 = arith.muli %scan3A_355, %mul3A_480 : i32
        %add3A_482 = arith.constant 7 : i32
        %add3A_483 = arith.addi %mul3A_481, %add3A_482 : i32
        %mul3A_484 = arith.constant 16 : i32
        %mul3A_485 = arith.muli %add3A_483, %mul3A_484 : i32
        %get3A_486 = arith.index_cast %mul3A_485 : i32 to index
        %get3A_487 = tpu.vector_load %arg12[%get3A_486] {strides = array<i32>} : memref<3200xi32, #tpu.memory_space<vmem>>, vector<16xi32>,
        %mul3A_488 = arith.constant 16 : i32
        %mul3A_489 = arith.muli %add3A_483, %mul3A_488 : i32
        %get3A_490 = arith.index_cast %mul3A_489 : i32 to index
        %get3A_491 = tpu.vector_load %arg14[%get3A_490] {strides = array<i32>} : memref<3200xi32, #tpu.memory_space<vmem>>, vector<16xi32>,
        %gather3A_492 = tpu.vector_load_idx %arg9[%get3A_491] : memref<50000xi32, #tpu.memory_space<vmem>>[vector<16xi32>], vector<16xi32>,
        %bitcast3A_493 = vector.bitcast %gather3A_492 : vector<16xi32> to vector<32xbf16>
        %gather3A_494 = tpu.vector_load_idx %arg10[%get3A_487] : memref<50000xi32, #tpu.memory_space<vmem>>[vector<16xi32>], vector<16xi32>,
        %bitcast3A_495 = vector.bitcast %gather3A_494 : vector<16xi32> to vector<32xbf16>
        %max3A_496 = arith.maximumf %bitcast3A_495, %bitcast3A_493 : vector<32xbf16>
        %bitcast3A_497 = vector.bitcast %max3A_496 : vector<32xbf16> to vector<16xi32>
        tpu.vector_store_idx %arg10[%get3A_487], %bitcast3A_497 : memref<50000xi32, #tpu.memory_space<vmem>>[vector<16xi32>], vector<16xi32>,
        %mul3A_498 = arith.constant 25 : i32
        %mul3A_499 = arith.muli %scan3A_355, %mul3A_498 : i32
        %add3A_500 = arith.constant 8 : i32
        %add3A_501 = arith.addi %mul3A_499, %add3A_500 : i32
        %mul3A_502 = arith.constant 16 : i32
        %mul3A_503 = arith.muli %add3A_501, %mul3A_502 : i32
        %get3A_504 = arith.index_cast %mul3A_503 : i32 to index
        %get3A_505 = tpu.vector_load %arg12[%get3A_504] {strides = array<i32>} : memref<3200xi32, #tpu.memory_space<vmem>>, vector<16xi32>,
        %mul3A_506 = arith.constant 16 : i32
        %mul3A_507 = arith.muli %add3A_501, %mul3A_506 : i32
        %get3A_508 = arith.index_cast %mul3A_507 : i32 to index
        %get3A_509 = tpu.vector_load %arg14[%get3A_508] {strides = array<i32>} : memref<3200xi32, #tpu.memory_space<vmem>>, vector<16xi32>,
        %gather3A_510 = tpu.vector_load_idx %arg9[%get3A_509] : memref<50000xi32, #tpu.memory_space<vmem>>[vector<16xi32>], vector<16xi32>,
        %bitcast3A_511 = vector.bitcast %gather3A_510 : vector<16xi32> to vector<32xbf16>
        %gather3A_512 = tpu.vector_load_idx %arg10[%get3A_505] : memref<50000xi32, #tpu.memory_space<vmem>>[vector<16xi32>], vector<16xi32>,
        %bitcast3A_513 = vector.bitcast %gather3A_512 : vector<16xi32> to vector<32xbf16>
        %max3A_514 = arith.maximumf %bitcast3A_513, %bitcast3A_511 : vector<32xbf16>
        %bitcast3A_515 = vector.bitcast %max3A_514 : vector<32xbf16> to vector<16xi32>
        tpu.vector_store_idx %arg10[%get3A_505], %bitcast3A_515 : memref<50000xi32, #tpu.memory_space<vmem>>[vector<16xi32>], vector<16xi32>,
        %mul3A_516 = arith.constant 25 : i32
        %mul3A_517 = arith.muli %scan3A_355, %mul3A_516 : i32
        %add3A_518 = arith.constant 9 : i32
        %add3A_519 = arith.addi %mul3A_517, %add3A_518 : i32
        %mul3A_520 = arith.constant 16 : i32
        %mul3A_521 = arith.muli %add3A_519, %mul3A_520 : i32
        %get3A_522 = arith.index_cast %mul3A_521 : i32 to index
        %get3A_523 = tpu.vector_load %arg12[%get3A_522] {strides = array<i32>} : memref<3200xi32, #tpu.memory_space<vmem>>, vector<16xi32>,
        %mul3A_524 = arith.constant 16 : i32
        %mul3A_525 = arith.muli %add3A_519, %mul3A_524 : i32
        %get3A_526 = arith.index_cast %mul3A_525 : i32 to index
        %get3A_527 = tpu.vector_load %arg14[%get3A_526] {strides = array<i32>} : memref<3200xi32, #tpu.memory_space<vmem>>, vector<16xi32>,
        %gather3A_528 = tpu.vector_load_idx %arg9[%get3A_527] : memref<50000xi32, #tpu.memory_space<vmem>>[vector<16xi32>], vector<16xi32>,
        %bitcast3A_529 = vector.bitcast %gather3A_528 : vector<16xi32> to vector<32xbf16>
        %gather3A_530 = tpu.vector_load_idx %arg10[%get3A_523] : memref<50000xi32, #tpu.memory_space<vmem>>[vector<16xi32>], vector<16xi32>,
        %bitcast3A_531 = vector.bitcast %gather3A_530 : vector<16xi32> to vector<32xbf16>
        %max3A_532 = arith.maximumf %bitcast3A_531, %bitcast3A_529 : vector<32xbf16>
        %bitcast3A_533 = vector.bitcast %max3A_532 : vector<32xbf16> to vector<16xi32>
        tpu.vector_store_idx %arg10[%get3A_523], %bitcast3A_533 : memref<50000xi32, #tpu.memory_space<vmem>>[vector<16xi32>], vector<16xi32>,
        %mul3A_534 = arith.constant 25 : i32
        %mul3A_535 = arith.muli %scan3A_355, %mul3A_534 : i32
        %add3A_536 = arith.constant 10 : i32
        %add3A_537 = arith.addi %mul3A_535, %add3A_536 : i32
        %mul3A_538 = arith.constant 16 : i32
        %mul3A_539 = arith.muli %add3A_537, %mul3A_538 : i32
        %get3A_540 = arith.index_cast %mul3A_539 : i32 to index
        %get3A_541 = tpu.vector_load %arg12[%get3A_540] {strides = array<i32>} : memref<3200xi32, #tpu.memory_space<vmem>>, vector<16xi32>,
        %mul3A_542 = arith.constant 16 : i32
        %mul3A_543 = arith.muli %add3A_537, %mul3A_542 : i32
        %get3A_544 = arith.index_cast %mul3A_543 : i32 to index
        %get3A_545 = tpu.vector_load %arg14[%get3A_544] {strides = array<i32>} : memref<3200xi32, #tpu.memory_space<vmem>>, vector<16xi32>,
        %gather3A_546 = tpu.vector_load_idx %arg9[%get3A_545] : memref<50000xi32, #tpu.memory_space<vmem>>[vector<16xi32>], vector<16xi32>,
        %bitcast3A_547 = vector.bitcast %gather3A_546 : vector<16xi32> to vector<32xbf16>
        %gather3A_548 = tpu.vector_load_idx %arg10[%get3A_541] : memref<50000xi32, #tpu.memory_space<vmem>>[vector<16xi32>], vector<16xi32>,
        %bitcast3A_549 = vector.bitcast %gather3A_548 : vector<16xi32> to vector<32xbf16>
        %max3A_550 = arith.maximumf %bitcast3A_549, %bitcast3A_547 : vector<32xbf16>
        %bitcast3A_551 = vector.bitcast %max3A_550 : vector<32xbf16> to vector<16xi32>
        tpu.vector_store_idx %arg10[%get3A_541], %bitcast3A_551 : memref<50000xi32, #tpu.memory_space<vmem>>[vector<16xi32>], vector<16xi32>,
        %mul3A_552 = arith.constant 25 : i32
        %mul3A_553 = arith.muli %scan3A_355, %mul3A_552 : i32
        %add3A_554 = arith.constant 11 : i32
        %add3A_555 = arith.addi %mul3A_553, %add3A_554 : i32
        %mul3A_556 = arith.constant 16 : i32
        %mul3A_557 = arith.muli %add3A_555, %mul3A_556 : i32
        %get3A_558 = arith.index_cast %mul3A_557 : i32 to index
        %get3A_559 = tpu.vector_load %arg12[%get3A_558] {strides = array<i32>} : memref<3200xi32, #tpu.memory_space<vmem>>, vector<16xi32>,
        %mul3A_560 = arith.constant 16 : i32
        %mul3A_561 = arith.muli %add3A_555, %mul3A_560 : i32
        %get3A_562 = arith.index_cast %mul3A_561 : i32 to index
        %get3A_563 = tpu.vector_load %arg14[%get3A_562] {strides = array<i32>} : memref<3200xi32, #tpu.memory_space<vmem>>, vector<16xi32>,
        %gather3A_564 = tpu.vector_load_idx %arg9[%get3A_563] : memref<50000xi32, #tpu.memory_space<vmem>>[vector<16xi32>], vector<16xi32>,
        %bitcast3A_565 = vector.bitcast %gather3A_564 : vector<16xi32> to vector<32xbf16>
        %gather3A_566 = tpu.vector_load_idx %arg10[%get3A_559] : memref<50000xi32, #tpu.memory_space<vmem>>[vector<16xi32>], vector<16xi32>,
        %bitcast3A_567 = vector.bitcast %gather3A_566 : vector<16xi32> to vector<32xbf16>
        %max3A_568 = arith.maximumf %bitcast3A_567, %bitcast3A_565 : vector<32xbf16>
        %bitcast3A_569 = vector.bitcast %max3A_568 : vector<32xbf16> to vector<16xi32>
        tpu.vector_store_idx %arg10[%get3A_559], %bitcast3A_569 : memref<50000xi32, #tpu.memory_space<vmem>>[vector<16xi32>], vector<16xi32>,
        %mul3A_570 = arith.constant 25 : i32
        %mul3A_571 = arith.muli %scan3A_355, %mul3A_570 : i32
        %add3A_572 = arith.constant 12 : i32
        %add3A_573 = arith.addi %mul3A_571, %add3A_572 : i32
        %mul3A_574 = arith.constant 16 : i32
        %mul3A_575 = arith.muli %add3A_573, %mul3A_574 : i32
        %get3A_576 = arith.index_cast %mul3A_575 : i32 to index
        %get3A_577 = tpu.vector_load %arg12[%get3A_576] {strides = array<i32>} : memref<3200xi32, #tpu.memory_space<vmem>>, vector<16xi32>,
        %mul3A_578 = arith.constant 16 : i32
        %mul3A_579 = arith.muli %add3A_573, %mul3A_578 : i32
        %get3A_580 = arith.index_cast %mul3A_579 : i32 to index
        %get3A_581 = tpu.vector_load %arg14[%get3A_580] {strides = array<i32>} : memref<3200xi32, #tpu.memory_space<vmem>>, vector<16xi32>,
        %gather3A_582 = tpu.vector_load_idx %arg9[%get3A_581] : memref<50000xi32, #tpu.memory_space<vmem>>[vector<16xi32>], vector<16xi32>,
        %bitcast3A_583 = vector.bitcast %gather3A_582 : vector<16xi32> to vector<32xbf16>
        %gather3A_584 = tpu.vector_load_idx %arg10[%get3A_577] : memref<50000xi32, #tpu.memory_space<vmem>>[vector<16xi32>], vector<16xi32>,
        %bitcast3A_585 = vector.bitcast %gather3A_584 : vector<16xi32> to vector<32xbf16>
        %max3A_586 = arith.maximumf %bitcast3A_585, %bitcast3A_583 : vector<32xbf16>
        %bitcast3A_587 = vector.bitcast %max3A_586 : vector<32xbf16> to vector<16xi32>
        tpu.vector_store_idx %arg10[%get3A_577], %bitcast3A_587 : memref<50000xi32, #tpu.memory_space<vmem>>[vector<16xi32>], vector<16xi32>,
        %mul3A_588 = arith.constant 25 : i32
        %mul3A_589 = arith.muli %scan3A_355, %mul3A_588 : i32
        %add3A_590 = arith.constant 13 : i32
        %add3A_591 = arith.addi %mul3A_589, %add3A_590 : i32
        %mul3A_592 = arith.constant 16 : i32
        %mul3A_593 = arith.muli %add3A_591, %mul3A_592 : i32
        %get3A_594 = arith.index_cast %mul3A_593 : i32 to index
        %get3A_595 = tpu.vector_load %arg12[%get3A_594] {strides = array<i32>} : memref<3200xi32, #tpu.memory_space<vmem>>, vector<16xi32>,
        %mul3A_596 = arith.constant 16 : i32
        %mul3A_597 = arith.muli %add3A_591, %mul3A_596 : i32
        %get3A_598 = arith.index_cast %mul3A_597 : i32 to index
        %get3A_599 = tpu.vector_load %arg14[%get3A_598] {strides = array<i32>} : memref<3200xi32, #tpu.memory_space<vmem>>, vector<16xi32>,
        %gather3A_600 = tpu.vector_load_idx %arg9[%get3A_599] : memref<50000xi32, #tpu.memory_space<vmem>>[vector<16xi32>], vector<16xi32>,
        %bitcast3A_601 = vector.bitcast %gather3A_600 : vector<16xi32> to vector<32xbf16>
        %gather3A_602 = tpu.vector_load_idx %arg10[%get3A_595] : memref<50000xi32, #tpu.memory_space<vmem>>[vector<16xi32>], vector<16xi32>,
        %bitcast3A_603 = vector.bitcast %gather3A_602 : vector<16xi32> to vector<32xbf16>
        %max3A_604 = arith.maximumf %bitcast3A_603, %bitcast3A_601 : vector<32xbf16>
        %bitcast3A_605 = vector.bitcast %max3A_604 : vector<32xbf16> to vector<16xi32>
        tpu.vector_store_idx %arg10[%get3A_595], %bitcast3A_605 : memref<50000xi32, #tpu.memory_space<vmem>>[vector<16xi32>], vector<16xi32>,
        %mul3A_606 = arith.constant 25 : i32
        %mul3A_607 = arith.muli %scan3A_355, %mul3A_606 : i32
        %add3A_608 = arith.constant 14 : i32
        %add3A_609 = arith.addi %mul3A_607, %add3A_608 : i32
        %mul3A_610 = arith.constant 16 : i32
        %mul3A_611 = arith.muli %add3A_609, %mul3A_610 : i32
        %get3A_612 = arith.index_cast %mul3A_611 : i32 to index
        %get3A_613 = tpu.vector_load %arg12[%get3A_612] {strides = array<i32>} : memref<3200xi32, #tpu.memory_space<vmem>>, vector<16xi32>,
        %mul3A_614 = arith.constant 16 : i32
        %mul3A_615 = arith.muli %add3A_609, %mul3A_614 : i32
        %get3A_616 = arith.index_cast %mul3A_615 : i32 to index
        %get3A_617 = tpu.vector_load %arg14[%get3A_616] {strides = array<i32>} : memref<3200xi32, #tpu.memory_space<vmem>>, vector<16xi32>,
        %gather3A_618 = tpu.vector_load_idx %arg9[%get3A_617] : memref<50000xi32, #tpu.memory_space<vmem>>[vector<16xi32>], vector<16xi32>,
        %bitcast3A_619 = vector.bitcast %gather3A_618 : vector<16xi32> to vector<32xbf16>
        %gather3A_620 = tpu.vector_load_idx %arg10[%get3A_613] : memref<50000xi32, #tpu.memory_space<vmem>>[vector<16xi32>], vector<16xi32>,
        %bitcast3A_621 = vector.bitcast %gather3A_620 : vector<16xi32> to vector<32xbf16>
        %max3A_622 = arith.maximumf %bitcast3A_621, %bitcast3A_619 : vector<32xbf16>
        %bitcast3A_623 = vector.bitcast %max3A_622 : vector<32xbf16> to vector<16xi32>
        tpu.vector_store_idx %arg10[%get3A_613], %bitcast3A_623 : memref<50000xi32, #tpu.memory_space<vmem>>[vector<16xi32>], vector<16xi32>,
        %mul3A_624 = arith.constant 25 : i32
        %mul3A_625 = arith.muli %scan3A_355, %mul3A_624 : i32
        %add3A_626 = arith.constant 15 : i32
        %add3A_627 = arith.addi %mul3A_625, %add3A_626 : i32
        %mul3A_628 = arith.constant 16 : i32
        %mul3A_629 = arith.muli %add3A_627, %mul3A_628 : i32
        %get3A_630 = arith.index_cast %mul3A_629 : i32 to index
        %get3A_631 = tpu.vector_load %arg12[%get3A_630] {strides = array<i32>} : memref<3200xi32, #tpu.memory_space<vmem>>, vector<16xi32>,
        %mul3A_632 = arith.constant 16 : i32
        %mul3A_633 = arith.muli %add3A_627, %mul3A_632 : i32
        %get3A_634 = arith.index_cast %mul3A_633 : i32 to index
        %get3A_635 = tpu.vector_load %arg14[%get3A_634] {strides = array<i32>} : memref<3200xi32, #tpu.memory_space<vmem>>, vector<16xi32>,
        %gather3A_636 = tpu.vector_load_idx %arg9[%get3A_635] : memref<50000xi32, #tpu.memory_space<vmem>>[vector<16xi32>], vector<16xi32>,
        %bitcast3A_637 = vector.bitcast %gather3A_636 : vector<16xi32> to vector<32xbf16>
        %gather3A_638 = tpu.vector_load_idx %arg10[%get3A_631] : memref<50000xi32, #tpu.memory_space<vmem>>[vector<16xi32>], vector<16xi32>,
        %bitcast3A_639 = vector.bitcast %gather3A_638 : vector<16xi32> to vector<32xbf16>
        %max3A_640 = arith.maximumf %bitcast3A_639, %bitcast3A_637 : vector<32xbf16>
        %bitcast3A_641 = vector.bitcast %max3A_640 : vector<32xbf16> to vector<16xi32>
        tpu.vector_store_idx %arg10[%get3A_631], %bitcast3A_641 : memref<50000xi32, #tpu.memory_space<vmem>>[vector<16xi32>], vector<16xi32>,
        %mul3A_642 = arith.constant 25 : i32
        %mul3A_643 = arith.muli %scan3A_355, %mul3A_642 : i32
        %add3A_644 = arith.constant 16 : i32
        %add3A_645 = arith.addi %mul3A_643, %add3A_644 : i32
        %mul3A_646 = arith.constant 16 : i32
        %mul3A_647 = arith.muli %add3A_645, %mul3A_646 : i32
        %get3A_648 = arith.index_cast %mul3A_647 : i32 to index
        %get3A_649 = tpu.vector_load %arg12[%get3A_648] {strides = array<i32>} : memref<3200xi32, #tpu.memory_space<vmem>>, vector<16xi32>,
        %mul3A_650 = arith.constant 16 : i32
        %mul3A_651 = arith.muli %add3A_645, %mul3A_650 : i32
        %get3A_652 = arith.index_cast %mul3A_651 : i32 to index
        %get3A_653 = tpu.vector_load %arg14[%get3A_652] {strides = array<i32>} : memref<3200xi32, #tpu.memory_space<vmem>>, vector<16xi32>,
        %gather3A_654 = tpu.vector_load_idx %arg9[%get3A_653] : memref<50000xi32, #tpu.memory_space<vmem>>[vector<16xi32>], vector<16xi32>,
        %bitcast3A_655 = vector.bitcast %gather3A_654 : vector<16xi32> to vector<32xbf16>
        %gather3A_656 = tpu.vector_load_idx %arg10[%get3A_649] : memref<50000xi32, #tpu.memory_space<vmem>>[vector<16xi32>], vector<16xi32>,
        %bitcast3A_657 = vector.bitcast %gather3A_656 : vector<16xi32> to vector<32xbf16>
        %max3A_658 = arith.maximumf %bitcast3A_657, %bitcast3A_655 : vector<32xbf16>
        %bitcast3A_659 = vector.bitcast %max3A_658 : vector<32xbf16> to vector<16xi32>
        tpu.vector_store_idx %arg10[%get3A_649], %bitcast3A_659 : memref<50000xi32, #tpu.memory_space<vmem>>[vector<16xi32>], vector<16xi32>,
        %mul3A_660 = arith.constant 25 : i32
        %mul3A_661 = arith.muli %scan3A_355, %mul3A_660 : i32
        %add3A_662 = arith.constant 17 : i32
        %add3A_663 = arith.addi %mul3A_661, %add3A_662 : i32
        %mul3A_664 = arith.constant 16 : i32
        %mul3A_665 = arith.muli %add3A_663, %mul3A_664 : i32
        %get3A_666 = arith.index_cast %mul3A_665 : i32 to index
        %get3A_667 = tpu.vector_load %arg12[%get3A_666] {strides = array<i32>} : memref<3200xi32, #tpu.memory_space<vmem>>, vector<16xi32>,
        %mul3A_668 = arith.constant 16 : i32
        %mul3A_669 = arith.muli %add3A_663, %mul3A_668 : i32
        %get3A_670 = arith.index_cast %mul3A_669 : i32 to index
        %get3A_671 = tpu.vector_load %arg14[%get3A_670] {strides = array<i32>} : memref<3200xi32, #tpu.memory_space<vmem>>, vector<16xi32>,
        %gather3A_672 = tpu.vector_load_idx %arg9[%get3A_671] : memref<50000xi32, #tpu.memory_space<vmem>>[vector<16xi32>], vector<16xi32>,
        %bitcast3A_673 = vector.bitcast %gather3A_672 : vector<16xi32> to vector<32xbf16>
        %gather3A_674 = tpu.vector_load_idx %arg10[%get3A_667] : memref<50000xi32, #tpu.memory_space<vmem>>[vector<16xi32>], vector<16xi32>,
        %bitcast3A_675 = vector.bitcast %gather3A_674 : vector<16xi32> to vector<32xbf16>
        %max3A_676 = arith.maximumf %bitcast3A_675, %bitcast3A_673 : vector<32xbf16>
        %bitcast3A_677 = vector.bitcast %max3A_676 : vector<32xbf16> to vector<16xi32>
        tpu.vector_store_idx %arg10[%get3A_667], %bitcast3A_677 : memref<50000xi32, #tpu.memory_space<vmem>>[vector<16xi32>], vector<16xi32>,
        %mul3A_678 = arith.constant 25 : i32
        %mul3A_679 = arith.muli %scan3A_355, %mul3A_678 : i32
        %add3A_680 = arith.constant 18 : i32
        %add3A_681 = arith.addi %mul3A_679, %add3A_680 : i32
        %mul3A_682 = arith.constant 16 : i32
        %mul3A_683 = arith.muli %add3A_681, %mul3A_682 : i32
        %get3A_684 = arith.index_cast %mul3A_683 : i32 to index
        %get3A_685 = tpu.vector_load %arg12[%get3A_684] {strides = array<i32>} : memref<3200xi32, #tpu.memory_space<vmem>>, vector<16xi32>,
        %mul3A_686 = arith.constant 16 : i32
        %mul3A_687 = arith.muli %add3A_681, %mul3A_686 : i32
        %get3A_688 = arith.index_cast %mul3A_687 : i32 to index
        %get3A_689 = tpu.vector_load %arg14[%get3A_688] {strides = array<i32>} : memref<3200xi32, #tpu.memory_space<vmem>>, vector<16xi32>,
        %gather3A_690 = tpu.vector_load_idx %arg9[%get3A_689] : memref<50000xi32, #tpu.memory_space<vmem>>[vector<16xi32>], vector<16xi32>,
        %bitcast3A_691 = vector.bitcast %gather3A_690 : vector<16xi32> to vector<32xbf16>
        %gather3A_692 = tpu.vector_load_idx %arg10[%get3A_685] : memref<50000xi32, #tpu.memory_space<vmem>>[vector<16xi32>], vector<16xi32>,
        %bitcast3A_693 = vector.bitcast %gather3A_692 : vector<16xi32> to vector<32xbf16>
        %max3A_694 = arith.maximumf %bitcast3A_693, %bitcast3A_691 : vector<32xbf16>
        %bitcast3A_695 = vector.bitcast %max3A_694 : vector<32xbf16> to vector<16xi32>
        tpu.vector_store_idx %arg10[%get3A_685], %bitcast3A_695 : memref<50000xi32, #tpu.memory_space<vmem>>[vector<16xi32>], vector<16xi32>,
        %mul3A_696 = arith.constant 25 : i32
        %mul3A_697 = arith.muli %scan3A_355, %mul3A_696 : i32
        %add3A_698 = arith.constant 19 : i32
        %add3A_699 = arith.addi %mul3A_697, %add3A_698 : i32
        %mul3A_700 = arith.constant 16 : i32
        %mul3A_701 = arith.muli %add3A_699, %mul3A_700 : i32
        %get3A_702 = arith.index_cast %mul3A_701 : i32 to index
        %get3A_703 = tpu.vector_load %arg12[%get3A_702] {strides = array<i32>} : memref<3200xi32, #tpu.memory_space<vmem>>, vector<16xi32>,
        %mul3A_704 = arith.constant 16 : i32
        %mul3A_705 = arith.muli %add3A_699, %mul3A_704 : i32
        %get3A_706 = arith.index_cast %mul3A_705 : i32 to index
        %get3A_707 = tpu.vector_load %arg14[%get3A_706] {strides = array<i32>} : memref<3200xi32, #tpu.memory_space<vmem>>, vector<16xi32>,
        %gather3A_708 = tpu.vector_load_idx %arg9[%get3A_707] : memref<50000xi32, #tpu.memory_space<vmem>>[vector<16xi32>], vector<16xi32>,
        %bitcast3A_709 = vector.bitcast %gather3A_708 : vector<16xi32> to vector<32xbf16>
        %gather3A_710 = tpu.vector_load_idx %arg10[%get3A_703] : memref<50000xi32, #tpu.memory_space<vmem>>[vector<16xi32>], vector<16xi32>,
        %bitcast3A_711 = vector.bitcast %gather3A_710 : vector<16xi32> to vector<32xbf16>
        %max3A_712 = arith.maximumf %bitcast3A_711, %bitcast3A_709 : vector<32xbf16>
        %bitcast3A_713 = vector.bitcast %max3A_712 : vector<32xbf16> to vector<16xi32>
        tpu.vector_store_idx %arg10[%get3A_703], %bitcast3A_713 : memref<50000xi32, #tpu.memory_space<vmem>>[vector<16xi32>], vector<16xi32>,
        %mul3A_714 = arith.constant 25 : i32
        %mul3A_715 = arith.muli %scan3A_355, %mul3A_714 : i32
        %add3A_716 = arith.constant 20 : i32
        %add3A_717 = arith.addi %mul3A_715, %add3A_716 : i32
        %mul3A_718 = arith.constant 16 : i32
        %mul3A_719 = arith.muli %add3A_717, %mul3A_718 : i32
        %get3A_720 = arith.index_cast %mul3A_719 : i32 to index
        %get3A_721 = tpu.vector_load %arg12[%get3A_720] {strides = array<i32>} : memref<3200xi32, #tpu.memory_space<vmem>>, vector<16xi32>,
        %mul3A_722 = arith.constant 16 : i32
        %mul3A_723 = arith.muli %add3A_717, %mul3A_722 : i32
        %get3A_724 = arith.index_cast %mul3A_723 : i32 to index
        %get3A_725 = tpu.vector_load %arg14[%get3A_724] {strides = array<i32>} : memref<3200xi32, #tpu.memory_space<vmem>>, vector<16xi32>,
        %gather3A_726 = tpu.vector_load_idx %arg9[%get3A_725] : memref<50000xi32, #tpu.memory_space<vmem>>[vector<16xi32>], vector<16xi32>,
        %bitcast3A_727 = vector.bitcast %gather3A_726 : vector<16xi32> to vector<32xbf16>
        %gather3A_728 = tpu.vector_load_idx %arg10[%get3A_721] : memref<50000xi32, #tpu.memory_space<vmem>>[vector<16xi32>], vector<16xi32>,
        %bitcast3A_729 = vector.bitcast %gather3A_728 : vector<16xi32> to vector<32xbf16>
        %max3A_730 = arith.maximumf %bitcast3A_729, %bitcast3A_727 : vector<32xbf16>
        %bitcast3A_731 = vector.bitcast %max3A_730 : vector<32xbf16> to vector<16xi32>
        tpu.vector_store_idx %arg10[%get3A_721], %bitcast3A_731 : memref<50000xi32, #tpu.memory_space<vmem>>[vector<16xi32>], vector<16xi32>,
        %mul3A_732 = arith.constant 25 : i32
        %mul3A_733 = arith.muli %scan3A_355, %mul3A_732 : i32
        %add3A_734 = arith.constant 21 : i32
        %add3A_735 = arith.addi %mul3A_733, %add3A_734 : i32
        %mul3A_736 = arith.constant 16 : i32
        %mul3A_737 = arith.muli %add3A_735, %mul3A_736 : i32
        %get3A_738 = arith.index_cast %mul3A_737 : i32 to index
        %get3A_739 = tpu.vector_load %arg12[%get3A_738] {strides = array<i32>} : memref<3200xi32, #tpu.memory_space<vmem>>, vector<16xi32>,
        %mul3A_740 = arith.constant 16 : i32
        %mul3A_741 = arith.muli %add3A_735, %mul3A_740 : i32
        %get3A_742 = arith.index_cast %mul3A_741 : i32 to index
        %get3A_743 = tpu.vector_load %arg14[%get3A_742] {strides = array<i32>} : memref<3200xi32, #tpu.memory_space<vmem>>, vector<16xi32>,
        %gather3A_744 = tpu.vector_load_idx %arg9[%get3A_743] : memref<50000xi32, #tpu.memory_space<vmem>>[vector<16xi32>], vector<16xi32>,
        %bitcast3A_745 = vector.bitcast %gather3A_744 : vector<16xi32> to vector<32xbf16>
        %gather3A_746 = tpu.vector_load_idx %arg10[%get3A_739] : memref<50000xi32, #tpu.memory_space<vmem>>[vector<16xi32>], vector<16xi32>,
        %bitcast3A_747 = vector.bitcast %gather3A_746 : vector<16xi32> to vector<32xbf16>
        %max3A_748 = arith.maximumf %bitcast3A_747, %bitcast3A_745 : vector<32xbf16>
        %bitcast3A_749 = vector.bitcast %max3A_748 : vector<32xbf16> to vector<16xi32>
        tpu.vector_store_idx %arg10[%get3A_739], %bitcast3A_749 : memref<50000xi32, #tpu.memory_space<vmem>>[vector<16xi32>], vector<16xi32>,
        %mul3A_750 = arith.constant 25 : i32
        %mul3A_751 = arith.muli %scan3A_355, %mul3A_750 : i32
        %add3A_752 = arith.constant 22 : i32
        %add3A_753 = arith.addi %mul3A_751, %add3A_752 : i32
        %mul3A_754 = arith.constant 16 : i32
        %mul3A_755 = arith.muli %add3A_753, %mul3A_754 : i32
        %get3A_756 = arith.index_cast %mul3A_755 : i32 to index
        %get3A_757 = tpu.vector_load %arg12[%get3A_756] {strides = array<i32>} : memref<3200xi32, #tpu.memory_space<vmem>>, vector<16xi32>,
        %mul3A_758 = arith.constant 16 : i32
        %mul3A_759 = arith.muli %add3A_753, %mul3A_758 : i32
        %get3A_760 = arith.index_cast %mul3A_759 : i32 to index
        %get3A_761 = tpu.vector_load %arg14[%get3A_760] {strides = array<i32>} : memref<3200xi32, #tpu.memory_space<vmem>>, vector<16xi32>,
        %gather3A_762 = tpu.vector_load_idx %arg9[%get3A_761] : memref<50000xi32, #tpu.memory_space<vmem>>[vector<16xi32>], vector<16xi32>,
        %bitcast3A_763 = vector.bitcast %gather3A_762 : vector<16xi32> to vector<32xbf16>
        %gather3A_764 = tpu.vector_load_idx %arg10[%get3A_757] : memref<50000xi32, #tpu.memory_space<vmem>>[vector<16xi32>], vector<16xi32>,
        %bitcast3A_765 = vector.bitcast %gather3A_764 : vector<16xi32> to vector<32xbf16>
        %max3A_766 = arith.maximumf %bitcast3A_765, %bitcast3A_763 : vector<32xbf16>
        %bitcast3A_767 = vector.bitcast %max3A_766 : vector<32xbf16> to vector<16xi32>
        tpu.vector_store_idx %arg10[%get3A_757], %bitcast3A_767 : memref<50000xi32, #tpu.memory_space<vmem>>[vector<16xi32>], vector<16xi32>,
        %mul3A_768 = arith.constant 25 : i32
        %mul3A_769 = arith.muli %scan3A_355, %mul3A_768 : i32
        %add3A_770 = arith.constant 23 : i32
        %add3A_771 = arith.addi %mul3A_769, %add3A_770 : i32
        %mul3A_772 = arith.constant 16 : i32
        %mul3A_773 = arith.muli %add3A_771, %mul3A_772 : i32
        %get3A_774 = arith.index_cast %mul3A_773 : i32 to index
        %get3A_775 = tpu.vector_load %arg12[%get3A_774] {strides = array<i32>} : memref<3200xi32, #tpu.memory_space<vmem>>, vector<16xi32>,
        %mul3A_776 = arith.constant 16 : i32
        %mul3A_777 = arith.muli %add3A_771, %mul3A_776 : i32
        %get3A_778 = arith.index_cast %mul3A_777 : i32 to index
        %get3A_779 = tpu.vector_load %arg14[%get3A_778] {strides = array<i32>} : memref<3200xi32, #tpu.memory_space<vmem>>, vector<16xi32>,
        %gather3A_780 = tpu.vector_load_idx %arg9[%get3A_779] : memref<50000xi32, #tpu.memory_space<vmem>>[vector<16xi32>], vector<16xi32>,
        %bitcast3A_781 = vector.bitcast %gather3A_780 : vector<16xi32> to vector<32xbf16>
        %gather3A_782 = tpu.vector_load_idx %arg10[%get3A_775] : memref<50000xi32, #tpu.memory_space<vmem>>[vector<16xi32>], vector<16xi32>,
        %bitcast3A_783 = vector.bitcast %gather3A_782 : vector<16xi32> to vector<32xbf16>
        %max3A_784 = arith.maximumf %bitcast3A_783, %bitcast3A_781 : vector<32xbf16>
        %bitcast3A_785 = vector.bitcast %max3A_784 : vector<32xbf16> to vector<16xi32>
        tpu.vector_store_idx %arg10[%get3A_775], %bitcast3A_785 : memref<50000xi32, #tpu.memory_space<vmem>>[vector<16xi32>], vector<16xi32>,
        %mul3A_786 = arith.constant 25 : i32
        %mul3A_787 = arith.muli %scan3A_355, %mul3A_786 : i32
        %add3A_788 = arith.constant 24 : i32
        %add3A_789 = arith.addi %mul3A_787, %add3A_788 : i32
        %mul3A_790 = arith.constant 16 : i32
        %mul3A_791 = arith.muli %add3A_789, %mul3A_790 : i32
        %get3A_792 = arith.index_cast %mul3A_791 : i32 to index
        %get3A_793 = tpu.vector_load %arg12[%get3A_792] {strides = array<i32>} : memref<3200xi32, #tpu.memory_space<vmem>>, vector<16xi32>,
        %mul3A_794 = arith.constant 16 : i32
        %mul3A_795 = arith.muli %add3A_789, %mul3A_794 : i32
        %get3A_796 = arith.index_cast %mul3A_795 : i32 to index
        %get3A_797 = tpu.vector_load %arg14[%get3A_796] {strides = array<i32>} : memref<3200xi32, #tpu.memory_space<vmem>>, vector<16xi32>,
        %gather3A_798 = tpu.vector_load_idx %arg9[%get3A_797] : memref<50000xi32, #tpu.memory_space<vmem>>[vector<16xi32>], vector<16xi32>,
        %bitcast3A_799 = vector.bitcast %gather3A_798 : vector<16xi32> to vector<32xbf16>
        %gather3A_800 = tpu.vector_load_idx %arg10[%get3A_793] : memref<50000xi32, #tpu.memory_space<vmem>>[vector<16xi32>], vector<16xi32>,
        %bitcast3A_801 = vector.bitcast %gather3A_800 : vector<16xi32> to vector<32xbf16>
        %max3A_802 = arith.maximumf %bitcast3A_801, %bitcast3A_799 : vector<32xbf16>
        %bitcast3A_803 = vector.bitcast %max3A_802 : vector<32xbf16> to vector<16xi32>
        tpu.vector_store_idx %arg10[%get3A_793], %bitcast3A_803 : memref<50000xi32, #tpu.memory_space<vmem>>[vector<16xi32>], vector<16xi32>,
        %gather3A_804 = tpu.vector_load_idx %arg10[%get3A_363] : memref<50000xi32, #tpu.memory_space<vmem>>[vector<16xi32>], vector<16xi32>,
        %bitcast3A_805 = vector.bitcast %gather3A_804 : vector<16xi32> to vector<32xbf16>
        %max3A_806 = arith.maximumf %bitcast3A_805, %bitcast3A : vector<32xbf16>
        %bitcast3A_807 = vector.bitcast %max3A_806 : vector<32xbf16> to vector<16xi32>
        %ne3A_808 = arith.cmpi ne, %bitcast3A_807, %gather3A_804 : vector<16xi32>
        %gather3A_809 = tpu.vector_load_idx %arg10[%get3A_379] : memref<50000xi32, #tpu.memory_space<vmem>>[vector<16xi32>], vector<16xi32>,
        %bitcast3A_810 = vector.bitcast %gather3A_809 : vector<16xi32> to vector<32xbf16>
        %max3A_811 = arith.maximumf %bitcast3A_810, %bitcast3A_385 : vector<32xbf16>
        %bitcast3A_812 = vector.bitcast %max3A_811 : vector<32xbf16> to vector<16xi32>
        %ne3A_813 = arith.cmpi ne, %bitcast3A_812, %gather3A_809 : vector<16xi32>
        %or3A = arith.ori %ne3A_808, %ne3A_813 : vector<16xi1>
        %gather3A_814 = tpu.vector_load_idx %arg10[%get3A_397] : memref<50000xi32, #tpu.memory_space<vmem>>[vector<16xi32>], vector<16xi32>,
        %bitcast3A_815 = vector.bitcast %gather3A_814 : vector<16xi32> to vector<32xbf16>
        %max3A_816 = arith.maximumf %bitcast3A_815, %bitcast3A_403 : vector<32xbf16>
        %bitcast3A_817 = vector.bitcast %max3A_816 : vector<32xbf16> to vector<16xi32>
        %ne3A_818 = arith.cmpi ne, %bitcast3A_817, %gather3A_814 : vector<16xi32>
        %or3A_819 = arith.ori %or3A, %ne3A_818 : vector<16xi1>
        %gather3A_820 = tpu.vector_load_idx %arg10[%get3A_415] : memref<50000xi32, #tpu.memory_space<vmem>>[vector<16xi32>], vector<16xi32>,
        %bitcast3A_821 = vector.bitcast %gather3A_820 : vector<16xi32> to vector<32xbf16>
        %max3A_822 = arith.maximumf %bitcast3A_821, %bitcast3A_421 : vector<32xbf16>
        %bitcast3A_823 = vector.bitcast %max3A_822 : vector<32xbf16> to vector<16xi32>
        %ne3A_824 = arith.cmpi ne, %bitcast3A_823, %gather3A_820 : vector<16xi32>
        %or3A_825 = arith.ori %or3A_819, %ne3A_824 : vector<16xi1>
        %gather3A_826 = tpu.vector_load_idx %arg10[%get3A_433] : memref<50000xi32, #tpu.memory_space<vmem>>[vector<16xi32>], vector<16xi32>,
        %bitcast3A_827 = vector.bitcast %gather3A_826 : vector<16xi32> to vector<32xbf16>
        %max3A_828 = arith.maximumf %bitcast3A_827, %bitcast3A_439 : vector<32xbf16>
        %bitcast3A_829 = vector.bitcast %max3A_828 : vector<32xbf16> to vector<16xi32>
        %ne3A_830 = arith.cmpi ne, %bitcast3A_829, %gather3A_826 : vector<16xi32>
        %or3A_831 = arith.ori %or3A_825, %ne3A_830 : vector<16xi1>
        %gather3A_832 = tpu.vector_load_idx %arg10[%get3A_451] : memref<50000xi32, #tpu.memory_space<vmem>>[vector<16xi32>], vector<16xi32>,
        %bitcast3A_833 = vector.bitcast %gather3A_832 : vector<16xi32> to vector<32xbf16>
        %max3A_834 = arith.maximumf %bitcast3A_833, %bitcast3A_457 : vector<32xbf16>
        %bitcast3A_835 = vector.bitcast %max3A_834 : vector<32xbf16> to vector<16xi32>
        %ne3A_836 = arith.cmpi ne, %bitcast3A_835, %gather3A_832 : vector<16xi32>
        %or3A_837 = arith.ori %or3A_831, %ne3A_836 : vector<16xi1>
        %gather3A_838 = tpu.vector_load_idx %arg10[%get3A_469] : memref<50000xi32, #tpu.memory_space<vmem>>[vector<16xi32>], vector<16xi32>,
        %bitcast3A_839 = vector.bitcast %gather3A_838 : vector<16xi32> to vector<32xbf16>
        %max3A_840 = arith.maximumf %bitcast3A_839, %bitcast3A_475 : vector<32xbf16>
        %bitcast3A_841 = vector.bitcast %max3A_840 : vector<32xbf16> to vector<16xi32>
        %ne3A_842 = arith.cmpi ne, %bitcast3A_841, %gather3A_838 : vector<16xi32>
        %or3A_843 = arith.ori %or3A_837, %ne3A_842 : vector<16xi1>
        %gather3A_844 = tpu.vector_load_idx %arg10[%get3A_487] : memref<50000xi32, #tpu.memory_space<vmem>>[vector<16xi32>], vector<16xi32>,
        %bitcast3A_845 = vector.bitcast %gather3A_844 : vector<16xi32> to vector<32xbf16>
        %max3A_846 = arith.maximumf %bitcast3A_845, %bitcast3A_493 : vector<32xbf16>
        %bitcast3A_847 = vector.bitcast %max3A_846 : vector<32xbf16> to vector<16xi32>
        %ne3A_848 = arith.cmpi ne, %bitcast3A_847, %gather3A_844 : vector<16xi32>
        %or3A_849 = arith.ori %or3A_843, %ne3A_848 : vector<16xi1>
        %gather3A_850 = tpu.vector_load_idx %arg10[%get3A_505] : memref<50000xi32, #tpu.memory_space<vmem>>[vector<16xi32>], vector<16xi32>,
        %bitcast3A_851 = vector.bitcast %gather3A_850 : vector<16xi32> to vector<32xbf16>
        %max3A_852 = arith.maximumf %bitcast3A_851, %bitcast3A_511 : vector<32xbf16>
        %bitcast3A_853 = vector.bitcast %max3A_852 : vector<32xbf16> to vector<16xi32>
        %ne3A_854 = arith.cmpi ne, %bitcast3A_853, %gather3A_850 : vector<16xi32>
        %or3A_855 = arith.ori %or3A_849, %ne3A_854 : vector<16xi1>
        %gather3A_856 = tpu.vector_load_idx %arg10[%get3A_523] : memref<50000xi32, #tpu.memory_space<vmem>>[vector<16xi32>], vector<16xi32>,
        %bitcast3A_857 = vector.bitcast %gather3A_856 : vector<16xi32> to vector<32xbf16>
        %max3A_858 = arith.maximumf %bitcast3A_857, %bitcast3A_529 : vector<32xbf16>
        %bitcast3A_859 = vector.bitcast %max3A_858 : vector<32xbf16> to vector<16xi32>
        %ne3A_860 = arith.cmpi ne, %bitcast3A_859, %gather3A_856 : vector<16xi32>
        %or3A_861 = arith.ori %or3A_855, %ne3A_860 : vector<16xi1>
        %gather3A_862 = tpu.vector_load_idx %arg10[%get3A_541] : memref<50000xi32, #tpu.memory_space<vmem>>[vector<16xi32>], vector<16xi32>,
        %bitcast3A_863 = vector.bitcast %gather3A_862 : vector<16xi32> to vector<32xbf16>
        %max3A_864 = arith.maximumf %bitcast3A_863, %bitcast3A_547 : vector<32xbf16>
        %bitcast3A_865 = vector.bitcast %max3A_864 : vector<32xbf16> to vector<16xi32>
        %ne3A_866 = arith.cmpi ne, %bitcast3A_865, %gather3A_862 : vector<16xi32>
        %or3A_867 = arith.ori %or3A_861, %ne3A_866 : vector<16xi1>
        %gather3A_868 = tpu.vector_load_idx %arg10[%get3A_559] : memref<50000xi32, #tpu.memory_space<vmem>>[vector<16xi32>], vector<16xi32>,
        %bitcast3A_869 = vector.bitcast %gather3A_868 : vector<16xi32> to vector<32xbf16>
        %max3A_870 = arith.maximumf %bitcast3A_869, %bitcast3A_565 : vector<32xbf16>
        %bitcast3A_871 = vector.bitcast %max3A_870 : vector<32xbf16> to vector<16xi32>
        %ne3A_872 = arith.cmpi ne, %bitcast3A_871, %gather3A_868 : vector<16xi32>
        %or3A_873 = arith.ori %or3A_867, %ne3A_872 : vector<16xi1>
        %gather3A_874 = tpu.vector_load_idx %arg10[%get3A_577] : memref<50000xi32, #tpu.memory_space<vmem>>[vector<16xi32>], vector<16xi32>,
        %bitcast3A_875 = vector.bitcast %gather3A_874 : vector<16xi32> to vector<32xbf16>
        %max3A_876 = arith.maximumf %bitcast3A_875, %bitcast3A_583 : vector<32xbf16>
        %bitcast3A_877 = vector.bitcast %max3A_876 : vector<32xbf16> to vector<16xi32>
        %ne3A_878 = arith.cmpi ne, %bitcast3A_877, %gather3A_874 : vector<16xi32>
        %or3A_879 = arith.ori %or3A_873, %ne3A_878 : vector<16xi1>
        %gather3A_880 = tpu.vector_load_idx %arg10[%get3A_595] : memref<50000xi32, #tpu.memory_space<vmem>>[vector<16xi32>], vector<16xi32>,
        %bitcast3A_881 = vector.bitcast %gather3A_880 : vector<16xi32> to vector<32xbf16>
        %max3A_882 = arith.maximumf %bitcast3A_881, %bitcast3A_601 : vector<32xbf16>
        %bitcast3A_883 = vector.bitcast %max3A_882 : vector<32xbf16> to vector<16xi32>
        %ne3A_884 = arith.cmpi ne, %bitcast3A_883, %gather3A_880 : vector<16xi32>
        %or3A_885 = arith.ori %or3A_879, %ne3A_884 : vector<16xi1>
        %gather3A_886 = tpu.vector_load_idx %arg10[%get3A_613] : memref<50000xi32, #tpu.memory_space<vmem>>[vector<16xi32>], vector<16xi32>,
        %bitcast3A_887 = vector.bitcast %gather3A_886 : vector<16xi32> to vector<32xbf16>
        %max3A_888 = arith.maximumf %bitcast3A_887, %bitcast3A_619 : vector<32xbf16>
        %bitcast3A_889 = vector.bitcast %max3A_888 : vector<32xbf16> to vector<16xi32>
        %ne3A_890 = arith.cmpi ne, %bitcast3A_889, %gather3A_886 : vector<16xi32>
        %or3A_891 = arith.ori %or3A_885, %ne3A_890 : vector<16xi1>
        %gather3A_892 = tpu.vector_load_idx %arg10[%get3A_631] : memref<50000xi32, #tpu.memory_space<vmem>>[vector<16xi32>], vector<16xi32>,
        %bitcast3A_893 = vector.bitcast %gather3A_892 : vector<16xi32> to vector<32xbf16>
        %max3A_894 = arith.maximumf %bitcast3A_893, %bitcast3A_637 : vector<32xbf16>
        %bitcast3A_895 = vector.bitcast %max3A_894 : vector<32xbf16> to vector<16xi32>
        %ne3A_896 = arith.cmpi ne, %bitcast3A_895, %gather3A_892 : vector<16xi32>
        %or3A_897 = arith.ori %or3A_891, %ne3A_896 : vector<16xi1>
        %gather3A_898 = tpu.vector_load_idx %arg10[%get3A_649] : memref<50000xi32, #tpu.memory_space<vmem>>[vector<16xi32>], vector<16xi32>,
        %bitcast3A_899 = vector.bitcast %gather3A_898 : vector<16xi32> to vector<32xbf16>
        %max3A_900 = arith.maximumf %bitcast3A_899, %bitcast3A_655 : vector<32xbf16>
        %bitcast3A_901 = vector.bitcast %max3A_900 : vector<32xbf16> to vector<16xi32>
        %ne3A_902 = arith.cmpi ne, %bitcast3A_901, %gather3A_898 : vector<16xi32>
        %or3A_903 = arith.ori %or3A_897, %ne3A_902 : vector<16xi1>
        %gather3A_904 = tpu.vector_load_idx %arg10[%get3A_667] : memref<50000xi32, #tpu.memory_space<vmem>>[vector<16xi32>], vector<16xi32>,
        %bitcast3A_905 = vector.bitcast %gather3A_904 : vector<16xi32> to vector<32xbf16>
        %max3A_906 = arith.maximumf %bitcast3A_905, %bitcast3A_673 : vector<32xbf16>
        %bitcast3A_907 = vector.bitcast %max3A_906 : vector<32xbf16> to vector<16xi32>
        %ne3A_908 = arith.cmpi ne, %bitcast3A_907, %gather3A_904 : vector<16xi32>
        %or3A_909 = arith.ori %or3A_903, %ne3A_908 : vector<16xi1>
        %gather3A_910 = tpu.vector_load_idx %arg10[%get3A_685] : memref<50000xi32, #tpu.memory_space<vmem>>[vector<16xi32>], vector<16xi32>,
        %bitcast3A_911 = vector.bitcast %gather3A_910 : vector<16xi32> to vector<32xbf16>
        %max3A_912 = arith.maximumf %bitcast3A_911, %bitcast3A_691 : vector<32xbf16>
        %bitcast3A_913 = vector.bitcast %max3A_912 : vector<32xbf16> to vector<16xi32>
        %ne3A_914 = arith.cmpi ne, %bitcast3A_913, %gather3A_910 : vector<16xi32>
        %or3A_915 = arith.ori %or3A_909, %ne3A_914 : vector<16xi1>
        %gather3A_916 = tpu.vector_load_idx %arg10[%get3A_703] : memref<50000xi32, #tpu.memory_space<vmem>>[vector<16xi32>], vector<16xi32>,
        %bitcast3A_917 = vector.bitcast %gather3A_916 : vector<16xi32> to vector<32xbf16>
        %max3A_918 = arith.maximumf %bitcast3A_917, %bitcast3A_709 : vector<32xbf16>
        %bitcast3A_919 = vector.bitcast %max3A_918 : vector<32xbf16> to vector<16xi32>
        %ne3A_920 = arith.cmpi ne, %bitcast3A_919, %gather3A_916 : vector<16xi32>
        %or3A_921 = arith.ori %or3A_915, %ne3A_920 : vector<16xi1>
        %gather3A_922 = tpu.vector_load_idx %arg10[%get3A_721] : memref<50000xi32, #tpu.memory_space<vmem>>[vector<16xi32>], vector<16xi32>,
        %bitcast3A_923 = vector.bitcast %gather3A_922 : vector<16xi32> to vector<32xbf16>
        %max3A_924 = arith.maximumf %bitcast3A_923, %bitcast3A_727 : vector<32xbf16>
        %bitcast3A_925 = vector.bitcast %max3A_924 : vector<32xbf16> to vector<16xi32>
        %ne3A_926 = arith.cmpi ne, %bitcast3A_925, %gather3A_922 : vector<16xi32>
        %or3A_927 = arith.ori %or3A_921, %ne3A_926 : vector<16xi1>
        %gather3A_928 = tpu.vector_load_idx %arg10[%get3A_739] : memref<50000xi32, #tpu.memory_space<vmem>>[vector<16xi32>], vector<16xi32>,
        %bitcast3A_929 = vector.bitcast %gather3A_928 : vector<16xi32> to vector<32xbf16>
        %max3A_930 = arith.maximumf %bitcast3A_929, %bitcast3A_745 : vector<32xbf16>
        %bitcast3A_931 = vector.bitcast %max3A_930 : vector<32xbf16> to vector<16xi32>
        %ne3A_932 = arith.cmpi ne, %bitcast3A_931, %gather3A_928 : vector<16xi32>
        %or3A_933 = arith.ori %or3A_927, %ne3A_932 : vector<16xi1>
        %gather3A_934 = tpu.vector_load_idx %arg10[%get3A_757] : memref<50000xi32, #tpu.memory_space<vmem>>[vector<16xi32>], vector<16xi32>,
        %bitcast3A_935 = vector.bitcast %gather3A_934 : vector<16xi32> to vector<32xbf16>
        %max3A_936 = arith.maximumf %bitcast3A_935, %bitcast3A_763 : vector<32xbf16>
        %bitcast3A_937 = vector.bitcast %max3A_936 : vector<32xbf16> to vector<16xi32>
        %ne3A_938 = arith.cmpi ne, %bitcast3A_937, %gather3A_934 : vector<16xi32>
        %or3A_939 = arith.ori %or3A_933, %ne3A_938 : vector<16xi1>
        %gather3A_940 = tpu.vector_load_idx %arg10[%get3A_775] : memref<50000xi32, #tpu.memory_space<vmem>>[vector<16xi32>], vector<16xi32>,
        %bitcast3A_941 = vector.bitcast %gather3A_940 : vector<16xi32> to vector<32xbf16>
        %max3A_942 = arith.maximumf %bitcast3A_941, %bitcast3A_781 : vector<32xbf16>
        %bitcast3A_943 = vector.bitcast %max3A_942 : vector<32xbf16> to vector<16xi32>
        %ne3A_944 = arith.cmpi ne, %bitcast3A_943, %gather3A_940 : vector<16xi32>
        %or3A_945 = arith.ori %or3A_939, %ne3A_944 : vector<16xi1>
        %gather3A_946 = tpu.vector_load_idx %arg10[%get3A_793] : memref<50000xi32, #tpu.memory_space<vmem>>[vector<16xi32>], vector<16xi32>,
        %bitcast3A_947 = vector.bitcast %gather3A_946 : vector<16xi32> to vector<32xbf16>
        %max3A_948 = arith.maximumf %bitcast3A_947, %bitcast3A_799 : vector<32xbf16>
        %bitcast3A_949 = vector.bitcast %max3A_948 : vector<32xbf16> to vector<16xi32>
        %ne3A_950 = arith.cmpi ne, %bitcast3A_949, %gather3A_946 : vector<16xi32>
        %or3A_951 = arith.ori %or3A_945, %ne3A_950 : vector<16xi1>
        %reduce_or3A = arith.constant 1.000000e+00 : f32
        %reduce_or3A_952 = arith.constant 0.000000e+00 : f32
        %reduce_or3A_953 = vector.broadcast %reduce_or3A : f32 to vector<16xf32>
        %reduce_or3A_954 = vector.broadcast %reduce_or3A_952 : f32 to vector<16xf32>
        %reduce_or3A_955 = arith.select %or3A_951, %reduce_or3A_953, %reduce_or3A_954 : vector<16xi1>, vector<16xf32>
        %reduce_or3A_956 = arith.constant true
        %reduce_or3A_957 = vector.broadcast %reduce_or3A_956 : i1 to vector<16xi1>
        %reduce_or3A_958 = tpu.scan <max>, %reduce_or3A_955 masked %reduce_or3A_957 : vector<16xf32>, vector<16xi1> -> vector<16xf32>
        %reduce_or3A_959 = vector.extract %reduce_or3A_958[15] : f32 from vector<16xf32>
        %reduce_or3A_960 = arith.constant 0.000000e+00 : f32
        %reduce_or3A_961 = arith.cmpf ogt, %reduce_or3A_959, %reduce_or3A_960 : f32
        %convert_element_type3A_962 = arith.extui %reduce_or3A_961 : i1 to i32
        %cond3A_963 = arith.constant 0 : i32
        %cond3A_964 = arith.cmpi ne, %convert_element_type3A_962, %cond3A_963 : i32
        scf.if %cond3A_964 {
          %reduce_or3A_966 = arith.constant 1.000000e+00 : f32
          %reduce_or3A_967 = arith.constant 0.000000e+00 : f32
          %reduce_or3A_968 = vector.broadcast %reduce_or3A_966 : f32 to vector<16xf32>
          %reduce_or3A_969 = vector.broadcast %reduce_or3A_967 : f32 to vector<16xf32>
          %reduce_or3A_970 = arith.select %or3A_951, %reduce_or3A_968, %reduce_or3A_969 : vector<16xi1>, vector<16xf32>
          %reduce_or3A_971 = arith.constant true
          %reduce_or3A_972 = vector.broadcast %reduce_or3A_971 : i1 to vector<16xi1>
          %reduce_or3A_973 = tpu.scan <max>, %reduce_or3A_970 masked %reduce_or3A_972 : vector<16xf32>, vector<16xi1> -> vector<16xf32>
          %reduce_or3A_974 = vector.extract %reduce_or3A_973[15] : f32 from vector<16xf32>
          %reduce_or3A_975 = arith.constant 0.000000e+00 : f32
          %reduce_or3A_976 = arith.cmpf ogt, %reduce_or3A_974, %reduce_or3A_975 : f32
          %while3A:26 = scf.while (%while3A_977 = %reduce_or3A_976, %while3A_978 = %ne3A_808, %while3A_979 = %ne3A_813, %while3A_980 = %ne3A_818, %while3A_981 = %ne3A_824, %while3A_982 = %ne3A_830, %while3A_983 = %ne3A_836, %while3A_984 = %ne3A_842, %while3A_985 = %ne3A_848, %while3A_986 = %ne3A_854, %while3A_987 = %ne3A_860, %while3A_988 = %ne3A_866, %while3A_989 = %ne3A_872, %while3A_990 = %ne3A_878, %while3A_991 = %ne3A_884, %while3A_992 = %ne3A_890, %while3A_993 = %ne3A_896, %while3A_994 = %ne3A_902, %while3A_995 = %ne3A_908, %while3A_996 = %ne3A_914, %while3A_997 = %ne3A_920, %while3A_998 = %ne3A_926, %while3A_999 = %ne3A_932, %while3A_1000 = %ne3A_938, %while3A_1001 = %ne3A_944, %while3A_1002 = %ne3A_950) : (i1, vector<16xi1>, vector<16xi1>, vector<16xi1>, vector<16xi1>, vector<16xi1>, vector<16xi1>, vector<16xi1>, vector<16xi1>, vector<16xi1>, vector<16xi1>, vector<16xi1>, vector<16xi1>, vector<16xi1>, vector<16xi1>, vector<16xi1>, vector<16xi1>, vector<16xi1>, vector<16xi1>, vector<16xi1>, vector<16xi1>, vector<16xi1>, vector<16xi1>, vector<16xi1>, vector<16xi1>, vector<16xi1>) -> (i1, vector<16xi1>, vector<16xi1>, vector<16xi1>, vector<16xi1>, vector<16xi1>, vector<16xi1>, vector<16xi1>, vector<16xi1>, vector<16xi1>, vector<16xi1>, vector<16xi1>, vector<16xi1>, vector<16xi1>, vector<16xi1>, vector<16xi1>, vector<16xi1>, vector<16xi1>, vector<16xi1>, vector<16xi1>, vector<16xi1>, vector<16xi1>, vector<16xi1>, vector<16xi1>, vector<16xi1>, vector<16xi1>) {
            scf.condition(%while3A_977) %while3A_977, %while3A_978, %while3A_979, %while3A_980, %while3A_981, %while3A_982, %while3A_983, %while3A_984, %while3A_985, %while3A_986, %while3A_987, %while3A_988, %while3A_989, %while3A_990, %while3A_991, %while3A_992, %while3A_993, %while3A_994, %while3A_995, %while3A_996, %while3A_997, %while3A_998, %while3A_999, %while3A_1000, %while3A_1001, %while3A_1002 : i1, vector<16xi1>, vector<16xi1>, vector<16xi1>, vector<16xi1>, vector<16xi1>, vector<16xi1>, vector<16xi1>, vector<16xi1>, vector<16xi1>, vector<16xi1>, vector<16xi1>, vector<16xi1>, vector<16xi1>, vector<16xi1>, vector<16xi1>, vector<16xi1>, vector<16xi1>, vector<16xi1>, vector<16xi1>, vector<16xi1>, vector<16xi1>, vector<16xi1>, vector<16xi1>, vector<16xi1>, vector<16xi1>
          } do {
          ^bb0(%while3A_977: i1, %while3A_978: vector<16xi1>, %while3A_979: vector<16xi1>, %while3A_980: vector<16xi1>, %while3A_981: vector<16xi1>, %while3A_982: vector<16xi1>, %while3A_983: vector<16xi1>, %while3A_984: vector<16xi1>, %while3A_985: vector<16xi1>, %while3A_986: vector<16xi1>, %while3A_987: vector<16xi1>, %while3A_988: vector<16xi1>, %while3A_989: vector<16xi1>, %while3A_990: vector<16xi1>, %while3A_991: vector<16xi1>, %while3A_992: vector<16xi1>, %while3A_993: vector<16xi1>, %while3A_994: vector<16xi1>, %while3A_995: vector<16xi1>, %while3A_996: vector<16xi1>, %while3A_997: vector<16xi1>, %while3A_998: vector<16xi1>, %while3A_999: vector<16xi1>, %while3A_1000: vector<16xi1>, %while3A_1001: vector<16xi1>, %while3A_1002: vector<16xi1>):
            %gather3A_1003 = tpu.vector_load_idx %arg10[%get3A_363] : memref<50000xi32, #tpu.memory_space<vmem>>[vector<16xi32>], vector<16xi32>,
            %bitcast3A_1004 = vector.bitcast %gather3A_1003 : vector<16xi32> to vector<32xbf16>
            %max3A_1005 = arith.maximumf %bitcast3A_1004, %bitcast3A : vector<32xbf16>
            %bitcast3A_1006 = vector.bitcast %max3A_1005 : vector<32xbf16> to vector<16xi32>
            tpu.vector_store_idx %arg10[%get3A_363], %bitcast3A_1006 masked %while3A_978 : memref<50000xi32, #tpu.memory_space<vmem>>[vector<16xi32>], vector<16xi32>, vector<16xi1>
            %gather3A_1007 = tpu.vector_load_idx %arg10[%get3A_379] : memref<50000xi32, #tpu.memory_space<vmem>>[vector<16xi32>], vector<16xi32>,
            %bitcast3A_1008 = vector.bitcast %gather3A_1007 : vector<16xi32> to vector<32xbf16>
            %max3A_1009 = arith.maximumf %bitcast3A_1008, %bitcast3A_385 : vector<32xbf16>
            %bitcast3A_1010 = vector.bitcast %max3A_1009 : vector<32xbf16> to vector<16xi32>
            tpu.vector_store_idx %arg10[%get3A_379], %bitcast3A_1010 masked %while3A_979 : memref<50000xi32, #tpu.memory_space<vmem>>[vector<16xi32>], vector<16xi32>, vector<16xi1>
            %gather3A_1011 = tpu.vector_load_idx %arg10[%get3A_397] : memref<50000xi32, #tpu.memory_space<vmem>>[vector<16xi32>], vector<16xi32>,
            %bitcast3A_1012 = vector.bitcast %gather3A_1011 : vector<16xi32> to vector<32xbf16>
            %max3A_1013 = arith.maximumf %bitcast3A_1012, %bitcast3A_403 : vector<32xbf16>
            %bitcast3A_1014 = vector.bitcast %max3A_1013 : vector<32xbf16> to vector<16xi32>
            tpu.vector_store_idx %arg10[%get3A_397], %bitcast3A_1014 masked %while3A_980 : memref<50000xi32, #tpu.memory_space<vmem>>[vector<16xi32>], vector<16xi32>, vector<16xi1>
            %gather3A_1015 = tpu.vector_load_idx %arg10[%get3A_415] : memref<50000xi32, #tpu.memory_space<vmem>>[vector<16xi32>], vector<16xi32>,
            %bitcast3A_1016 = vector.bitcast %gather3A_1015 : vector<16xi32> to vector<32xbf16>
            %max3A_1017 = arith.maximumf %bitcast3A_1016, %bitcast3A_421 : vector<32xbf16>
            %bitcast3A_1018 = vector.bitcast %max3A_1017 : vector<32xbf16> to vector<16xi32>
            tpu.vector_store_idx %arg10[%get3A_415], %bitcast3A_1018 masked %while3A_981 : memref<50000xi32, #tpu.memory_space<vmem>>[vector<16xi32>], vector<16xi32>, vector<16xi1>
            %gather3A_1019 = tpu.vector_load_idx %arg10[%get3A_433] : memref<50000xi32, #tpu.memory_space<vmem>>[vector<16xi32>], vector<16xi32>,
            %bitcast3A_1020 = vector.bitcast %gather3A_1019 : vector<16xi32> to vector<32xbf16>
            %max3A_1021 = arith.maximumf %bitcast3A_1020, %bitcast3A_439 : vector<32xbf16>
            %bitcast3A_1022 = vector.bitcast %max3A_1021 : vector<32xbf16> to vector<16xi32>
            tpu.vector_store_idx %arg10[%get3A_433], %bitcast3A_1022 masked %while3A_982 : memref<50000xi32, #tpu.memory_space<vmem>>[vector<16xi32>], vector<16xi32>, vector<16xi1>
            %gather3A_1023 = tpu.vector_load_idx %arg10[%get3A_451] : memref<50000xi32, #tpu.memory_space<vmem>>[vector<16xi32>], vector<16xi32>,
            %bitcast3A_1024 = vector.bitcast %gather3A_1023 : vector<16xi32> to vector<32xbf16>
            %max3A_1025 = arith.maximumf %bitcast3A_1024, %bitcast3A_457 : vector<32xbf16>
            %bitcast3A_1026 = vector.bitcast %max3A_1025 : vector<32xbf16> to vector<16xi32>
            tpu.vector_store_idx %arg10[%get3A_451], %bitcast3A_1026 masked %while3A_983 : memref<50000xi32, #tpu.memory_space<vmem>>[vector<16xi32>], vector<16xi32>, vector<16xi1>
            %gather3A_1027 = tpu.vector_load_idx %arg10[%get3A_469] : memref<50000xi32, #tpu.memory_space<vmem>>[vector<16xi32>], vector<16xi32>,
            %bitcast3A_1028 = vector.bitcast %gather3A_1027 : vector<16xi32> to vector<32xbf16>
            %max3A_1029 = arith.maximumf %bitcast3A_1028, %bitcast3A_475 : vector<32xbf16>
            %bitcast3A_1030 = vector.bitcast %max3A_1029 : vector<32xbf16> to vector<16xi32>
            tpu.vector_store_idx %arg10[%get3A_469], %bitcast3A_1030 masked %while3A_984 : memref<50000xi32, #tpu.memory_space<vmem>>[vector<16xi32>], vector<16xi32>, vector<16xi1>
            %gather3A_1031 = tpu.vector_load_idx %arg10[%get3A_487] : memref<50000xi32, #tpu.memory_space<vmem>>[vector<16xi32>], vector<16xi32>,
            %bitcast3A_1032 = vector.bitcast %gather3A_1031 : vector<16xi32> to vector<32xbf16>
            %max3A_1033 = arith.maximumf %bitcast3A_1032, %bitcast3A_493 : vector<32xbf16>
            %bitcast3A_1034 = vector.bitcast %max3A_1033 : vector<32xbf16> to vector<16xi32>
            tpu.vector_store_idx %arg10[%get3A_487], %bitcast3A_1034 masked %while3A_985 : memref<50000xi32, #tpu.memory_space<vmem>>[vector<16xi32>], vector<16xi32>, vector<16xi1>
            %gather3A_1035 = tpu.vector_load_idx %arg10[%get3A_505] : memref<50000xi32, #tpu.memory_space<vmem>>[vector<16xi32>], vector<16xi32>,
            %bitcast3A_1036 = vector.bitcast %gather3A_1035 : vector<16xi32> to vector<32xbf16>
            %max3A_1037 = arith.maximumf %bitcast3A_1036, %bitcast3A_511 : vector<32xbf16>
            %bitcast3A_1038 = vector.bitcast %max3A_1037 : vector<32xbf16> to vector<16xi32>
            tpu.vector_store_idx %arg10[%get3A_505], %bitcast3A_1038 masked %while3A_986 : memref<50000xi32, #tpu.memory_space<vmem>>[vector<16xi32>], vector<16xi32>, vector<16xi1>
            %gather3A_1039 = tpu.vector_load_idx %arg10[%get3A_523] : memref<50000xi32, #tpu.memory_space<vmem>>[vector<16xi32>], vector<16xi32>,
            %bitcast3A_1040 = vector.bitcast %gather3A_1039 : vector<16xi32> to vector<32xbf16>
            %max3A_1041 = arith.maximumf %bitcast3A_1040, %bitcast3A_529 : vector<32xbf16>
            %bitcast3A_1042 = vector.bitcast %max3A_1041 : vector<32xbf16> to vector<16xi32>
            tpu.vector_store_idx %arg10[%get3A_523], %bitcast3A_1042 masked %while3A_987 : memref<50000xi32, #tpu.memory_space<vmem>>[vector<16xi32>], vector<16xi32>, vector<16xi1>
            %gather3A_1043 = tpu.vector_load_idx %arg10[%get3A_541] : memref<50000xi32, #tpu.memory_space<vmem>>[vector<16xi32>], vector<16xi32>,
            %bitcast3A_1044 = vector.bitcast %gather3A_1043 : vector<16xi32> to vector<32xbf16>
            %max3A_1045 = arith.maximumf %bitcast3A_1044, %bitcast3A_547 : vector<32xbf16>
            %bitcast3A_1046 = vector.bitcast %max3A_1045 : vector<32xbf16> to vector<16xi32>
            tpu.vector_store_idx %arg10[%get3A_541], %bitcast3A_1046 masked %while3A_988 : memref<50000xi32, #tpu.memory_space<vmem>>[vector<16xi32>], vector<16xi32>, vector<16xi1>
            %gather3A_1047 = tpu.vector_load_idx %arg10[%get3A_559] : memref<50000xi32, #tpu.memory_space<vmem>>[vector<16xi32>], vector<16xi32>,
            %bitcast3A_1048 = vector.bitcast %gather3A_1047 : vector<16xi32> to vector<32xbf16>
            %max3A_1049 = arith.maximumf %bitcast3A_1048, %bitcast3A_565 : vector<32xbf16>
            %bitcast3A_1050 = vector.bitcast %max3A_1049 : vector<32xbf16> to vector<16xi32>
            tpu.vector_store_idx %arg10[%get3A_559], %bitcast3A_1050 masked %while3A_989 : memref<50000xi32, #tpu.memory_space<vmem>>[vector<16xi32>], vector<16xi32>, vector<16xi1>
            %gather3A_1051 = tpu.vector_load_idx %arg10[%get3A_577] : memref<50000xi32, #tpu.memory_space<vmem>>[vector<16xi32>], vector<16xi32>,
            %bitcast3A_1052 = vector.bitcast %gather3A_1051 : vector<16xi32> to vector<32xbf16>
            %max3A_1053 = arith.maximumf %bitcast3A_1052, %bitcast3A_583 : vector<32xbf16>
            %bitcast3A_1054 = vector.bitcast %max3A_1053 : vector<32xbf16> to vector<16xi32>
            tpu.vector_store_idx %arg10[%get3A_577], %bitcast3A_1054 masked %while3A_990 : memref<50000xi32, #tpu.memory_space<vmem>>[vector<16xi32>], vector<16xi32>, vector<16xi1>
            %gather3A_1055 = tpu.vector_load_idx %arg10[%get3A_595] : memref<50000xi32, #tpu.memory_space<vmem>>[vector<16xi32>], vector<16xi32>,
            %bitcast3A_1056 = vector.bitcast %gather3A_1055 : vector<16xi32> to vector<32xbf16>
            %max3A_1057 = arith.maximumf %bitcast3A_1056, %bitcast3A_601 : vector<32xbf16>
            %bitcast3A_1058 = vector.bitcast %max3A_1057 : vector<32xbf16> to vector<16xi32>
            tpu.vector_store_idx %arg10[%get3A_595], %bitcast3A_1058 masked %while3A_991 : memref<50000xi32, #tpu.memory_space<vmem>>[vector<16xi32>], vector<16xi32>, vector<16xi1>
            %gather3A_1059 = tpu.vector_load_idx %arg10[%get3A_613] : memref<50000xi32, #tpu.memory_space<vmem>>[vector<16xi32>], vector<16xi32>,
            %bitcast3A_1060 = vector.bitcast %gather3A_1059 : vector<16xi32> to vector<32xbf16>
            %max3A_1061 = arith.maximumf %bitcast3A_1060, %bitcast3A_619 : vector<32xbf16>
            %bitcast3A_1062 = vector.bitcast %max3A_1061 : vector<32xbf16> to vector<16xi32>
            tpu.vector_store_idx %arg10[%get3A_613], %bitcast3A_1062 masked %while3A_992 : memref<50000xi32, #tpu.memory_space<vmem>>[vector<16xi32>], vector<16xi32>, vector<16xi1>
            %gather3A_1063 = tpu.vector_load_idx %arg10[%get3A_631] : memref<50000xi32, #tpu.memory_space<vmem>>[vector<16xi32>], vector<16xi32>,
            %bitcast3A_1064 = vector.bitcast %gather3A_1063 : vector<16xi32> to vector<32xbf16>
            %max3A_1065 = arith.maximumf %bitcast3A_1064, %bitcast3A_637 : vector<32xbf16>
            %bitcast3A_1066 = vector.bitcast %max3A_1065 : vector<32xbf16> to vector<16xi32>
            tpu.vector_store_idx %arg10[%get3A_631], %bitcast3A_1066 masked %while3A_993 : memref<50000xi32, #tpu.memory_space<vmem>>[vector<16xi32>], vector<16xi32>, vector<16xi1>
            %gather3A_1067 = tpu.vector_load_idx %arg10[%get3A_649] : memref<50000xi32, #tpu.memory_space<vmem>>[vector<16xi32>], vector<16xi32>,
            %bitcast3A_1068 = vector.bitcast %gather3A_1067 : vector<16xi32> to vector<32xbf16>
            %max3A_1069 = arith.maximumf %bitcast3A_1068, %bitcast3A_655 : vector<32xbf16>
            %bitcast3A_1070 = vector.bitcast %max3A_1069 : vector<32xbf16> to vector<16xi32>
            tpu.vector_store_idx %arg10[%get3A_649], %bitcast3A_1070 masked %while3A_994 : memref<50000xi32, #tpu.memory_space<vmem>>[vector<16xi32>], vector<16xi32>, vector<16xi1>
            %gather3A_1071 = tpu.vector_load_idx %arg10[%get3A_667] : memref<50000xi32, #tpu.memory_space<vmem>>[vector<16xi32>], vector<16xi32>,
            %bitcast3A_1072 = vector.bitcast %gather3A_1071 : vector<16xi32> to vector<32xbf16>
            %max3A_1073 = arith.maximumf %bitcast3A_1072, %bitcast3A_673 : vector<32xbf16>
            %bitcast3A_1074 = vector.bitcast %max3A_1073 : vector<32xbf16> to vector<16xi32>
            tpu.vector_store_idx %arg10[%get3A_667], %bitcast3A_1074 masked %while3A_995 : memref<50000xi32, #tpu.memory_space<vmem>>[vector<16xi32>], vector<16xi32>, vector<16xi1>
            %gather3A_1075 = tpu.vector_load_idx %arg10[%get3A_685] : memref<50000xi32, #tpu.memory_space<vmem>>[vector<16xi32>], vector<16xi32>,
            %bitcast3A_1076 = vector.bitcast %gather3A_1075 : vector<16xi32> to vector<32xbf16>
            %max3A_1077 = arith.maximumf %bitcast3A_1076, %bitcast3A_691 : vector<32xbf16>
            %bitcast3A_1078 = vector.bitcast %max3A_1077 : vector<32xbf16> to vector<16xi32>
            tpu.vector_store_idx %arg10[%get3A_685], %bitcast3A_1078 masked %while3A_996 : memref<50000xi32, #tpu.memory_space<vmem>>[vector<16xi32>], vector<16xi32>, vector<16xi1>
            %gather3A_1079 = tpu.vector_load_idx %arg10[%get3A_703] : memref<50000xi32, #tpu.memory_space<vmem>>[vector<16xi32>], vector<16xi32>,
            %bitcast3A_1080 = vector.bitcast %gather3A_1079 : vector<16xi32> to vector<32xbf16>
            %max3A_1081 = arith.maximumf %bitcast3A_1080, %bitcast3A_709 : vector<32xbf16>
            %bitcast3A_1082 = vector.bitcast %max3A_1081 : vector<32xbf16> to vector<16xi32>
            tpu.vector_store_idx %arg10[%get3A_703], %bitcast3A_1082 masked %while3A_997 : memref<50000xi32, #tpu.memory_space<vmem>>[vector<16xi32>], vector<16xi32>, vector<16xi1>
            %gather3A_1083 = tpu.vector_load_idx %arg10[%get3A_721] : memref<50000xi32, #tpu.memory_space<vmem>>[vector<16xi32>], vector<16xi32>,
            %bitcast3A_1084 = vector.bitcast %gather3A_1083 : vector<16xi32> to vector<32xbf16>
            %max3A_1085 = arith.maximumf %bitcast3A_1084, %bitcast3A_727 : vector<32xbf16>
            %bitcast3A_1086 = vector.bitcast %max3A_1085 : vector<32xbf16> to vector<16xi32>
            tpu.vector_store_idx %arg10[%get3A_721], %bitcast3A_1086 masked %while3A_998 : memref<50000xi32, #tpu.memory_space<vmem>>[vector<16xi32>], vector<16xi32>, vector<16xi1>
            %gather3A_1087 = tpu.vector_load_idx %arg10[%get3A_739] : memref<50000xi32, #tpu.memory_space<vmem>>[vector<16xi32>], vector<16xi32>,
            %bitcast3A_1088 = vector.bitcast %gather3A_1087 : vector<16xi32> to vector<32xbf16>
            %max3A_1089 = arith.maximumf %bitcast3A_1088, %bitcast3A_745 : vector<32xbf16>
            %bitcast3A_1090 = vector.bitcast %max3A_1089 : vector<32xbf16> to vector<16xi32>
            tpu.vector_store_idx %arg10[%get3A_739], %bitcast3A_1090 masked %while3A_999 : memref<50000xi32, #tpu.memory_space<vmem>>[vector<16xi32>], vector<16xi32>, vector<16xi1>
            %gather3A_1091 = tpu.vector_load_idx %arg10[%get3A_757] : memref<50000xi32, #tpu.memory_space<vmem>>[vector<16xi32>], vector<16xi32>,
            %bitcast3A_1092 = vector.bitcast %gather3A_1091 : vector<16xi32> to vector<32xbf16>
            %max3A_1093 = arith.maximumf %bitcast3A_1092, %bitcast3A_763 : vector<32xbf16>
            %bitcast3A_1094 = vector.bitcast %max3A_1093 : vector<32xbf16> to vector<16xi32>
            tpu.vector_store_idx %arg10[%get3A_757], %bitcast3A_1094 masked %while3A_1000 : memref<50000xi32, #tpu.memory_space<vmem>>[vector<16xi32>], vector<16xi32>, vector<16xi1>
            %gather3A_1095 = tpu.vector_load_idx %arg10[%get3A_775] : memref<50000xi32, #tpu.memory_space<vmem>>[vector<16xi32>], vector<16xi32>,
            %bitcast3A_1096 = vector.bitcast %gather3A_1095 : vector<16xi32> to vector<32xbf16>
            %max3A_1097 = arith.maximumf %bitcast3A_1096, %bitcast3A_781 : vector<32xbf16>
            %bitcast3A_1098 = vector.bitcast %max3A_1097 : vector<32xbf16> to vector<16xi32>
            tpu.vector_store_idx %arg10[%get3A_775], %bitcast3A_1098 masked %while3A_1001 : memref<50000xi32, #tpu.memory_space<vmem>>[vector<16xi32>], vector<16xi32>, vector<16xi1>
            %gather3A_1099 = tpu.vector_load_idx %arg10[%get3A_793] : memref<50000xi32, #tpu.memory_space<vmem>>[vector<16xi32>], vector<16xi32>,
            %bitcast3A_1100 = vector.bitcast %gather3A_1099 : vector<16xi32> to vector<32xbf16>
            %max3A_1101 = arith.maximumf %bitcast3A_1100, %bitcast3A_799 : vector<32xbf16>
            %bitcast3A_1102 = vector.bitcast %max3A_1101 : vector<32xbf16> to vector<16xi32>
            tpu.vector_store_idx %arg10[%get3A_793], %bitcast3A_1102 masked %while3A_1002 : memref<50000xi32, #tpu.memory_space<vmem>>[vector<16xi32>], vector<16xi32>, vector<16xi1>
            %gather3A_1103 = tpu.vector_load_idx %arg10[%get3A_363] : memref<50000xi32, #tpu.memory_space<vmem>>[vector<16xi32>], vector<16xi32>,
            %bitcast3A_1104 = vector.bitcast %gather3A_1103 : vector<16xi32> to vector<32xbf16>
            %max3A_1105 = arith.maximumf %bitcast3A_1104, %bitcast3A : vector<32xbf16>
            %bitcast3A_1106 = vector.bitcast %max3A_1105 : vector<32xbf16> to vector<16xi32>
            %ne3A_1107 = arith.cmpi ne, %bitcast3A_1106, %gather3A_1103 : vector<16xi32>
            %and3A_1108 = arith.andi %while3A_978, %ne3A_1107 : vector<16xi1>
            %gather3A_1109 = tpu.vector_load_idx %arg10[%get3A_379] : memref<50000xi32, #tpu.memory_space<vmem>>[vector<16xi32>], vector<16xi32>,
            %bitcast3A_1110 = vector.bitcast %gather3A_1109 : vector<16xi32> to vector<32xbf16>
            %max3A_1111 = arith.maximumf %bitcast3A_1110, %bitcast3A_385 : vector<32xbf16>
            %bitcast3A_1112 = vector.bitcast %max3A_1111 : vector<32xbf16> to vector<16xi32>
            %ne3A_1113 = arith.cmpi ne, %bitcast3A_1112, %gather3A_1109 : vector<16xi32>
            %and3A_1114 = arith.andi %while3A_979, %ne3A_1113 : vector<16xi1>
            %or3A_1115 = arith.ori %and3A_1108, %and3A_1114 : vector<16xi1>
            %gather3A_1116 = tpu.vector_load_idx %arg10[%get3A_397] : memref<50000xi32, #tpu.memory_space<vmem>>[vector<16xi32>], vector<16xi32>,
            %bitcast3A_1117 = vector.bitcast %gather3A_1116 : vector<16xi32> to vector<32xbf16>
            %max3A_1118 = arith.maximumf %bitcast3A_1117, %bitcast3A_403 : vector<32xbf16>
            %bitcast3A_1119 = vector.bitcast %max3A_1118 : vector<32xbf16> to vector<16xi32>
            %ne3A_1120 = arith.cmpi ne, %bitcast3A_1119, %gather3A_1116 : vector<16xi32>
            %and3A_1121 = arith.andi %while3A_980, %ne3A_1120 : vector<16xi1>
            %or3A_1122 = arith.ori %or3A_1115, %and3A_1121 : vector<16xi1>
            %gather3A_1123 = tpu.vector_load_idx %arg10[%get3A_415] : memref<50000xi32, #tpu.memory_space<vmem>>[vector<16xi32>], vector<16xi32>,
            %bitcast3A_1124 = vector.bitcast %gather3A_1123 : vector<16xi32> to vector<32xbf16>
            %max3A_1125 = arith.maximumf %bitcast3A_1124, %bitcast3A_421 : vector<32xbf16>
            %bitcast3A_1126 = vector.bitcast %max3A_1125 : vector<32xbf16> to vector<16xi32>
            %ne3A_1127 = arith.cmpi ne, %bitcast3A_1126, %gather3A_1123 : vector<16xi32>
            %and3A_1128 = arith.andi %while3A_981, %ne3A_1127 : vector<16xi1>
            %or3A_1129 = arith.ori %or3A_1122, %and3A_1128 : vector<16xi1>
            %gather3A_1130 = tpu.vector_load_idx %arg10[%get3A_433] : memref<50000xi32, #tpu.memory_space<vmem>>[vector<16xi32>], vector<16xi32>,
            %bitcast3A_1131 = vector.bitcast %gather3A_1130 : vector<16xi32> to vector<32xbf16>
            %max3A_1132 = arith.maximumf %bitcast3A_1131, %bitcast3A_439 : vector<32xbf16>
            %bitcast3A_1133 = vector.bitcast %max3A_1132 : vector<32xbf16> to vector<16xi32>
            %ne3A_1134 = arith.cmpi ne, %bitcast3A_1133, %gather3A_1130 : vector<16xi32>
            %and3A_1135 = arith.andi %while3A_982, %ne3A_1134 : vector<16xi1>
            %or3A_1136 = arith.ori %or3A_1129, %and3A_1135 : vector<16xi1>
            %gather3A_1137 = tpu.vector_load_idx %arg10[%get3A_451] : memref<50000xi32, #tpu.memory_space<vmem>>[vector<16xi32>], vector<16xi32>,
            %bitcast3A_1138 = vector.bitcast %gather3A_1137 : vector<16xi32> to vector<32xbf16>
            %max3A_1139 = arith.maximumf %bitcast3A_1138, %bitcast3A_457 : vector<32xbf16>
            %bitcast3A_1140 = vector.bitcast %max3A_1139 : vector<32xbf16> to vector<16xi32>
            %ne3A_1141 = arith.cmpi ne, %bitcast3A_1140, %gather3A_1137 : vector<16xi32>
            %and3A_1142 = arith.andi %while3A_983, %ne3A_1141 : vector<16xi1>
            %or3A_1143 = arith.ori %or3A_1136, %and3A_1142 : vector<16xi1>
            %gather3A_1144 = tpu.vector_load_idx %arg10[%get3A_469] : memref<50000xi32, #tpu.memory_space<vmem>>[vector<16xi32>], vector<16xi32>,
            %bitcast3A_1145 = vector.bitcast %gather3A_1144 : vector<16xi32> to vector<32xbf16>
            %max3A_1146 = arith.maximumf %bitcast3A_1145, %bitcast3A_475 : vector<32xbf16>
            %bitcast3A_1147 = vector.bitcast %max3A_1146 : vector<32xbf16> to vector<16xi32>
            %ne3A_1148 = arith.cmpi ne, %bitcast3A_1147, %gather3A_1144 : vector<16xi32>
            %and3A_1149 = arith.andi %while3A_984, %ne3A_1148 : vector<16xi1>
            %or3A_1150 = arith.ori %or3A_1143, %and3A_1149 : vector<16xi1>
            %gather3A_1151 = tpu.vector_load_idx %arg10[%get3A_487] : memref<50000xi32, #tpu.memory_space<vmem>>[vector<16xi32>], vector<16xi32>,
            %bitcast3A_1152 = vector.bitcast %gather3A_1151 : vector<16xi32> to vector<32xbf16>
            %max3A_1153 = arith.maximumf %bitcast3A_1152, %bitcast3A_493 : vector<32xbf16>
            %bitcast3A_1154 = vector.bitcast %max3A_1153 : vector<32xbf16> to vector<16xi32>
            %ne3A_1155 = arith.cmpi ne, %bitcast3A_1154, %gather3A_1151 : vector<16xi32>
            %and3A_1156 = arith.andi %while3A_985, %ne3A_1155 : vector<16xi1>
            %or3A_1157 = arith.ori %or3A_1150, %and3A_1156 : vector<16xi1>
            %gather3A_1158 = tpu.vector_load_idx %arg10[%get3A_505] : memref<50000xi32, #tpu.memory_space<vmem>>[vector<16xi32>], vector<16xi32>,
            %bitcast3A_1159 = vector.bitcast %gather3A_1158 : vector<16xi32> to vector<32xbf16>
            %max3A_1160 = arith.maximumf %bitcast3A_1159, %bitcast3A_511 : vector<32xbf16>
            %bitcast3A_1161 = vector.bitcast %max3A_1160 : vector<32xbf16> to vector<16xi32>
            %ne3A_1162 = arith.cmpi ne, %bitcast3A_1161, %gather3A_1158 : vector<16xi32>
            %and3A_1163 = arith.andi %while3A_986, %ne3A_1162 : vector<16xi1>
            %or3A_1164 = arith.ori %or3A_1157, %and3A_1163 : vector<16xi1>
            %gather3A_1165 = tpu.vector_load_idx %arg10[%get3A_523] : memref<50000xi32, #tpu.memory_space<vmem>>[vector<16xi32>], vector<16xi32>,
            %bitcast3A_1166 = vector.bitcast %gather3A_1165 : vector<16xi32> to vector<32xbf16>
            %max3A_1167 = arith.maximumf %bitcast3A_1166, %bitcast3A_529 : vector<32xbf16>
            %bitcast3A_1168 = vector.bitcast %max3A_1167 : vector<32xbf16> to vector<16xi32>
            %ne3A_1169 = arith.cmpi ne, %bitcast3A_1168, %gather3A_1165 : vector<16xi32>
            %and3A_1170 = arith.andi %while3A_987, %ne3A_1169 : vector<16xi1>
            %or3A_1171 = arith.ori %or3A_1164, %and3A_1170 : vector<16xi1>
            %gather3A_1172 = tpu.vector_load_idx %arg10[%get3A_541] : memref<50000xi32, #tpu.memory_space<vmem>>[vector<16xi32>], vector<16xi32>,
            %bitcast3A_1173 = vector.bitcast %gather3A_1172 : vector<16xi32> to vector<32xbf16>
            %max3A_1174 = arith.maximumf %bitcast3A_1173, %bitcast3A_547 : vector<32xbf16>
            %bitcast3A_1175 = vector.bitcast %max3A_1174 : vector<32xbf16> to vector<16xi32>
            %ne3A_1176 = arith.cmpi ne, %bitcast3A_1175, %gather3A_1172 : vector<16xi32>
            %and3A_1177 = arith.andi %while3A_988, %ne3A_1176 : vector<16xi1>
            %or3A_1178 = arith.ori %or3A_1171, %and3A_1177 : vector<16xi1>
            %gather3A_1179 = tpu.vector_load_idx %arg10[%get3A_559] : memref<50000xi32, #tpu.memory_space<vmem>>[vector<16xi32>], vector<16xi32>,
            %bitcast3A_1180 = vector.bitcast %gather3A_1179 : vector<16xi32> to vector<32xbf16>
            %max3A_1181 = arith.maximumf %bitcast3A_1180, %bitcast3A_565 : vector<32xbf16>
            %bitcast3A_1182 = vector.bitcast %max3A_1181 : vector<32xbf16> to vector<16xi32>
            %ne3A_1183 = arith.cmpi ne, %bitcast3A_1182, %gather3A_1179 : vector<16xi32>
            %and3A_1184 = arith.andi %while3A_989, %ne3A_1183 : vector<16xi1>
            %or3A_1185 = arith.ori %or3A_1178, %and3A_1184 : vector<16xi1>
            %gather3A_1186 = tpu.vector_load_idx %arg10[%get3A_577] : memref<50000xi32, #tpu.memory_space<vmem>>[vector<16xi32>], vector<16xi32>,
            %bitcast3A_1187 = vector.bitcast %gather3A_1186 : vector<16xi32> to vector<32xbf16>
            %max3A_1188 = arith.maximumf %bitcast3A_1187, %bitcast3A_583 : vector<32xbf16>
            %bitcast3A_1189 = vector.bitcast %max3A_1188 : vector<32xbf16> to vector<16xi32>
            %ne3A_1190 = arith.cmpi ne, %bitcast3A_1189, %gather3A_1186 : vector<16xi32>
            %and3A_1191 = arith.andi %while3A_990, %ne3A_1190 : vector<16xi1>
            %or3A_1192 = arith.ori %or3A_1185, %and3A_1191 : vector<16xi1>
            %gather3A_1193 = tpu.vector_load_idx %arg10[%get3A_595] : memref<50000xi32, #tpu.memory_space<vmem>>[vector<16xi32>], vector<16xi32>,
            %bitcast3A_1194 = vector.bitcast %gather3A_1193 : vector<16xi32> to vector<32xbf16>
            %max3A_1195 = arith.maximumf %bitcast3A_1194, %bitcast3A_601 : vector<32xbf16>
            %bitcast3A_1196 = vector.bitcast %max3A_1195 : vector<32xbf16> to vector<16xi32>
            %ne3A_1197 = arith.cmpi ne, %bitcast3A_1196, %gather3A_1193 : vector<16xi32>
            %and3A_1198 = arith.andi %while3A_991, %ne3A_1197 : vector<16xi1>
            %or3A_1199 = arith.ori %or3A_1192, %and3A_1198 : vector<16xi1>
            %gather3A_1200 = tpu.vector_load_idx %arg10[%get3A_613] : memref<50000xi32, #tpu.memory_space<vmem>>[vector<16xi32>], vector<16xi32>,
            %bitcast3A_1201 = vector.bitcast %gather3A_1200 : vector<16xi32> to vector<32xbf16>
            %max3A_1202 = arith.maximumf %bitcast3A_1201, %bitcast3A_619 : vector<32xbf16>
            %bitcast3A_1203 = vector.bitcast %max3A_1202 : vector<32xbf16> to vector<16xi32>
            %ne3A_1204 = arith.cmpi ne, %bitcast3A_1203, %gather3A_1200 : vector<16xi32>
            %and3A_1205 = arith.andi %while3A_992, %ne3A_1204 : vector<16xi1>
            %or3A_1206 = arith.ori %or3A_1199, %and3A_1205 : vector<16xi1>
            %gather3A_1207 = tpu.vector_load_idx %arg10[%get3A_631] : memref<50000xi32, #tpu.memory_space<vmem>>[vector<16xi32>], vector<16xi32>,
            %bitcast3A_1208 = vector.bitcast %gather3A_1207 : vector<16xi32> to vector<32xbf16>
            %max3A_1209 = arith.maximumf %bitcast3A_1208, %bitcast3A_637 : vector<32xbf16>
            %bitcast3A_1210 = vector.bitcast %max3A_1209 : vector<32xbf16> to vector<16xi32>
            %ne3A_1211 = arith.cmpi ne, %bitcast3A_1210, %gather3A_1207 : vector<16xi32>
            %and3A_1212 = arith.andi %while3A_993, %ne3A_1211 : vector<16xi1>
            %or3A_1213 = arith.ori %or3A_1206, %and3A_1212 : vector<16xi1>
            %gather3A_1214 = tpu.vector_load_idx %arg10[%get3A_649] : memref<50000xi32, #tpu.memory_space<vmem>>[vector<16xi32>], vector<16xi32>,
            %bitcast3A_1215 = vector.bitcast %gather3A_1214 : vector<16xi32> to vector<32xbf16>
            %max3A_1216 = arith.maximumf %bitcast3A_1215, %bitcast3A_655 : vector<32xbf16>
            %bitcast3A_1217 = vector.bitcast %max3A_1216 : vector<32xbf16> to vector<16xi32>
            %ne3A_1218 = arith.cmpi ne, %bitcast3A_1217, %gather3A_1214 : vector<16xi32>
            %and3A_1219 = arith.andi %while3A_994, %ne3A_1218 : vector<16xi1>
            %or3A_1220 = arith.ori %or3A_1213, %and3A_1219 : vector<16xi1>
            %gather3A_1221 = tpu.vector_load_idx %arg10[%get3A_667] : memref<50000xi32, #tpu.memory_space<vmem>>[vector<16xi32>], vector<16xi32>,
            %bitcast3A_1222 = vector.bitcast %gather3A_1221 : vector<16xi32> to vector<32xbf16>
            %max3A_1223 = arith.maximumf %bitcast3A_1222, %bitcast3A_673 : vector<32xbf16>
            %bitcast3A_1224 = vector.bitcast %max3A_1223 : vector<32xbf16> to vector<16xi32>
            %ne3A_1225 = arith.cmpi ne, %bitcast3A_1224, %gather3A_1221 : vector<16xi32>
            %and3A_1226 = arith.andi %while3A_995, %ne3A_1225 : vector<16xi1>
            %or3A_1227 = arith.ori %or3A_1220, %and3A_1226 : vector<16xi1>
            %gather3A_1228 = tpu.vector_load_idx %arg10[%get3A_685] : memref<50000xi32, #tpu.memory_space<vmem>>[vector<16xi32>], vector<16xi32>,
            %bitcast3A_1229 = vector.bitcast %gather3A_1228 : vector<16xi32> to vector<32xbf16>
            %max3A_1230 = arith.maximumf %bitcast3A_1229, %bitcast3A_691 : vector<32xbf16>
            %bitcast3A_1231 = vector.bitcast %max3A_1230 : vector<32xbf16> to vector<16xi32>
            %ne3A_1232 = arith.cmpi ne, %bitcast3A_1231, %gather3A_1228 : vector<16xi32>
            %and3A_1233 = arith.andi %while3A_996, %ne3A_1232 : vector<16xi1>
            %or3A_1234 = arith.ori %or3A_1227, %and3A_1233 : vector<16xi1>
            %gather3A_1235 = tpu.vector_load_idx %arg10[%get3A_703] : memref<50000xi32, #tpu.memory_space<vmem>>[vector<16xi32>], vector<16xi32>,
            %bitcast3A_1236 = vector.bitcast %gather3A_1235 : vector<16xi32> to vector<32xbf16>
            %max3A_1237 = arith.maximumf %bitcast3A_1236, %bitcast3A_709 : vector<32xbf16>
            %bitcast3A_1238 = vector.bitcast %max3A_1237 : vector<32xbf16> to vector<16xi32>
            %ne3A_1239 = arith.cmpi ne, %bitcast3A_1238, %gather3A_1235 : vector<16xi32>
            %and3A_1240 = arith.andi %while3A_997, %ne3A_1239 : vector<16xi1>
            %or3A_1241 = arith.ori %or3A_1234, %and3A_1240 : vector<16xi1>
            %gather3A_1242 = tpu.vector_load_idx %arg10[%get3A_721] : memref<50000xi32, #tpu.memory_space<vmem>>[vector<16xi32>], vector<16xi32>,
            %bitcast3A_1243 = vector.bitcast %gather3A_1242 : vector<16xi32> to vector<32xbf16>
            %max3A_1244 = arith.maximumf %bitcast3A_1243, %bitcast3A_727 : vector<32xbf16>
            %bitcast3A_1245 = vector.bitcast %max3A_1244 : vector<32xbf16> to vector<16xi32>
            %ne3A_1246 = arith.cmpi ne, %bitcast3A_1245, %gather3A_1242 : vector<16xi32>
            %and3A_1247 = arith.andi %while3A_998, %ne3A_1246 : vector<16xi1>
            %or3A_1248 = arith.ori %or3A_1241, %and3A_1247 : vector<16xi1>
            %gather3A_1249 = tpu.vector_load_idx %arg10[%get3A_739] : memref<50000xi32, #tpu.memory_space<vmem>>[vector<16xi32>], vector<16xi32>,
            %bitcast3A_1250 = vector.bitcast %gather3A_1249 : vector<16xi32> to vector<32xbf16>
            %max3A_1251 = arith.maximumf %bitcast3A_1250, %bitcast3A_745 : vector<32xbf16>
            %bitcast3A_1252 = vector.bitcast %max3A_1251 : vector<32xbf16> to vector<16xi32>
            %ne3A_1253 = arith.cmpi ne, %bitcast3A_1252, %gather3A_1249 : vector<16xi32>
            %and3A_1254 = arith.andi %while3A_999, %ne3A_1253 : vector<16xi1>
            %or3A_1255 = arith.ori %or3A_1248, %and3A_1254 : vector<16xi1>
            %gather3A_1256 = tpu.vector_load_idx %arg10[%get3A_757] : memref<50000xi32, #tpu.memory_space<vmem>>[vector<16xi32>], vector<16xi32>,
            %bitcast3A_1257 = vector.bitcast %gather3A_1256 : vector<16xi32> to vector<32xbf16>
            %max3A_1258 = arith.maximumf %bitcast3A_1257, %bitcast3A_763 : vector<32xbf16>
            %bitcast3A_1259 = vector.bitcast %max3A_1258 : vector<32xbf16> to vector<16xi32>
            %ne3A_1260 = arith.cmpi ne, %bitcast3A_1259, %gather3A_1256 : vector<16xi32>
            %and3A_1261 = arith.andi %while3A_1000, %ne3A_1260 : vector<16xi1>
            %or3A_1262 = arith.ori %or3A_1255, %and3A_1261 : vector<16xi1>
            %gather3A_1263 = tpu.vector_load_idx %arg10[%get3A_775] : memref<50000xi32, #tpu.memory_space<vmem>>[vector<16xi32>], vector<16xi32>,
            %bitcast3A_1264 = vector.bitcast %gather3A_1263 : vector<16xi32> to vector<32xbf16>
            %max3A_1265 = arith.maximumf %bitcast3A_1264, %bitcast3A_781 : vector<32xbf16>
            %bitcast3A_1266 = vector.bitcast %max3A_1265 : vector<32xbf16> to vector<16xi32>
            %ne3A_1267 = arith.cmpi ne, %bitcast3A_1266, %gather3A_1263 : vector<16xi32>
            %and3A_1268 = arith.andi %while3A_1001, %ne3A_1267 : vector<16xi1>
            %or3A_1269 = arith.ori %or3A_1262, %and3A_1268 : vector<16xi1>
            %gather3A_1270 = tpu.vector_load_idx %arg10[%get3A_793] : memref<50000xi32, #tpu.memory_space<vmem>>[vector<16xi32>], vector<16xi32>,
            %bitcast3A_1271 = vector.bitcast %gather3A_1270 : vector<16xi32> to vector<32xbf16>
            %max3A_1272 = arith.maximumf %bitcast3A_1271, %bitcast3A_799 : vector<32xbf16>
            %bitcast3A_1273 = vector.bitcast %max3A_1272 : vector<32xbf16> to vector<16xi32>
            %ne3A_1274 = arith.cmpi ne, %bitcast3A_1273, %gather3A_1270 : vector<16xi32>
            %and3A_1275 = arith.andi %while3A_1002, %ne3A_1274 : vector<16xi1>
            %or3A_1276 = arith.ori %or3A_1269, %and3A_1275 : vector<16xi1>
            %reduce_or3A_1277 = arith.constant 1.000000e+00 : f32
            %reduce_or3A_1278 = arith.constant 0.000000e+00 : f32
            %reduce_or3A_1279 = vector.broadcast %reduce_or3A_1277 : f32 to vector<16xf32>
            %reduce_or3A_1280 = vector.broadcast %reduce_or3A_1278 : f32 to vector<16xf32>
            %reduce_or3A_1281 = arith.select %or3A_1276, %reduce_or3A_1279, %reduce_or3A_1280 : vector<16xi1>, vector<16xf32>
            %reduce_or3A_1282 = arith.constant true
            %reduce_or3A_1283 = vector.broadcast %reduce_or3A_1282 : i1 to vector<16xi1>
            %reduce_or3A_1284 = tpu.scan <max>, %reduce_or3A_1281 masked %reduce_or3A_1283 : vector<16xf32>, vector<16xi1> -> vector<16xf32>
            %reduce_or3A_1285 = vector.extract %reduce_or3A_1284[15] : f32 from vector<16xf32>
            %reduce_or3A_1286 = arith.constant 0.000000e+00 : f32
            %reduce_or3A_1287 = arith.cmpf ogt, %reduce_or3A_1285, %reduce_or3A_1286 : f32
            scf.yield %reduce_or3A_1287, %and3A_1108, %and3A_1114, %and3A_1121, %and3A_1128, %and3A_1135, %and3A_1142, %and3A_1149, %and3A_1156, %and3A_1163, %and3A_1170, %and3A_1177, %and3A_1184, %and3A_1191, %and3A_1198, %and3A_1205, %and3A_1212, %and3A_1219, %and3A_1226, %and3A_1233, %and3A_1240, %and3A_1247, %and3A_1254, %and3A_1261, %and3A_1268, %and3A_1275 : i1, vector<16xi1>, vector<16xi1>, vector<16xi1>, vector<16xi1>, vector<16xi1>, vector<16xi1>, vector<16xi1>, vector<16xi1>, vector<16xi1>, vector<16xi1>, vector<16xi1>, vector<16xi1>, vector<16xi1>, vector<16xi1>, vector<16xi1>, vector<16xi1>, vector<16xi1>, vector<16xi1>, vector<16xi1>, vector<16xi1>, vector<16xi1>, vector<16xi1>, vector<16xi1>, vector<16xi1>, vector<16xi1>
          }
        } else {
        }
        %scan3A_965 = arith.constant 0 : i32
        scf.yield %scan3A_965 : i32
      }
      %scan3A_346 = arith.constant 8 : i32
      %add3A_347 = arith.constant 2 : i32
      %add3A_348 = arith.addi %add3A_320, %add3A_347 : i32
      %lt3A_349 = arith.constant 125 : i32
      %lt3A_350 = arith.cmpi slt, %add3A_348, %lt3A_349 : i32
      %convert_element_type3A_351 = arith.extui %lt3A_350 : i1 to i32
      %cond3A_352 = arith.constant 0 : i32
      %cond3A_353 = arith.cmpi ne, %convert_element_type3A_351, %cond3A_352 : i32
      scf.if %cond3A_353 {
        %add3A_355 = arith.constant 2 : i32
        %add3A_356 = arith.addi %add3A_320, %add3A_355 : i32
        %mul3A_357 = arith.constant 3200 : i32
        %mul3A_358 = arith.muli %add3A_356, %mul3A_357 : i32
        %add3A_359 = arith.addi %mul3A_96, %mul3A_358 : i32
        %dma_start3A_360 = arith.constant 0 : i32
        %dma_start3A_361 = arith.constant 1 : i32
        %dma_start3A_362 = tpu.memref_slice %arg3[%dma_start3A_360, %add3A_359] : memref<2x1600000xi32, #tpu.memory_space<hbm>> -> memref<1x3200xi32, #tpu.memory_space<hbm>>
        %dma_start3A_363 = tpu.memref_squeeze %dma_start3A_362 : memref<1x3200xi32, #tpu.memory_space<hbm>> -> memref<3200xi32, #tpu.memory_space<hbm>>
        %dma_start3A_364 = tpu.memref_slice %arg16[%dma_start3A_361] : memref<2x!tpu.dma_semaphore, #tpu.memory_space<semaphore_mem>> -> memref<1x!tpu.dma_semaphore, #tpu.memory_space<semaphore_mem>>
        %dma_start3A_365 = tpu.memref_squeeze %dma_start3A_364 : memref<1x!tpu.dma_semaphore, #tpu.memory_space<semaphore_mem>> -> memref<!tpu.dma_semaphore, #tpu.memory_space<semaphore_mem>>
        %dma_start3A_366 = tpu.memref_slice %arg3[%dma_start3A_360, %add3A_359] : memref<2x1600000xi32, #tpu.memory_space<hbm>> -> memref<1x3200xi32, #tpu.memory_space<hbm>>
        %dma_start3A_367 = tpu.memref_squeeze %dma_start3A_366 : memref<1x3200xi32, #tpu.memory_space<hbm>> -> memref<3200xi32, #tpu.memory_space<hbm>>
        tpu.enqueue_dma source(%dma_start3A_367 : memref<3200xi32, #tpu.memory_space<hbm>>) target(%arg12 : memref<3200xi32, #tpu.memory_space<vmem>>) target_semaphore(%dma_start3A_365 : memref<!tpu.dma_semaphore, #tpu.memory_space<semaphore_mem>>)
        %dma_start3A_368 = arith.constant 1 : i32
        %dma_start3A_369 = arith.constant 1 : i32
        %dma_start3A_370 = tpu.memref_slice %arg3[%dma_start3A_368, %add3A_359] : memref<2x1600000xi32, #tpu.memory_space<hbm>> -> memref<1x3200xi32, #tpu.memory_space<hbm>>
        %dma_start3A_371 = tpu.memref_squeeze %dma_start3A_370 : memref<1x3200xi32, #tpu.memory_space<hbm>> -> memref<3200xi32, #tpu.memory_space<hbm>>
        %dma_start3A_372 = tpu.memref_slice %arg16[%dma_start3A_369] : memref<2x!tpu.dma_semaphore, #tpu.memory_space<semaphore_mem>> -> memref<1x!tpu.dma_semaphore, #tpu.memory_space<semaphore_mem>>
        %dma_start3A_373 = tpu.memref_squeeze %dma_start3A_372 : memref<1x!tpu.dma_semaphore, #tpu.memory_space<semaphore_mem>> -> memref<!tpu.dma_semaphore, #tpu.memory_space<semaphore_mem>>
        %dma_start3A_374 = tpu.memref_slice %arg3[%dma_start3A_368, %add3A_359] : memref<2x1600000xi32, #tpu.memory_space<hbm>> -> memref<1x3200xi32, #tpu.memory_space<hbm>>
        %dma_start3A_375 = tpu.memref_squeeze %dma_start3A_374 : memref<1x3200xi32, #tpu.memory_space<hbm>> -> memref<3200xi32, #tpu.memory_space<hbm>>
        tpu.enqueue_dma source(%dma_start3A_375 : memref<3200xi32, #tpu.memory_space<hbm>>) target(%arg14 : memref<3200xi32, #tpu.memory_space<vmem>>) target_semaphore(%dma_start3A_373 : memref<!tpu.dma_semaphore, #tpu.memory_space<semaphore_mem>>)
      } else {
      }
      %scan3A_354 = arith.constant 0 : i32
      scf.yield %scan3A_354 : i32
    }
    %scan3A_139 = arith.constant 62 : i32
    %add3A_140 = arith.constant 396800 : i32
    %add3A_141 = arith.addi %mul3A_96, %add3A_140 : i32
    %dma_wait3A_142 = arith.constant 0 : i32
    %dma_wait3A_143 = arith.constant 0 : i32
    %dma_wait3A_144 = tpu.memref_slice %arg3[%dma_wait3A_142, %add3A_141] : memref<2x1600000xi32, #tpu.memory_space<hbm>> -> memref<1x3200xi32, #tpu.memory_space<hbm>>
    %dma_wait3A_145 = tpu.memref_squeeze %dma_wait3A_144 : memref<1x3200xi32, #tpu.memory_space<hbm>> -> memref<3200xi32, #tpu.memory_space<hbm>>
    %dma_wait3A_146 = tpu.memref_slice %arg16[%dma_wait3A_143] : memref<2x!tpu.dma_semaphore, #tpu.memory_space<semaphore_mem>> -> memref<1x!tpu.dma_semaphore, #tpu.memory_space<semaphore_mem>>
    %dma_wait3A_147 = tpu.memref_squeeze %dma_wait3A_146 : memref<1x!tpu.dma_semaphore, #tpu.memory_space<semaphore_mem>> -> memref<!tpu.dma_semaphore, #tpu.memory_space<semaphore_mem>>
    %dma_wait3A_148 = tpu.memref_slice %arg3[%dma_wait3A_142, %add3A_141] : memref<2x1600000xi32, #tpu.memory_space<hbm>> -> memref<1x3200xi32, #tpu.memory_space<hbm>>
    %dma_wait3A_149 = tpu.memref_squeeze %dma_wait3A_148 : memref<1x3200xi32, #tpu.memory_space<hbm>> -> memref<3200xi32, #tpu.memory_space<hbm>>
    tpu.wait_dma2 semaphore(%dma_wait3A_147 : memref<!tpu.dma_semaphore, #tpu.memory_space<semaphore_mem>>) src(%dma_wait3A_149 : memref<3200xi32, #tpu.memory_space<hbm>>) dst(%arg11 : memref<3200xi32, #tpu.memory_space<vmem>>)
    %dma_wait3A_150 = arith.constant 1 : i32
    %dma_wait3A_151 = arith.constant 0 : i32
    %dma_wait3A_152 = tpu.memref_slice %arg3[%dma_wait3A_150, %add3A_141] : memref<2x1600000xi32, #tpu.memory_space<hbm>> -> memref<1x3200xi32, #tpu.memory_space<hbm>>
    %dma_wait3A_153 = tpu.memref_squeeze %dma_wait3A_152 : memref<1x3200xi32, #tpu.memory_space<hbm>> -> memref<3200xi32, #tpu.memory_space<hbm>>
    %dma_wait3A_154 = tpu.memref_slice %arg16[%dma_wait3A_151] : memref<2x!tpu.dma_semaphore, #tpu.memory_space<semaphore_mem>> -> memref<1x!tpu.dma_semaphore, #tpu.memory_space<semaphore_mem>>
    %dma_wait3A_155 = tpu.memref_squeeze %dma_wait3A_154 : memref<1x!tpu.dma_semaphore, #tpu.memory_space<semaphore_mem>> -> memref<!tpu.dma_semaphore, #tpu.memory_space<semaphore_mem>>
    %dma_wait3A_156 = tpu.memref_slice %arg3[%dma_wait3A_150, %add3A_141] : memref<2x1600000xi32, #tpu.memory_space<hbm>> -> memref<1x3200xi32, #tpu.memory_space<hbm>>
    %dma_wait3A_157 = tpu.memref_squeeze %dma_wait3A_156 : memref<1x3200xi32, #tpu.memory_space<hbm>> -> memref<3200xi32, #tpu.memory_space<hbm>>
    tpu.wait_dma2 semaphore(%dma_wait3A_155 : memref<!tpu.dma_semaphore, #tpu.memory_space<semaphore_mem>>) src(%dma_wait3A_157 : memref<3200xi32, #tpu.memory_space<hbm>>) dst(%arg13 : memref<3200xi32, #tpu.memory_space<vmem>>)
    %scan3A_158 = arith.constant 0 : i32
    %scan3A_159 = arith.constant 0 : i32
    %scan3A_160 = arith.constant 8 : i32
    %scan3A_161 = arith.addi %scan3A_159, %scan3A_160 : i32
    %scan3A_162 = arith.constant 1 : i32
    %scan3A_163 = scf.for %scan3A_280 = %scan3A_159 to %scan3A_161 step %scan3A_162 iter_args(%scan3A_281 = %scan3A_158) -> (i32)  : i32 {
      %mul3A_282 = arith.constant 25 : i32
      %mul3A_283 = arith.muli %scan3A_280, %mul3A_282 : i32
      %add3A_284 = arith.constant 0 : i32
      %add3A_285 = arith.addi %mul3A_283, %add3A_284 : i32
      %mul3A_286 = arith.constant 16 : i32
      %mul3A_287 = arith.muli %add3A_285, %mul3A_286 : i32
      %get3A = arith.index_cast %mul3A_287 : i32 to index
      %get3A_288 = tpu.vector_load %arg11[%get3A] {strides = array<i32>} : memref<3200xi32, #tpu.memory_space<vmem>>, vector<16xi32>,
      %mul3A_289 = arith.constant 16 : i32
      %mul3A_290 = arith.muli %add3A_285, %mul3A_289 : i32
      %get3A_291 = arith.index_cast %mul3A_290 : i32 to index
      %get3A_292 = tpu.vector_load %arg13[%get3A_291] {strides = array<i32>} : memref<3200xi32, #tpu.memory_space<vmem>>, vector<16xi32>,
      %gather3A_293 = tpu.vector_load_idx %arg9[%get3A_292] : memref<50000xi32, #tpu.memory_space<vmem>>[vector<16xi32>], vector<16xi32>,
      %bitcast3A = vector.bitcast %gather3A_293 : vector<16xi32> to vector<32xbf16>
      %gather3A_294 = tpu.vector_load_idx %arg10[%get3A_288] : memref<50000xi32, #tpu.memory_space<vmem>>[vector<16xi32>], vector<16xi32>,
      %bitcast3A_295 = vector.bitcast %gather3A_294 : vector<16xi32> to vector<32xbf16>
      %max3A = arith.maximumf %bitcast3A_295, %bitcast3A : vector<32xbf16>
      %bitcast3A_296 = vector.bitcast %max3A : vector<32xbf16> to vector<16xi32>
      tpu.vector_store_idx %arg10[%get3A_288], %bitcast3A_296 : memref<50000xi32, #tpu.memory_space<vmem>>[vector<16xi32>], vector<16xi32>,
      %mul3A_297 = arith.constant 25 : i32
      %mul3A_298 = arith.muli %scan3A_280, %mul3A_297 : i32
      %add3A_299 = arith.constant 1 : i32
      %add3A_300 = arith.addi %mul3A_298, %add3A_299 : i32
      %mul3A_301 = arith.constant 16 : i32
      %mul3A_302 = arith.muli %add3A_300, %mul3A_301 : i32
      %get3A_303 = arith.index_cast %mul3A_302 : i32 to index
      %get3A_304 = tpu.vector_load %arg11[%get3A_303] {strides = array<i32>} : memref<3200xi32, #tpu.memory_space<vmem>>, vector<16xi32>,
      %mul3A_305 = arith.constant 16 : i32
      %mul3A_306 = arith.muli %add3A_300, %mul3A_305 : i32
      %get3A_307 = arith.index_cast %mul3A_306 : i32 to index
      %get3A_308 = tpu.vector_load %arg13[%get3A_307] {strides = array<i32>} : memref<3200xi32, #tpu.memory_space<vmem>>, vector<16xi32>,
      %gather3A_309 = tpu.vector_load_idx %arg9[%get3A_308] : memref<50000xi32, #tpu.memory_space<vmem>>[vector<16xi32>], vector<16xi32>,
      %bitcast3A_310 = vector.bitcast %gather3A_309 : vector<16xi32> to vector<32xbf16>
      %gather3A_311 = tpu.vector_load_idx %arg10[%get3A_304] : memref<50000xi32, #tpu.memory_space<vmem>>[vector<16xi32>], vector<16xi32>,
      %bitcast3A_312 = vector.bitcast %gather3A_311 : vector<16xi32> to vector<32xbf16>
      %max3A_313 = arith.maximumf %bitcast3A_312, %bitcast3A_310 : vector<32xbf16>
      %bitcast3A_314 = vector.bitcast %max3A_313 : vector<32xbf16> to vector<16xi32>
      tpu.vector_store_idx %arg10[%get3A_304], %bitcast3A_314 : memref<50000xi32, #tpu.memory_space<vmem>>[vector<16xi32>], vector<16xi32>,
      %mul3A_315 = arith.constant 25 : i32
      %mul3A_316 = arith.muli %scan3A_280, %mul3A_315 : i32
      %add3A_317 = arith.constant 2 : i32
      %add3A_318 = arith.addi %mul3A_316, %add3A_317 : i32
      %mul3A_319 = arith.constant 16 : i32
      %mul3A_320 = arith.muli %add3A_318, %mul3A_319 : i32
      %get3A_321 = arith.index_cast %mul3A_320 : i32 to index
      %get3A_322 = tpu.vector_load %arg11[%get3A_321] {strides = array<i32>} : memref<3200xi32, #tpu.memory_space<vmem>>, vector<16xi32>,
      %mul3A_323 = arith.constant 16 : i32
      %mul3A_324 = arith.muli %add3A_318, %mul3A_323 : i32
      %get3A_325 = arith.index_cast %mul3A_324 : i32 to index
      %get3A_326 = tpu.vector_load %arg13[%get3A_325] {strides = array<i32>} : memref<3200xi32, #tpu.memory_space<vmem>>, vector<16xi32>,
      %gather3A_327 = tpu.vector_load_idx %arg9[%get3A_326] : memref<50000xi32, #tpu.memory_space<vmem>>[vector<16xi32>], vector<16xi32>,
      %bitcast3A_328 = vector.bitcast %gather3A_327 : vector<16xi32> to vector<32xbf16>
      %gather3A_329 = tpu.vector_load_idx %arg10[%get3A_322] : memref<50000xi32, #tpu.memory_space<vmem>>[vector<16xi32>], vector<16xi32>,
      %bitcast3A_330 = vector.bitcast %gather3A_329 : vector<16xi32> to vector<32xbf16>
      %max3A_331 = arith.maximumf %bitcast3A_330, %bitcast3A_328 : vector<32xbf16>
      %bitcast3A_332 = vector.bitcast %max3A_331 : vector<32xbf16> to vector<16xi32>
      tpu.vector_store_idx %arg10[%get3A_322], %bitcast3A_332 : memref<50000xi32, #tpu.memory_space<vmem>>[vector<16xi32>], vector<16xi32>,
      %mul3A_333 = arith.constant 25 : i32
      %mul3A_334 = arith.muli %scan3A_280, %mul3A_333 : i32
      %add3A_335 = arith.constant 3 : i32
      %add3A_336 = arith.addi %mul3A_334, %add3A_335 : i32
      %mul3A_337 = arith.constant 16 : i32
      %mul3A_338 = arith.muli %add3A_336, %mul3A_337 : i32
      %get3A_339 = arith.index_cast %mul3A_338 : i32 to index
      %get3A_340 = tpu.vector_load %arg11[%get3A_339] {strides = array<i32>} : memref<3200xi32, #tpu.memory_space<vmem>>, vector<16xi32>,
      %mul3A_341 = arith.constant 16 : i32
      %mul3A_342 = arith.muli %add3A_336, %mul3A_341 : i32
      %get3A_343 = arith.index_cast %mul3A_342 : i32 to index
      %get3A_344 = tpu.vector_load %arg13[%get3A_343] {strides = array<i32>} : memref<3200xi32, #tpu.memory_space<vmem>>, vector<16xi32>,
      %gather3A_345 = tpu.vector_load_idx %arg9[%get3A_344] : memref<50000xi32, #tpu.memory_space<vmem>>[vector<16xi32>], vector<16xi32>,
      %bitcast3A_346 = vector.bitcast %gather3A_345 : vector<16xi32> to vector<32xbf16>
      %gather3A_347 = tpu.vector_load_idx %arg10[%get3A_340] : memref<50000xi32, #tpu.memory_space<vmem>>[vector<16xi32>], vector<16xi32>,
      %bitcast3A_348 = vector.bitcast %gather3A_347 : vector<16xi32> to vector<32xbf16>
      %max3A_349 = arith.maximumf %bitcast3A_348, %bitcast3A_346 : vector<32xbf16>
      %bitcast3A_350 = vector.bitcast %max3A_349 : vector<32xbf16> to vector<16xi32>
      tpu.vector_store_idx %arg10[%get3A_340], %bitcast3A_350 : memref<50000xi32, #tpu.memory_space<vmem>>[vector<16xi32>], vector<16xi32>,
      %mul3A_351 = arith.constant 25 : i32
      %mul3A_352 = arith.muli %scan3A_280, %mul3A_351 : i32
      %add3A_353 = arith.constant 4 : i32
      %add3A_354 = arith.addi %mul3A_352, %add3A_353 : i32
      %mul3A_355 = arith.constant 16 : i32
      %mul3A_356 = arith.muli %add3A_354, %mul3A_355 : i32
      %get3A_357 = arith.index_cast %mul3A_356 : i32 to index
      %get3A_358 = tpu.vector_load %arg11[%get3A_357] {strides = array<i32>} : memref<3200xi32, #tpu.memory_space<vmem>>, vector<16xi32>,
      %mul3A_359 = arith.constant 16 : i32
      %mul3A_360 = arith.muli %add3A_354, %mul3A_359 : i32
      %get3A_361 = arith.index_cast %mul3A_360 : i32 to index
      %get3A_362 = tpu.vector_load %arg13[%get3A_361] {strides = array<i32>} : memref<3200xi32, #tpu.memory_space<vmem>>, vector<16xi32>,
      %gather3A_363 = tpu.vector_load_idx %arg9[%get3A_362] : memref<50000xi32, #tpu.memory_space<vmem>>[vector<16xi32>], vector<16xi32>,
      %bitcast3A_364 = vector.bitcast %gather3A_363 : vector<16xi32> to vector<32xbf16>
      %gather3A_365 = tpu.vector_load_idx %arg10[%get3A_358] : memref<50000xi32, #tpu.memory_space<vmem>>[vector<16xi32>], vector<16xi32>,
      %bitcast3A_366 = vector.bitcast %gather3A_365 : vector<16xi32> to vector<32xbf16>
      %max3A_367 = arith.maximumf %bitcast3A_366, %bitcast3A_364 : vector<32xbf16>
      %bitcast3A_368 = vector.bitcast %max3A_367 : vector<32xbf16> to vector<16xi32>
      tpu.vector_store_idx %arg10[%get3A_358], %bitcast3A_368 : memref<50000xi32, #tpu.memory_space<vmem>>[vector<16xi32>], vector<16xi32>,
      %mul3A_369 = arith.constant 25 : i32
      %mul3A_370 = arith.muli %scan3A_280, %mul3A_369 : i32
      %add3A_371 = arith.constant 5 : i32
      %add3A_372 = arith.addi %mul3A_370, %add3A_371 : i32
      %mul3A_373 = arith.constant 16 : i32
      %mul3A_374 = arith.muli %add3A_372, %mul3A_373 : i32
      %get3A_375 = arith.index_cast %mul3A_374 : i32 to index
      %get3A_376 = tpu.vector_load %arg11[%get3A_375] {strides = array<i32>} : memref<3200xi32, #tpu.memory_space<vmem>>, vector<16xi32>,
      %mul3A_377 = arith.constant 16 : i32
      %mul3A_378 = arith.muli %add3A_372, %mul3A_377 : i32
      %get3A_379 = arith.index_cast %mul3A_378 : i32 to index
      %get3A_380 = tpu.vector_load %arg13[%get3A_379] {strides = array<i32>} : memref<3200xi32, #tpu.memory_space<vmem>>, vector<16xi32>,
      %gather3A_381 = tpu.vector_load_idx %arg9[%get3A_380] : memref<50000xi32, #tpu.memory_space<vmem>>[vector<16xi32>], vector<16xi32>,
      %bitcast3A_382 = vector.bitcast %gather3A_381 : vector<16xi32> to vector<32xbf16>
      %gather3A_383 = tpu.vector_load_idx %arg10[%get3A_376] : memref<50000xi32, #tpu.memory_space<vmem>>[vector<16xi32>], vector<16xi32>,
      %bitcast3A_384 = vector.bitcast %gather3A_383 : vector<16xi32> to vector<32xbf16>
      %max3A_385 = arith.maximumf %bitcast3A_384, %bitcast3A_382 : vector<32xbf16>
      %bitcast3A_386 = vector.bitcast %max3A_385 : vector<32xbf16> to vector<16xi32>
      tpu.vector_store_idx %arg10[%get3A_376], %bitcast3A_386 : memref<50000xi32, #tpu.memory_space<vmem>>[vector<16xi32>], vector<16xi32>,
      %mul3A_387 = arith.constant 25 : i32
      %mul3A_388 = arith.muli %scan3A_280, %mul3A_387 : i32
      %add3A_389 = arith.constant 6 : i32
      %add3A_390 = arith.addi %mul3A_388, %add3A_389 : i32
      %mul3A_391 = arith.constant 16 : i32
      %mul3A_392 = arith.muli %add3A_390, %mul3A_391 : i32
      %get3A_393 = arith.index_cast %mul3A_392 : i32 to index
      %get3A_394 = tpu.vector_load %arg11[%get3A_393] {strides = array<i32>} : memref<3200xi32, #tpu.memory_space<vmem>>, vector<16xi32>,
      %mul3A_395 = arith.constant 16 : i32
      %mul3A_396 = arith.muli %add3A_390, %mul3A_395 : i32
      %get3A_397 = arith.index_cast %mul3A_396 : i32 to index
      %get3A_398 = tpu.vector_load %arg13[%get3A_397] {strides = array<i32>} : memref<3200xi32, #tpu.memory_space<vmem>>, vector<16xi32>,
      %gather3A_399 = tpu.vector_load_idx %arg9[%get3A_398] : memref<50000xi32, #tpu.memory_space<vmem>>[vector<16xi32>], vector<16xi32>,
      %bitcast3A_400 = vector.bitcast %gather3A_399 : vector<16xi32> to vector<32xbf16>
      %gather3A_401 = tpu.vector_load_idx %arg10[%get3A_394] : memref<50000xi32, #tpu.memory_space<vmem>>[vector<16xi32>], vector<16xi32>,
      %bitcast3A_402 = vector.bitcast %gather3A_401 : vector<16xi32> to vector<32xbf16>
      %max3A_403 = arith.maximumf %bitcast3A_402, %bitcast3A_400 : vector<32xbf16>
      %bitcast3A_404 = vector.bitcast %max3A_403 : vector<32xbf16> to vector<16xi32>
      tpu.vector_store_idx %arg10[%get3A_394], %bitcast3A_404 : memref<50000xi32, #tpu.memory_space<vmem>>[vector<16xi32>], vector<16xi32>,
      %mul3A_405 = arith.constant 25 : i32
      %mul3A_406 = arith.muli %scan3A_280, %mul3A_405 : i32
      %add3A_407 = arith.constant 7 : i32
      %add3A_408 = arith.addi %mul3A_406, %add3A_407 : i32
      %mul3A_409 = arith.constant 16 : i32
      %mul3A_410 = arith.muli %add3A_408, %mul3A_409 : i32
      %get3A_411 = arith.index_cast %mul3A_410 : i32 to index
      %get3A_412 = tpu.vector_load %arg11[%get3A_411] {strides = array<i32>} : memref<3200xi32, #tpu.memory_space<vmem>>, vector<16xi32>,
      %mul3A_413 = arith.constant 16 : i32
      %mul3A_414 = arith.muli %add3A_408, %mul3A_413 : i32
      %get3A_415 = arith.index_cast %mul3A_414 : i32 to index
      %get3A_416 = tpu.vector_load %arg13[%get3A_415] {strides = array<i32>} : memref<3200xi32, #tpu.memory_space<vmem>>, vector<16xi32>,
      %gather3A_417 = tpu.vector_load_idx %arg9[%get3A_416] : memref<50000xi32, #tpu.memory_space<vmem>>[vector<16xi32>], vector<16xi32>,
      %bitcast3A_418 = vector.bitcast %gather3A_417 : vector<16xi32> to vector<32xbf16>
      %gather3A_419 = tpu.vector_load_idx %arg10[%get3A_412] : memref<50000xi32, #tpu.memory_space<vmem>>[vector<16xi32>], vector<16xi32>,
      %bitcast3A_420 = vector.bitcast %gather3A_419 : vector<16xi32> to vector<32xbf16>
      %max3A_421 = arith.maximumf %bitcast3A_420, %bitcast3A_418 : vector<32xbf16>
      %bitcast3A_422 = vector.bitcast %max3A_421 : vector<32xbf16> to vector<16xi32>
      tpu.vector_store_idx %arg10[%get3A_412], %bitcast3A_422 : memref<50000xi32, #tpu.memory_space<vmem>>[vector<16xi32>], vector<16xi32>,
      %mul3A_423 = arith.constant 25 : i32
      %mul3A_424 = arith.muli %scan3A_280, %mul3A_423 : i32
      %add3A_425 = arith.constant 8 : i32
      %add3A_426 = arith.addi %mul3A_424, %add3A_425 : i32
      %mul3A_427 = arith.constant 16 : i32
      %mul3A_428 = arith.muli %add3A_426, %mul3A_427 : i32
      %get3A_429 = arith.index_cast %mul3A_428 : i32 to index
      %get3A_430 = tpu.vector_load %arg11[%get3A_429] {strides = array<i32>} : memref<3200xi32, #tpu.memory_space<vmem>>, vector<16xi32>,
      %mul3A_431 = arith.constant 16 : i32
      %mul3A_432 = arith.muli %add3A_426, %mul3A_431 : i32
      %get3A_433 = arith.index_cast %mul3A_432 : i32 to index
      %get3A_434 = tpu.vector_load %arg13[%get3A_433] {strides = array<i32>} : memref<3200xi32, #tpu.memory_space<vmem>>, vector<16xi32>,
      %gather3A_435 = tpu.vector_load_idx %arg9[%get3A_434] : memref<50000xi32, #tpu.memory_space<vmem>>[vector<16xi32>], vector<16xi32>,
      %bitcast3A_436 = vector.bitcast %gather3A_435 : vector<16xi32> to vector<32xbf16>
      %gather3A_437 = tpu.vector_load_idx %arg10[%get3A_430] : memref<50000xi32, #tpu.memory_space<vmem>>[vector<16xi32>], vector<16xi32>,
      %bitcast3A_438 = vector.bitcast %gather3A_437 : vector<16xi32> to vector<32xbf16>
      %max3A_439 = arith.maximumf %bitcast3A_438, %bitcast3A_436 : vector<32xbf16>
      %bitcast3A_440 = vector.bitcast %max3A_439 : vector<32xbf16> to vector<16xi32>
      tpu.vector_store_idx %arg10[%get3A_430], %bitcast3A_440 : memref<50000xi32, #tpu.memory_space<vmem>>[vector<16xi32>], vector<16xi32>,
      %mul3A_441 = arith.constant 25 : i32
      %mul3A_442 = arith.muli %scan3A_280, %mul3A_441 : i32
      %add3A_443 = arith.constant 9 : i32
      %add3A_444 = arith.addi %mul3A_442, %add3A_443 : i32
      %mul3A_445 = arith.constant 16 : i32
      %mul3A_446 = arith.muli %add3A_444, %mul3A_445 : i32
      %get3A_447 = arith.index_cast %mul3A_446 : i32 to index
      %get3A_448 = tpu.vector_load %arg11[%get3A_447] {strides = array<i32>} : memref<3200xi32, #tpu.memory_space<vmem>>, vector<16xi32>,
      %mul3A_449 = arith.constant 16 : i32
      %mul3A_450 = arith.muli %add3A_444, %mul3A_449 : i32
      %get3A_451 = arith.index_cast %mul3A_450 : i32 to index
      %get3A_452 = tpu.vector_load %arg13[%get3A_451] {strides = array<i32>} : memref<3200xi32, #tpu.memory_space<vmem>>, vector<16xi32>,
      %gather3A_453 = tpu.vector_load_idx %arg9[%get3A_452] : memref<50000xi32, #tpu.memory_space<vmem>>[vector<16xi32>], vector<16xi32>,
      %bitcast3A_454 = vector.bitcast %gather3A_453 : vector<16xi32> to vector<32xbf16>
      %gather3A_455 = tpu.vector_load_idx %arg10[%get3A_448] : memref<50000xi32, #tpu.memory_space<vmem>>[vector<16xi32>], vector<16xi32>,
      %bitcast3A_456 = vector.bitcast %gather3A_455 : vector<16xi32> to vector<32xbf16>
      %max3A_457 = arith.maximumf %bitcast3A_456, %bitcast3A_454 : vector<32xbf16>
      %bitcast3A_458 = vector.bitcast %max3A_457 : vector<32xbf16> to vector<16xi32>
      tpu.vector_store_idx %arg10[%get3A_448], %bitcast3A_458 : memref<50000xi32, #tpu.memory_space<vmem>>[vector<16xi32>], vector<16xi32>,
      %mul3A_459 = arith.constant 25 : i32
      %mul3A_460 = arith.muli %scan3A_280, %mul3A_459 : i32
      %add3A_461 = arith.constant 10 : i32
      %add3A_462 = arith.addi %mul3A_460, %add3A_461 : i32
      %mul3A_463 = arith.constant 16 : i32
      %mul3A_464 = arith.muli %add3A_462, %mul3A_463 : i32
      %get3A_465 = arith.index_cast %mul3A_464 : i32 to index
      %get3A_466 = tpu.vector_load %arg11[%get3A_465] {strides = array<i32>} : memref<3200xi32, #tpu.memory_space<vmem>>, vector<16xi32>,
      %mul3A_467 = arith.constant 16 : i32
      %mul3A_468 = arith.muli %add3A_462, %mul3A_467 : i32
      %get3A_469 = arith.index_cast %mul3A_468 : i32 to index
      %get3A_470 = tpu.vector_load %arg13[%get3A_469] {strides = array<i32>} : memref<3200xi32, #tpu.memory_space<vmem>>, vector<16xi32>,
      %gather3A_471 = tpu.vector_load_idx %arg9[%get3A_470] : memref<50000xi32, #tpu.memory_space<vmem>>[vector<16xi32>], vector<16xi32>,
      %bitcast3A_472 = vector.bitcast %gather3A_471 : vector<16xi32> to vector<32xbf16>
      %gather3A_473 = tpu.vector_load_idx %arg10[%get3A_466] : memref<50000xi32, #tpu.memory_space<vmem>>[vector<16xi32>], vector<16xi32>,
      %bitcast3A_474 = vector.bitcast %gather3A_473 : vector<16xi32> to vector<32xbf16>
      %max3A_475 = arith.maximumf %bitcast3A_474, %bitcast3A_472 : vector<32xbf16>
      %bitcast3A_476 = vector.bitcast %max3A_475 : vector<32xbf16> to vector<16xi32>
      tpu.vector_store_idx %arg10[%get3A_466], %bitcast3A_476 : memref<50000xi32, #tpu.memory_space<vmem>>[vector<16xi32>], vector<16xi32>,
      %mul3A_477 = arith.constant 25 : i32
      %mul3A_478 = arith.muli %scan3A_280, %mul3A_477 : i32
      %add3A_479 = arith.constant 11 : i32
      %add3A_480 = arith.addi %mul3A_478, %add3A_479 : i32
      %mul3A_481 = arith.constant 16 : i32
      %mul3A_482 = arith.muli %add3A_480, %mul3A_481 : i32
      %get3A_483 = arith.index_cast %mul3A_482 : i32 to index
      %get3A_484 = tpu.vector_load %arg11[%get3A_483] {strides = array<i32>} : memref<3200xi32, #tpu.memory_space<vmem>>, vector<16xi32>,
      %mul3A_485 = arith.constant 16 : i32
      %mul3A_486 = arith.muli %add3A_480, %mul3A_485 : i32
      %get3A_487 = arith.index_cast %mul3A_486 : i32 to index
      %get3A_488 = tpu.vector_load %arg13[%get3A_487] {strides = array<i32>} : memref<3200xi32, #tpu.memory_space<vmem>>, vector<16xi32>,
      %gather3A_489 = tpu.vector_load_idx %arg9[%get3A_488] : memref<50000xi32, #tpu.memory_space<vmem>>[vector<16xi32>], vector<16xi32>,
      %bitcast3A_490 = vector.bitcast %gather3A_489 : vector<16xi32> to vector<32xbf16>
      %gather3A_491 = tpu.vector_load_idx %arg10[%get3A_484] : memref<50000xi32, #tpu.memory_space<vmem>>[vector<16xi32>], vector<16xi32>,
      %bitcast3A_492 = vector.bitcast %gather3A_491 : vector<16xi32> to vector<32xbf16>
      %max3A_493 = arith.maximumf %bitcast3A_492, %bitcast3A_490 : vector<32xbf16>
      %bitcast3A_494 = vector.bitcast %max3A_493 : vector<32xbf16> to vector<16xi32>
      tpu.vector_store_idx %arg10[%get3A_484], %bitcast3A_494 : memref<50000xi32, #tpu.memory_space<vmem>>[vector<16xi32>], vector<16xi32>,
      %mul3A_495 = arith.constant 25 : i32
      %mul3A_496 = arith.muli %scan3A_280, %mul3A_495 : i32
      %add3A_497 = arith.constant 12 : i32
      %add3A_498 = arith.addi %mul3A_496, %add3A_497 : i32
      %mul3A_499 = arith.constant 16 : i32
      %mul3A_500 = arith.muli %add3A_498, %mul3A_499 : i32
      %get3A_501 = arith.index_cast %mul3A_500 : i32 to index
      %get3A_502 = tpu.vector_load %arg11[%get3A_501] {strides = array<i32>} : memref<3200xi32, #tpu.memory_space<vmem>>, vector<16xi32>,
      %mul3A_503 = arith.constant 16 : i32
      %mul3A_504 = arith.muli %add3A_498, %mul3A_503 : i32
      %get3A_505 = arith.index_cast %mul3A_504 : i32 to index
      %get3A_506 = tpu.vector_load %arg13[%get3A_505] {strides = array<i32>} : memref<3200xi32, #tpu.memory_space<vmem>>, vector<16xi32>,
      %gather3A_507 = tpu.vector_load_idx %arg9[%get3A_506] : memref<50000xi32, #tpu.memory_space<vmem>>[vector<16xi32>], vector<16xi32>,
      %bitcast3A_508 = vector.bitcast %gather3A_507 : vector<16xi32> to vector<32xbf16>
      %gather3A_509 = tpu.vector_load_idx %arg10[%get3A_502] : memref<50000xi32, #tpu.memory_space<vmem>>[vector<16xi32>], vector<16xi32>,
      %bitcast3A_510 = vector.bitcast %gather3A_509 : vector<16xi32> to vector<32xbf16>
      %max3A_511 = arith.maximumf %bitcast3A_510, %bitcast3A_508 : vector<32xbf16>
      %bitcast3A_512 = vector.bitcast %max3A_511 : vector<32xbf16> to vector<16xi32>
      tpu.vector_store_idx %arg10[%get3A_502], %bitcast3A_512 : memref<50000xi32, #tpu.memory_space<vmem>>[vector<16xi32>], vector<16xi32>,
      %mul3A_513 = arith.constant 25 : i32
      %mul3A_514 = arith.muli %scan3A_280, %mul3A_513 : i32
      %add3A_515 = arith.constant 13 : i32
      %add3A_516 = arith.addi %mul3A_514, %add3A_515 : i32
      %mul3A_517 = arith.constant 16 : i32
      %mul3A_518 = arith.muli %add3A_516, %mul3A_517 : i32
      %get3A_519 = arith.index_cast %mul3A_518 : i32 to index
      %get3A_520 = tpu.vector_load %arg11[%get3A_519] {strides = array<i32>} : memref<3200xi32, #tpu.memory_space<vmem>>, vector<16xi32>,
      %mul3A_521 = arith.constant 16 : i32
      %mul3A_522 = arith.muli %add3A_516, %mul3A_521 : i32
      %get3A_523 = arith.index_cast %mul3A_522 : i32 to index
      %get3A_524 = tpu.vector_load %arg13[%get3A_523] {strides = array<i32>} : memref<3200xi32, #tpu.memory_space<vmem>>, vector<16xi32>,
      %gather3A_525 = tpu.vector_load_idx %arg9[%get3A_524] : memref<50000xi32, #tpu.memory_space<vmem>>[vector<16xi32>], vector<16xi32>,
      %bitcast3A_526 = vector.bitcast %gather3A_525 : vector<16xi32> to vector<32xbf16>
      %gather3A_527 = tpu.vector_load_idx %arg10[%get3A_520] : memref<50000xi32, #tpu.memory_space<vmem>>[vector<16xi32>], vector<16xi32>,
      %bitcast3A_528 = vector.bitcast %gather3A_527 : vector<16xi32> to vector<32xbf16>
      %max3A_529 = arith.maximumf %bitcast3A_528, %bitcast3A_526 : vector<32xbf16>
      %bitcast3A_530 = vector.bitcast %max3A_529 : vector<32xbf16> to vector<16xi32>
      tpu.vector_store_idx %arg10[%get3A_520], %bitcast3A_530 : memref<50000xi32, #tpu.memory_space<vmem>>[vector<16xi32>], vector<16xi32>,
      %mul3A_531 = arith.constant 25 : i32
      %mul3A_532 = arith.muli %scan3A_280, %mul3A_531 : i32
      %add3A_533 = arith.constant 14 : i32
      %add3A_534 = arith.addi %mul3A_532, %add3A_533 : i32
      %mul3A_535 = arith.constant 16 : i32
      %mul3A_536 = arith.muli %add3A_534, %mul3A_535 : i32
      %get3A_537 = arith.index_cast %mul3A_536 : i32 to index
      %get3A_538 = tpu.vector_load %arg11[%get3A_537] {strides = array<i32>} : memref<3200xi32, #tpu.memory_space<vmem>>, vector<16xi32>,
      %mul3A_539 = arith.constant 16 : i32
      %mul3A_540 = arith.muli %add3A_534, %mul3A_539 : i32
      %get3A_541 = arith.index_cast %mul3A_540 : i32 to index
      %get3A_542 = tpu.vector_load %arg13[%get3A_541] {strides = array<i32>} : memref<3200xi32, #tpu.memory_space<vmem>>, vector<16xi32>,
      %gather3A_543 = tpu.vector_load_idx %arg9[%get3A_542] : memref<50000xi32, #tpu.memory_space<vmem>>[vector<16xi32>], vector<16xi32>,
      %bitcast3A_544 = vector.bitcast %gather3A_543 : vector<16xi32> to vector<32xbf16>
      %gather3A_545 = tpu.vector_load_idx %arg10[%get3A_538] : memref<50000xi32, #tpu.memory_space<vmem>>[vector<16xi32>], vector<16xi32>,
      %bitcast3A_546 = vector.bitcast %gather3A_545 : vector<16xi32> to vector<32xbf16>
      %max3A_547 = arith.maximumf %bitcast3A_546, %bitcast3A_544 : vector<32xbf16>
      %bitcast3A_548 = vector.bitcast %max3A_547 : vector<32xbf16> to vector<16xi32>
      tpu.vector_store_idx %arg10[%get3A_538], %bitcast3A_548 : memref<50000xi32, #tpu.memory_space<vmem>>[vector<16xi32>], vector<16xi32>,
      %mul3A_549 = arith.constant 25 : i32
      %mul3A_550 = arith.muli %scan3A_280, %mul3A_549 : i32
      %add3A_551 = arith.constant 15 : i32
      %add3A_552 = arith.addi %mul3A_550, %add3A_551 : i32
      %mul3A_553 = arith.constant 16 : i32
      %mul3A_554 = arith.muli %add3A_552, %mul3A_553 : i32
      %get3A_555 = arith.index_cast %mul3A_554 : i32 to index
      %get3A_556 = tpu.vector_load %arg11[%get3A_555] {strides = array<i32>} : memref<3200xi32, #tpu.memory_space<vmem>>, vector<16xi32>,
      %mul3A_557 = arith.constant 16 : i32
      %mul3A_558 = arith.muli %add3A_552, %mul3A_557 : i32
      %get3A_559 = arith.index_cast %mul3A_558 : i32 to index
      %get3A_560 = tpu.vector_load %arg13[%get3A_559] {strides = array<i32>} : memref<3200xi32, #tpu.memory_space<vmem>>, vector<16xi32>,
      %gather3A_561 = tpu.vector_load_idx %arg9[%get3A_560] : memref<50000xi32, #tpu.memory_space<vmem>>[vector<16xi32>], vector<16xi32>,
      %bitcast3A_562 = vector.bitcast %gather3A_561 : vector<16xi32> to vector<32xbf16>
      %gather3A_563 = tpu.vector_load_idx %arg10[%get3A_556] : memref<50000xi32, #tpu.memory_space<vmem>>[vector<16xi32>], vector<16xi32>,
      %bitcast3A_564 = vector.bitcast %gather3A_563 : vector<16xi32> to vector<32xbf16>
      %max3A_565 = arith.maximumf %bitcast3A_564, %bitcast3A_562 : vector<32xbf16>
      %bitcast3A_566 = vector.bitcast %max3A_565 : vector<32xbf16> to vector<16xi32>
      tpu.vector_store_idx %arg10[%get3A_556], %bitcast3A_566 : memref<50000xi32, #tpu.memory_space<vmem>>[vector<16xi32>], vector<16xi32>,
      %mul3A_567 = arith.constant 25 : i32
      %mul3A_568 = arith.muli %scan3A_280, %mul3A_567 : i32
      %add3A_569 = arith.constant 16 : i32
      %add3A_570 = arith.addi %mul3A_568, %add3A_569 : i32
      %mul3A_571 = arith.constant 16 : i32
      %mul3A_572 = arith.muli %add3A_570, %mul3A_571 : i32
      %get3A_573 = arith.index_cast %mul3A_572 : i32 to index
      %get3A_574 = tpu.vector_load %arg11[%get3A_573] {strides = array<i32>} : memref<3200xi32, #tpu.memory_space<vmem>>, vector<16xi32>,
      %mul3A_575 = arith.constant 16 : i32
      %mul3A_576 = arith.muli %add3A_570, %mul3A_575 : i32
      %get3A_577 = arith.index_cast %mul3A_576 : i32 to index
      %get3A_578 = tpu.vector_load %arg13[%get3A_577] {strides = array<i32>} : memref<3200xi32, #tpu.memory_space<vmem>>, vector<16xi32>,
      %gather3A_579 = tpu.vector_load_idx %arg9[%get3A_578] : memref<50000xi32, #tpu.memory_space<vmem>>[vector<16xi32>], vector<16xi32>,
      %bitcast3A_580 = vector.bitcast %gather3A_579 : vector<16xi32> to vector<32xbf16>
      %gather3A_581 = tpu.vector_load_idx %arg10[%get3A_574] : memref<50000xi32, #tpu.memory_space<vmem>>[vector<16xi32>], vector<16xi32>,
      %bitcast3A_582 = vector.bitcast %gather3A_581 : vector<16xi32> to vector<32xbf16>
      %max3A_583 = arith.maximumf %bitcast3A_582, %bitcast3A_580 : vector<32xbf16>
      %bitcast3A_584 = vector.bitcast %max3A_583 : vector<32xbf16> to vector<16xi32>
      tpu.vector_store_idx %arg10[%get3A_574], %bitcast3A_584 : memref<50000xi32, #tpu.memory_space<vmem>>[vector<16xi32>], vector<16xi32>,
      %mul3A_585 = arith.constant 25 : i32
      %mul3A_586 = arith.muli %scan3A_280, %mul3A_585 : i32
      %add3A_587 = arith.constant 17 : i32
      %add3A_588 = arith.addi %mul3A_586, %add3A_587 : i32
      %mul3A_589 = arith.constant 16 : i32
      %mul3A_590 = arith.muli %add3A_588, %mul3A_589 : i32
      %get3A_591 = arith.index_cast %mul3A_590 : i32 to index
      %get3A_592 = tpu.vector_load %arg11[%get3A_591] {strides = array<i32>} : memref<3200xi32, #tpu.memory_space<vmem>>, vector<16xi32>,
      %mul3A_593 = arith.constant 16 : i32
      %mul3A_594 = arith.muli %add3A_588, %mul3A_593 : i32
      %get3A_595 = arith.index_cast %mul3A_594 : i32 to index
      %get3A_596 = tpu.vector_load %arg13[%get3A_595] {strides = array<i32>} : memref<3200xi32, #tpu.memory_space<vmem>>, vector<16xi32>,
      %gather3A_597 = tpu.vector_load_idx %arg9[%get3A_596] : memref<50000xi32, #tpu.memory_space<vmem>>[vector<16xi32>], vector<16xi32>,
      %bitcast3A_598 = vector.bitcast %gather3A_597 : vector<16xi32> to vector<32xbf16>
      %gather3A_599 = tpu.vector_load_idx %arg10[%get3A_592] : memref<50000xi32, #tpu.memory_space<vmem>>[vector<16xi32>], vector<16xi32>,
      %bitcast3A_600 = vector.bitcast %gather3A_599 : vector<16xi32> to vector<32xbf16>
      %max3A_601 = arith.maximumf %bitcast3A_600, %bitcast3A_598 : vector<32xbf16>
      %bitcast3A_602 = vector.bitcast %max3A_601 : vector<32xbf16> to vector<16xi32>
      tpu.vector_store_idx %arg10[%get3A_592], %bitcast3A_602 : memref<50000xi32, #tpu.memory_space<vmem>>[vector<16xi32>], vector<16xi32>,
      %mul3A_603 = arith.constant 25 : i32
      %mul3A_604 = arith.muli %scan3A_280, %mul3A_603 : i32
      %add3A_605 = arith.constant 18 : i32
      %add3A_606 = arith.addi %mul3A_604, %add3A_605 : i32
      %mul3A_607 = arith.constant 16 : i32
      %mul3A_608 = arith.muli %add3A_606, %mul3A_607 : i32
      %get3A_609 = arith.index_cast %mul3A_608 : i32 to index
      %get3A_610 = tpu.vector_load %arg11[%get3A_609] {strides = array<i32>} : memref<3200xi32, #tpu.memory_space<vmem>>, vector<16xi32>,
      %mul3A_611 = arith.constant 16 : i32
      %mul3A_612 = arith.muli %add3A_606, %mul3A_611 : i32
      %get3A_613 = arith.index_cast %mul3A_612 : i32 to index
      %get3A_614 = tpu.vector_load %arg13[%get3A_613] {strides = array<i32>} : memref<3200xi32, #tpu.memory_space<vmem>>, vector<16xi32>,
      %gather3A_615 = tpu.vector_load_idx %arg9[%get3A_614] : memref<50000xi32, #tpu.memory_space<vmem>>[vector<16xi32>], vector<16xi32>,
      %bitcast3A_616 = vector.bitcast %gather3A_615 : vector<16xi32> to vector<32xbf16>
      %gather3A_617 = tpu.vector_load_idx %arg10[%get3A_610] : memref<50000xi32, #tpu.memory_space<vmem>>[vector<16xi32>], vector<16xi32>,
      %bitcast3A_618 = vector.bitcast %gather3A_617 : vector<16xi32> to vector<32xbf16>
      %max3A_619 = arith.maximumf %bitcast3A_618, %bitcast3A_616 : vector<32xbf16>
      %bitcast3A_620 = vector.bitcast %max3A_619 : vector<32xbf16> to vector<16xi32>
      tpu.vector_store_idx %arg10[%get3A_610], %bitcast3A_620 : memref<50000xi32, #tpu.memory_space<vmem>>[vector<16xi32>], vector<16xi32>,
      %mul3A_621 = arith.constant 25 : i32
      %mul3A_622 = arith.muli %scan3A_280, %mul3A_621 : i32
      %add3A_623 = arith.constant 19 : i32
      %add3A_624 = arith.addi %mul3A_622, %add3A_623 : i32
      %mul3A_625 = arith.constant 16 : i32
      %mul3A_626 = arith.muli %add3A_624, %mul3A_625 : i32
      %get3A_627 = arith.index_cast %mul3A_626 : i32 to index
      %get3A_628 = tpu.vector_load %arg11[%get3A_627] {strides = array<i32>} : memref<3200xi32, #tpu.memory_space<vmem>>, vector<16xi32>,
      %mul3A_629 = arith.constant 16 : i32
      %mul3A_630 = arith.muli %add3A_624, %mul3A_629 : i32
      %get3A_631 = arith.index_cast %mul3A_630 : i32 to index
      %get3A_632 = tpu.vector_load %arg13[%get3A_631] {strides = array<i32>} : memref<3200xi32, #tpu.memory_space<vmem>>, vector<16xi32>,
      %gather3A_633 = tpu.vector_load_idx %arg9[%get3A_632] : memref<50000xi32, #tpu.memory_space<vmem>>[vector<16xi32>], vector<16xi32>,
      %bitcast3A_634 = vector.bitcast %gather3A_633 : vector<16xi32> to vector<32xbf16>
      %gather3A_635 = tpu.vector_load_idx %arg10[%get3A_628] : memref<50000xi32, #tpu.memory_space<vmem>>[vector<16xi32>], vector<16xi32>,
      %bitcast3A_636 = vector.bitcast %gather3A_635 : vector<16xi32> to vector<32xbf16>
      %max3A_637 = arith.maximumf %bitcast3A_636, %bitcast3A_634 : vector<32xbf16>
      %bitcast3A_638 = vector.bitcast %max3A_637 : vector<32xbf16> to vector<16xi32>
      tpu.vector_store_idx %arg10[%get3A_628], %bitcast3A_638 : memref<50000xi32, #tpu.memory_space<vmem>>[vector<16xi32>], vector<16xi32>,
      %mul3A_639 = arith.constant 25 : i32
      %mul3A_640 = arith.muli %scan3A_280, %mul3A_639 : i32
      %add3A_641 = arith.constant 20 : i32
      %add3A_642 = arith.addi %mul3A_640, %add3A_641 : i32
      %mul3A_643 = arith.constant 16 : i32
      %mul3A_644 = arith.muli %add3A_642, %mul3A_643 : i32
      %get3A_645 = arith.index_cast %mul3A_644 : i32 to index
      %get3A_646 = tpu.vector_load %arg11[%get3A_645] {strides = array<i32>} : memref<3200xi32, #tpu.memory_space<vmem>>, vector<16xi32>,
      %mul3A_647 = arith.constant 16 : i32
      %mul3A_648 = arith.muli %add3A_642, %mul3A_647 : i32
      %get3A_649 = arith.index_cast %mul3A_648 : i32 to index
      %get3A_650 = tpu.vector_load %arg13[%get3A_649] {strides = array<i32>} : memref<3200xi32, #tpu.memory_space<vmem>>, vector<16xi32>,
      %gather3A_651 = tpu.vector_load_idx %arg9[%get3A_650] : memref<50000xi32, #tpu.memory_space<vmem>>[vector<16xi32>], vector<16xi32>,
      %bitcast3A_652 = vector.bitcast %gather3A_651 : vector<16xi32> to vector<32xbf16>
      %gather3A_653 = tpu.vector_load_idx %arg10[%get3A_646] : memref<50000xi32, #tpu.memory_space<vmem>>[vector<16xi32>], vector<16xi32>,
      %bitcast3A_654 = vector.bitcast %gather3A_653 : vector<16xi32> to vector<32xbf16>
      %max3A_655 = arith.maximumf %bitcast3A_654, %bitcast3A_652 : vector<32xbf16>
      %bitcast3A_656 = vector.bitcast %max3A_655 : vector<32xbf16> to vector<16xi32>
      tpu.vector_store_idx %arg10[%get3A_646], %bitcast3A_656 : memref<50000xi32, #tpu.memory_space<vmem>>[vector<16xi32>], vector<16xi32>,
      %mul3A_657 = arith.constant 25 : i32
      %mul3A_658 = arith.muli %scan3A_280, %mul3A_657 : i32
      %add3A_659 = arith.constant 21 : i32
      %add3A_660 = arith.addi %mul3A_658, %add3A_659 : i32
      %mul3A_661 = arith.constant 16 : i32
      %mul3A_662 = arith.muli %add3A_660, %mul3A_661 : i32
      %get3A_663 = arith.index_cast %mul3A_662 : i32 to index
      %get3A_664 = tpu.vector_load %arg11[%get3A_663] {strides = array<i32>} : memref<3200xi32, #tpu.memory_space<vmem>>, vector<16xi32>,
      %mul3A_665 = arith.constant 16 : i32
      %mul3A_666 = arith.muli %add3A_660, %mul3A_665 : i32
      %get3A_667 = arith.index_cast %mul3A_666 : i32 to index
      %get3A_668 = tpu.vector_load %arg13[%get3A_667] {strides = array<i32>} : memref<3200xi32, #tpu.memory_space<vmem>>, vector<16xi32>,
      %gather3A_669 = tpu.vector_load_idx %arg9[%get3A_668] : memref<50000xi32, #tpu.memory_space<vmem>>[vector<16xi32>], vector<16xi32>,
      %bitcast3A_670 = vector.bitcast %gather3A_669 : vector<16xi32> to vector<32xbf16>
      %gather3A_671 = tpu.vector_load_idx %arg10[%get3A_664] : memref<50000xi32, #tpu.memory_space<vmem>>[vector<16xi32>], vector<16xi32>,
      %bitcast3A_672 = vector.bitcast %gather3A_671 : vector<16xi32> to vector<32xbf16>
      %max3A_673 = arith.maximumf %bitcast3A_672, %bitcast3A_670 : vector<32xbf16>
      %bitcast3A_674 = vector.bitcast %max3A_673 : vector<32xbf16> to vector<16xi32>
      tpu.vector_store_idx %arg10[%get3A_664], %bitcast3A_674 : memref<50000xi32, #tpu.memory_space<vmem>>[vector<16xi32>], vector<16xi32>,
      %mul3A_675 = arith.constant 25 : i32
      %mul3A_676 = arith.muli %scan3A_280, %mul3A_675 : i32
      %add3A_677 = arith.constant 22 : i32
      %add3A_678 = arith.addi %mul3A_676, %add3A_677 : i32
      %mul3A_679 = arith.constant 16 : i32
      %mul3A_680 = arith.muli %add3A_678, %mul3A_679 : i32
      %get3A_681 = arith.index_cast %mul3A_680 : i32 to index
      %get3A_682 = tpu.vector_load %arg11[%get3A_681] {strides = array<i32>} : memref<3200xi32, #tpu.memory_space<vmem>>, vector<16xi32>,
      %mul3A_683 = arith.constant 16 : i32
      %mul3A_684 = arith.muli %add3A_678, %mul3A_683 : i32
      %get3A_685 = arith.index_cast %mul3A_684 : i32 to index
      %get3A_686 = tpu.vector_load %arg13[%get3A_685] {strides = array<i32>} : memref<3200xi32, #tpu.memory_space<vmem>>, vector<16xi32>,
      %gather3A_687 = tpu.vector_load_idx %arg9[%get3A_686] : memref<50000xi32, #tpu.memory_space<vmem>>[vector<16xi32>], vector<16xi32>,
      %bitcast3A_688 = vector.bitcast %gather3A_687 : vector<16xi32> to vector<32xbf16>
      %gather3A_689 = tpu.vector_load_idx %arg10[%get3A_682] : memref<50000xi32, #tpu.memory_space<vmem>>[vector<16xi32>], vector<16xi32>,
      %bitcast3A_690 = vector.bitcast %gather3A_689 : vector<16xi32> to vector<32xbf16>
      %max3A_691 = arith.maximumf %bitcast3A_690, %bitcast3A_688 : vector<32xbf16>
      %bitcast3A_692 = vector.bitcast %max3A_691 : vector<32xbf16> to vector<16xi32>
      tpu.vector_store_idx %arg10[%get3A_682], %bitcast3A_692 : memref<50000xi32, #tpu.memory_space<vmem>>[vector<16xi32>], vector<16xi32>,
      %mul3A_693 = arith.constant 25 : i32
      %mul3A_694 = arith.muli %scan3A_280, %mul3A_693 : i32
      %add3A_695 = arith.constant 23 : i32
      %add3A_696 = arith.addi %mul3A_694, %add3A_695 : i32
      %mul3A_697 = arith.constant 16 : i32
      %mul3A_698 = arith.muli %add3A_696, %mul3A_697 : i32
      %get3A_699 = arith.index_cast %mul3A_698 : i32 to index
      %get3A_700 = tpu.vector_load %arg11[%get3A_699] {strides = array<i32>} : memref<3200xi32, #tpu.memory_space<vmem>>, vector<16xi32>,
      %mul3A_701 = arith.constant 16 : i32
      %mul3A_702 = arith.muli %add3A_696, %mul3A_701 : i32
      %get3A_703 = arith.index_cast %mul3A_702 : i32 to index
      %get3A_704 = tpu.vector_load %arg13[%get3A_703] {strides = array<i32>} : memref<3200xi32, #tpu.memory_space<vmem>>, vector<16xi32>,
      %gather3A_705 = tpu.vector_load_idx %arg9[%get3A_704] : memref<50000xi32, #tpu.memory_space<vmem>>[vector<16xi32>], vector<16xi32>,
      %bitcast3A_706 = vector.bitcast %gather3A_705 : vector<16xi32> to vector<32xbf16>
      %gather3A_707 = tpu.vector_load_idx %arg10[%get3A_700] : memref<50000xi32, #tpu.memory_space<vmem>>[vector<16xi32>], vector<16xi32>,
      %bitcast3A_708 = vector.bitcast %gather3A_707 : vector<16xi32> to vector<32xbf16>
      %max3A_709 = arith.maximumf %bitcast3A_708, %bitcast3A_706 : vector<32xbf16>
      %bitcast3A_710 = vector.bitcast %max3A_709 : vector<32xbf16> to vector<16xi32>
      tpu.vector_store_idx %arg10[%get3A_700], %bitcast3A_710 : memref<50000xi32, #tpu.memory_space<vmem>>[vector<16xi32>], vector<16xi32>,
      %mul3A_711 = arith.constant 25 : i32
      %mul3A_712 = arith.muli %scan3A_280, %mul3A_711 : i32
      %add3A_713 = arith.constant 24 : i32
      %add3A_714 = arith.addi %mul3A_712, %add3A_713 : i32
      %mul3A_715 = arith.constant 16 : i32
      %mul3A_716 = arith.muli %add3A_714, %mul3A_715 : i32
      %get3A_717 = arith.index_cast %mul3A_716 : i32 to index
      %get3A_718 = tpu.vector_load %arg11[%get3A_717] {strides = array<i32>} : memref<3200xi32, #tpu.memory_space<vmem>>, vector<16xi32>,
      %mul3A_719 = arith.constant 16 : i32
      %mul3A_720 = arith.muli %add3A_714, %mul3A_719 : i32
      %get3A_721 = arith.index_cast %mul3A_720 : i32 to index
      %get3A_722 = tpu.vector_load %arg13[%get3A_721] {strides = array<i32>} : memref<3200xi32, #tpu.memory_space<vmem>>, vector<16xi32>,
      %gather3A_723 = tpu.vector_load_idx %arg9[%get3A_722] : memref<50000xi32, #tpu.memory_space<vmem>>[vector<16xi32>], vector<16xi32>,
      %bitcast3A_724 = vector.bitcast %gather3A_723 : vector<16xi32> to vector<32xbf16>
      %gather3A_725 = tpu.vector_load_idx %arg10[%get3A_718] : memref<50000xi32, #tpu.memory_space<vmem>>[vector<16xi32>], vector<16xi32>,
      %bitcast3A_726 = vector.bitcast %gather3A_725 : vector<16xi32> to vector<32xbf16>
      %max3A_727 = arith.maximumf %bitcast3A_726, %bitcast3A_724 : vector<32xbf16>
      %bitcast3A_728 = vector.bitcast %max3A_727 : vector<32xbf16> to vector<16xi32>
      tpu.vector_store_idx %arg10[%get3A_718], %bitcast3A_728 : memref<50000xi32, #tpu.memory_space<vmem>>[vector<16xi32>], vector<16xi32>,
      %gather3A_729 = tpu.vector_load_idx %arg10[%get3A_288] : memref<50000xi32, #tpu.memory_space<vmem>>[vector<16xi32>], vector<16xi32>,
      %bitcast3A_730 = vector.bitcast %gather3A_729 : vector<16xi32> to vector<32xbf16>
      %max3A_731 = arith.maximumf %bitcast3A_730, %bitcast3A : vector<32xbf16>
      %bitcast3A_732 = vector.bitcast %max3A_731 : vector<32xbf16> to vector<16xi32>
      %ne3A_733 = arith.cmpi ne, %bitcast3A_732, %gather3A_729 : vector<16xi32>
      %gather3A_734 = tpu.vector_load_idx %arg10[%get3A_304] : memref<50000xi32, #tpu.memory_space<vmem>>[vector<16xi32>], vector<16xi32>,
      %bitcast3A_735 = vector.bitcast %gather3A_734 : vector<16xi32> to vector<32xbf16>
      %max3A_736 = arith.maximumf %bitcast3A_735, %bitcast3A_310 : vector<32xbf16>
      %bitcast3A_737 = vector.bitcast %max3A_736 : vector<32xbf16> to vector<16xi32>
      %ne3A_738 = arith.cmpi ne, %bitcast3A_737, %gather3A_734 : vector<16xi32>
      %or3A = arith.ori %ne3A_733, %ne3A_738 : vector<16xi1>
      %gather3A_739 = tpu.vector_load_idx %arg10[%get3A_322] : memref<50000xi32, #tpu.memory_space<vmem>>[vector<16xi32>], vector<16xi32>,
      %bitcast3A_740 = vector.bitcast %gather3A_739 : vector<16xi32> to vector<32xbf16>
      %max3A_741 = arith.maximumf %bitcast3A_740, %bitcast3A_328 : vector<32xbf16>
      %bitcast3A_742 = vector.bitcast %max3A_741 : vector<32xbf16> to vector<16xi32>
      %ne3A_743 = arith.cmpi ne, %bitcast3A_742, %gather3A_739 : vector<16xi32>
      %or3A_744 = arith.ori %or3A, %ne3A_743 : vector<16xi1>
      %gather3A_745 = tpu.vector_load_idx %arg10[%get3A_340] : memref<50000xi32, #tpu.memory_space<vmem>>[vector<16xi32>], vector<16xi32>,
      %bitcast3A_746 = vector.bitcast %gather3A_745 : vector<16xi32> to vector<32xbf16>
      %max3A_747 = arith.maximumf %bitcast3A_746, %bitcast3A_346 : vector<32xbf16>
      %bitcast3A_748 = vector.bitcast %max3A_747 : vector<32xbf16> to vector<16xi32>
      %ne3A_749 = arith.cmpi ne, %bitcast3A_748, %gather3A_745 : vector<16xi32>
      %or3A_750 = arith.ori %or3A_744, %ne3A_749 : vector<16xi1>
      %gather3A_751 = tpu.vector_load_idx %arg10[%get3A_358] : memref<50000xi32, #tpu.memory_space<vmem>>[vector<16xi32>], vector<16xi32>,
      %bitcast3A_752 = vector.bitcast %gather3A_751 : vector<16xi32> to vector<32xbf16>
      %max3A_753 = arith.maximumf %bitcast3A_752, %bitcast3A_364 : vector<32xbf16>
      %bitcast3A_754 = vector.bitcast %max3A_753 : vector<32xbf16> to vector<16xi32>
      %ne3A_755 = arith.cmpi ne, %bitcast3A_754, %gather3A_751 : vector<16xi32>
      %or3A_756 = arith.ori %or3A_750, %ne3A_755 : vector<16xi1>
      %gather3A_757 = tpu.vector_load_idx %arg10[%get3A_376] : memref<50000xi32, #tpu.memory_space<vmem>>[vector<16xi32>], vector<16xi32>,
      %bitcast3A_758 = vector.bitcast %gather3A_757 : vector<16xi32> to vector<32xbf16>
      %max3A_759 = arith.maximumf %bitcast3A_758, %bitcast3A_382 : vector<32xbf16>
      %bitcast3A_760 = vector.bitcast %max3A_759 : vector<32xbf16> to vector<16xi32>
      %ne3A_761 = arith.cmpi ne, %bitcast3A_760, %gather3A_757 : vector<16xi32>
      %or3A_762 = arith.ori %or3A_756, %ne3A_761 : vector<16xi1>
      %gather3A_763 = tpu.vector_load_idx %arg10[%get3A_394] : memref<50000xi32, #tpu.memory_space<vmem>>[vector<16xi32>], vector<16xi32>,
      %bitcast3A_764 = vector.bitcast %gather3A_763 : vector<16xi32> to vector<32xbf16>
      %max3A_765 = arith.maximumf %bitcast3A_764, %bitcast3A_400 : vector<32xbf16>
      %bitcast3A_766 = vector.bitcast %max3A_765 : vector<32xbf16> to vector<16xi32>
      %ne3A_767 = arith.cmpi ne, %bitcast3A_766, %gather3A_763 : vector<16xi32>
      %or3A_768 = arith.ori %or3A_762, %ne3A_767 : vector<16xi1>
      %gather3A_769 = tpu.vector_load_idx %arg10[%get3A_412] : memref<50000xi32, #tpu.memory_space<vmem>>[vector<16xi32>], vector<16xi32>,
      %bitcast3A_770 = vector.bitcast %gather3A_769 : vector<16xi32> to vector<32xbf16>
      %max3A_771 = arith.maximumf %bitcast3A_770, %bitcast3A_418 : vector<32xbf16>
      %bitcast3A_772 = vector.bitcast %max3A_771 : vector<32xbf16> to vector<16xi32>
      %ne3A_773 = arith.cmpi ne, %bitcast3A_772, %gather3A_769 : vector<16xi32>
      %or3A_774 = arith.ori %or3A_768, %ne3A_773 : vector<16xi1>
      %gather3A_775 = tpu.vector_load_idx %arg10[%get3A_430] : memref<50000xi32, #tpu.memory_space<vmem>>[vector<16xi32>], vector<16xi32>,
      %bitcast3A_776 = vector.bitcast %gather3A_775 : vector<16xi32> to vector<32xbf16>
      %max3A_777 = arith.maximumf %bitcast3A_776, %bitcast3A_436 : vector<32xbf16>
      %bitcast3A_778 = vector.bitcast %max3A_777 : vector<32xbf16> to vector<16xi32>
      %ne3A_779 = arith.cmpi ne, %bitcast3A_778, %gather3A_775 : vector<16xi32>
      %or3A_780 = arith.ori %or3A_774, %ne3A_779 : vector<16xi1>
      %gather3A_781 = tpu.vector_load_idx %arg10[%get3A_448] : memref<50000xi32, #tpu.memory_space<vmem>>[vector<16xi32>], vector<16xi32>,
      %bitcast3A_782 = vector.bitcast %gather3A_781 : vector<16xi32> to vector<32xbf16>
      %max3A_783 = arith.maximumf %bitcast3A_782, %bitcast3A_454 : vector<32xbf16>
      %bitcast3A_784 = vector.bitcast %max3A_783 : vector<32xbf16> to vector<16xi32>
      %ne3A_785 = arith.cmpi ne, %bitcast3A_784, %gather3A_781 : vector<16xi32>
      %or3A_786 = arith.ori %or3A_780, %ne3A_785 : vector<16xi1>
      %gather3A_787 = tpu.vector_load_idx %arg10[%get3A_466] : memref<50000xi32, #tpu.memory_space<vmem>>[vector<16xi32>], vector<16xi32>,
      %bitcast3A_788 = vector.bitcast %gather3A_787 : vector<16xi32> to vector<32xbf16>
      %max3A_789 = arith.maximumf %bitcast3A_788, %bitcast3A_472 : vector<32xbf16>
      %bitcast3A_790 = vector.bitcast %max3A_789 : vector<32xbf16> to vector<16xi32>
      %ne3A_791 = arith.cmpi ne, %bitcast3A_790, %gather3A_787 : vector<16xi32>
      %or3A_792 = arith.ori %or3A_786, %ne3A_791 : vector<16xi1>
      %gather3A_793 = tpu.vector_load_idx %arg10[%get3A_484] : memref<50000xi32, #tpu.memory_space<vmem>>[vector<16xi32>], vector<16xi32>,
      %bitcast3A_794 = vector.bitcast %gather3A_793 : vector<16xi32> to vector<32xbf16>
      %max3A_795 = arith.maximumf %bitcast3A_794, %bitcast3A_490 : vector<32xbf16>
      %bitcast3A_796 = vector.bitcast %max3A_795 : vector<32xbf16> to vector<16xi32>
      %ne3A_797 = arith.cmpi ne, %bitcast3A_796, %gather3A_793 : vector<16xi32>
      %or3A_798 = arith.ori %or3A_792, %ne3A_797 : vector<16xi1>
      %gather3A_799 = tpu.vector_load_idx %arg10[%get3A_502] : memref<50000xi32, #tpu.memory_space<vmem>>[vector<16xi32>], vector<16xi32>,
      %bitcast3A_800 = vector.bitcast %gather3A_799 : vector<16xi32> to vector<32xbf16>
      %max3A_801 = arith.maximumf %bitcast3A_800, %bitcast3A_508 : vector<32xbf16>
      %bitcast3A_802 = vector.bitcast %max3A_801 : vector<32xbf16> to vector<16xi32>
      %ne3A_803 = arith.cmpi ne, %bitcast3A_802, %gather3A_799 : vector<16xi32>
      %or3A_804 = arith.ori %or3A_798, %ne3A_803 : vector<16xi1>
      %gather3A_805 = tpu.vector_load_idx %arg10[%get3A_520] : memref<50000xi32, #tpu.memory_space<vmem>>[vector<16xi32>], vector<16xi32>,
      %bitcast3A_806 = vector.bitcast %gather3A_805 : vector<16xi32> to vector<32xbf16>
      %max3A_807 = arith.maximumf %bitcast3A_806, %bitcast3A_526 : vector<32xbf16>
      %bitcast3A_808 = vector.bitcast %max3A_807 : vector<32xbf16> to vector<16xi32>
      %ne3A_809 = arith.cmpi ne, %bitcast3A_808, %gather3A_805 : vector<16xi32>
      %or3A_810 = arith.ori %or3A_804, %ne3A_809 : vector<16xi1>
      %gather3A_811 = tpu.vector_load_idx %arg10[%get3A_538] : memref<50000xi32, #tpu.memory_space<vmem>>[vector<16xi32>], vector<16xi32>,
      %bitcast3A_812 = vector.bitcast %gather3A_811 : vector<16xi32> to vector<32xbf16>
      %max3A_813 = arith.maximumf %bitcast3A_812, %bitcast3A_544 : vector<32xbf16>
      %bitcast3A_814 = vector.bitcast %max3A_813 : vector<32xbf16> to vector<16xi32>
      %ne3A_815 = arith.cmpi ne, %bitcast3A_814, %gather3A_811 : vector<16xi32>
      %or3A_816 = arith.ori %or3A_810, %ne3A_815 : vector<16xi1>
      %gather3A_817 = tpu.vector_load_idx %arg10[%get3A_556] : memref<50000xi32, #tpu.memory_space<vmem>>[vector<16xi32>], vector<16xi32>,
      %bitcast3A_818 = vector.bitcast %gather3A_817 : vector<16xi32> to vector<32xbf16>
      %max3A_819 = arith.maximumf %bitcast3A_818, %bitcast3A_562 : vector<32xbf16>
      %bitcast3A_820 = vector.bitcast %max3A_819 : vector<32xbf16> to vector<16xi32>
      %ne3A_821 = arith.cmpi ne, %bitcast3A_820, %gather3A_817 : vector<16xi32>
      %or3A_822 = arith.ori %or3A_816, %ne3A_821 : vector<16xi1>
      %gather3A_823 = tpu.vector_load_idx %arg10[%get3A_574] : memref<50000xi32, #tpu.memory_space<vmem>>[vector<16xi32>], vector<16xi32>,
      %bitcast3A_824 = vector.bitcast %gather3A_823 : vector<16xi32> to vector<32xbf16>
      %max3A_825 = arith.maximumf %bitcast3A_824, %bitcast3A_580 : vector<32xbf16>
      %bitcast3A_826 = vector.bitcast %max3A_825 : vector<32xbf16> to vector<16xi32>
      %ne3A_827 = arith.cmpi ne, %bitcast3A_826, %gather3A_823 : vector<16xi32>
      %or3A_828 = arith.ori %or3A_822, %ne3A_827 : vector<16xi1>
      %gather3A_829 = tpu.vector_load_idx %arg10[%get3A_592] : memref<50000xi32, #tpu.memory_space<vmem>>[vector<16xi32>], vector<16xi32>,
      %bitcast3A_830 = vector.bitcast %gather3A_829 : vector<16xi32> to vector<32xbf16>
      %max3A_831 = arith.maximumf %bitcast3A_830, %bitcast3A_598 : vector<32xbf16>
      %bitcast3A_832 = vector.bitcast %max3A_831 : vector<32xbf16> to vector<16xi32>
      %ne3A_833 = arith.cmpi ne, %bitcast3A_832, %gather3A_829 : vector<16xi32>
      %or3A_834 = arith.ori %or3A_828, %ne3A_833 : vector<16xi1>
      %gather3A_835 = tpu.vector_load_idx %arg10[%get3A_610] : memref<50000xi32, #tpu.memory_space<vmem>>[vector<16xi32>], vector<16xi32>,
      %bitcast3A_836 = vector.bitcast %gather3A_835 : vector<16xi32> to vector<32xbf16>
      %max3A_837 = arith.maximumf %bitcast3A_836, %bitcast3A_616 : vector<32xbf16>
      %bitcast3A_838 = vector.bitcast %max3A_837 : vector<32xbf16> to vector<16xi32>
      %ne3A_839 = arith.cmpi ne, %bitcast3A_838, %gather3A_835 : vector<16xi32>
      %or3A_840 = arith.ori %or3A_834, %ne3A_839 : vector<16xi1>
      %gather3A_841 = tpu.vector_load_idx %arg10[%get3A_628] : memref<50000xi32, #tpu.memory_space<vmem>>[vector<16xi32>], vector<16xi32>,
      %bitcast3A_842 = vector.bitcast %gather3A_841 : vector<16xi32> to vector<32xbf16>
      %max3A_843 = arith.maximumf %bitcast3A_842, %bitcast3A_634 : vector<32xbf16>
      %bitcast3A_844 = vector.bitcast %max3A_843 : vector<32xbf16> to vector<16xi32>
      %ne3A_845 = arith.cmpi ne, %bitcast3A_844, %gather3A_841 : vector<16xi32>
      %or3A_846 = arith.ori %or3A_840, %ne3A_845 : vector<16xi1>
      %gather3A_847 = tpu.vector_load_idx %arg10[%get3A_646] : memref<50000xi32, #tpu.memory_space<vmem>>[vector<16xi32>], vector<16xi32>,
      %bitcast3A_848 = vector.bitcast %gather3A_847 : vector<16xi32> to vector<32xbf16>
      %max3A_849 = arith.maximumf %bitcast3A_848, %bitcast3A_652 : vector<32xbf16>
      %bitcast3A_850 = vector.bitcast %max3A_849 : vector<32xbf16> to vector<16xi32>
      %ne3A_851 = arith.cmpi ne, %bitcast3A_850, %gather3A_847 : vector<16xi32>
      %or3A_852 = arith.ori %or3A_846, %ne3A_851 : vector<16xi1>
      %gather3A_853 = tpu.vector_load_idx %arg10[%get3A_664] : memref<50000xi32, #tpu.memory_space<vmem>>[vector<16xi32>], vector<16xi32>,
      %bitcast3A_854 = vector.bitcast %gather3A_853 : vector<16xi32> to vector<32xbf16>
      %max3A_855 = arith.maximumf %bitcast3A_854, %bitcast3A_670 : vector<32xbf16>
      %bitcast3A_856 = vector.bitcast %max3A_855 : vector<32xbf16> to vector<16xi32>
      %ne3A_857 = arith.cmpi ne, %bitcast3A_856, %gather3A_853 : vector<16xi32>
      %or3A_858 = arith.ori %or3A_852, %ne3A_857 : vector<16xi1>
      %gather3A_859 = tpu.vector_load_idx %arg10[%get3A_682] : memref<50000xi32, #tpu.memory_space<vmem>>[vector<16xi32>], vector<16xi32>,
      %bitcast3A_860 = vector.bitcast %gather3A_859 : vector<16xi32> to vector<32xbf16>
      %max3A_861 = arith.maximumf %bitcast3A_860, %bitcast3A_688 : vector<32xbf16>
      %bitcast3A_862 = vector.bitcast %max3A_861 : vector<32xbf16> to vector<16xi32>
      %ne3A_863 = arith.cmpi ne, %bitcast3A_862, %gather3A_859 : vector<16xi32>
      %or3A_864 = arith.ori %or3A_858, %ne3A_863 : vector<16xi1>
      %gather3A_865 = tpu.vector_load_idx %arg10[%get3A_700] : memref<50000xi32, #tpu.memory_space<vmem>>[vector<16xi32>], vector<16xi32>,
      %bitcast3A_866 = vector.bitcast %gather3A_865 : vector<16xi32> to vector<32xbf16>
      %max3A_867 = arith.maximumf %bitcast3A_866, %bitcast3A_706 : vector<32xbf16>
      %bitcast3A_868 = vector.bitcast %max3A_867 : vector<32xbf16> to vector<16xi32>
      %ne3A_869 = arith.cmpi ne, %bitcast3A_868, %gather3A_865 : vector<16xi32>
      %or3A_870 = arith.ori %or3A_864, %ne3A_869 : vector<16xi1>
      %gather3A_871 = tpu.vector_load_idx %arg10[%get3A_718] : memref<50000xi32, #tpu.memory_space<vmem>>[vector<16xi32>], vector<16xi32>,
      %bitcast3A_872 = vector.bitcast %gather3A_871 : vector<16xi32> to vector<32xbf16>
      %max3A_873 = arith.maximumf %bitcast3A_872, %bitcast3A_724 : vector<32xbf16>
      %bitcast3A_874 = vector.bitcast %max3A_873 : vector<32xbf16> to vector<16xi32>
      %ne3A_875 = arith.cmpi ne, %bitcast3A_874, %gather3A_871 : vector<16xi32>
      %or3A_876 = arith.ori %or3A_870, %ne3A_875 : vector<16xi1>
      %reduce_or3A = arith.constant 1.000000e+00 : f32
      %reduce_or3A_877 = arith.constant 0.000000e+00 : f32
      %reduce_or3A_878 = vector.broadcast %reduce_or3A : f32 to vector<16xf32>
      %reduce_or3A_879 = vector.broadcast %reduce_or3A_877 : f32 to vector<16xf32>
      %reduce_or3A_880 = arith.select %or3A_876, %reduce_or3A_878, %reduce_or3A_879 : vector<16xi1>, vector<16xf32>
      %reduce_or3A_881 = arith.constant true
      %reduce_or3A_882 = vector.broadcast %reduce_or3A_881 : i1 to vector<16xi1>
      %reduce_or3A_883 = tpu.scan <max>, %reduce_or3A_880 masked %reduce_or3A_882 : vector<16xf32>, vector<16xi1> -> vector<16xf32>
      %reduce_or3A_884 = vector.extract %reduce_or3A_883[15] : f32 from vector<16xf32>
      %reduce_or3A_885 = arith.constant 0.000000e+00 : f32
      %reduce_or3A_886 = arith.cmpf ogt, %reduce_or3A_884, %reduce_or3A_885 : f32
      %convert_element_type3A = arith.extui %reduce_or3A_886 : i1 to i32
      %cond3A = arith.constant 0 : i32
      %cond3A_887 = arith.cmpi ne, %convert_element_type3A, %cond3A : i32
      scf.if %cond3A_887 {
        %reduce_or3A_889 = arith.constant 1.000000e+00 : f32
        %reduce_or3A_890 = arith.constant 0.000000e+00 : f32
        %reduce_or3A_891 = vector.broadcast %reduce_or3A_889 : f32 to vector<16xf32>
        %reduce_or3A_892 = vector.broadcast %reduce_or3A_890 : f32 to vector<16xf32>
        %reduce_or3A_893 = arith.select %or3A_876, %reduce_or3A_891, %reduce_or3A_892 : vector<16xi1>, vector<16xf32>
        %reduce_or3A_894 = arith.constant true
        %reduce_or3A_895 = vector.broadcast %reduce_or3A_894 : i1 to vector<16xi1>
        %reduce_or3A_896 = tpu.scan <max>, %reduce_or3A_893 masked %reduce_or3A_895 : vector<16xf32>, vector<16xi1> -> vector<16xf32>
        %reduce_or3A_897 = vector.extract %reduce_or3A_896[15] : f32 from vector<16xf32>
        %reduce_or3A_898 = arith.constant 0.000000e+00 : f32
        %reduce_or3A_899 = arith.cmpf ogt, %reduce_or3A_897, %reduce_or3A_898 : f32
        %while3A:26 = scf.while (%while3A_900 = %reduce_or3A_899, %while3A_901 = %ne3A_733, %while3A_902 = %ne3A_738, %while3A_903 = %ne3A_743, %while3A_904 = %ne3A_749, %while3A_905 = %ne3A_755, %while3A_906 = %ne3A_761, %while3A_907 = %ne3A_767, %while3A_908 = %ne3A_773, %while3A_909 = %ne3A_779, %while3A_910 = %ne3A_785, %while3A_911 = %ne3A_791, %while3A_912 = %ne3A_797, %while3A_913 = %ne3A_803, %while3A_914 = %ne3A_809, %while3A_915 = %ne3A_815, %while3A_916 = %ne3A_821, %while3A_917 = %ne3A_827, %while3A_918 = %ne3A_833, %while3A_919 = %ne3A_839, %while3A_920 = %ne3A_845, %while3A_921 = %ne3A_851, %while3A_922 = %ne3A_857, %while3A_923 = %ne3A_863, %while3A_924 = %ne3A_869, %while3A_925 = %ne3A_875) : (i1, vector<16xi1>, vector<16xi1>, vector<16xi1>, vector<16xi1>, vector<16xi1>, vector<16xi1>, vector<16xi1>, vector<16xi1>, vector<16xi1>, vector<16xi1>, vector<16xi1>, vector<16xi1>, vector<16xi1>, vector<16xi1>, vector<16xi1>, vector<16xi1>, vector<16xi1>, vector<16xi1>, vector<16xi1>, vector<16xi1>, vector<16xi1>, vector<16xi1>, vector<16xi1>, vector<16xi1>, vector<16xi1>) -> (i1, vector<16xi1>, vector<16xi1>, vector<16xi1>, vector<16xi1>, vector<16xi1>, vector<16xi1>, vector<16xi1>, vector<16xi1>, vector<16xi1>, vector<16xi1>, vector<16xi1>, vector<16xi1>, vector<16xi1>, vector<16xi1>, vector<16xi1>, vector<16xi1>, vector<16xi1>, vector<16xi1>, vector<16xi1>, vector<16xi1>, vector<16xi1>, vector<16xi1>, vector<16xi1>, vector<16xi1>, vector<16xi1>) {
          scf.condition(%while3A_900) %while3A_900, %while3A_901, %while3A_902, %while3A_903, %while3A_904, %while3A_905, %while3A_906, %while3A_907, %while3A_908, %while3A_909, %while3A_910, %while3A_911, %while3A_912, %while3A_913, %while3A_914, %while3A_915, %while3A_916, %while3A_917, %while3A_918, %while3A_919, %while3A_920, %while3A_921, %while3A_922, %while3A_923, %while3A_924, %while3A_925 : i1, vector<16xi1>, vector<16xi1>, vector<16xi1>, vector<16xi1>, vector<16xi1>, vector<16xi1>, vector<16xi1>, vector<16xi1>, vector<16xi1>, vector<16xi1>, vector<16xi1>, vector<16xi1>, vector<16xi1>, vector<16xi1>, vector<16xi1>, vector<16xi1>, vector<16xi1>, vector<16xi1>, vector<16xi1>, vector<16xi1>, vector<16xi1>, vector<16xi1>, vector<16xi1>, vector<16xi1>, vector<16xi1>
        } do {
        ^bb0(%while3A_900: i1, %while3A_901: vector<16xi1>, %while3A_902: vector<16xi1>, %while3A_903: vector<16xi1>, %while3A_904: vector<16xi1>, %while3A_905: vector<16xi1>, %while3A_906: vector<16xi1>, %while3A_907: vector<16xi1>, %while3A_908: vector<16xi1>, %while3A_909: vector<16xi1>, %while3A_910: vector<16xi1>, %while3A_911: vector<16xi1>, %while3A_912: vector<16xi1>, %while3A_913: vector<16xi1>, %while3A_914: vector<16xi1>, %while3A_915: vector<16xi1>, %while3A_916: vector<16xi1>, %while3A_917: vector<16xi1>, %while3A_918: vector<16xi1>, %while3A_919: vector<16xi1>, %while3A_920: vector<16xi1>, %while3A_921: vector<16xi1>, %while3A_922: vector<16xi1>, %while3A_923: vector<16xi1>, %while3A_924: vector<16xi1>, %while3A_925: vector<16xi1>):
          %gather3A_926 = tpu.vector_load_idx %arg10[%get3A_288] : memref<50000xi32, #tpu.memory_space<vmem>>[vector<16xi32>], vector<16xi32>,
          %bitcast3A_927 = vector.bitcast %gather3A_926 : vector<16xi32> to vector<32xbf16>
          %max3A_928 = arith.maximumf %bitcast3A_927, %bitcast3A : vector<32xbf16>
          %bitcast3A_929 = vector.bitcast %max3A_928 : vector<32xbf16> to vector<16xi32>
          tpu.vector_store_idx %arg10[%get3A_288], %bitcast3A_929 masked %while3A_901 : memref<50000xi32, #tpu.memory_space<vmem>>[vector<16xi32>], vector<16xi32>, vector<16xi1>
          %gather3A_930 = tpu.vector_load_idx %arg10[%get3A_304] : memref<50000xi32, #tpu.memory_space<vmem>>[vector<16xi32>], vector<16xi32>,
          %bitcast3A_931 = vector.bitcast %gather3A_930 : vector<16xi32> to vector<32xbf16>
          %max3A_932 = arith.maximumf %bitcast3A_931, %bitcast3A_310 : vector<32xbf16>
          %bitcast3A_933 = vector.bitcast %max3A_932 : vector<32xbf16> to vector<16xi32>
          tpu.vector_store_idx %arg10[%get3A_304], %bitcast3A_933 masked %while3A_902 : memref<50000xi32, #tpu.memory_space<vmem>>[vector<16xi32>], vector<16xi32>, vector<16xi1>
          %gather3A_934 = tpu.vector_load_idx %arg10[%get3A_322] : memref<50000xi32, #tpu.memory_space<vmem>>[vector<16xi32>], vector<16xi32>,
          %bitcast3A_935 = vector.bitcast %gather3A_934 : vector<16xi32> to vector<32xbf16>
          %max3A_936 = arith.maximumf %bitcast3A_935, %bitcast3A_328 : vector<32xbf16>
          %bitcast3A_937 = vector.bitcast %max3A_936 : vector<32xbf16> to vector<16xi32>
          tpu.vector_store_idx %arg10[%get3A_322], %bitcast3A_937 masked %while3A_903 : memref<50000xi32, #tpu.memory_space<vmem>>[vector<16xi32>], vector<16xi32>, vector<16xi1>
          %gather3A_938 = tpu.vector_load_idx %arg10[%get3A_340] : memref<50000xi32, #tpu.memory_space<vmem>>[vector<16xi32>], vector<16xi32>,
          %bitcast3A_939 = vector.bitcast %gather3A_938 : vector<16xi32> to vector<32xbf16>
          %max3A_940 = arith.maximumf %bitcast3A_939, %bitcast3A_346 : vector<32xbf16>
          %bitcast3A_941 = vector.bitcast %max3A_940 : vector<32xbf16> to vector<16xi32>
          tpu.vector_store_idx %arg10[%get3A_340], %bitcast3A_941 masked %while3A_904 : memref<50000xi32, #tpu.memory_space<vmem>>[vector<16xi32>], vector<16xi32>, vector<16xi1>
          %gather3A_942 = tpu.vector_load_idx %arg10[%get3A_358] : memref<50000xi32, #tpu.memory_space<vmem>>[vector<16xi32>], vector<16xi32>,
          %bitcast3A_943 = vector.bitcast %gather3A_942 : vector<16xi32> to vector<32xbf16>
          %max3A_944 = arith.maximumf %bitcast3A_943, %bitcast3A_364 : vector<32xbf16>
          %bitcast3A_945 = vector.bitcast %max3A_944 : vector<32xbf16> to vector<16xi32>
          tpu.vector_store_idx %arg10[%get3A_358], %bitcast3A_945 masked %while3A_905 : memref<50000xi32, #tpu.memory_space<vmem>>[vector<16xi32>], vector<16xi32>, vector<16xi1>
          %gather3A_946 = tpu.vector_load_idx %arg10[%get3A_376] : memref<50000xi32, #tpu.memory_space<vmem>>[vector<16xi32>], vector<16xi32>,
          %bitcast3A_947 = vector.bitcast %gather3A_946 : vector<16xi32> to vector<32xbf16>
          %max3A_948 = arith.maximumf %bitcast3A_947, %bitcast3A_382 : vector<32xbf16>
          %bitcast3A_949 = vector.bitcast %max3A_948 : vector<32xbf16> to vector<16xi32>
          tpu.vector_store_idx %arg10[%get3A_376], %bitcast3A_949 masked %while3A_906 : memref<50000xi32, #tpu.memory_space<vmem>>[vector<16xi32>], vector<16xi32>, vector<16xi1>
          %gather3A_950 = tpu.vector_load_idx %arg10[%get3A_394] : memref<50000xi32, #tpu.memory_space<vmem>>[vector<16xi32>], vector<16xi32>,
          %bitcast3A_951 = vector.bitcast %gather3A_950 : vector<16xi32> to vector<32xbf16>
          %max3A_952 = arith.maximumf %bitcast3A_951, %bitcast3A_400 : vector<32xbf16>
          %bitcast3A_953 = vector.bitcast %max3A_952 : vector<32xbf16> to vector<16xi32>
          tpu.vector_store_idx %arg10[%get3A_394], %bitcast3A_953 masked %while3A_907 : memref<50000xi32, #tpu.memory_space<vmem>>[vector<16xi32>], vector<16xi32>, vector<16xi1>
          %gather3A_954 = tpu.vector_load_idx %arg10[%get3A_412] : memref<50000xi32, #tpu.memory_space<vmem>>[vector<16xi32>], vector<16xi32>,
          %bitcast3A_955 = vector.bitcast %gather3A_954 : vector<16xi32> to vector<32xbf16>
          %max3A_956 = arith.maximumf %bitcast3A_955, %bitcast3A_418 : vector<32xbf16>
          %bitcast3A_957 = vector.bitcast %max3A_956 : vector<32xbf16> to vector<16xi32>
          tpu.vector_store_idx %arg10[%get3A_412], %bitcast3A_957 masked %while3A_908 : memref<50000xi32, #tpu.memory_space<vmem>>[vector<16xi32>], vector<16xi32>, vector<16xi1>
          %gather3A_958 = tpu.vector_load_idx %arg10[%get3A_430] : memref<50000xi32, #tpu.memory_space<vmem>>[vector<16xi32>], vector<16xi32>,
          %bitcast3A_959 = vector.bitcast %gather3A_958 : vector<16xi32> to vector<32xbf16>
          %max3A_960 = arith.maximumf %bitcast3A_959, %bitcast3A_436 : vector<32xbf16>
          %bitcast3A_961 = vector.bitcast %max3A_960 : vector<32xbf16> to vector<16xi32>
          tpu.vector_store_idx %arg10[%get3A_430], %bitcast3A_961 masked %while3A_909 : memref<50000xi32, #tpu.memory_space<vmem>>[vector<16xi32>], vector<16xi32>, vector<16xi1>
          %gather3A_962 = tpu.vector_load_idx %arg10[%get3A_448] : memref<50000xi32, #tpu.memory_space<vmem>>[vector<16xi32>], vector<16xi32>,
          %bitcast3A_963 = vector.bitcast %gather3A_962 : vector<16xi32> to vector<32xbf16>
          %max3A_964 = arith.maximumf %bitcast3A_963, %bitcast3A_454 : vector<32xbf16>
          %bitcast3A_965 = vector.bitcast %max3A_964 : vector<32xbf16> to vector<16xi32>
          tpu.vector_store_idx %arg10[%get3A_448], %bitcast3A_965 masked %while3A_910 : memref<50000xi32, #tpu.memory_space<vmem>>[vector<16xi32>], vector<16xi32>, vector<16xi1>
          %gather3A_966 = tpu.vector_load_idx %arg10[%get3A_466] : memref<50000xi32, #tpu.memory_space<vmem>>[vector<16xi32>], vector<16xi32>,
          %bitcast3A_967 = vector.bitcast %gather3A_966 : vector<16xi32> to vector<32xbf16>
          %max3A_968 = arith.maximumf %bitcast3A_967, %bitcast3A_472 : vector<32xbf16>
          %bitcast3A_969 = vector.bitcast %max3A_968 : vector<32xbf16> to vector<16xi32>
          tpu.vector_store_idx %arg10[%get3A_466], %bitcast3A_969 masked %while3A_911 : memref<50000xi32, #tpu.memory_space<vmem>>[vector<16xi32>], vector<16xi32>, vector<16xi1>
          %gather3A_970 = tpu.vector_load_idx %arg10[%get3A_484] : memref<50000xi32, #tpu.memory_space<vmem>>[vector<16xi32>], vector<16xi32>,
          %bitcast3A_971 = vector.bitcast %gather3A_970 : vector<16xi32> to vector<32xbf16>
          %max3A_972 = arith.maximumf %bitcast3A_971, %bitcast3A_490 : vector<32xbf16>
          %bitcast3A_973 = vector.bitcast %max3A_972 : vector<32xbf16> to vector<16xi32>
          tpu.vector_store_idx %arg10[%get3A_484], %bitcast3A_973 masked %while3A_912 : memref<50000xi32, #tpu.memory_space<vmem>>[vector<16xi32>], vector<16xi32>, vector<16xi1>
          %gather3A_974 = tpu.vector_load_idx %arg10[%get3A_502] : memref<50000xi32, #tpu.memory_space<vmem>>[vector<16xi32>], vector<16xi32>,
          %bitcast3A_975 = vector.bitcast %gather3A_974 : vector<16xi32> to vector<32xbf16>
          %max3A_976 = arith.maximumf %bitcast3A_975, %bitcast3A_508 : vector<32xbf16>
          %bitcast3A_977 = vector.bitcast %max3A_976 : vector<32xbf16> to vector<16xi32>
          tpu.vector_store_idx %arg10[%get3A_502], %bitcast3A_977 masked %while3A_913 : memref<50000xi32, #tpu.memory_space<vmem>>[vector<16xi32>], vector<16xi32>, vector<16xi1>
          %gather3A_978 = tpu.vector_load_idx %arg10[%get3A_520] : memref<50000xi32, #tpu.memory_space<vmem>>[vector<16xi32>], vector<16xi32>,
          %bitcast3A_979 = vector.bitcast %gather3A_978 : vector<16xi32> to vector<32xbf16>
          %max3A_980 = arith.maximumf %bitcast3A_979, %bitcast3A_526 : vector<32xbf16>
          %bitcast3A_981 = vector.bitcast %max3A_980 : vector<32xbf16> to vector<16xi32>
          tpu.vector_store_idx %arg10[%get3A_520], %bitcast3A_981 masked %while3A_914 : memref<50000xi32, #tpu.memory_space<vmem>>[vector<16xi32>], vector<16xi32>, vector<16xi1>
          %gather3A_982 = tpu.vector_load_idx %arg10[%get3A_538] : memref<50000xi32, #tpu.memory_space<vmem>>[vector<16xi32>], vector<16xi32>,
          %bitcast3A_983 = vector.bitcast %gather3A_982 : vector<16xi32> to vector<32xbf16>
          %max3A_984 = arith.maximumf %bitcast3A_983, %bitcast3A_544 : vector<32xbf16>
          %bitcast3A_985 = vector.bitcast %max3A_984 : vector<32xbf16> to vector<16xi32>
          tpu.vector_store_idx %arg10[%get3A_538], %bitcast3A_985 masked %while3A_915 : memref<50000xi32, #tpu.memory_space<vmem>>[vector<16xi32>], vector<16xi32>, vector<16xi1>
          %gather3A_986 = tpu.vector_load_idx %arg10[%get3A_556] : memref<50000xi32, #tpu.memory_space<vmem>>[vector<16xi32>], vector<16xi32>,
          %bitcast3A_987 = vector.bitcast %gather3A_986 : vector<16xi32> to vector<32xbf16>
          %max3A_988 = arith.maximumf %bitcast3A_987, %bitcast3A_562 : vector<32xbf16>
          %bitcast3A_989 = vector.bitcast %max3A_988 : vector<32xbf16> to vector<16xi32>
          tpu.vector_store_idx %arg10[%get3A_556], %bitcast3A_989 masked %while3A_916 : memref<50000xi32, #tpu.memory_space<vmem>>[vector<16xi32>], vector<16xi32>, vector<16xi1>
          %gather3A_990 = tpu.vector_load_idx %arg10[%get3A_574] : memref<50000xi32, #tpu.memory_space<vmem>>[vector<16xi32>], vector<16xi32>,
          %bitcast3A_991 = vector.bitcast %gather3A_990 : vector<16xi32> to vector<32xbf16>
          %max3A_992 = arith.maximumf %bitcast3A_991, %bitcast3A_580 : vector<32xbf16>
          %bitcast3A_993 = vector.bitcast %max3A_992 : vector<32xbf16> to vector<16xi32>
          tpu.vector_store_idx %arg10[%get3A_574], %bitcast3A_993 masked %while3A_917 : memref<50000xi32, #tpu.memory_space<vmem>>[vector<16xi32>], vector<16xi32>, vector<16xi1>
          %gather3A_994 = tpu.vector_load_idx %arg10[%get3A_592] : memref<50000xi32, #tpu.memory_space<vmem>>[vector<16xi32>], vector<16xi32>,
          %bitcast3A_995 = vector.bitcast %gather3A_994 : vector<16xi32> to vector<32xbf16>
          %max3A_996 = arith.maximumf %bitcast3A_995, %bitcast3A_598 : vector<32xbf16>
          %bitcast3A_997 = vector.bitcast %max3A_996 : vector<32xbf16> to vector<16xi32>
          tpu.vector_store_idx %arg10[%get3A_592], %bitcast3A_997 masked %while3A_918 : memref<50000xi32, #tpu.memory_space<vmem>>[vector<16xi32>], vector<16xi32>, vector<16xi1>
          %gather3A_998 = tpu.vector_load_idx %arg10[%get3A_610] : memref<50000xi32, #tpu.memory_space<vmem>>[vector<16xi32>], vector<16xi32>,
          %bitcast3A_999 = vector.bitcast %gather3A_998 : vector<16xi32> to vector<32xbf16>
          %max3A_1000 = arith.maximumf %bitcast3A_999, %bitcast3A_616 : vector<32xbf16>
          %bitcast3A_1001 = vector.bitcast %max3A_1000 : vector<32xbf16> to vector<16xi32>
          tpu.vector_store_idx %arg10[%get3A_610], %bitcast3A_1001 masked %while3A_919 : memref<50000xi32, #tpu.memory_space<vmem>>[vector<16xi32>], vector<16xi32>, vector<16xi1>
          %gather3A_1002 = tpu.vector_load_idx %arg10[%get3A_628] : memref<50000xi32, #tpu.memory_space<vmem>>[vector<16xi32>], vector<16xi32>,
          %bitcast3A_1003 = vector.bitcast %gather3A_1002 : vector<16xi32> to vector<32xbf16>
          %max3A_1004 = arith.maximumf %bitcast3A_1003, %bitcast3A_634 : vector<32xbf16>
          %bitcast3A_1005 = vector.bitcast %max3A_1004 : vector<32xbf16> to vector<16xi32>
          tpu.vector_store_idx %arg10[%get3A_628], %bitcast3A_1005 masked %while3A_920 : memref<50000xi32, #tpu.memory_space<vmem>>[vector<16xi32>], vector<16xi32>, vector<16xi1>
          %gather3A_1006 = tpu.vector_load_idx %arg10[%get3A_646] : memref<50000xi32, #tpu.memory_space<vmem>>[vector<16xi32>], vector<16xi32>,
          %bitcast3A_1007 = vector.bitcast %gather3A_1006 : vector<16xi32> to vector<32xbf16>
          %max3A_1008 = arith.maximumf %bitcast3A_1007, %bitcast3A_652 : vector<32xbf16>
          %bitcast3A_1009 = vector.bitcast %max3A_1008 : vector<32xbf16> to vector<16xi32>
          tpu.vector_store_idx %arg10[%get3A_646], %bitcast3A_1009 masked %while3A_921 : memref<50000xi32, #tpu.memory_space<vmem>>[vector<16xi32>], vector<16xi32>, vector<16xi1>
          %gather3A_1010 = tpu.vector_load_idx %arg10[%get3A_664] : memref<50000xi32, #tpu.memory_space<vmem>>[vector<16xi32>], vector<16xi32>,
          %bitcast3A_1011 = vector.bitcast %gather3A_1010 : vector<16xi32> to vector<32xbf16>
          %max3A_1012 = arith.maximumf %bitcast3A_1011, %bitcast3A_670 : vector<32xbf16>
          %bitcast3A_1013 = vector.bitcast %max3A_1012 : vector<32xbf16> to vector<16xi32>
          tpu.vector_store_idx %arg10[%get3A_664], %bitcast3A_1013 masked %while3A_922 : memref<50000xi32, #tpu.memory_space<vmem>>[vector<16xi32>], vector<16xi32>, vector<16xi1>
          %gather3A_1014 = tpu.vector_load_idx %arg10[%get3A_682] : memref<50000xi32, #tpu.memory_space<vmem>>[vector<16xi32>], vector<16xi32>,
          %bitcast3A_1015 = vector.bitcast %gather3A_1014 : vector<16xi32> to vector<32xbf16>
          %max3A_1016 = arith.maximumf %bitcast3A_1015, %bitcast3A_688 : vector<32xbf16>
          %bitcast3A_1017 = vector.bitcast %max3A_1016 : vector<32xbf16> to vector<16xi32>
          tpu.vector_store_idx %arg10[%get3A_682], %bitcast3A_1017 masked %while3A_923 : memref<50000xi32, #tpu.memory_space<vmem>>[vector<16xi32>], vector<16xi32>, vector<16xi1>
          %gather3A_1018 = tpu.vector_load_idx %arg10[%get3A_700] : memref<50000xi32, #tpu.memory_space<vmem>>[vector<16xi32>], vector<16xi32>,
          %bitcast3A_1019 = vector.bitcast %gather3A_1018 : vector<16xi32> to vector<32xbf16>
          %max3A_1020 = arith.maximumf %bitcast3A_1019, %bitcast3A_706 : vector<32xbf16>
          %bitcast3A_1021 = vector.bitcast %max3A_1020 : vector<32xbf16> to vector<16xi32>
          tpu.vector_store_idx %arg10[%get3A_700], %bitcast3A_1021 masked %while3A_924 : memref<50000xi32, #tpu.memory_space<vmem>>[vector<16xi32>], vector<16xi32>, vector<16xi1>
          %gather3A_1022 = tpu.vector_load_idx %arg10[%get3A_718] : memref<50000xi32, #tpu.memory_space<vmem>>[vector<16xi32>], vector<16xi32>,
          %bitcast3A_1023 = vector.bitcast %gather3A_1022 : vector<16xi32> to vector<32xbf16>
          %max3A_1024 = arith.maximumf %bitcast3A_1023, %bitcast3A_724 : vector<32xbf16>
          %bitcast3A_1025 = vector.bitcast %max3A_1024 : vector<32xbf16> to vector<16xi32>
          tpu.vector_store_idx %arg10[%get3A_718], %bitcast3A_1025 masked %while3A_925 : memref<50000xi32, #tpu.memory_space<vmem>>[vector<16xi32>], vector<16xi32>, vector<16xi1>
          %gather3A_1026 = tpu.vector_load_idx %arg10[%get3A_288] : memref<50000xi32, #tpu.memory_space<vmem>>[vector<16xi32>], vector<16xi32>,
          %bitcast3A_1027 = vector.bitcast %gather3A_1026 : vector<16xi32> to vector<32xbf16>
          %max3A_1028 = arith.maximumf %bitcast3A_1027, %bitcast3A : vector<32xbf16>
          %bitcast3A_1029 = vector.bitcast %max3A_1028 : vector<32xbf16> to vector<16xi32>
          %ne3A_1030 = arith.cmpi ne, %bitcast3A_1029, %gather3A_1026 : vector<16xi32>
          %and3A_1031 = arith.andi %while3A_901, %ne3A_1030 : vector<16xi1>
          %gather3A_1032 = tpu.vector_load_idx %arg10[%get3A_304] : memref<50000xi32, #tpu.memory_space<vmem>>[vector<16xi32>], vector<16xi32>,
          %bitcast3A_1033 = vector.bitcast %gather3A_1032 : vector<16xi32> to vector<32xbf16>
          %max3A_1034 = arith.maximumf %bitcast3A_1033, %bitcast3A_310 : vector<32xbf16>
          %bitcast3A_1035 = vector.bitcast %max3A_1034 : vector<32xbf16> to vector<16xi32>
          %ne3A_1036 = arith.cmpi ne, %bitcast3A_1035, %gather3A_1032 : vector<16xi32>
          %and3A_1037 = arith.andi %while3A_902, %ne3A_1036 : vector<16xi1>
          %or3A_1038 = arith.ori %and3A_1031, %and3A_1037 : vector<16xi1>
          %gather3A_1039 = tpu.vector_load_idx %arg10[%get3A_322] : memref<50000xi32, #tpu.memory_space<vmem>>[vector<16xi32>], vector<16xi32>,
          %bitcast3A_1040 = vector.bitcast %gather3A_1039 : vector<16xi32> to vector<32xbf16>
          %max3A_1041 = arith.maximumf %bitcast3A_1040, %bitcast3A_328 : vector<32xbf16>
          %bitcast3A_1042 = vector.bitcast %max3A_1041 : vector<32xbf16> to vector<16xi32>
          %ne3A_1043 = arith.cmpi ne, %bitcast3A_1042, %gather3A_1039 : vector<16xi32>
          %and3A_1044 = arith.andi %while3A_903, %ne3A_1043 : vector<16xi1>
          %or3A_1045 = arith.ori %or3A_1038, %and3A_1044 : vector<16xi1>
          %gather3A_1046 = tpu.vector_load_idx %arg10[%get3A_340] : memref<50000xi32, #tpu.memory_space<vmem>>[vector<16xi32>], vector<16xi32>,
          %bitcast3A_1047 = vector.bitcast %gather3A_1046 : vector<16xi32> to vector<32xbf16>
          %max3A_1048 = arith.maximumf %bitcast3A_1047, %bitcast3A_346 : vector<32xbf16>
          %bitcast3A_1049 = vector.bitcast %max3A_1048 : vector<32xbf16> to vector<16xi32>
          %ne3A_1050 = arith.cmpi ne, %bitcast3A_1049, %gather3A_1046 : vector<16xi32>
          %and3A_1051 = arith.andi %while3A_904, %ne3A_1050 : vector<16xi1>
          %or3A_1052 = arith.ori %or3A_1045, %and3A_1051 : vector<16xi1>
          %gather3A_1053 = tpu.vector_load_idx %arg10[%get3A_358] : memref<50000xi32, #tpu.memory_space<vmem>>[vector<16xi32>], vector<16xi32>,
          %bitcast3A_1054 = vector.bitcast %gather3A_1053 : vector<16xi32> to vector<32xbf16>
          %max3A_1055 = arith.maximumf %bitcast3A_1054, %bitcast3A_364 : vector<32xbf16>
          %bitcast3A_1056 = vector.bitcast %max3A_1055 : vector<32xbf16> to vector<16xi32>
          %ne3A_1057 = arith.cmpi ne, %bitcast3A_1056, %gather3A_1053 : vector<16xi32>
          %and3A_1058 = arith.andi %while3A_905, %ne3A_1057 : vector<16xi1>
          %or3A_1059 = arith.ori %or3A_1052, %and3A_1058 : vector<16xi1>
          %gather3A_1060 = tpu.vector_load_idx %arg10[%get3A_376] : memref<50000xi32, #tpu.memory_space<vmem>>[vector<16xi32>], vector<16xi32>,
          %bitcast3A_1061 = vector.bitcast %gather3A_1060 : vector<16xi32> to vector<32xbf16>
          %max3A_1062 = arith.maximumf %bitcast3A_1061, %bitcast3A_382 : vector<32xbf16>
          %bitcast3A_1063 = vector.bitcast %max3A_1062 : vector<32xbf16> to vector<16xi32>
          %ne3A_1064 = arith.cmpi ne, %bitcast3A_1063, %gather3A_1060 : vector<16xi32>
          %and3A_1065 = arith.andi %while3A_906, %ne3A_1064 : vector<16xi1>
          %or3A_1066 = arith.ori %or3A_1059, %and3A_1065 : vector<16xi1>
          %gather3A_1067 = tpu.vector_load_idx %arg10[%get3A_394] : memref<50000xi32, #tpu.memory_space<vmem>>[vector<16xi32>], vector<16xi32>,
          %bitcast3A_1068 = vector.bitcast %gather3A_1067 : vector<16xi32> to vector<32xbf16>
          %max3A_1069 = arith.maximumf %bitcast3A_1068, %bitcast3A_400 : vector<32xbf16>
          %bitcast3A_1070 = vector.bitcast %max3A_1069 : vector<32xbf16> to vector<16xi32>
          %ne3A_1071 = arith.cmpi ne, %bitcast3A_1070, %gather3A_1067 : vector<16xi32>
          %and3A_1072 = arith.andi %while3A_907, %ne3A_1071 : vector<16xi1>
          %or3A_1073 = arith.ori %or3A_1066, %and3A_1072 : vector<16xi1>
          %gather3A_1074 = tpu.vector_load_idx %arg10[%get3A_412] : memref<50000xi32, #tpu.memory_space<vmem>>[vector<16xi32>], vector<16xi32>,
          %bitcast3A_1075 = vector.bitcast %gather3A_1074 : vector<16xi32> to vector<32xbf16>
          %max3A_1076 = arith.maximumf %bitcast3A_1075, %bitcast3A_418 : vector<32xbf16>
          %bitcast3A_1077 = vector.bitcast %max3A_1076 : vector<32xbf16> to vector<16xi32>
          %ne3A_1078 = arith.cmpi ne, %bitcast3A_1077, %gather3A_1074 : vector<16xi32>
          %and3A_1079 = arith.andi %while3A_908, %ne3A_1078 : vector<16xi1>
          %or3A_1080 = arith.ori %or3A_1073, %and3A_1079 : vector<16xi1>
          %gather3A_1081 = tpu.vector_load_idx %arg10[%get3A_430] : memref<50000xi32, #tpu.memory_space<vmem>>[vector<16xi32>], vector<16xi32>,
          %bitcast3A_1082 = vector.bitcast %gather3A_1081 : vector<16xi32> to vector<32xbf16>
          %max3A_1083 = arith.maximumf %bitcast3A_1082, %bitcast3A_436 : vector<32xbf16>
          %bitcast3A_1084 = vector.bitcast %max3A_1083 : vector<32xbf16> to vector<16xi32>
          %ne3A_1085 = arith.cmpi ne, %bitcast3A_1084, %gather3A_1081 : vector<16xi32>
          %and3A_1086 = arith.andi %while3A_909, %ne3A_1085 : vector<16xi1>
          %or3A_1087 = arith.ori %or3A_1080, %and3A_1086 : vector<16xi1>
          %gather3A_1088 = tpu.vector_load_idx %arg10[%get3A_448] : memref<50000xi32, #tpu.memory_space<vmem>>[vector<16xi32>], vector<16xi32>,
          %bitcast3A_1089 = vector.bitcast %gather3A_1088 : vector<16xi32> to vector<32xbf16>
          %max3A_1090 = arith.maximumf %bitcast3A_1089, %bitcast3A_454 : vector<32xbf16>
          %bitcast3A_1091 = vector.bitcast %max3A_1090 : vector<32xbf16> to vector<16xi32>
          %ne3A_1092 = arith.cmpi ne, %bitcast3A_1091, %gather3A_1088 : vector<16xi32>
          %and3A_1093 = arith.andi %while3A_910, %ne3A_1092 : vector<16xi1>
          %or3A_1094 = arith.ori %or3A_1087, %and3A_1093 : vector<16xi1>
          %gather3A_1095 = tpu.vector_load_idx %arg10[%get3A_466] : memref<50000xi32, #tpu.memory_space<vmem>>[vector<16xi32>], vector<16xi32>,
          %bitcast3A_1096 = vector.bitcast %gather3A_1095 : vector<16xi32> to vector<32xbf16>
          %max3A_1097 = arith.maximumf %bitcast3A_1096, %bitcast3A_472 : vector<32xbf16>
          %bitcast3A_1098 = vector.bitcast %max3A_1097 : vector<32xbf16> to vector<16xi32>
          %ne3A_1099 = arith.cmpi ne, %bitcast3A_1098, %gather3A_1095 : vector<16xi32>
          %and3A_1100 = arith.andi %while3A_911, %ne3A_1099 : vector<16xi1>
          %or3A_1101 = arith.ori %or3A_1094, %and3A_1100 : vector<16xi1>
          %gather3A_1102 = tpu.vector_load_idx %arg10[%get3A_484] : memref<50000xi32, #tpu.memory_space<vmem>>[vector<16xi32>], vector<16xi32>,
          %bitcast3A_1103 = vector.bitcast %gather3A_1102 : vector<16xi32> to vector<32xbf16>
          %max3A_1104 = arith.maximumf %bitcast3A_1103, %bitcast3A_490 : vector<32xbf16>
          %bitcast3A_1105 = vector.bitcast %max3A_1104 : vector<32xbf16> to vector<16xi32>
          %ne3A_1106 = arith.cmpi ne, %bitcast3A_1105, %gather3A_1102 : vector<16xi32>
          %and3A_1107 = arith.andi %while3A_912, %ne3A_1106 : vector<16xi1>
          %or3A_1108 = arith.ori %or3A_1101, %and3A_1107 : vector<16xi1>
          %gather3A_1109 = tpu.vector_load_idx %arg10[%get3A_502] : memref<50000xi32, #tpu.memory_space<vmem>>[vector<16xi32>], vector<16xi32>,
          %bitcast3A_1110 = vector.bitcast %gather3A_1109 : vector<16xi32> to vector<32xbf16>
          %max3A_1111 = arith.maximumf %bitcast3A_1110, %bitcast3A_508 : vector<32xbf16>
          %bitcast3A_1112 = vector.bitcast %max3A_1111 : vector<32xbf16> to vector<16xi32>
          %ne3A_1113 = arith.cmpi ne, %bitcast3A_1112, %gather3A_1109 : vector<16xi32>
          %and3A_1114 = arith.andi %while3A_913, %ne3A_1113 : vector<16xi1>
          %or3A_1115 = arith.ori %or3A_1108, %and3A_1114 : vector<16xi1>
          %gather3A_1116 = tpu.vector_load_idx %arg10[%get3A_520] : memref<50000xi32, #tpu.memory_space<vmem>>[vector<16xi32>], vector<16xi32>,
          %bitcast3A_1117 = vector.bitcast %gather3A_1116 : vector<16xi32> to vector<32xbf16>
          %max3A_1118 = arith.maximumf %bitcast3A_1117, %bitcast3A_526 : vector<32xbf16>
          %bitcast3A_1119 = vector.bitcast %max3A_1118 : vector<32xbf16> to vector<16xi32>
          %ne3A_1120 = arith.cmpi ne, %bitcast3A_1119, %gather3A_1116 : vector<16xi32>
          %and3A_1121 = arith.andi %while3A_914, %ne3A_1120 : vector<16xi1>
          %or3A_1122 = arith.ori %or3A_1115, %and3A_1121 : vector<16xi1>
          %gather3A_1123 = tpu.vector_load_idx %arg10[%get3A_538] : memref<50000xi32, #tpu.memory_space<vmem>>[vector<16xi32>], vector<16xi32>,
          %bitcast3A_1124 = vector.bitcast %gather3A_1123 : vector<16xi32> to vector<32xbf16>
          %max3A_1125 = arith.maximumf %bitcast3A_1124, %bitcast3A_544 : vector<32xbf16>
          %bitcast3A_1126 = vector.bitcast %max3A_1125 : vector<32xbf16> to vector<16xi32>
          %ne3A_1127 = arith.cmpi ne, %bitcast3A_1126, %gather3A_1123 : vector<16xi32>
          %and3A_1128 = arith.andi %while3A_915, %ne3A_1127 : vector<16xi1>
          %or3A_1129 = arith.ori %or3A_1122, %and3A_1128 : vector<16xi1>
          %gather3A_1130 = tpu.vector_load_idx %arg10[%get3A_556] : memref<50000xi32, #tpu.memory_space<vmem>>[vector<16xi32>], vector<16xi32>,
          %bitcast3A_1131 = vector.bitcast %gather3A_1130 : vector<16xi32> to vector<32xbf16>
          %max3A_1132 = arith.maximumf %bitcast3A_1131, %bitcast3A_562 : vector<32xbf16>
          %bitcast3A_1133 = vector.bitcast %max3A_1132 : vector<32xbf16> to vector<16xi32>
          %ne3A_1134 = arith.cmpi ne, %bitcast3A_1133, %gather3A_1130 : vector<16xi32>
          %and3A_1135 = arith.andi %while3A_916, %ne3A_1134 : vector<16xi1>
          %or3A_1136 = arith.ori %or3A_1129, %and3A_1135 : vector<16xi1>
          %gather3A_1137 = tpu.vector_load_idx %arg10[%get3A_574] : memref<50000xi32, #tpu.memory_space<vmem>>[vector<16xi32>], vector<16xi32>,
          %bitcast3A_1138 = vector.bitcast %gather3A_1137 : vector<16xi32> to vector<32xbf16>
          %max3A_1139 = arith.maximumf %bitcast3A_1138, %bitcast3A_580 : vector<32xbf16>
          %bitcast3A_1140 = vector.bitcast %max3A_1139 : vector<32xbf16> to vector<16xi32>
          %ne3A_1141 = arith.cmpi ne, %bitcast3A_1140, %gather3A_1137 : vector<16xi32>
          %and3A_1142 = arith.andi %while3A_917, %ne3A_1141 : vector<16xi1>
          %or3A_1143 = arith.ori %or3A_1136, %and3A_1142 : vector<16xi1>
          %gather3A_1144 = tpu.vector_load_idx %arg10[%get3A_592] : memref<50000xi32, #tpu.memory_space<vmem>>[vector<16xi32>], vector<16xi32>,
          %bitcast3A_1145 = vector.bitcast %gather3A_1144 : vector<16xi32> to vector<32xbf16>
          %max3A_1146 = arith.maximumf %bitcast3A_1145, %bitcast3A_598 : vector<32xbf16>
          %bitcast3A_1147 = vector.bitcast %max3A_1146 : vector<32xbf16> to vector<16xi32>
          %ne3A_1148 = arith.cmpi ne, %bitcast3A_1147, %gather3A_1144 : vector<16xi32>
          %and3A_1149 = arith.andi %while3A_918, %ne3A_1148 : vector<16xi1>
          %or3A_1150 = arith.ori %or3A_1143, %and3A_1149 : vector<16xi1>
          %gather3A_1151 = tpu.vector_load_idx %arg10[%get3A_610] : memref<50000xi32, #tpu.memory_space<vmem>>[vector<16xi32>], vector<16xi32>,
          %bitcast3A_1152 = vector.bitcast %gather3A_1151 : vector<16xi32> to vector<32xbf16>
          %max3A_1153 = arith.maximumf %bitcast3A_1152, %bitcast3A_616 : vector<32xbf16>
          %bitcast3A_1154 = vector.bitcast %max3A_1153 : vector<32xbf16> to vector<16xi32>
          %ne3A_1155 = arith.cmpi ne, %bitcast3A_1154, %gather3A_1151 : vector<16xi32>
          %and3A_1156 = arith.andi %while3A_919, %ne3A_1155 : vector<16xi1>
          %or3A_1157 = arith.ori %or3A_1150, %and3A_1156 : vector<16xi1>
          %gather3A_1158 = tpu.vector_load_idx %arg10[%get3A_628] : memref<50000xi32, #tpu.memory_space<vmem>>[vector<16xi32>], vector<16xi32>,
          %bitcast3A_1159 = vector.bitcast %gather3A_1158 : vector<16xi32> to vector<32xbf16>
          %max3A_1160 = arith.maximumf %bitcast3A_1159, %bitcast3A_634 : vector<32xbf16>
          %bitcast3A_1161 = vector.bitcast %max3A_1160 : vector<32xbf16> to vector<16xi32>
          %ne3A_1162 = arith.cmpi ne, %bitcast3A_1161, %gather3A_1158 : vector<16xi32>
          %and3A_1163 = arith.andi %while3A_920, %ne3A_1162 : vector<16xi1>
          %or3A_1164 = arith.ori %or3A_1157, %and3A_1163 : vector<16xi1>
          %gather3A_1165 = tpu.vector_load_idx %arg10[%get3A_646] : memref<50000xi32, #tpu.memory_space<vmem>>[vector<16xi32>], vector<16xi32>,
          %bitcast3A_1166 = vector.bitcast %gather3A_1165 : vector<16xi32> to vector<32xbf16>
          %max3A_1167 = arith.maximumf %bitcast3A_1166, %bitcast3A_652 : vector<32xbf16>
          %bitcast3A_1168 = vector.bitcast %max3A_1167 : vector<32xbf16> to vector<16xi32>
          %ne3A_1169 = arith.cmpi ne, %bitcast3A_1168, %gather3A_1165 : vector<16xi32>
          %and3A_1170 = arith.andi %while3A_921, %ne3A_1169 : vector<16xi1>
          %or3A_1171 = arith.ori %or3A_1164, %and3A_1170 : vector<16xi1>
          %gather3A_1172 = tpu.vector_load_idx %arg10[%get3A_664] : memref<50000xi32, #tpu.memory_space<vmem>>[vector<16xi32>], vector<16xi32>,
          %bitcast3A_1173 = vector.bitcast %gather3A_1172 : vector<16xi32> to vector<32xbf16>
          %max3A_1174 = arith.maximumf %bitcast3A_1173, %bitcast3A_670 : vector<32xbf16>
          %bitcast3A_1175 = vector.bitcast %max3A_1174 : vector<32xbf16> to vector<16xi32>
          %ne3A_1176 = arith.cmpi ne, %bitcast3A_1175, %gather3A_1172 : vector<16xi32>
          %and3A_1177 = arith.andi %while3A_922, %ne3A_1176 : vector<16xi1>
          %or3A_1178 = arith.ori %or3A_1171, %and3A_1177 : vector<16xi1>
          %gather3A_1179 = tpu.vector_load_idx %arg10[%get3A_682] : memref<50000xi32, #tpu.memory_space<vmem>>[vector<16xi32>], vector<16xi32>,
          %bitcast3A_1180 = vector.bitcast %gather3A_1179 : vector<16xi32> to vector<32xbf16>
          %max3A_1181 = arith.maximumf %bitcast3A_1180, %bitcast3A_688 : vector<32xbf16>
          %bitcast3A_1182 = vector.bitcast %max3A_1181 : vector<32xbf16> to vector<16xi32>
          %ne3A_1183 = arith.cmpi ne, %bitcast3A_1182, %gather3A_1179 : vector<16xi32>
          %and3A_1184 = arith.andi %while3A_923, %ne3A_1183 : vector<16xi1>
          %or3A_1185 = arith.ori %or3A_1178, %and3A_1184 : vector<16xi1>
          %gather3A_1186 = tpu.vector_load_idx %arg10[%get3A_700] : memref<50000xi32, #tpu.memory_space<vmem>>[vector<16xi32>], vector<16xi32>,
          %bitcast3A_1187 = vector.bitcast %gather3A_1186 : vector<16xi32> to vector<32xbf16>
          %max3A_1188 = arith.maximumf %bitcast3A_1187, %bitcast3A_706 : vector<32xbf16>
          %bitcast3A_1189 = vector.bitcast %max3A_1188 : vector<32xbf16> to vector<16xi32>
          %ne3A_1190 = arith.cmpi ne, %bitcast3A_1189, %gather3A_1186 : vector<16xi32>
          %and3A_1191 = arith.andi %while3A_924, %ne3A_1190 : vector<16xi1>
          %or3A_1192 = arith.ori %or3A_1185, %and3A_1191 : vector<16xi1>
          %gather3A_1193 = tpu.vector_load_idx %arg10[%get3A_718] : memref<50000xi32, #tpu.memory_space<vmem>>[vector<16xi32>], vector<16xi32>,
          %bitcast3A_1194 = vector.bitcast %gather3A_1193 : vector<16xi32> to vector<32xbf16>
          %max3A_1195 = arith.maximumf %bitcast3A_1194, %bitcast3A_724 : vector<32xbf16>
          %bitcast3A_1196 = vector.bitcast %max3A_1195 : vector<32xbf16> to vector<16xi32>
          %ne3A_1197 = arith.cmpi ne, %bitcast3A_1196, %gather3A_1193 : vector<16xi32>
          %and3A_1198 = arith.andi %while3A_925, %ne3A_1197 : vector<16xi1>
          %or3A_1199 = arith.ori %or3A_1192, %and3A_1198 : vector<16xi1>
          %reduce_or3A_1200 = arith.constant 1.000000e+00 : f32
          %reduce_or3A_1201 = arith.constant 0.000000e+00 : f32
          %reduce_or3A_1202 = vector.broadcast %reduce_or3A_1200 : f32 to vector<16xf32>
          %reduce_or3A_1203 = vector.broadcast %reduce_or3A_1201 : f32 to vector<16xf32>
          %reduce_or3A_1204 = arith.select %or3A_1199, %reduce_or3A_1202, %reduce_or3A_1203 : vector<16xi1>, vector<16xf32>
          %reduce_or3A_1205 = arith.constant true
          %reduce_or3A_1206 = vector.broadcast %reduce_or3A_1205 : i1 to vector<16xi1>
          %reduce_or3A_1207 = tpu.scan <max>, %reduce_or3A_1204 masked %reduce_or3A_1206 : vector<16xf32>, vector<16xi1> -> vector<16xf32>
          %reduce_or3A_1208 = vector.extract %reduce_or3A_1207[15] : f32 from vector<16xf32>
          %reduce_or3A_1209 = arith.constant 0.000000e+00 : f32
          %reduce_or3A_1210 = arith.cmpf ogt, %reduce_or3A_1208, %reduce_or3A_1209 : f32
          scf.yield %reduce_or3A_1210, %and3A_1031, %and3A_1037, %and3A_1044, %and3A_1051, %and3A_1058, %and3A_1065, %and3A_1072, %and3A_1079, %and3A_1086, %and3A_1093, %and3A_1100, %and3A_1107, %and3A_1114, %and3A_1121, %and3A_1128, %and3A_1135, %and3A_1142, %and3A_1149, %and3A_1156, %and3A_1163, %and3A_1170, %and3A_1177, %and3A_1184, %and3A_1191, %and3A_1198 : i1, vector<16xi1>, vector<16xi1>, vector<16xi1>, vector<16xi1>, vector<16xi1>, vector<16xi1>, vector<16xi1>, vector<16xi1>, vector<16xi1>, vector<16xi1>, vector<16xi1>, vector<16xi1>, vector<16xi1>, vector<16xi1>, vector<16xi1>, vector<16xi1>, vector<16xi1>, vector<16xi1>, vector<16xi1>, vector<16xi1>, vector<16xi1>, vector<16xi1>, vector<16xi1>, vector<16xi1>, vector<16xi1>
        }
      } else {
      }
      %scan3A_888 = arith.constant 0 : i32
      scf.yield %scan3A_888 : i32
    }
    %scan3A_164 = arith.constant 8 : i32
    %mul3A_165 = arith.constant 16 : i32
    %mul3A_166 = arith.muli %add3A_30, %mul3A_165 : i32
    %add3A_167 = arith.addi %mul3A_166, %select_n3A_7 : i32
    %mul3A_168 = arith.constant 50000 : i32
    %mul3A_169 = arith.muli %add3A_167, %mul3A_168 : i32
    %scan3A_170 = arith.constant 0 : i32
    %scan3A_171 = arith.constant 0 : i32
    %scan3A_172 = arith.constant 12 : i32
    %scan3A_173 = arith.addi %scan3A_171, %scan3A_172 : i32
    %scan3A_174 = arith.constant 1 : i32
    %scan3A_175 = scf.for %scan3A_280 = %scan3A_171 to %scan3A_173 step %scan3A_174 iter_args(%scan3A_281 = %scan3A_170) -> (i32)  : i32 {
      %mul3A_282 = arith.constant 2 : i32
      %mul3A_283 = arith.muli %scan3A_280, %mul3A_282 : i32
      %add3A_284 = arith.constant 0 : i32
      %add3A_285 = arith.addi %mul3A_283, %add3A_284 : i32
      %ge3A = arith.constant 2 : i32
      %ge3A_286 = arith.cmpi sge, %add3A_285, %ge3A : i32
      %convert_element_type3A = arith.extui %ge3A_286 : i1 to i32
      %cond3A = arith.constant 0 : i32
      %cond3A_287 = arith.cmpi ne, %convert_element_type3A, %cond3A : i32
      scf.if %cond3A_287 {
        %sub3A_364 = arith.constant 2 : i32
        %sub3A_365 = arith.subi %add3A_285, %sub3A_364 : i32
        %mul3A_366 = arith.constant 2000 : i32
        %mul3A_367 = arith.muli %sub3A_365, %mul3A_366 : i32
        %add3A_368 = arith.addi %mul3A_169, %mul3A_367 : i32
        %dma_wait3A_369 = arith.constant 0 : i32
        %dma_wait3A_370 = arith.constant 0 : i32
        %dma_wait3A_371 = tpu.memref_slice %arg7[%dma_wait3A_370] : memref<6000xf32, #tpu.memory_space<vmem>> -> memref<2000xf32, #tpu.memory_space<vmem>>
        %dma_wait3A_372 = tpu.memref_slice %arg5[%add3A_368] : memref<3200000xf32, #tpu.memory_space<hbm>> -> memref<2000xf32, #tpu.memory_space<hbm>>
        %dma_wait3A_373 = tpu.memref_slice %arg15[%dma_wait3A_369] : memref<2x!tpu.dma_semaphore, #tpu.memory_space<semaphore_mem>> -> memref<1x!tpu.dma_semaphore, #tpu.memory_space<semaphore_mem>>
        %dma_wait3A_374 = tpu.memref_squeeze %dma_wait3A_373 : memref<1x!tpu.dma_semaphore, #tpu.memory_space<semaphore_mem>> -> memref<!tpu.dma_semaphore, #tpu.memory_space<semaphore_mem>>
        %dma_wait3A_375 = tpu.memref_slice %arg5[%add3A_368] : memref<3200000xf32, #tpu.memory_space<hbm>> -> memref<2000xf32, #tpu.memory_space<hbm>>
        %dma_wait3A_376 = arith.constant 0 : i32
        %dma_wait3A_377 = tpu.memref_slice %arg7[%dma_wait3A_376] : memref<6000xf32, #tpu.memory_space<vmem>> -> memref<2000xf32, #tpu.memory_space<vmem>>
        tpu.wait_dma2 semaphore(%dma_wait3A_374 : memref<!tpu.dma_semaphore, #tpu.memory_space<semaphore_mem>>) src(%dma_wait3A_377 : memref<2000xf32, #tpu.memory_space<vmem>>) dst(%dma_wait3A_375 : memref<2000xf32, #tpu.memory_space<hbm>>)
        %add3A_378 = arith.constant 400000 : i32
        %add3A_379 = arith.addi %mul3A_169, %add3A_378 : i32
        %mul3A_380 = arith.constant 2000 : i32
        %mul3A_381 = arith.muli %sub3A_365, %mul3A_380 : i32
        %add3A_382 = arith.addi %add3A_379, %mul3A_381 : i32
        %dma_wait3A_383 = arith.constant 0 : i32
        %dma_wait3A_384 = arith.constant 2000 : i32
        %dma_wait3A_385 = tpu.memref_slice %arg7[%dma_wait3A_384] : memref<6000xf32, #tpu.memory_space<vmem>> -> memref<2000xf32, #tpu.memory_space<vmem>>
        %dma_wait3A_386 = tpu.memref_slice %arg5[%add3A_382] : memref<3200000xf32, #tpu.memory_space<hbm>> -> memref<2000xf32, #tpu.memory_space<hbm>>
        %dma_wait3A_387 = tpu.memref_slice %arg15[%dma_wait3A_383] : memref<2x!tpu.dma_semaphore, #tpu.memory_space<semaphore_mem>> -> memref<1x!tpu.dma_semaphore, #tpu.memory_space<semaphore_mem>>
        %dma_wait3A_388 = tpu.memref_squeeze %dma_wait3A_387 : memref<1x!tpu.dma_semaphore, #tpu.memory_space<semaphore_mem>> -> memref<!tpu.dma_semaphore, #tpu.memory_space<semaphore_mem>>
        %dma_wait3A_389 = tpu.memref_slice %arg5[%add3A_382] : memref<3200000xf32, #tpu.memory_space<hbm>> -> memref<2000xf32, #tpu.memory_space<hbm>>
        %dma_wait3A_390 = arith.constant 2000 : i32
        %dma_wait3A_391 = tpu.memref_slice %arg7[%dma_wait3A_390] : memref<6000xf32, #tpu.memory_space<vmem>> -> memref<2000xf32, #tpu.memory_space<vmem>>
        tpu.wait_dma2 semaphore(%dma_wait3A_388 : memref<!tpu.dma_semaphore, #tpu.memory_space<semaphore_mem>>) src(%dma_wait3A_391 : memref<2000xf32, #tpu.memory_space<vmem>>) dst(%dma_wait3A_389 : memref<2000xf32, #tpu.memory_space<hbm>>)
      } else {
      }
      %scan3A_288 = arith.constant 0 : i32
      %scan3A_289 = arith.constant 0 : i32
      %scan3A_290 = arith.constant 125 : i32
      %scan3A_291 = arith.addi %scan3A_289, %scan3A_290 : i32
      %scan3A_292 = arith.constant 1 : i32
      %scan3A_293 = scf.for %scan3A_364 = %scan3A_289 to %scan3A_291 step %scan3A_292 iter_args(%scan3A_365 = %scan3A_288) -> (i32)  : i32 {
        %mul3A_366 = arith.constant 2000 : i32
        %mul3A_367 = arith.muli %add3A_285, %mul3A_366 : i32
        %mul3A_368 = arith.constant 16 : i32
        %mul3A_369 = arith.muli %scan3A_364, %mul3A_368 : i32
        %add3A_370 = arith.addi %mul3A_367, %mul3A_369 : i32
        %get3A = arith.index_cast %add3A_370 : i32 to index
        %get3A_371 = tpu.vector_load %arg10[%get3A] {strides = array<i32>} : memref<50000xi32, #tpu.memory_space<vmem>>, vector<16xi32>,
        %get3A_372 = arith.index_cast %add3A_370 : i32 to index
        %get3A_373 = tpu.vector_load %arg9[%get3A_372] {strides = array<i32>} : memref<50000xi32, #tpu.memory_space<vmem>>, vector<16xi32>,
        %shift_left3A = arith.constant 16 : i32
        %shift_left3A_374 = vector.broadcast %shift_left3A : i32 to vector<16xi32>
        %shift_left3A_375 = arith.shli %get3A_371, %shift_left3A_374 : vector<16xi32>
        %bitcast3A = vector.bitcast %shift_left3A_375 : vector<16xi32> to vector<16xf32>
        %shift_left3A_376 = arith.constant 16 : i32
        %shift_left3A_377 = vector.broadcast %shift_left3A_376 : i32 to vector<16xi32>
        %shift_left3A_378 = arith.shli %get3A_373, %shift_left3A_377 : vector<16xi32>
        %bitcast3A_379 = vector.bitcast %shift_left3A_378 : vector<16xi32> to vector<16xf32>
        %sub3A_380 = arith.subf %bitcast3A, %bitcast3A_379 : vector<16xf32>
        %mul3A_381 = arith.constant 16 : i32
        %mul3A_382 = arith.muli %scan3A_364, %mul3A_381 : i32
        %swap3A = arith.index_cast %mul3A_382 : i32 to index
        %swap3A_383 = tpu.vector_load %arg7[%swap3A] {strides = array<i32>} : memref<6000xf32, #tpu.memory_space<vmem>>, vector<16xf32>,
        tpu.vector_store %arg7[%swap3A], %sub3A_380 {strides = array<i32>} : memref<6000xf32, #tpu.memory_space<vmem>>, vector<16xf32>,
        %and3A_384 = arith.constant -65536 : i32
        %and3A_385 = vector.broadcast %and3A_384 : i32 to vector<16xi32>
        %and3A_386 = arith.andi %get3A_371, %and3A_385 : vector<16xi32>
        %bitcast3A_387 = vector.bitcast %and3A_386 : vector<16xi32> to vector<16xf32>
        %and3A_388 = arith.constant -65536 : i32
        %and3A_389 = vector.broadcast %and3A_388 : i32 to vector<16xi32>
        %and3A_390 = arith.andi %get3A_373, %and3A_389 : vector<16xi32>
        %bitcast3A_391 = vector.bitcast %and3A_390 : vector<16xi32> to vector<16xf32>
        %sub3A_392 = arith.subf %bitcast3A_387, %bitcast3A_391 : vector<16xf32>
        %mul3A_393 = arith.constant 16 : i32
        %mul3A_394 = arith.muli %scan3A_364, %mul3A_393 : i32
        %add3A_395 = arith.constant 2000 : i32
        %add3A_396 = arith.addi %add3A_395, %mul3A_394 : i32
        %swap3A_397 = arith.index_cast %add3A_396 : i32 to index
        %swap3A_398 = tpu.vector_load %arg7[%swap3A_397] {strides = array<i32>} : memref<6000xf32, #tpu.memory_space<vmem>>, vector<16xf32>,
        tpu.vector_store %arg7[%swap3A_397], %sub3A_392 {strides = array<i32>} : memref<6000xf32, #tpu.memory_space<vmem>>, vector<16xf32>,
        %scan3A_399 = arith.constant 0 : i32
        scf.yield %scan3A_399 : i32
      }
      %scan3A_294 = arith.constant 125 : i32
      %mul3A_295 = arith.constant 2000 : i32
      %mul3A_296 = arith.muli %add3A_285, %mul3A_295 : i32
      %add3A_297 = arith.addi %mul3A_169, %mul3A_296 : i32
      %dma_start3A_298 = arith.constant 0 : i32
      %dma_start3A_299 = arith.constant 0 : i32
      %dma_start3A_300 = tpu.memref_slice %arg7[%dma_start3A_299] : memref<6000xf32, #tpu.memory_space<vmem>> -> memref<2000xf32, #tpu.memory_space<vmem>>
      %dma_start3A_301 = tpu.memref_slice %arg5[%add3A_297] : memref<3200000xf32, #tpu.memory_space<hbm>> -> memref<2000xf32, #tpu.memory_space<hbm>>
      %dma_start3A_302 = tpu.memref_slice %arg15[%dma_start3A_298] : memref<2x!tpu.dma_semaphore, #tpu.memory_space<semaphore_mem>> -> memref<1x!tpu.dma_semaphore, #tpu.memory_space<semaphore_mem>>
      %dma_start3A_303 = tpu.memref_squeeze %dma_start3A_302 : memref<1x!tpu.dma_semaphore, #tpu.memory_space<semaphore_mem>> -> memref<!tpu.dma_semaphore, #tpu.memory_space<semaphore_mem>>
      %dma_start3A_304 = tpu.memref_slice %arg5[%add3A_297] : memref<3200000xf32, #tpu.memory_space<hbm>> -> memref<2000xf32, #tpu.memory_space<hbm>>
      %dma_start3A_305 = arith.constant 0 : i32
      %dma_start3A_306 = tpu.memref_slice %arg7[%dma_start3A_305] : memref<6000xf32, #tpu.memory_space<vmem>> -> memref<2000xf32, #tpu.memory_space<vmem>>
      tpu.enqueue_dma source(%dma_start3A_306 : memref<2000xf32, #tpu.memory_space<vmem>>) target(%dma_start3A_304 : memref<2000xf32, #tpu.memory_space<hbm>>) target_semaphore(%dma_start3A_303 : memref<!tpu.dma_semaphore, #tpu.memory_space<semaphore_mem>>)
      %add3A_307 = arith.constant 400000 : i32
      %add3A_308 = arith.addi %mul3A_169, %add3A_307 : i32
      %mul3A_309 = arith.constant 2000 : i32
      %mul3A_310 = arith.muli %add3A_285, %mul3A_309 : i32
      %add3A_311 = arith.addi %add3A_308, %mul3A_310 : i32
      %dma_start3A_312 = arith.constant 0 : i32
      %dma_start3A_313 = arith.constant 2000 : i32
      %dma_start3A_314 = tpu.memref_slice %arg7[%dma_start3A_313] : memref<6000xf32, #tpu.memory_space<vmem>> -> memref<2000xf32, #tpu.memory_space<vmem>>
      %dma_start3A_315 = tpu.memref_slice %arg5[%add3A_311] : memref<3200000xf32, #tpu.memory_space<hbm>> -> memref<2000xf32, #tpu.memory_space<hbm>>
      %dma_start3A_316 = tpu.memref_slice %arg15[%dma_start3A_312] : memref<2x!tpu.dma_semaphore, #tpu.memory_space<semaphore_mem>> -> memref<1x!tpu.dma_semaphore, #tpu.memory_space<semaphore_mem>>
      %dma_start3A_317 = tpu.memref_squeeze %dma_start3A_316 : memref<1x!tpu.dma_semaphore, #tpu.memory_space<semaphore_mem>> -> memref<!tpu.dma_semaphore, #tpu.memory_space<semaphore_mem>>
      %dma_start3A_318 = tpu.memref_slice %arg5[%add3A_311] : memref<3200000xf32, #tpu.memory_space<hbm>> -> memref<2000xf32, #tpu.memory_space<hbm>>
      %dma_start3A_319 = arith.constant 2000 : i32
      %dma_start3A_320 = tpu.memref_slice %arg7[%dma_start3A_319] : memref<6000xf32, #tpu.memory_space<vmem>> -> memref<2000xf32, #tpu.memory_space<vmem>>
      tpu.enqueue_dma source(%dma_start3A_320 : memref<2000xf32, #tpu.memory_space<vmem>>) target(%dma_start3A_318 : memref<2000xf32, #tpu.memory_space<hbm>>) target_semaphore(%dma_start3A_317 : memref<!tpu.dma_semaphore, #tpu.memory_space<semaphore_mem>>)
      %mul3A_321 = arith.constant 2 : i32
      %mul3A_322 = arith.muli %scan3A_280, %mul3A_321 : i32
      %add3A_323 = arith.constant 1 : i32
      %add3A_324 = arith.addi %mul3A_322, %add3A_323 : i32
      %ge3A_325 = arith.constant 2 : i32
      %ge3A_326 = arith.cmpi sge, %add3A_324, %ge3A_325 : i32
      %convert_element_type3A_327 = arith.extui %ge3A_326 : i1 to i32
      %cond3A_328 = arith.constant 0 : i32
      %cond3A_329 = arith.cmpi ne, %convert_element_type3A_327, %cond3A_328 : i32
      scf.if %cond3A_329 {
        %sub3A_364 = arith.constant 2 : i32
        %sub3A_365 = arith.subi %add3A_324, %sub3A_364 : i32
        %mul3A_366 = arith.constant 2000 : i32
        %mul3A_367 = arith.muli %sub3A_365, %mul3A_366 : i32
        %add3A_368 = arith.addi %mul3A_169, %mul3A_367 : i32
        %dma_wait3A_369 = arith.constant 1 : i32
        %dma_wait3A_370 = arith.constant 0 : i32
        %dma_wait3A_371 = tpu.memref_slice %arg8[%dma_wait3A_370] : memref<6000xf32, #tpu.memory_space<vmem>> -> memref<2000xf32, #tpu.memory_space<vmem>>
        %dma_wait3A_372 = tpu.memref_slice %arg5[%add3A_368] : memref<3200000xf32, #tpu.memory_space<hbm>> -> memref<2000xf32, #tpu.memory_space<hbm>>
        %dma_wait3A_373 = tpu.memref_slice %arg15[%dma_wait3A_369] : memref<2x!tpu.dma_semaphore, #tpu.memory_space<semaphore_mem>> -> memref<1x!tpu.dma_semaphore, #tpu.memory_space<semaphore_mem>>
        %dma_wait3A_374 = tpu.memref_squeeze %dma_wait3A_373 : memref<1x!tpu.dma_semaphore, #tpu.memory_space<semaphore_mem>> -> memref<!tpu.dma_semaphore, #tpu.memory_space<semaphore_mem>>
        %dma_wait3A_375 = tpu.memref_slice %arg5[%add3A_368] : memref<3200000xf32, #tpu.memory_space<hbm>> -> memref<2000xf32, #tpu.memory_space<hbm>>
        %dma_wait3A_376 = arith.constant 0 : i32
        %dma_wait3A_377 = tpu.memref_slice %arg8[%dma_wait3A_376] : memref<6000xf32, #tpu.memory_space<vmem>> -> memref<2000xf32, #tpu.memory_space<vmem>>
        tpu.wait_dma2 semaphore(%dma_wait3A_374 : memref<!tpu.dma_semaphore, #tpu.memory_space<semaphore_mem>>) src(%dma_wait3A_377 : memref<2000xf32, #tpu.memory_space<vmem>>) dst(%dma_wait3A_375 : memref<2000xf32, #tpu.memory_space<hbm>>)
        %add3A_378 = arith.constant 400000 : i32
        %add3A_379 = arith.addi %mul3A_169, %add3A_378 : i32
        %mul3A_380 = arith.constant 2000 : i32
        %mul3A_381 = arith.muli %sub3A_365, %mul3A_380 : i32
        %add3A_382 = arith.addi %add3A_379, %mul3A_381 : i32
        %dma_wait3A_383 = arith.constant 1 : i32
        %dma_wait3A_384 = arith.constant 2000 : i32
        %dma_wait3A_385 = tpu.memref_slice %arg8[%dma_wait3A_384] : memref<6000xf32, #tpu.memory_space<vmem>> -> memref<2000xf32, #tpu.memory_space<vmem>>
        %dma_wait3A_386 = tpu.memref_slice %arg5[%add3A_382] : memref<3200000xf32, #tpu.memory_space<hbm>> -> memref<2000xf32, #tpu.memory_space<hbm>>
        %dma_wait3A_387 = tpu.memref_slice %arg15[%dma_wait3A_383] : memref<2x!tpu.dma_semaphore, #tpu.memory_space<semaphore_mem>> -> memref<1x!tpu.dma_semaphore, #tpu.memory_space<semaphore_mem>>
        %dma_wait3A_388 = tpu.memref_squeeze %dma_wait3A_387 : memref<1x!tpu.dma_semaphore, #tpu.memory_space<semaphore_mem>> -> memref<!tpu.dma_semaphore, #tpu.memory_space<semaphore_mem>>
        %dma_wait3A_389 = tpu.memref_slice %arg5[%add3A_382] : memref<3200000xf32, #tpu.memory_space<hbm>> -> memref<2000xf32, #tpu.memory_space<hbm>>
        %dma_wait3A_390 = arith.constant 2000 : i32
        %dma_wait3A_391 = tpu.memref_slice %arg8[%dma_wait3A_390] : memref<6000xf32, #tpu.memory_space<vmem>> -> memref<2000xf32, #tpu.memory_space<vmem>>
        tpu.wait_dma2 semaphore(%dma_wait3A_388 : memref<!tpu.dma_semaphore, #tpu.memory_space<semaphore_mem>>) src(%dma_wait3A_391 : memref<2000xf32, #tpu.memory_space<vmem>>) dst(%dma_wait3A_389 : memref<2000xf32, #tpu.memory_space<hbm>>)
      } else {
      }
      %scan3A_330 = arith.constant 0 : i32
      %scan3A_331 = arith.constant 0 : i32
      %scan3A_332 = arith.constant 125 : i32
      %scan3A_333 = arith.addi %scan3A_331, %scan3A_332 : i32
      %scan3A_334 = arith.constant 1 : i32
      %scan3A_335 = scf.for %scan3A_364 = %scan3A_331 to %scan3A_333 step %scan3A_334 iter_args(%scan3A_365 = %scan3A_330) -> (i32)  : i32 {
        %mul3A_366 = arith.constant 2000 : i32
        %mul3A_367 = arith.muli %add3A_324, %mul3A_366 : i32
        %mul3A_368 = arith.constant 16 : i32
        %mul3A_369 = arith.muli %scan3A_364, %mul3A_368 : i32
        %add3A_370 = arith.addi %mul3A_367, %mul3A_369 : i32
        %get3A = arith.index_cast %add3A_370 : i32 to index
        %get3A_371 = tpu.vector_load %arg10[%get3A] {strides = array<i32>} : memref<50000xi32, #tpu.memory_space<vmem>>, vector<16xi32>,
        %get3A_372 = arith.index_cast %add3A_370 : i32 to index
        %get3A_373 = tpu.vector_load %arg9[%get3A_372] {strides = array<i32>} : memref<50000xi32, #tpu.memory_space<vmem>>, vector<16xi32>,
        %shift_left3A = arith.constant 16 : i32
        %shift_left3A_374 = vector.broadcast %shift_left3A : i32 to vector<16xi32>
        %shift_left3A_375 = arith.shli %get3A_371, %shift_left3A_374 : vector<16xi32>
        %bitcast3A = vector.bitcast %shift_left3A_375 : vector<16xi32> to vector<16xf32>
        %shift_left3A_376 = arith.constant 16 : i32
        %shift_left3A_377 = vector.broadcast %shift_left3A_376 : i32 to vector<16xi32>
        %shift_left3A_378 = arith.shli %get3A_373, %shift_left3A_377 : vector<16xi32>
        %bitcast3A_379 = vector.bitcast %shift_left3A_378 : vector<16xi32> to vector<16xf32>
        %sub3A_380 = arith.subf %bitcast3A, %bitcast3A_379 : vector<16xf32>
        %mul3A_381 = arith.constant 16 : i32
        %mul3A_382 = arith.muli %scan3A_364, %mul3A_381 : i32
        %swap3A = arith.index_cast %mul3A_382 : i32 to index
        %swap3A_383 = tpu.vector_load %arg8[%swap3A] {strides = array<i32>} : memref<6000xf32, #tpu.memory_space<vmem>>, vector<16xf32>,
        tpu.vector_store %arg8[%swap3A], %sub3A_380 {strides = array<i32>} : memref<6000xf32, #tpu.memory_space<vmem>>, vector<16xf32>,
        %and3A_384 = arith.constant -65536 : i32
        %and3A_385 = vector.broadcast %and3A_384 : i32 to vector<16xi32>
        %and3A_386 = arith.andi %get3A_371, %and3A_385 : vector<16xi32>
        %bitcast3A_387 = vector.bitcast %and3A_386 : vector<16xi32> to vector<16xf32>
        %and3A_388 = arith.constant -65536 : i32
        %and3A_389 = vector.broadcast %and3A_388 : i32 to vector<16xi32>
        %and3A_390 = arith.andi %get3A_373, %and3A_389 : vector<16xi32>
        %bitcast3A_391 = vector.bitcast %and3A_390 : vector<16xi32> to vector<16xf32>
        %sub3A_392 = arith.subf %bitcast3A_387, %bitcast3A_391 : vector<16xf32>
        %mul3A_393 = arith.constant 16 : i32
        %mul3A_394 = arith.muli %scan3A_364, %mul3A_393 : i32
        %add3A_395 = arith.constant 2000 : i32
        %add3A_396 = arith.addi %add3A_395, %mul3A_394 : i32
        %swap3A_397 = arith.index_cast %add3A_396 : i32 to index
        %swap3A_398 = tpu.vector_load %arg8[%swap3A_397] {strides = array<i32>} : memref<6000xf32, #tpu.memory_space<vmem>>, vector<16xf32>,
        tpu.vector_store %arg8[%swap3A_397], %sub3A_392 {strides = array<i32>} : memref<6000xf32, #tpu.memory_space<vmem>>, vector<16xf32>,
        %scan3A_399 = arith.constant 0 : i32
        scf.yield %scan3A_399 : i32
      }
      %scan3A_336 = arith.constant 125 : i32
      %mul3A_337 = arith.constant 2000 : i32
      %mul3A_338 = arith.muli %add3A_324, %mul3A_337 : i32
      %add3A_339 = arith.addi %mul3A_169, %mul3A_338 : i32
      %dma_start3A_340 = arith.constant 1 : i32
      %dma_start3A_341 = arith.constant 0 : i32
      %dma_start3A_342 = tpu.memref_slice %arg8[%dma_start3A_341] : memref<6000xf32, #tpu.memory_space<vmem>> -> memref<2000xf32, #tpu.memory_space<vmem>>
      %dma_start3A_343 = tpu.memref_slice %arg5[%add3A_339] : memref<3200000xf32, #tpu.memory_space<hbm>> -> memref<2000xf32, #tpu.memory_space<hbm>>
      %dma_start3A_344 = tpu.memref_slice %arg15[%dma_start3A_340] : memref<2x!tpu.dma_semaphore, #tpu.memory_space<semaphore_mem>> -> memref<1x!tpu.dma_semaphore, #tpu.memory_space<semaphore_mem>>
      %dma_start3A_345 = tpu.memref_squeeze %dma_start3A_344 : memref<1x!tpu.dma_semaphore, #tpu.memory_space<semaphore_mem>> -> memref<!tpu.dma_semaphore, #tpu.memory_space<semaphore_mem>>
      %dma_start3A_346 = tpu.memref_slice %arg5[%add3A_339] : memref<3200000xf32, #tpu.memory_space<hbm>> -> memref<2000xf32, #tpu.memory_space<hbm>>
      %dma_start3A_347 = arith.constant 0 : i32
      %dma_start3A_348 = tpu.memref_slice %arg8[%dma_start3A_347] : memref<6000xf32, #tpu.memory_space<vmem>> -> memref<2000xf32, #tpu.memory_space<vmem>>
      tpu.enqueue_dma source(%dma_start3A_348 : memref<2000xf32, #tpu.memory_space<vmem>>) target(%dma_start3A_346 : memref<2000xf32, #tpu.memory_space<hbm>>) target_semaphore(%dma_start3A_345 : memref<!tpu.dma_semaphore, #tpu.memory_space<semaphore_mem>>)
      %add3A_349 = arith.constant 400000 : i32
      %add3A_350 = arith.addi %mul3A_169, %add3A_349 : i32
      %mul3A_351 = arith.constant 2000 : i32
      %mul3A_352 = arith.muli %add3A_324, %mul3A_351 : i32
      %add3A_353 = arith.addi %add3A_350, %mul3A_352 : i32
      %dma_start3A_354 = arith.constant 1 : i32
      %dma_start3A_355 = arith.constant 2000 : i32
      %dma_start3A_356 = tpu.memref_slice %arg8[%dma_start3A_355] : memref<6000xf32, #tpu.memory_space<vmem>> -> memref<2000xf32, #tpu.memory_space<vmem>>
      %dma_start3A_357 = tpu.memref_slice %arg5[%add3A_353] : memref<3200000xf32, #tpu.memory_space<hbm>> -> memref<2000xf32, #tpu.memory_space<hbm>>
      %dma_start3A_358 = tpu.memref_slice %arg15[%dma_start3A_354] : memref<2x!tpu.dma_semaphore, #tpu.memory_space<semaphore_mem>> -> memref<1x!tpu.dma_semaphore, #tpu.memory_space<semaphore_mem>>
      %dma_start3A_359 = tpu.memref_squeeze %dma_start3A_358 : memref<1x!tpu.dma_semaphore, #tpu.memory_space<semaphore_mem>> -> memref<!tpu.dma_semaphore, #tpu.memory_space<semaphore_mem>>
      %dma_start3A_360 = tpu.memref_slice %arg5[%add3A_353] : memref<3200000xf32, #tpu.memory_space<hbm>> -> memref<2000xf32, #tpu.memory_space<hbm>>
      %dma_start3A_361 = arith.constant 2000 : i32
      %dma_start3A_362 = tpu.memref_slice %arg8[%dma_start3A_361] : memref<6000xf32, #tpu.memory_space<vmem>> -> memref<2000xf32, #tpu.memory_space<vmem>>
      tpu.enqueue_dma source(%dma_start3A_362 : memref<2000xf32, #tpu.memory_space<vmem>>) target(%dma_start3A_360 : memref<2000xf32, #tpu.memory_space<hbm>>) target_semaphore(%dma_start3A_359 : memref<!tpu.dma_semaphore, #tpu.memory_space<semaphore_mem>>)
      %scan3A_363 = arith.constant 0 : i32
      scf.yield %scan3A_363 : i32
    }
    %scan3A_176 = arith.constant 12 : i32
    %add3A_177 = arith.constant 44000 : i32
    %add3A_178 = arith.addi %mul3A_169, %add3A_177 : i32
    %dma_wait3A_179 = arith.constant 0 : i32
    %dma_wait3A_180 = arith.constant 0 : i32
    %dma_wait3A_181 = tpu.memref_slice %arg7[%dma_wait3A_180] : memref<6000xf32, #tpu.memory_space<vmem>> -> memref<2000xf32, #tpu.memory_space<vmem>>
    %dma_wait3A_182 = tpu.memref_slice %arg5[%add3A_178] : memref<3200000xf32, #tpu.memory_space<hbm>> -> memref<2000xf32, #tpu.memory_space<hbm>>
    %dma_wait3A_183 = tpu.memref_slice %arg15[%dma_wait3A_179] : memref<2x!tpu.dma_semaphore, #tpu.memory_space<semaphore_mem>> -> memref<1x!tpu.dma_semaphore, #tpu.memory_space<semaphore_mem>>
    %dma_wait3A_184 = tpu.memref_squeeze %dma_wait3A_183 : memref<1x!tpu.dma_semaphore, #tpu.memory_space<semaphore_mem>> -> memref<!tpu.dma_semaphore, #tpu.memory_space<semaphore_mem>>
    %dma_wait3A_185 = tpu.memref_slice %arg5[%add3A_178] : memref<3200000xf32, #tpu.memory_space<hbm>> -> memref<2000xf32, #tpu.memory_space<hbm>>
    %dma_wait3A_186 = arith.constant 0 : i32
    %dma_wait3A_187 = tpu.memref_slice %arg7[%dma_wait3A_186] : memref<6000xf32, #tpu.memory_space<vmem>> -> memref<2000xf32, #tpu.memory_space<vmem>>
    tpu.wait_dma2 semaphore(%dma_wait3A_184 : memref<!tpu.dma_semaphore, #tpu.memory_space<semaphore_mem>>) src(%dma_wait3A_187 : memref<2000xf32, #tpu.memory_space<vmem>>) dst(%dma_wait3A_185 : memref<2000xf32, #tpu.memory_space<hbm>>)
    %add3A_188 = arith.constant 400000 : i32
    %add3A_189 = arith.addi %mul3A_169, %add3A_188 : i32
    %add3A_190 = arith.constant 44000 : i32
    %add3A_191 = arith.addi %add3A_189, %add3A_190 : i32
    %dma_wait3A_192 = arith.constant 0 : i32
    %dma_wait3A_193 = arith.constant 2000 : i32
    %dma_wait3A_194 = tpu.memref_slice %arg7[%dma_wait3A_193] : memref<6000xf32, #tpu.memory_space<vmem>> -> memref<2000xf32, #tpu.memory_space<vmem>>
    %dma_wait3A_195 = tpu.memref_slice %arg5[%add3A_191] : memref<3200000xf32, #tpu.memory_space<hbm>> -> memref<2000xf32, #tpu.memory_space<hbm>>
    %dma_wait3A_196 = tpu.memref_slice %arg15[%dma_wait3A_192] : memref<2x!tpu.dma_semaphore, #tpu.memory_space<semaphore_mem>> -> memref<1x!tpu.dma_semaphore, #tpu.memory_space<semaphore_mem>>
    %dma_wait3A_197 = tpu.memref_squeeze %dma_wait3A_196 : memref<1x!tpu.dma_semaphore, #tpu.memory_space<semaphore_mem>> -> memref<!tpu.dma_semaphore, #tpu.memory_space<semaphore_mem>>
    %dma_wait3A_198 = tpu.memref_slice %arg5[%add3A_191] : memref<3200000xf32, #tpu.memory_space<hbm>> -> memref<2000xf32, #tpu.memory_space<hbm>>
    %dma_wait3A_199 = arith.constant 2000 : i32
    %dma_wait3A_200 = tpu.memref_slice %arg7[%dma_wait3A_199] : memref<6000xf32, #tpu.memory_space<vmem>> -> memref<2000xf32, #tpu.memory_space<vmem>>
    tpu.wait_dma2 semaphore(%dma_wait3A_197 : memref<!tpu.dma_semaphore, #tpu.memory_space<semaphore_mem>>) src(%dma_wait3A_200 : memref<2000xf32, #tpu.memory_space<vmem>>) dst(%dma_wait3A_198 : memref<2000xf32, #tpu.memory_space<hbm>>)
    %scan3A_201 = arith.constant 0 : i32
    %scan3A_202 = arith.constant 0 : i32
    %scan3A_203 = arith.constant 125 : i32
    %scan3A_204 = arith.addi %scan3A_202, %scan3A_203 : i32
    %scan3A_205 = arith.constant 1 : i32
    %scan3A_206 = scf.for %scan3A_280 = %scan3A_202 to %scan3A_204 step %scan3A_205 iter_args(%scan3A_281 = %scan3A_201) -> (i32)  : i32 {
      %mul3A_282 = arith.constant 16 : i32
      %mul3A_283 = arith.muli %scan3A_280, %mul3A_282 : i32
      %add3A_284 = arith.constant 48000 : i32
      %add3A_285 = arith.addi %add3A_284, %mul3A_283 : i32
      %get3A = arith.index_cast %add3A_285 : i32 to index
      %get3A_286 = tpu.vector_load %arg10[%get3A] {strides = array<i32>} : memref<50000xi32, #tpu.memory_space<vmem>>, vector<16xi32>,
      %get3A_287 = arith.index_cast %add3A_285 : i32 to index
      %get3A_288 = tpu.vector_load %arg9[%get3A_287] {strides = array<i32>} : memref<50000xi32, #tpu.memory_space<vmem>>, vector<16xi32>,
      %shift_left3A = arith.constant 16 : i32
      %shift_left3A_289 = vector.broadcast %shift_left3A : i32 to vector<16xi32>
      %shift_left3A_290 = arith.shli %get3A_286, %shift_left3A_289 : vector<16xi32>
      %bitcast3A = vector.bitcast %shift_left3A_290 : vector<16xi32> to vector<16xf32>
      %shift_left3A_291 = arith.constant 16 : i32
      %shift_left3A_292 = vector.broadcast %shift_left3A_291 : i32 to vector<16xi32>
      %shift_left3A_293 = arith.shli %get3A_288, %shift_left3A_292 : vector<16xi32>
      %bitcast3A_294 = vector.bitcast %shift_left3A_293 : vector<16xi32> to vector<16xf32>
      %sub3A_295 = arith.subf %bitcast3A, %bitcast3A_294 : vector<16xf32>
      %mul3A_296 = arith.constant 16 : i32
      %mul3A_297 = arith.muli %scan3A_280, %mul3A_296 : i32
      %swap3A = arith.index_cast %mul3A_297 : i32 to index
      %swap3A_298 = tpu.vector_load %arg7[%swap3A] {strides = array<i32>} : memref<6000xf32, #tpu.memory_space<vmem>>, vector<16xf32>,
      tpu.vector_store %arg7[%swap3A], %sub3A_295 {strides = array<i32>} : memref<6000xf32, #tpu.memory_space<vmem>>, vector<16xf32>,
      %and3A_299 = arith.constant -65536 : i32
      %and3A_300 = vector.broadcast %and3A_299 : i32 to vector<16xi32>
      %and3A_301 = arith.andi %get3A_286, %and3A_300 : vector<16xi32>
      %bitcast3A_302 = vector.bitcast %and3A_301 : vector<16xi32> to vector<16xf32>
      %and3A_303 = arith.constant -65536 : i32
      %and3A_304 = vector.broadcast %and3A_303 : i32 to vector<16xi32>
      %and3A_305 = arith.andi %get3A_288, %and3A_304 : vector<16xi32>
      %bitcast3A_306 = vector.bitcast %and3A_305 : vector<16xi32> to vector<16xf32>
      %sub3A_307 = arith.subf %bitcast3A_302, %bitcast3A_306 : vector<16xf32>
      %mul3A_308 = arith.constant 16 : i32
      %mul3A_309 = arith.muli %scan3A_280, %mul3A_308 : i32
      %add3A_310 = arith.constant 2000 : i32
      %add3A_311 = arith.addi %add3A_310, %mul3A_309 : i32
      %swap3A_312 = arith.index_cast %add3A_311 : i32 to index
      %swap3A_313 = tpu.vector_load %arg7[%swap3A_312] {strides = array<i32>} : memref<6000xf32, #tpu.memory_space<vmem>>, vector<16xf32>,
      tpu.vector_store %arg7[%swap3A_312], %sub3A_307 {strides = array<i32>} : memref<6000xf32, #tpu.memory_space<vmem>>, vector<16xf32>,
      %scan3A_314 = arith.constant 0 : i32
      scf.yield %scan3A_314 : i32
    }
    %scan3A_207 = arith.constant 125 : i32
    %add3A_208 = arith.constant 48000 : i32
    %add3A_209 = arith.addi %mul3A_169, %add3A_208 : i32
    %dma_start3A_210 = arith.constant 0 : i32
    %dma_start3A_211 = arith.constant 0 : i32
    %dma_start3A_212 = tpu.memref_slice %arg7[%dma_start3A_211] : memref<6000xf32, #tpu.memory_space<vmem>> -> memref<2000xf32, #tpu.memory_space<vmem>>
    %dma_start3A_213 = tpu.memref_slice %arg5[%add3A_209] : memref<3200000xf32, #tpu.memory_space<hbm>> -> memref<2000xf32, #tpu.memory_space<hbm>>
    %dma_start3A_214 = tpu.memref_slice %arg15[%dma_start3A_210] : memref<2x!tpu.dma_semaphore, #tpu.memory_space<semaphore_mem>> -> memref<1x!tpu.dma_semaphore, #tpu.memory_space<semaphore_mem>>
    %dma_start3A_215 = tpu.memref_squeeze %dma_start3A_214 : memref<1x!tpu.dma_semaphore, #tpu.memory_space<semaphore_mem>> -> memref<!tpu.dma_semaphore, #tpu.memory_space<semaphore_mem>>
    %dma_start3A_216 = tpu.memref_slice %arg5[%add3A_209] : memref<3200000xf32, #tpu.memory_space<hbm>> -> memref<2000xf32, #tpu.memory_space<hbm>>
    %dma_start3A_217 = arith.constant 0 : i32
    %dma_start3A_218 = tpu.memref_slice %arg7[%dma_start3A_217] : memref<6000xf32, #tpu.memory_space<vmem>> -> memref<2000xf32, #tpu.memory_space<vmem>>
    tpu.enqueue_dma source(%dma_start3A_218 : memref<2000xf32, #tpu.memory_space<vmem>>) target(%dma_start3A_216 : memref<2000xf32, #tpu.memory_space<hbm>>) target_semaphore(%dma_start3A_215 : memref<!tpu.dma_semaphore, #tpu.memory_space<semaphore_mem>>)
    %add3A_219 = arith.constant 400000 : i32
    %add3A_220 = arith.addi %mul3A_169, %add3A_219 : i32
    %add3A_221 = arith.constant 48000 : i32
    %add3A_222 = arith.addi %add3A_220, %add3A_221 : i32
    %dma_start3A_223 = arith.constant 0 : i32
    %dma_start3A_224 = arith.constant 2000 : i32
    %dma_start3A_225 = tpu.memref_slice %arg7[%dma_start3A_224] : memref<6000xf32, #tpu.memory_space<vmem>> -> memref<2000xf32, #tpu.memory_space<vmem>>
    %dma_start3A_226 = tpu.memref_slice %arg5[%add3A_222] : memref<3200000xf32, #tpu.memory_space<hbm>> -> memref<2000xf32, #tpu.memory_space<hbm>>
    %dma_start3A_227 = tpu.memref_slice %arg15[%dma_start3A_223] : memref<2x!tpu.dma_semaphore, #tpu.memory_space<semaphore_mem>> -> memref<1x!tpu.dma_semaphore, #tpu.memory_space<semaphore_mem>>
    %dma_start3A_228 = tpu.memref_squeeze %dma_start3A_227 : memref<1x!tpu.dma_semaphore, #tpu.memory_space<semaphore_mem>> -> memref<!tpu.dma_semaphore, #tpu.memory_space<semaphore_mem>>
    %dma_start3A_229 = tpu.memref_slice %arg5[%add3A_222] : memref<3200000xf32, #tpu.memory_space<hbm>> -> memref<2000xf32, #tpu.memory_space<hbm>>
    %dma_start3A_230 = arith.constant 2000 : i32
    %dma_start3A_231 = tpu.memref_slice %arg7[%dma_start3A_230] : memref<6000xf32, #tpu.memory_space<vmem>> -> memref<2000xf32, #tpu.memory_space<vmem>>
    tpu.enqueue_dma source(%dma_start3A_231 : memref<2000xf32, #tpu.memory_space<vmem>>) target(%dma_start3A_229 : memref<2000xf32, #tpu.memory_space<hbm>>) target_semaphore(%dma_start3A_228 : memref<!tpu.dma_semaphore, #tpu.memory_space<semaphore_mem>>)
    %add3A_232 = arith.constant 46000 : i32
    %add3A_233 = arith.addi %mul3A_169, %add3A_232 : i32
    %dma_wait3A_234 = arith.constant 1 : i32
    %dma_wait3A_235 = arith.constant 0 : i32
    %dma_wait3A_236 = tpu.memref_slice %arg8[%dma_wait3A_235] : memref<6000xf32, #tpu.memory_space<vmem>> -> memref<2000xf32, #tpu.memory_space<vmem>>
    %dma_wait3A_237 = tpu.memref_slice %arg5[%add3A_233] : memref<3200000xf32, #tpu.memory_space<hbm>> -> memref<2000xf32, #tpu.memory_space<hbm>>
    %dma_wait3A_238 = tpu.memref_slice %arg15[%dma_wait3A_234] : memref<2x!tpu.dma_semaphore, #tpu.memory_space<semaphore_mem>> -> memref<1x!tpu.dma_semaphore, #tpu.memory_space<semaphore_mem>>
    %dma_wait3A_239 = tpu.memref_squeeze %dma_wait3A_238 : memref<1x!tpu.dma_semaphore, #tpu.memory_space<semaphore_mem>> -> memref<!tpu.dma_semaphore, #tpu.memory_space<semaphore_mem>>
    %dma_wait3A_240 = tpu.memref_slice %arg5[%add3A_233] : memref<3200000xf32, #tpu.memory_space<hbm>> -> memref<2000xf32, #tpu.memory_space<hbm>>
    %dma_wait3A_241 = arith.constant 0 : i32
    %dma_wait3A_242 = tpu.memref_slice %arg8[%dma_wait3A_241] : memref<6000xf32, #tpu.memory_space<vmem>> -> memref<2000xf32, #tpu.memory_space<vmem>>
    tpu.wait_dma2 semaphore(%dma_wait3A_239 : memref<!tpu.dma_semaphore, #tpu.memory_space<semaphore_mem>>) src(%dma_wait3A_242 : memref<2000xf32, #tpu.memory_space<vmem>>) dst(%dma_wait3A_240 : memref<2000xf32, #tpu.memory_space<hbm>>)
    %add3A_243 = arith.constant 400000 : i32
    %add3A_244 = arith.addi %mul3A_169, %add3A_243 : i32
    %add3A_245 = arith.constant 46000 : i32
    %add3A_246 = arith.addi %add3A_244, %add3A_245 : i32
    %dma_wait3A_247 = arith.constant 1 : i32
    %dma_wait3A_248 = arith.constant 2000 : i32
    %dma_wait3A_249 = tpu.memref_slice %arg8[%dma_wait3A_248] : memref<6000xf32, #tpu.memory_space<vmem>> -> memref<2000xf32, #tpu.memory_space<vmem>>
    %dma_wait3A_250 = tpu.memref_slice %arg5[%add3A_246] : memref<3200000xf32, #tpu.memory_space<hbm>> -> memref<2000xf32, #tpu.memory_space<hbm>>
    %dma_wait3A_251 = tpu.memref_slice %arg15[%dma_wait3A_247] : memref<2x!tpu.dma_semaphore, #tpu.memory_space<semaphore_mem>> -> memref<1x!tpu.dma_semaphore, #tpu.memory_space<semaphore_mem>>
    %dma_wait3A_252 = tpu.memref_squeeze %dma_wait3A_251 : memref<1x!tpu.dma_semaphore, #tpu.memory_space<semaphore_mem>> -> memref<!tpu.dma_semaphore, #tpu.memory_space<semaphore_mem>>
    %dma_wait3A_253 = tpu.memref_slice %arg5[%add3A_246] : memref<3200000xf32, #tpu.memory_space<hbm>> -> memref<2000xf32, #tpu.memory_space<hbm>>
    %dma_wait3A_254 = arith.constant 2000 : i32
    %dma_wait3A_255 = tpu.memref_slice %arg8[%dma_wait3A_254] : memref<6000xf32, #tpu.memory_space<vmem>> -> memref<2000xf32, #tpu.memory_space<vmem>>
    tpu.wait_dma2 semaphore(%dma_wait3A_252 : memref<!tpu.dma_semaphore, #tpu.memory_space<semaphore_mem>>) src(%dma_wait3A_255 : memref<2000xf32, #tpu.memory_space<vmem>>) dst(%dma_wait3A_253 : memref<2000xf32, #tpu.memory_space<hbm>>)
    %add3A_256 = arith.constant 48000 : i32
    %add3A_257 = arith.addi %mul3A_169, %add3A_256 : i32
    %dma_wait3A_258 = arith.constant 0 : i32
    %dma_wait3A_259 = arith.constant 0 : i32
    %dma_wait3A_260 = tpu.memref_slice %arg7[%dma_wait3A_259] : memref<6000xf32, #tpu.memory_space<vmem>> -> memref<2000xf32, #tpu.memory_space<vmem>>
    %dma_wait3A_261 = tpu.memref_slice %arg5[%add3A_257] : memref<3200000xf32, #tpu.memory_space<hbm>> -> memref<2000xf32, #tpu.memory_space<hbm>>
    %dma_wait3A_262 = tpu.memref_slice %arg15[%dma_wait3A_258] : memref<2x!tpu.dma_semaphore, #tpu.memory_space<semaphore_mem>> -> memref<1x!tpu.dma_semaphore, #tpu.memory_space<semaphore_mem>>
    %dma_wait3A_263 = tpu.memref_squeeze %dma_wait3A_262 : memref<1x!tpu.dma_semaphore, #tpu.memory_space<semaphore_mem>> -> memref<!tpu.dma_semaphore, #tpu.memory_space<semaphore_mem>>
    %dma_wait3A_264 = tpu.memref_slice %arg5[%add3A_257] : memref<3200000xf32, #tpu.memory_space<hbm>> -> memref<2000xf32, #tpu.memory_space<hbm>>
    %dma_wait3A_265 = arith.constant 0 : i32
    %dma_wait3A_266 = tpu.memref_slice %arg7[%dma_wait3A_265] : memref<6000xf32, #tpu.memory_space<vmem>> -> memref<2000xf32, #tpu.memory_space<vmem>>
    tpu.wait_dma2 semaphore(%dma_wait3A_263 : memref<!tpu.dma_semaphore, #tpu.memory_space<semaphore_mem>>) src(%dma_wait3A_266 : memref<2000xf32, #tpu.memory_space<vmem>>) dst(%dma_wait3A_264 : memref<2000xf32, #tpu.memory_space<hbm>>)
    %add3A_267 = arith.constant 400000 : i32
    %add3A_268 = arith.addi %mul3A_169, %add3A_267 : i32
    %add3A_269 = arith.constant 48000 : i32
    %add3A_270 = arith.addi %add3A_268, %add3A_269 : i32
    %dma_wait3A_271 = arith.constant 0 : i32
    %dma_wait3A_272 = arith.constant 2000 : i32
    %dma_wait3A_273 = tpu.memref_slice %arg7[%dma_wait3A_272] : memref<6000xf32, #tpu.memory_space<vmem>> -> memref<2000xf32, #tpu.memory_space<vmem>>
    %dma_wait3A_274 = tpu.memref_slice %arg5[%add3A_270] : memref<3200000xf32, #tpu.memory_space<hbm>> -> memref<2000xf32, #tpu.memory_space<hbm>>
    %dma_wait3A_275 = tpu.memref_slice %arg15[%dma_wait3A_271] : memref<2x!tpu.dma_semaphore, #tpu.memory_space<semaphore_mem>> -> memref<1x!tpu.dma_semaphore, #tpu.memory_space<semaphore_mem>>
    %dma_wait3A_276 = tpu.memref_squeeze %dma_wait3A_275 : memref<1x!tpu.dma_semaphore, #tpu.memory_space<semaphore_mem>> -> memref<!tpu.dma_semaphore, #tpu.memory_space<semaphore_mem>>
    %dma_wait3A_277 = tpu.memref_slice %arg5[%add3A_270] : memref<3200000xf32, #tpu.memory_space<hbm>> -> memref<2000xf32, #tpu.memory_space<hbm>>
    %dma_wait3A_278 = arith.constant 2000 : i32
    %dma_wait3A_279 = tpu.memref_slice %arg7[%dma_wait3A_278] : memref<6000xf32, #tpu.memory_space<vmem>> -> memref<2000xf32, #tpu.memory_space<vmem>>
    tpu.wait_dma2 semaphore(%dma_wait3A_276 : memref<!tpu.dma_semaphore, #tpu.memory_space<semaphore_mem>>) src(%dma_wait3A_279 : memref<2000xf32, #tpu.memory_space<vmem>>) dst(%dma_wait3A_277 : memref<2000xf32, #tpu.memory_space<hbm>>)
    return
  }
}

module attributes {stable_mosaic.version = 14 : i64} {
  func.func @body(%arg0: memref<1x50000xf32, #tpu.memory_space<vmem>>, %arg1: memref<4x16x50000xf32, #tpu.memory_space<vmem>>, %arg2: memref<16x1xf32, #tpu.memory_space<vmem>>, %arg3: memref<1x50000xf32, #tpu.memory_space<vmem>>) attributes {dimension_semantics = [], scalar_prefetch = 0 : i64, scratch_operands = 0 : i64, tpu.core_type = #tpu.core_type<tc>} {
    %get3A = arith.constant 0 : index
    %get3A_0 = arith.constant 0 : index
    %get3A_1 = arith.constant 0 : index
    %get3A_2 = vector.load %arg1[%get3A, %get3A_0, %get3A_1] : memref<4x16x50000xf32, #tpu.memory_space<vmem>>, vector<1x16x50000xf32>
    %get3A_3 = vector.shape_cast %get3A_2 : vector<1x16x50000xf32> to vector<16x50000xf32>
    %get3A_4 = arith.constant 1 : index
    %get3A_5 = arith.constant 0 : index
    %get3A_6 = arith.constant 0 : index
    %get3A_7 = vector.load %arg1[%get3A_4, %get3A_5, %get3A_6] : memref<4x16x50000xf32, #tpu.memory_space<vmem>>, vector<1x16x50000xf32>
    %get3A_8 = vector.shape_cast %get3A_7 : vector<1x16x50000xf32> to vector<16x50000xf32>
    %max3A = arith.maximumf %get3A_3, %get3A_8 : vector<16x50000xf32>
    %get3A_9 = arith.constant 2 : index
    %get3A_10 = arith.constant 0 : index
    %get3A_11 = arith.constant 0 : index
    %get3A_12 = vector.load %arg1[%get3A_9, %get3A_10, %get3A_11] : memref<4x16x50000xf32, #tpu.memory_space<vmem>>, vector<1x16x50000xf32>
    %get3A_13 = vector.shape_cast %get3A_12 : vector<1x16x50000xf32> to vector<16x50000xf32>
    %get3A_14 = arith.constant 3 : index
    %get3A_15 = arith.constant 0 : index
    %get3A_16 = arith.constant 0 : index
    %get3A_17 = vector.load %arg1[%get3A_14, %get3A_15, %get3A_16] : memref<4x16x50000xf32, #tpu.memory_space<vmem>>, vector<1x16x50000xf32>
    %get3A_18 = vector.shape_cast %get3A_17 : vector<1x16x50000xf32> to vector<16x50000xf32>
    %max3A_19 = arith.maximumf %get3A_13, %get3A_18 : vector<16x50000xf32>
    %max3A_20 = arith.maximumf %max3A, %max3A_19 : vector<16x50000xf32>
    %get3A_21 = arith.constant 0 : index
    %get3A_22 = arith.constant 0 : index
    %get3A_23 = vector.load %arg2[%get3A_21, %get3A_22] : memref<16x1xf32, #tpu.memory_space<vmem>>, vector<16x1xf32>
    %mul3A = vector.broadcast %get3A_23 : vector<16x1xf32> to vector<16x50000xf32>
    %mul3A_24 = arith.mulf %max3A_20, %mul3A : vector<16x50000xf32>
    %reduce_sum3A = arith.constant dense<0.000000e+00> : vector<50000xf32>
    %reduce_sum3A_25 = vector.multi_reduction <add>, %mul3A_24, %reduce_sum3A [0] : vector<16x50000xf32> to vector<50000xf32>
    %broadcast_in_dim3A = vector.shape_cast %reduce_sum3A_25 : vector<50000xf32> to vector<1x50000xf32>
    %get3A_26 = arith.constant 0 : index
    %get3A_27 = arith.constant 0 : index
    %get3A_28 = vector.load %arg0[%get3A_26, %get3A_27] : memref<1x50000xf32, #tpu.memory_space<vmem>>, vector<1x50000xf32>
    %mul3A_29 = arith.constant 6.250000e-02 : f32
    %mul3A_30 = vector.broadcast %mul3A_29 : f32 to vector<1x50000xf32>
    %mul3A_31 = arith.mulf %broadcast_in_dim3A, %mul3A_30 : vector<1x50000xf32>
    %add3A = arith.addf %get3A_28, %mul3A_31 : vector<1x50000xf32>
    %swap3A = arith.constant 0 : index
    %swap3A_32 = arith.constant 0 : index
    %swap3A_33 = vector.load %arg3[%swap3A, %swap3A_32] : memref<1x50000xf32, #tpu.memory_space<vmem>>, vector<1x50000xf32>
    tpu.vector_store %arg3[%swap3A, %swap3A_32], %add3A {strides = array<i32>} : memref<1x50000xf32, #tpu.memory_space<vmem>>, vector<1x50000xf32>,
    return
  }
}

</mosaic_0001>

<sc_bundles>
// kernel: kernel.4.cloned.1.call-start
scs
__scs_entry_jumppad:
0x0: {  	(pc) =	sbr.rel $0x88, $3  }
0x1: {  	(tag) =	ssettag $0x0;
	lr =	simm.s32 $0x1  }
0x2: {  	[smem:$0x3F9C] =	sst lr;
	_ =	strace $0xD0000000  }
0x3: {  	_ = 	snop  }
0x4: {  	_ = 	snop  }
0x5: {  	_ = 	snop  }
0x6: {  	_ = 	snop  }
0x7: {  	_ = 	snop  }
__scs_overlays_trampoline_lowered:
0x8: {  	[smem:$0x3FAB] =	sst s0  }
0x9: {  	[smem:$0x3FAC] =	sst s1  }
0xa: {  	[smem:$0x3FAD] =	sst s2  }
0xb: {  	[smem:$0x3FAE] =	sst s3  }
0xc: {  	[smem:$0x3FAF] =	sst s4  }
0xd: {  	[smem:$0x3FB0] =	sst s5  }
0xe: {  	[smem:$0x3FB1] =	sst s6  }
0xf: {  	[smem:$0x3FB2] =	sst s7  }
0x10: {  	[smem:$0x3FB3] =	sst s8  }
0x11: {  	[smem:$0x3FB4] =	sst s9;
	s0 =	simm.s32 @!p0 $0x0  }
0x12: {  	s1 =	sld [smem:$0x3F9A];
	s0 =	simm.s32 @p0 $0x1  }
0x13: {  	[smem:$0x3FB5] =	sst s0;
	s0 =	simm.s32 @!p1 $0x0  }
0x14: {  	s2 =	sld [smem:$0x3F99];
	s0 =	simm.s32 @p1 $0x1  }
0x15: {  	[smem:$0x3FB6] =	sst s0;
	s0 =	simm.s32 @!p2 $0x0  }
0x16: {  	s3 =	sld [smem:$0x3FDB];
	s0 =	simm.s32 @p2 $0x1  }
0x17: {  	s4 =	simm.s32 $0x1BF5;
	[smem:$0x3FB8] =	sst s0  }
0x18: {  	s0 =	sld [smem:$0x3F9B];
	_ =	swait.ge [sflag:s4], $0x0  }
0x19: {  	s7 =	sld [smem:$0x3F9C]  }
0x1a: {  	s8 =	sadd.s32 $0xFFFFE003, lr  }
0x1b: {  	s9 =	sadd.s32 $0xFFFFFEF7, lr;
	s5 =	simm.s32 $0xFFFFFFFF;
	p2 =	slt.u32 s8, $0xFFFFF086  }
0x1c: {  	p1 =	slt.u32 s9, $0xF7A;
	s5 =	simm.s32 @!p2 $0x0  }
0x1d: {  	s5 =	simm.s32 @p1 $0x1;
	p0 =	seq.s32 s7, s2  }
0x1e: {  	s7 =	smul.u32 @!p0 $0xF7A, s2;
	p2 =	seq.s32 @!p0 s5, $0x0  }
0x1f: {  	s9 =	smul.u32 $0xF7A, s1;
	s8 =	simm.s32 @!p0 $0x1BF5;
	p2 =	por !p2, p0  }
0x20: {  	[sflag:s8] =	ssyncset.s32 @!p0 $0xFFFFF086;
	s6 =	sadd.s32 @!p0 s3, s7;
	s7 =	simm.s32 @!p0 $0x108  }
0x21: {  	s3 =	sadd.s32 s3, s9;
	s6 =	sadd.s32 @!p0 $0x88, s6;
	s7 =	simm.s32 @p2 $0x1082  }
0x22: {  	[simem:s7], [sflag:s8] =	dma.local @!p0 [hbm:s6], $0xF7A  }
0x23: {  	s9 =	sor.u32 $0xD0000000, s2;
	s6 =	simm.s32 $0x108;
	_ =	swait.ge @!p0 [sflag:s8], $0x0  }
0x24: {  	s3 =	sadd.s32 $0x88, s3;
	s6 =	simm.s32 @!p1 $0x1082;
	[sflag:s4] =	ssyncset.s32 $0xFFFFF086  }
0x25: {  	[simem:s6], [sflag:s4] =	dma.local [hbm:s3], $0xF7A  }
0x26: {  	[smem:$0x3F9C] =	sst s1;
	(tag) =	ssettag s2;
	_ =	strace s9  }
0x27: {  	s1 =	sld [smem:$0x3FAC]  }
0x28: {  	s2 =	sld [smem:$0x3FAD]  }
0x29: {  	s4 =	sld [smem:$0x3FAF]  }
0x2a: {  	p0 =	seq.s32 s5, $0x0;
	s5 =	sld [smem:$0x3FB0]  }
0x2b: {  	s6 =	sld [smem:$0x3FB1]  }
0x2c: {  	s7 =	sld [smem:$0x3FB2]  }
0x2d: {  	s3 =	simm.s32 $0x108;
	s8 =	sld [smem:$0x3FB3]  }
0x2e: {  	s3 =	simm.s32 @!p0 $0x1082;
	s9 =	sld [smem:$0x3FB4]  }
0x2f: {  	lr =	sadd.s32 s0, s3;
	s0 =	sld [smem:$0x3FAB]  }
0x30: {  	s3 =	sld [smem:$0x3FAE]  }
0x31: {  	[smem:$0x3FB7] =	sst s10  }
0x32: {  	s10 =	sld [smem:$0x3FB5];
	_ =	sdelay $0x3  }
0x33: {  	p0 =	seq.s32 s10, $0x1;
	s10 =	sld [smem:$0x3FB7];
	_ =	sdelay $0x3  }
0x34: {  	[smem:$0x3FB7] =	sst s10  }
0x35: {  	s10 =	sld [smem:$0x3FB6];
	_ =	sdelay $0x3  }
0x36: {  	p1 =	seq.s32 s10, $0x1;
	s10 =	sld [smem:$0x3FB7];
	_ =	sdelay $0x3  }
0x37: {  	[smem:$0x3FB7] =	sst s10  }
0x38: {  	s10 =	sld [smem:$0x3FB8]  }
0x39: {  	_ = 	snop;
	(pc) =	sbr.ind lr, $3  }
0x3a: {  	_ = 	snop  }
0x3b: {  	_ = 	snop  }
0x3c: {  	p2 =	seq.s32 s10, $0x1;
	s10 =	sld [smem:$0x3FB7]  }
0x3d: {  	_ =	shalt  }
0x3e: {  	_ =	shalt  }
0x3f: {  	_ =	shalt  }
0x40: {  	_ =	shalt  }
0x41: {  	_ =	shalt  }
0x42: {  	_ =	shalt  }
0x43: {  	_ =	shalt  }
0x44: {  	_ =	shalt  }
0x45: {  	_ =	shalt  }
0x46: {  	_ =	shalt  }
0x47: {  	_ =	shalt  }
0x48: {  	_ =	shalt  }
0x49: {  	_ =	shalt  }
0x4a: {  	_ =	shalt  }
0x4b: {  	_ =	shalt  }
0x4c: {  	_ =	shalt  }
0x4d: {  	_ =	shalt  }
0x4e: {  	_ =	shalt  }
0x4f: {  	_ =	shalt  }
0x50: {  	_ =	shalt  }
0x51: {  	_ =	shalt  }
0x52: {  	_ =	shalt  }
0x53: {  	_ =	shalt  }
0x54: {  	_ =	shalt  }
0x55: {  	_ =	shalt  }
0x56: {  	_ =	shalt  }
0x57: {  	_ =	shalt  }
0x58: {  	_ =	shalt  }
0x59: {  	_ =	shalt  }
0x5a: {  	_ =	shalt  }
0x5b: {  	_ =	shalt  }
0x5c: {  	_ =	shalt  }
0x5d: {  	_ =	shalt  }
0x5e: {  	_ =	shalt  }
0x5f: {  	_ =	shalt  }
0x60: {  	_ =	shalt  }
0x61: {  	_ =	shalt  }
0x62: {  	_ =	shalt  }
0x63: {  	_ =	shalt  }
0x64: {  	_ =	shalt  }
0x65: {  	_ =	shalt  }
0x66: {  	_ =	shalt  }
0x67: {  	_ =	shalt  }
0x68: {  	_ =	shalt  }
0x69: {  	_ =	shalt  }
0x6a: {  	_ =	shalt  }
0x6b: {  	_ =	shalt  }
0x6c: {  	_ =	shalt  }
0x6d: {  	_ =	shalt  }
0x6e: {  	_ =	shalt  }
0x6f: {  	_ =	shalt  }
0x70: {  	_ =	shalt  }
0x71: {  	_ =	shalt  }
0x72: {  	_ =	shalt  }
0x73: {  	_ =	shalt  }
0x74: {  	_ =	shalt  }
0x75: {  	_ =	shalt  }
0x76: {  	_ =	shalt  }
0x77: {  	_ =	shalt  }
0x78: {  	_ =	shalt  }
0x79: {  	_ =	shalt  }
0x7a: {  	_ =	shalt  }
0x7b: {  	_ =	shalt  }
0x7c: {  	_ =	shalt  }
0x7d: {  	_ =	shalt  }
0x7e: {  	_ =	shalt  }
0x7f: {  	_ =	shalt  }
0x80: {  	_ =	shalt  }
0x81: {  	_ =	shalt  }
0x82: {  	_ =	shalt  }
0x83: {  	_ =	shalt  }
0x84: {  	_ =	shalt  }
0x85: {  	_ =	shalt  }
0x86: {  	_ =	shalt  }
0x87: {  	_ =	shalt  }
.Lfunc_end0:
.L_simem_size_0:
called_computation_lowered:
.L_overlay_start_0:
0x88: {  	s2 =	sld [smem:$0x3FD9]  }
0x89: {  	s3 =	sld [smem:$0x3FFE];
	_ =	sdelay $0x1  }
0x8a: {  	s1 =	srdreg.scid  }
0x8b: {  	s0 =	sand.u32 $0x1, s1  }
0x8c: {  	s17 =	sshll.u32 s0, $0xA;
	s2 =	sadd.s32 s3, s2  }
0x8d: {  	s2 =	sadd.s32 s2, s17  }
0x8e: {  	[smem:$0x3FC3] =	sst s2  }
0x8f: {  	_ = 	snop  }
0x90: {  	s2 =	sld [smem:$0x3FC7]  }
0x91: {  	s18 =	sld [smem:$0x3FD0];
	(tm) =	ssettm $0x1  }
0x92: {  	s4 =	sld [smem:$0x3FFB];
	_ =	sdelay $0x3  }
0x93: {  	_ =	strace s4  }
0x94: {  	s4 =	sld [smem:$0x3FFC];
	_ =	sdelay $0x3  }
0x95: {  	_ =	strace s4  }
0x96: {  	s4 =	sld [smem:$0x3FFD];
	_ =	sdelay $0x3  }
0x97: {  	_ =	strace s4  }
0x98: {  	_ =	strace $0x8FFFFFFF  }
0x99: {  	s19 =	sld [smem:$0x3FDB];
	_ =	sdelay $0x1  }
0x9a: {  	s5 =	simm.s32 $_scs_section_size  }
0x9b: {  	s6 =	simm.s32 $_size__tile_overlayer_lowered;
	s7 =	simm.s32 $_tile_overlayer_lowered  }
0x9c: {  	s22 =	simm.s32 $0x1BFF;
	s21 =	sshll.u32 s7, $0x1;
	s4 =	sadd.s32 s5, s19  }
0x9d: {  	s8 =	simm.s32 $0x0;
	s20 =	sshll.u32 s6, $0x1;
	s6 =	sadd.s32 s21, s4  }
0x9e: {  	[timem:s8], [sflag:s22] =	dma.local [hbm:s6], s20  }
0x9f: {  	_ =	swait.ge [sflag:s22], s20  }
0xa0: {  	s5 =	ssub.s32 $0x0, s20;
	[sflag:s22] =	ssyncset.done $0x0  }
0xa1: {  	[sflag:s22] =	ssyncadd.s32 s5;
	_ =	sdelay $0x1  }
0xa2: {  	s23 =	simm.s32 $0x1B8B  }
0xa3: {  	_ =	swait.ge [sflag:s23], $0x1  }
0xa4: {  	[sflag:s23] =	ssyncset.done $0x0  }
0xa5: {  	s25 =	simm.s32 $0x1B8E;
	s24 =	sld [smem:$0x3FFE];
	[sflag:s23] =	ssyncadd.s32 $0xFFFFFFFF  }
0xa6: {  	s26 =	simm.s32 $execute0_lowered;
	[smem:$0x3FD2] =	sst s25  }
0xa7: {  	s6 =	sshll.u32 s26, $0x1;
	_ =	strace $0x80000046;
	[dreg:$0x1] =	wrdreg $0xFFFFFFFF  }
0xa8: {  	s28 =	simm.s32 $_size_execute0_lowered;
	s4 =	sadd.s32 s4, s6;
	[dreg:$0x0] =	wrdreg $0x0  }
0xa9: {  	s6 =	sshll.u32 s28, $0x1;
	[dreg:$0x2] =	wrdreg s4  }
0xaa: {  	[dreg:$0x3] =	wrdreg s6  }
0xab: {  	[dreg:$0x4] =	wrdreg $0xC0  }
0xac: {  	_ =	task [dreg:s8], $0x5FFFF  }
0xad: {  	[dreg:$0x1] =	wrdreg $0xFFFFFFFF  }
0xae: {  	[dreg:$0x0] =	wrdreg $0x60  }
0xaf: {  	[dreg:$0x2] =	wrdreg s24  }
0xb0: {  	[dreg:$0x3] =	wrdreg s2  }
0xb1: {  	[dreg:$0x4] =	wrdreg s18  }
0xb2: {  	[dreg:$0x5] =	wrdreg $0x9  }
0xb3: {  	_ =	task.clear_ibuf [dreg:s8], $0x6FFFF;
	_ =	strace $0x90000046  }
0xb4: {  	s29 =	simm.s32 $0x9;
	_ =	strace $0x80000048  }
0xb5: {  	_ =	swait.ge [sflag:s29], $0x1  }
0xb6: {  	[sflag:s29] =	ssyncadd.s32 $0xFFFFFFFF  }
0xb7: {  	_ =	strace $0x90000048  }
0xb8: {  	_ =	sfence  }
0xb9: {  	s30 =	sld [smem:$0x0];
	_ =	sdelay $0x2  }
0xba: {  	s31 =	sshll.u32 s1, $0xD;
	s1 =	sshrl.u32 s1, $0x2  }
0xbb: {  	s3 =	sand.u32 $0x4000, s31;
	s1 =	sadd.s32 s1, s30  }
0xbc: {  	s0 =	sor.u32 s3, s0;
	s1 =	sshll.u32 s1, $0x11  }
0xbd: {  	s0 =	sor.u32 s1, s0  }
0xbe: {  	s0 =	sadd.s32 $0x8F2B, s0  }
0xbf: {  	[sflag:s0] =	ssyncadd.remote.s32 $0x1  }
0xc0: {  	_ =	sfence.sel $0xFFFF  }
0xc1: {  	[dreg:$0x0] =	wrdreg $0xFFFFFFFF;
	(pc) =	sbr.abs _section_cstart, $3  }
0xc2: {  	[dreg:$0x1] =	wrdreg $0xFFFFFFFF  }
0xc3: {  	_ =	task.clear_ibuf [dreg:s8], $0x2FFFF;
	_ =	strace $0x9FFFFFFF  }
0xc4: {  	(tm) =	ssettm $0x7FFFFFFF  }
0xc5: {  	_ =	shalt  }
tec
execute0_lowered:
.L_overlay_start_1:
0x0: {  	(tag) =	ssettag $0x1  }
0x1: {  	s0 =	rddreg [dreg:$0x0]  }
0x2: {  	s1 =	rddreg [dreg:$0x1];
	s3 =	simm.s32 $0x0  }
0x3: {  	s2 =	srdreg.scid;
	s9 =	stileid.u32;
	s28 =	simm.s32 $0x1CF80  }
0x4: {  	s30 =	simm.s32 $0x1DC00;
	s31 =	simm.s32 $0x3;
	s11 =	simm.s32 $0x1FD0  }
0x5: {  	s12 =	simm.s32 $0x0;
	[smem:$0x7FF] =	sst s3;
	s5 =	sadd.s32 $0x600, s0  }
0x6: {  	s2 =	sand.u32 $0x1, s2;
	s7 =	sshrl.u32 s9, $0x3;
	s6 =	sadd.s32 $0x5000, s0  }
0x7: {  	s18 =	sand.u32 $0x7, s9;
	s0 =	sadd.s32 $0x8EE, s0;
	_ =	strace $0x80000047  }
0x8: {  	s4 =	ssub.s32 $0x2, s2;
	s2 =	sshll.u32 s2, $0x1;
	[dreg:$0x4] =	wrdreg s0  }
0x9: {  	s8 =	sshrl.u32 s4, $0x1;
	s2 =	sor.u32 s7, s2;
	s7 =	simm.s32 $0x850  }
0xa: {  	s19 =	smul.u32 $0xC3500, s2;
	s10 =	sshll.u32 s2, $0x4;
	s4 =	ssub.s32 s4, s8  }
0xb: {  	s8 =	sadd.s32 $0x10, s1;
	s22 =	smul.u32 $0x61A80, s2;
	s20 =	sor.u32 s18, s10  }
0xc: {  	s29 =	smax.u32 s4, $0x1;
	s4 =	simm.s32 $0xF300;
	s21 =	sshrl.u32 s19, $0x3  }
0xd: {  	s9 =	smul.u32 $0xC350, s20;
	s14 =	sadd.s32 $0x1900, s22;
	s15 =	sadd.s32 $0x2580, s22  }
0xe: {  	[dreg:$0xb] =	wrdreg s29;
	s22 =	simm.s32 $0x1800;
	s10 =	sadd.s32 s21, s8  }
0xf: {  	v0 =	vmov s18;
	s23 =	sadd.s32 s1, s21;
	s21 =	simm.s32 $0x80;
	[dreg:$0x6] =	wrdreg s10  }
0x10: {  	v1 =	vor.u32 $0x10, v0;
	[tilespmem:$0x1FFE0] =	vst v0;
	s24 =	sadd.s32 $0x320, s23;
	[dreg:$0x5] =	wrdreg s23;
	s2 =	sadd.s32 $0x330, s23  }
0x11: {  	v61 =	vor.u32 $0x20, v0;
	[tilespmem:$0x1FFA0] =	vst v1;
	s25 =	sshrl.u32 s9, $0x3;
	s16 =	sadd.s32 $0x61A80, s9;
	[dreg:$0x7] =	wrdreg s24  }
0x12: {  	v4 =	vlaneseq.u32;
	v62 =	vor.u32 $0x8, v0;
	[tilespmem:$0x1FFB0] =	vst v61;
	s23 =	simm.s32 $0x1;
	[dreg:$0x8] =	wrdreg s2;
	s26 =	sadd.s32 s6, s25  }
0x13: {  	v4 =	vmul.u32 $0x3, v4;
	v63 =	vor.u32 $0x18, v0;
	[tilespmem:$0x1FFC0] =	vst v62;
	s24 =	simm.s32 $0x2;
	s25 =	simm.s32 $0x100;
	s2 =	sadd.s32 $0x1770, s26  }
0x14: {  	v7 =	vimm.s32 $0xFF7FFF80;
	v0 =	vor.u32 $0x28, v0;
	[tilespmem:$0x1FFD0] =	vst v63;
	s0 =	sadd.s32 $0xDAC0, s26;
	s26 =	simm.s32 $0x1B680;
	[dreg:$0x9] =	wrdreg s2  }
0x15: {  	v10 =	vimm.f32 $0.0e+00;
	v8 =	vadd.s32 $0x1, v4;
	v9 =	vadd.s32 $0x2, v4;
	[tilespmem:$0x1FFF0] =	vst v0;
	[dreg:$0xa] =	wrdreg s0;
	s0 =	simm.s32 $0x2F80;
	s2 =	simm.s32 $0x4  }
.LBB2_1:
0x16: {  	[dreg:$0xc] =	wrdreg s12  }
0x17: {  	s10 =	rddreg [dreg:$0x2];
	s29 =	simm.s32 $0x5  }
0x18: {  	[tilespmem:s3], [sflag:$0x5] =	stream.linear.gather [hbm4b:s10+s3], $0x80, $0x38;
	[tilespmem:$0x1E880] =	vst v63  }
0x19: {  	_ =	swait.ge [sflag:s29], $0x80  }
0x1a: {  	v59 =	vld [tilespmem:$0x1FFA0]  }
0x1b: {  	v62 =	vld [tilespmem:$0x1FFD0]  }
0x1c: {  	v60 =	vld [tilespmem:$0x1FFB0]  }
0x1d: {  	v63 =	vld [tilespmem:$0x1FFF0]  }
0x1e: {  	v0 =	vld [tilespmem:$0x1FFE0]  }
0x1f: {  	v61 =	vld [tilespmem:$0x1FFC0]  }
0x20: {  	[sflag:s29] =	ssyncset.done $0x0  }
0x21: {  	[sflag:s29] =	ssyncadd.s32 $0xFFFFFF80  }
0x22: {  	v13 =	vld.idx.msk [tilespmem:v59+s3+$0x0], $0xffff  }
0x23: {  	v15 =	vld.idx.msk [tilespmem:v62+s3+$0x0], $0xffff  }
0x24: {  	v11 =	vld.idx.msk [tilespmem:v60+s3+$0x0], $0xffff  }
0x25: {  	v12 =	vld.idx.msk [tilespmem:v63+s3+$0x0], $0xffff  }
0x26: {  	v14 =	vld.idx.msk [tilespmem:v0+s3+$0x0], $0xffff  }
0x27: {  	s12 =	simm.s32 $0x0;
	s10 =	simm.s32 $0x40;
	v16 =	vld.idx.msk [tilespmem:v61+s3+$0x0], $0xffff  }
.LBB2_2:
0x28: {  	p0 =	sne.s32 s10, $0x30D00;
	[tilespmem:s12+$0xF300] =	vst v7;
	s12 =	smov.u32 s10;
	s10 =	sadd.s32 $0x40, s10  }
.Ltmp0:
0x29: {  	(pc) =	sbr.rel @p0 .LBB2_2-.Ltmp0, $2  }
0x2a: {  	_ =	sdelay $0x2  }
0x2b: {  	s12 =	sshra.s32 s12, $0x2  }
0x2c: {  	[tilespmem:s12+$0xF300] =	vst v7;
	s13 =	simm.s32 $0x0;
	s10 =	rddreg [dreg:$0x4]  }
0x2d: {  	[tilespmem:s21], [sflag:$0x1] =	stream.linear.gather [hbm4b:s5+s13], $0x1770, $0x38;
	[tilespmem:$0x1E880] =	vst v63  }
0x2e: {  	s17 =	simm.s32 $0x2F80;
	s18 =	simm.s32 $0x3750;
	s19 =	simm.s32 $0x0  }
0x2f: {  	[tilespmem:s22], [sflag:$0x2] =	stream.linear.gather [hbm4b:s10+s13], $0x1770, $0x38;
	[tilespmem:$0x1E880] =	vst v63  }
.LBB2_4:
0x30: {  	v17 =	vmov s13  }
0x31: {  	v17 =	vmul.u32 $0x3, v17;
	_ =	sdelay $0x1  }
0x32: {  	v17 =	vbroadcast v17, $0x0;
	_ =	sdelay $0x1  }
0x33: {  	v18 =	vadd.s32 v4, v17  }
0x34: {  	v19 =	vadd.s32 v8, v17  }
0x35: {  	_ =	swait.ge [sflag:s23], $0x1770;
	v17 =	vadd.s32 v9, v17  }
0x36: {  	[sflag:s23] =	ssyncset.done $0x0  }
0x37: {  	[sflag:s23] =	ssyncadd.s32 $0xFFFFE890  }
0x38: {  	v18 =	vld.idx.msk [tilespmem:v18+s21+$0x0], $0xffff  }
0x39: {  	v19 =	vld.idx.msk [tilespmem:v19+s21+$0x0], $0xffff  }
0x3a: {  	v17 =	vld.idx.msk [tilespmem:v17+s21+$0x0], $0xffff;
	_ =	sdelay $0x2  }
0x3b: {  	s10 =	simm.s32 $0x10;
	v21 =	vmul.f32 v18, v14;
	v18 =	vmul.f32 v18, v16  }
0x3c: {  	v20 =	vmov s10;
	v22 =	vmul.f32 v19, v13;
	v19 =	vmul.f32 v19, v15  }
0x3d: {  	v20 =	vmul.u32 $0x3, v20;
	v23 =	vmul.f32 v17, v11  }
0x3e: {  	v17 =	vmul.f32 v17, v12;
	v21 =	vadd.f32 v22, v21;
	v18 =	vadd.f32 v19, v18  }
0x3f: {  	v20 =	vbroadcast v20, $0x0  }
0x40: {  	v21 =	vadd.f32 v23, v21;
	v17 =	vadd.f32 v17, v18  }
0x41: {  	v19 =	vadd.s32 v4, v20  }
0x42: {  	v18 =	vadd.s32 v8, v20;
	v17 =	vpack.i.f32.bf16 v17, v21  }
0x43: {  	[tilespmem:s17+$0x0] =	vst v17;
	v17 =	vadd.s32 v9, v20;
	_ =	sdelay $0x2  }
0x44: {  	v20 =	vld.idx.msk [tilespmem:v19+s21+$0x0], $0xffff  }
0x45: {  	v18 =	vld.idx.msk [tilespmem:v18+s21+$0x0], $0xffff  }
0x46: {  	v17 =	vld.idx.msk [tilespmem:v17+s21+$0x0], $0xffff  }
0x47: {  	s29 =	simm.s32 $0x20  }
0x48: {  	v19 =	vmov s29  }
0x49: {  	s20 =	simm.s32 $0x30;
	s10 =	smov.u32 s17;
	v21 =	vmul.u32 $0x3, v19;
	v19 =	vmul.f32 v20, v14;
	v20 =	vmul.f32 v20, v16  }
.LBB2_5:
0x4a: {  	p0 =	sne.s32 s20, $0x7C0;
	v22 =	vmul.f32 v18, v13;
	v18 =	vmul.f32 v18, v15  }
0x4b: {  	v23 =	vmul.f32 v17, v11;
	v21 =	vbroadcast v21, $0x0  }
0x4c: {  	v17 =	vmul.f32 v17, v12;
	v19 =	vadd.f32 v22, v19;
	v18 =	vadd.f32 v18, v20  }
0x4d: {  	v20 =	vadd.s32 v4, v21  }
0x4e: {  	v22 =	vadd.s32 v8, v21;
	v19 =	vadd.f32 v23, v19;
	v17 =	vadd.f32 v17, v18  }
0x4f: {  	v21 =	vadd.s32 v9, v21  }
0x50: {  	s10 =	sadd.s32 $0x10, s10;
	v17 =	vpack.i.f32.bf16 v17, v19  }
0x51: {  	[tilespmem:s10+$0x0] =	vst v17  }
0x52: {  	v20 =	vld.idx.msk [tilespmem:v20+s21+$0x0], $0xffff  }
0x53: {  	v18 =	vld.idx.msk [tilespmem:v22+s21+$0x0], $0xffff  }
.Ltmp1:
0x54: {  	v17 =	vld.idx.msk [tilespmem:v21+s21+$0x0], $0xffff;
	(pc) =	sbr.rel @p0 .LBB2_5-.Ltmp1, $3  }
0x55: {  	_ =	sdelay $0x1  }
0x56: {  	v19 =	vmov s20  }
0x57: {  	s20 =	sadd.s32 $0x10, s20;
	v21 =	vmul.u32 $0x3, v19;
	v19 =	vmul.f32 v20, v14;
	v20 =	vmul.f32 v20, v16  }
0x58: {  	v22 =	vmul.f32 v18, v13;
	v18 =	vmul.f32 v18, v15  }
0x59: {  	v23 =	vmul.f32 v17, v11;
	v21 =	vbroadcast v21, $0x0  }
0x5a: {  	v17 =	vmul.f32 v17, v12;
	v19 =	vadd.f32 v22, v19;
	v18 =	vadd.f32 v18, v20  }
0x5b: {  	v20 =	vadd.s32 v4, v21  }
0x5c: {  	v22 =	vadd.s32 v8, v21;
	v19 =	vadd.f32 v23, v19;
	v17 =	vadd.f32 v17, v18;
	_ =	sdelay $0x1  }
0x5d: {  	s10 =	sadd.s32 $0x10, s10;
	v18 =	vadd.s32 v9, v21;
	v17 =	vpack.i.f32.bf16 v17, v19  }
0x5e: {  	[tilespmem:s10+$0x0] =	vst v17  }
0x5f: {  	v17 =	vld.idx.msk [tilespmem:v20+s21+$0x0], $0xffff  }
0x60: {  	v19 =	vld.idx.msk [tilespmem:v22+s21+$0x0], $0xffff;
	_ =	sdelay $0x1  }
0x61: {  	v18 =	vld.idx.msk [tilespmem:v18+s21+$0x0], $0xffff;
	_ =	sdelay $0x2  }
0x62: {  	v20 =	vmul.f32 v17, v14;
	v21 =	vmul.f32 v19, v13  }
0x63: {  	v17 =	vmul.f32 v17, v16;
	v19 =	vmul.f32 v19, v15  }
0x64: {  	s12 =	simm.s32 $0x0;
	v22 =	vmul.f32 v18, v11;
	v18 =	vmul.f32 v18, v12  }
0x65: {  	v20 =	vadd.f32 v21, v20;
	v17 =	vadd.f32 v19, v17;
	v19 =	vmov s12  }
0x66: {  	s20 =	smul.u32 $0x2EE0, s19;
	v19 =	vmul.u32 $0x3, v19  }
0x67: {  	v20 =	vadd.f32 v22, v20;
	v17 =	vadd.f32 v18, v17  }
0x68: {  	s20 =	sshrl.u32 s20, $0x3;
	v18 =	vbroadcast v19, $0x0  }
0x69: {  	s29 =	sadd.s32 $0x10, s10;
	s10 =	sadd.s32 s5, s20;
	v17 =	vpack.i.f32.bf16 v17, v20  }
0x6a: {  	s20 =	sadd.s32 $0x5DC, s10;
	[tilespmem:s29+$0x0] =	vst v17;
	v17 =	vadd.s32 v4, v18  }
0x6b: {  	v19 =	vadd.s32 v8, v18;
	[tilespmem:s21], [sflag:$0x1] =	stream.linear.gather [hbm4b:s20+s12], $0x1770, $0x38;
	[tilespmem:$0x1E880] =	vst v63  }
0x6c: {  	v18 =	vadd.s32 v9, v18;
	_ =	swait.ge [sflag:s24], $0x1770  }
0x6d: {  	[sflag:s24] =	ssyncset.done $0x0  }
0x6e: {  	[sflag:s24] =	ssyncadd.s32 $0xFFFFE890  }
0x6f: {  	v17 =	vld.idx.msk [tilespmem:v17+s22+$0x0], $0xffff  }
0x70: {  	v19 =	vld.idx.msk [tilespmem:v19+s22+$0x0], $0xffff  }
0x71: {  	v18 =	vld.idx.msk [tilespmem:v18+s22+$0x0], $0xffff;
	_ =	sdelay $0x2  }
0x72: {  	s20 =	simm.s32 $0x10;
	v21 =	vmul.f32 v17, v14;
	v17 =	vmul.f32 v17, v16  }
0x73: {  	v20 =	vmov s20;
	v22 =	vmul.f32 v19, v13;
	v19 =	vmul.f32 v19, v15  }
0x74: {  	v20 =	vmul.u32 $0x3, v20;
	v23 =	vmul.f32 v18, v11  }
0x75: {  	v18 =	vmul.f32 v18, v12;
	v21 =	vadd.f32 v22, v21;
	v17 =	vadd.f32 v19, v17  }
0x76: {  	v20 =	vbroadcast v20, $0x0  }
0x77: {  	v21 =	vadd.f32 v23, v21;
	v17 =	vadd.f32 v18, v17  }
0x78: {  	v19 =	vadd.s32 v4, v20  }
0x79: {  	v18 =	vadd.s32 v8, v20;
	v17 =	vpack.i.f32.bf16 v17, v21  }
0x7a: {  	[tilespmem:s18+$0x0] =	vst v17;
	v17 =	vadd.s32 v9, v20;
	_ =	sdelay $0x2  }
0x7b: {  	v20 =	vld.idx.msk [tilespmem:v19+s22+$0x0], $0xffff  }
0x7c: {  	v18 =	vld.idx.msk [tilespmem:v18+s22+$0x0], $0xffff  }
0x7d: {  	v17 =	vld.idx.msk [tilespmem:v17+s22+$0x0], $0xffff  }
0x7e: {  	s29 =	simm.s32 $0x20  }
0x7f: {  	v19 =	vmov s29  }
0x80: {  	s12 =	simm.s32 $0x30;
	s20 =	smov.u32 s18;
	v21 =	vmul.u32 $0x3, v19;
	v19 =	vmul.f32 v20, v14;
	v20 =	vmul.f32 v20, v16  }
.LBB2_7:
0x81: {  	p0 =	sne.s32 s12, $0x7C0;
	v22 =	vmul.f32 v18, v13;
	v18 =	vmul.f32 v18, v15  }
0x82: {  	v23 =	vmul.f32 v17, v11;
	v21 =	vbroadcast v21, $0x0  }
0x83: {  	v17 =	vmul.f32 v17, v12;
	v19 =	vadd.f32 v22, v19;
	v18 =	vadd.f32 v18, v20  }
0x84: {  	v20 =	vadd.s32 v4, v21  }
0x85: {  	v22 =	vadd.s32 v8, v21;
	v19 =	vadd.f32 v23, v19;
	v17 =	vadd.f32 v17, v18  }
0x86: {  	v21 =	vadd.s32 v9, v21  }
0x87: {  	s20 =	sadd.s32 $0x10, s20;
	v17 =	vpack.i.f32.bf16 v17, v19  }
0x88: {  	[tilespmem:s20+$0x0] =	vst v17  }
0x89: {  	v20 =	vld.idx.msk [tilespmem:v20+s22+$0x0], $0xffff  }
0x8a: {  	v18 =	vld.idx.msk [tilespmem:v22+s22+$0x0], $0xffff  }
.Ltmp2:
0x8b: {  	v17 =	vld.idx.msk [tilespmem:v21+s22+$0x0], $0xffff;
	(pc) =	sbr.rel @p0 .LBB2_7-.Ltmp2, $3  }
0x8c: {  	_ =	sdelay $0x1  }
0x8d: {  	v19 =	vmov s12  }
0x8e: {  	s12 =	sadd.s32 $0x10, s12;
	v21 =	vmul.u32 $0x3, v19;
	v19 =	vmul.f32 v20, v14;
	v20 =	vmul.f32 v20, v16  }
0x8f: {  	v22 =	vmul.f32 v18, v13;
	v18 =	vmul.f32 v18, v15  }
0x90: {  	v23 =	vmul.f32 v17, v11;
	v21 =	vbroadcast v21, $0x0  }
0x91: {  	v17 =	vmul.f32 v17, v12;
	v19 =	vadd.f32 v22, v19;
	v18 =	vadd.f32 v18, v20  }
0x92: {  	v60 =	vadd.s32 v4, v21  }
0x93: {  	v61 =	vadd.s32 v8, v21;
	v19 =	vadd.f32 v23, v19;
	v17 =	vadd.f32 v17, v18  }
0x94: {  	v18 =	vadd.s32 v9, v21  }
0x95: {  	s12 =	sadd.s32 $0x10, s20;
	v17 =	vpack.i.f32.bf16 v17, v19  }
0x96: {  	[tilespmem:s12+$0x0] =	vst v17  }
0x97: {  	v17 =	vld.idx.msk [tilespmem:v60+s22+$0x0], $0xffff  }
0x98: {  	v19 =	vld.idx.msk [tilespmem:v61+s22+$0x0], $0xffff  }
0x99: {  	v18 =	vld.idx.msk [tilespmem:v18+s22+$0x0], $0xffff;
	_ =	sdelay $0x2  }
0x9a: {  	v20 =	vmul.f32 v17, v14;
	v17 =	vmul.f32 v17, v16  }
0x9b: {  	v62 =	vmul.f32 v19, v13;
	v19 =	vmul.f32 v19, v15  }
0x9c: {  	v63 =	vmul.f32 v18, v11  }
0x9d: {  	p0 =	seq.s32 s19, $0xB;
	v18 =	vmul.f32 v18, v12;
	v20 =	vadd.f32 v62, v20;
	v17 =	vadd.f32 v19, v17  }
.Ltmp3:
0x9e: {  	_ = 	snop;
	(pc) =	sbr.rel @p0 .LBB2_10-.Ltmp3, $3  }
0x9f: {  	v19 =	vadd.f32 v63, v20;
	v17 =	vadd.f32 v18, v17;
	_ =	sdelay $0x1  }
0xa0: {  	s12 =	sadd.s32 $0x10, s12;
	v17 =	vpack.i.f32.bf16 v17, v19  }
0xa1: {  	[tilespmem:s12+$0x0] =	vst v17  }
.Ltmp4:
0xa2: {  	(pc) =	sbr.rel .LBB2_4-.Ltmp4, $4  }
0xa3: {  	_ = 	snop  }
0xa4: {  	s10 =	sadd.s32 $0x8CA, s10  }
0xa5: {  	s19 =	sadd.s32 $0x1, s19;
	s17 =	sadd.s32 $0xFA0, s17;
	s18 =	sadd.s32 $0xFA0, s18  }
0xa6: {  	[tilespmem:s22], [sflag:$0x2] =	stream.linear.gather [hbm4b:s10+s3], $0x1770, $0x38;
	[tilespmem:$0x1E880] =	vst v63  }
.LBB2_10:
0xa7: {  	s13 =	simm.s32 $0x0  }
0xa8: {  	v17 =	vmov s13  }
0xa9: {  	v17 =	vmul.u32 $0x3, v17;
	_ =	sdelay $0x1  }
0xaa: {  	v17 =	vbroadcast v17, $0x0;
	_ =	sdelay $0x1  }
0xab: {  	v18 =	vadd.s32 v4, v17  }
0xac: {  	v19 =	vadd.s32 v8, v17  }
0xad: {  	_ =	swait.ge [sflag:s23], $0x1770;
	v17 =	vadd.s32 v9, v17  }
0xae: {  	[sflag:s23] =	ssyncset.done $0x0  }
0xaf: {  	[sflag:s23] =	ssyncadd.s32 $0xFFFFE890  }
0xb0: {  	v20 =	vld.idx.msk [tilespmem:v18+s21+$0x0], $0xffff  }
0xb1: {  	v18 =	vld.idx.msk [tilespmem:v19+s21+$0x0], $0xffff  }
0xb2: {  	v17 =	vld.idx.msk [tilespmem:v17+s21+$0x0], $0xffff  }
0xb3: {  	s10 =	simm.s32 $0x10  }
0xb4: {  	v19 =	vmov s10  }
0xb5: {  	s17 =	simm.s32 $0x20;
	s20 =	simm.s32 $0x1C300;
	v21 =	vmul.u32 $0x3, v19;
	v19 =	vmul.f32 v20, v14;
	v20 =	vmul.f32 v20, v16  }
.LBB2_11:
0xb6: {  	p0 =	sne.s32 s17, $0x7C0;
	v22 =	vmul.f32 v18, v13;
	v18 =	vmul.f32 v18, v15  }
0xb7: {  	v23 =	vmul.f32 v17, v11;
	v21 =	vbroadcast v21, $0x0  }
0xb8: {  	v17 =	vmul.f32 v17, v12;
	v19 =	vadd.f32 v22, v19;
	v18 =	vadd.f32 v18, v20  }
0xb9: {  	v20 =	vadd.s32 v4, v21  }
0xba: {  	v22 =	vadd.s32 v8, v21;
	v19 =	vadd.f32 v23, v19;
	v17 =	vadd.f32 v17, v18  }
0xbb: {  	v21 =	vadd.s32 v9, v21  }
0xbc: {  	s12 =	sand.u32 $0x7F0, s13;
	s13 =	smov.u32 s10;
	s10 =	smov.u32 s17;
	v17 =	vpack.i.f32.bf16 v17, v19  }
0xbd: {  	[tilespmem:s12+$0xEB00] =	vst v17  }
0xbe: {  	v20 =	vld.idx.msk [tilespmem:v20+s21+$0x0], $0xffff  }
0xbf: {  	v18 =	vld.idx.msk [tilespmem:v22+s21+$0x0], $0xffff  }
.Ltmp5:
0xc0: {  	v17 =	vld.idx.msk [tilespmem:v21+s21+$0x0], $0xffff;
	(pc) =	sbr.rel @p0 .LBB2_11-.Ltmp5, $3  }
0xc1: {  	_ =	sdelay $0x1  }
0xc2: {  	v19 =	vmov s17  }
0xc3: {  	s17 =	sadd.s32 $0x10, s17;
	v21 =	vmul.u32 $0x3, v19;
	v19 =	vmul.f32 v20, v14;
	v20 =	vmul.f32 v20, v16  }
0xc4: {  	v22 =	vmul.f32 v18, v13;
	v54 =	vmul.f32 v18, v15  }
0xc5: {  	v23 =	vmul.f32 v17, v11;
	v21 =	vbroadcast v21, $0x0  }
0xc6: {  	v55 =	vmul.f32 v17, v12;
	v19 =	vadd.f32 v22, v19;
	v18 =	vadd.f32 v54, v20  }
0xc7: {  	v56 =	vadd.s32 v4, v21  }
0xc8: {  	v57 =	vadd.s32 v8, v21;
	v19 =	vadd.f32 v23, v19;
	v17 =	vadd.f32 v55, v18  }
0xc9: {  	v58 =	vadd.s32 v9, v21  }
0xca: {  	s12 =	sand.u32 $0x7F0, s13;
	v17 =	vpack.i.f32.bf16 v17, v19  }
0xcb: {  	[tilespmem:s12+$0xEB00] =	vst v17  }
0xcc: {  	v17 =	vld.idx.msk [tilespmem:v56+s21+$0x0], $0xffff  }
0xcd: {  	v59 =	vld.idx.msk [tilespmem:v57+s21+$0x0], $0xffff  }
0xce: {  	v18 =	vld.idx.msk [tilespmem:v58+s21+$0x0], $0xffff;
	_ =	sdelay $0x2  }
0xcf: {  	v14 =	vmul.f32 v17, v14;
	v16 =	vmul.f32 v17, v16  }
0xd0: {  	v60 =	vmul.f32 v59, v13;
	v61 =	vmul.f32 v59, v15  }
0xd1: {  	v11 =	vmul.f32 v18, v11  }
0xd2: {  	v63 =	vmul.f32 v18, v12;
	v13 =	vadd.f32 v60, v14;
	v62 =	vadd.f32 v61, v16;
	_ =	sdelay $0x1  }
0xd3: {  	v11 =	vadd.f32 v11, v13;
	v12 =	vadd.f32 v63, v62;
	_ =	sdelay $0x1  }
0xd4: {  	s10 =	sand.u32 $0x7F0, s10;
	v11 =	vpack.i.f32.bf16 v12, v11  }
0xd5: {  	s17 =	rddreg [dreg:$0x5];
	[tilespmem:s10+$0xEB00] =	vst v11  }
0xd6: {  	[tilespmem:s26], [sflag:$0x3] =	stream.strided.gather [hbm4b:s17+s21], $0xC80, s25, s21, $0x38;
	[tilespmem:$0x1E880] =	vst v63  }
0xd7: {  	s18 =	rddreg [dreg:$0x6]  }
0xd8: {  	[tilespmem:s28], [sflag:$0x3] =	stream.strided.gather [hbm4b:s18+s21], $0xC80, s25, s21, $0x38;
	[tilespmem:$0x1E880] =	vst v63  }
0xd9: {  	s19 =	rddreg [dreg:$0x7]  }
0xda: {  	[tilespmem:s20], [sflag:$0x4] =	stream.strided.gather [hbm4b:s19+s21], $0xC80, s25, s21, $0x38;
	[tilespmem:$0x1E880] =	vst v63  }
0xdb: {  	s29 =	rddreg [dreg:$0x8];
	s13 =	simm.s32 $0x0  }
0xdc: {  	[tilespmem:s30], [sflag:$0x4] =	stream.strided.gather [hbm4b:s29+s21], $0xC80, s25, s21, $0x38;
	[tilespmem:$0x1E880] =	vst v63  }
.LBB2_13:
0xdd: {  	_ =	swait.ge [sflag:s31], $0xC80  }
.Ltmp6:
0xde: {  	[sflag:s31] =	ssyncset.done $0x0;
	(pc) =	sbr.rel .LBB2_14-.Ltmp6, $4  }
0xdf: {  	[sflag:s31] =	ssyncadd.s32 $0xFFFFF380  }
0xe0: {  	_ =	swait.ge [sflag:s31], $0xC80  }
0xe1: {  	[sflag:s31] =	ssyncset.done $0x0  }
0xe2: {  	s17 =	simm.s32 $0x0;
	[sflag:s31] =	ssyncadd.s32 $0xFFFFF380  }
.LBB2_16:
0xe3: {  	s17 =	sadd.s32 $0x1, s17  }
0xe4: {  	p0 =	sne.s32 s17, $0x8  }
.Ltmp7:
0xe5: {  	_ = 	snop;
	(pc) =	sbr.rel @!p0 .LBB2_17-.Ltmp7, $1  }
0xe6: {  	_ =	sdelay $0x3  }
.LBB2_14:
0xe7: {  	s18 =	smul.u32 $0x190, s17;
	_ =	sdelay $0x1  }
0xe8: {  	v12 =	vld [tilespmem:s18+$0x1CF80]  }
0xe9: {  	v11 =	vld [tilespmem:s18+$0x1B680];
	_ =	sdelay $0x6  }
0xea: {  	v12 =	vld.idx.msk [tilespmem:v12+s0+$0x0], $0xffff  }
0xeb: {  	v13 =	vld.idx.msk [tilespmem:v11+s4+$0x0], $0xffff;
	_ =	sdelay $0x4  }
0xec: {  	v13 =	vmax.bf16 v13, v12  }
0xed: {  	[tilespmem:v11+s4+$0x0] =	vst.idx.msk $0xffff, v13  }
0xee: {  	v14 =	vld [tilespmem:s18+$0x1CF90]  }
0xef: {  	v13 =	vld [tilespmem:s18+$0x1B690];
	_ =	sdelay $0x6  }
0xf0: {  	v14 =	vld.idx.msk [tilespmem:v14+s0+$0x0], $0xffff  }
0xf1: {  	v15 =	vld.idx.msk [tilespmem:v13+s4+$0x0], $0xffff;
	_ =	sdelay $0x4  }
0xf2: {  	v15 =	vmax.bf16 v15, v14  }
0xf3: {  	[tilespmem:v13+s4+$0x0] =	vst.idx.msk $0xffff, v15  }
0xf4: {  	v16 =	vld [tilespmem:s18+$0x1CFA0]  }
0xf5: {  	v15 =	vld [tilespmem:s18+$0x1B6A0];
	_ =	sdelay $0x6  }
0xf6: {  	v16 =	vld.idx.msk [tilespmem:v16+s0+$0x0], $0xffff  }
0xf7: {  	v17 =	vld.idx.msk [tilespmem:v15+s4+$0x0], $0xffff;
	_ =	sdelay $0x4  }
0xf8: {  	v17 =	vmax.bf16 v17, v16  }
0xf9: {  	[tilespmem:v15+s4+$0x0] =	vst.idx.msk $0xffff, v17  }
0xfa: {  	v18 =	vld [tilespmem:s18+$0x1CFB0]  }
0xfb: {  	v17 =	vld [tilespmem:s18+$0x1B6B0];
	_ =	sdelay $0x6  }
0xfc: {  	v18 =	vld.idx.msk [tilespmem:v18+s0+$0x0], $0xffff  }
0xfd: {  	v19 =	vld.idx.msk [tilespmem:v17+s4+$0x0], $0xffff;
	_ =	sdelay $0x4  }
0xfe: {  	v19 =	vmax.bf16 v19, v18  }
0xff: {  	[tilespmem:v17+s4+$0x0] =	vst.idx.msk $0xffff, v19  }
0x100: {  	v20 =	vld [tilespmem:s18+$0x1CFC0]  }
0x101: {  	v19 =	vld [tilespmem:s18+$0x1B6C0];
	_ =	sdelay $0x6  }
0x102: {  	v20 =	vld.idx.msk [tilespmem:v20+s0+$0x0], $0xffff  }
0x103: {  	v21 =	vld.idx.msk [tilespmem:v19+s4+$0x0], $0xffff;
	_ =	sdelay $0x4  }
0x104: {  	v21 =	vmax.bf16 v21, v20  }
0x105: {  	[tilespmem:v19+s4+$0x0] =	vst.idx.msk $0xffff, v21  }
0x106: {  	v22 =	vld [tilespmem:s18+$0x1CFD0]  }
0x107: {  	v21 =	vld [tilespmem:s18+$0x1B6D0];
	_ =	sdelay $0x6  }
0x108: {  	v22 =	vld.idx.msk [tilespmem:v22+s0+$0x0], $0xffff  }
0x109: {  	v23 =	vld.idx.msk [tilespmem:v21+s4+$0x0], $0xffff;
	_ =	sdelay $0x4  }
0x10a: {  	v23 =	vmax.bf16 v23, v22  }
0x10b: {  	[tilespmem:v21+s4+$0x0] =	vst.idx.msk $0xffff, v23  }
0x10c: {  	v24 =	vld [tilespmem:s18+$0x1CFE0]  }
0x10d: {  	v23 =	vld [tilespmem:s18+$0x1B6E0];
	_ =	sdelay $0x6  }
0x10e: {  	v24 =	vld.idx.msk [tilespmem:v24+s0+$0x0], $0xffff  }
0x10f: {  	v25 =	vld.idx.msk [tilespmem:v23+s4+$0x0], $0xffff;
	_ =	sdelay $0x4  }
0x110: {  	v25 =	vmax.bf16 v25, v24  }
0x111: {  	[tilespmem:v23+s4+$0x0] =	vst.idx.msk $0xffff, v25  }
0x112: {  	v26 =	vld [tilespmem:s18+$0x1CFF0]  }
0x113: {  	v25 =	vld [tilespmem:s18+$0x1B6F0];
	_ =	sdelay $0x6  }
0x114: {  	v26 =	vld.idx.msk [tilespmem:v26+s0+$0x0], $0xffff  }
0x115: {  	v27 =	vld.idx.msk [tilespmem:v25+s4+$0x0], $0xffff;
	_ =	sdelay $0x4  }
0x116: {  	v27 =	vmax.bf16 v27, v26  }
0x117: {  	s10 =	sand.u32 $0xFF0, s18;
	[tilespmem:v25+s4+$0x0] =	vst.idx.msk $0xffff, v27  }
0x118: {  	v28 =	vld [tilespmem:s10+$0x1D000]  }
0x119: {  	v27 =	vld [tilespmem:s10+$0x1B700];
	_ =	sdelay $0x6  }
0x11a: {  	v28 =	vld.idx.msk [tilespmem:v28+s0+$0x0], $0xffff  }
0x11b: {  	v29 =	vld.idx.msk [tilespmem:v27+s4+$0x0], $0xffff;
	_ =	sdelay $0x4  }
0x11c: {  	v29 =	vmax.bf16 v29, v28  }
0x11d: {  	[tilespmem:v27+s4+$0x0] =	vst.idx.msk $0xffff, v29  }
0x11e: {  	v30 =	vld [tilespmem:s18+$0x1D010]  }
0x11f: {  	v29 =	vld [tilespmem:s18+$0x1B710];
	_ =	sdelay $0x6  }
0x120: {  	v30 =	vld.idx.msk [tilespmem:v30+s0+$0x0], $0xffff  }
0x121: {  	v31 =	vld.idx.msk [tilespmem:v29+s4+$0x0], $0xffff;
	_ =	sdelay $0x4  }
0x122: {  	v31 =	vmax.bf16 v31, v30  }
0x123: {  	[tilespmem:v29+s4+$0x0] =	vst.idx.msk $0xffff, v31  }
0x124: {  	v32 =	vld [tilespmem:s18+$0x1D020]  }
0x125: {  	v31 =	vld [tilespmem:s18+$0x1B720];
	_ =	sdelay $0x6  }
0x126: {  	v32 =	vld.idx.msk [tilespmem:v32+s0+$0x0], $0xffff  }
0x127: {  	v33 =	vld.idx.msk [tilespmem:v31+s4+$0x0], $0xffff;
	_ =	sdelay $0x4  }
0x128: {  	v33 =	vmax.bf16 v33, v32  }
0x129: {  	[tilespmem:v31+s4+$0x0] =	vst.idx.msk $0xffff, v33  }
0x12a: {  	v34 =	vld [tilespmem:s18+$0x1D030]  }
0x12b: {  	v33 =	vld [tilespmem:s18+$0x1B730];
	_ =	sdelay $0x6  }
0x12c: {  	v34 =	vld.idx.msk [tilespmem:v34+s0+$0x0], $0xffff  }
0x12d: {  	v35 =	vld.idx.msk [tilespmem:v33+s4+$0x0], $0xffff;
	_ =	sdelay $0x4  }
0x12e: {  	v35 =	vmax.bf16 v35, v34  }
0x12f: {  	[tilespmem:v33+s4+$0x0] =	vst.idx.msk $0xffff, v35  }
0x130: {  	v36 =	vld [tilespmem:s18+$0x1D040]  }
0x131: {  	v35 =	vld [tilespmem:s18+$0x1B740];
	_ =	sdelay $0x6  }
0x132: {  	v36 =	vld.idx.msk [tilespmem:v36+s0+$0x0], $0xffff  }
0x133: {  	v37 =	vld.idx.msk [tilespmem:v35+s4+$0x0], $0xffff;
	_ =	sdelay $0x4  }
0x134: {  	v37 =	vmax.bf16 v37, v36  }
0x135: {  	[tilespmem:v35+s4+$0x0] =	vst.idx.msk $0xffff, v37  }
0x136: {  	v38 =	vld [tilespmem:s18+$0x1D050]  }
0x137: {  	v37 =	vld [tilespmem:s18+$0x1B750];
	_ =	sdelay $0x6  }
0x138: {  	v38 =	vld.idx.msk [tilespmem:v38+s0+$0x0], $0xffff  }
0x139: {  	v39 =	vld.idx.msk [tilespmem:v37+s4+$0x0], $0xffff;
	_ =	sdelay $0x4  }
0x13a: {  	v39 =	vmax.bf16 v39, v38  }
0x13b: {  	[tilespmem:v37+s4+$0x0] =	vst.idx.msk $0xffff, v39  }
0x13c: {  	v40 =	vld [tilespmem:s18+$0x1D060]  }
0x13d: {  	v39 =	vld [tilespmem:s18+$0x1B760];
	_ =	sdelay $0x6  }
0x13e: {  	v40 =	vld.idx.msk [tilespmem:v40+s0+$0x0], $0xffff  }
0x13f: {  	v41 =	vld.idx.msk [tilespmem:v39+s4+$0x0], $0xffff;
	_ =	sdelay $0x4  }
0x140: {  	v41 =	vmax.bf16 v41, v40  }
0x141: {  	[tilespmem:v39+s4+$0x0] =	vst.idx.msk $0xffff, v41  }
0x142: {  	v42 =	vld [tilespmem:s18+$0x1D070]  }
0x143: {  	v41 =	vld [tilespmem:s18+$0x1B770];
	_ =	sdelay $0x6  }
0x144: {  	v42 =	vld.idx.msk [tilespmem:v42+s0+$0x0], $0xffff  }
0x145: {  	v43 =	vld.idx.msk [tilespmem:v41+s4+$0x0], $0xffff;
	_ =	sdelay $0x4  }
0x146: {  	v43 =	vmax.bf16 v43, v42  }
0x147: {  	[tilespmem:v41+s4+$0x0] =	vst.idx.msk $0xffff, v43  }
0x148: {  	v44 =	vld [tilespmem:s10+$0x1D080]  }
0x149: {  	v43 =	vld [tilespmem:s10+$0x1B780];
	_ =	sdelay $0x6  }
0x14a: {  	v44 =	vld.idx.msk [tilespmem:v44+s0+$0x0], $0xffff  }
0x14b: {  	v45 =	vld.idx.msk [tilespmem:v43+s4+$0x0], $0xffff;
	_ =	sdelay $0x4  }
0x14c: {  	v45 =	vmax.bf16 v45, v44  }
0x14d: {  	[tilespmem:v43+s4+$0x0] =	vst.idx.msk $0xffff, v45  }
0x14e: {  	v46 =	vld [tilespmem:s18+$0x1D090]  }
0x14f: {  	v45 =	vld [tilespmem:s18+$0x1B790];
	_ =	sdelay $0x6  }
0x150: {  	v46 =	vld.idx.msk [tilespmem:v46+s0+$0x0], $0xffff  }
0x151: {  	v47 =	vld.idx.msk [tilespmem:v45+s4+$0x0], $0xffff;
	_ =	sdelay $0x4  }
0x152: {  	v47 =	vmax.bf16 v47, v46  }
0x153: {  	[tilespmem:v45+s4+$0x0] =	vst.idx.msk $0xffff, v47  }
0x154: {  	v48 =	vld [tilespmem:s18+$0x1D0A0]  }
0x155: {  	v47 =	vld [tilespmem:s18+$0x1B7A0];
	_ =	sdelay $0x6  }
0x156: {  	v48 =	vld.idx.msk [tilespmem:v48+s0+$0x0], $0xffff  }
0x157: {  	v49 =	vld.idx.msk [tilespmem:v47+s4+$0x0], $0xffff;
	_ =	sdelay $0x4  }
0x158: {  	v49 =	vmax.bf16 v49, v48  }
0x159: {  	[tilespmem:v47+s4+$0x0] =	vst.idx.msk $0xffff, v49  }
0x15a: {  	v50 =	vld [tilespmem:s18+$0x1D0B0]  }
0x15b: {  	v49 =	vld [tilespmem:s18+$0x1B7B0];
	_ =	sdelay $0x6  }
0x15c: {  	v50 =	vld.idx.msk [tilespmem:v50+s0+$0x0], $0xffff  }
0x15d: {  	v51 =	vld.idx.msk [tilespmem:v49+s4+$0x0], $0xffff;
	_ =	sdelay $0x4  }
0x15e: {  	v51 =	vmax.bf16 v51, v50  }
0x15f: {  	[tilespmem:v49+s4+$0x0] =	vst.idx.msk $0xffff, v51  }
0x160: {  	v52 =	vld [tilespmem:s18+$0x1D0C0]  }
0x161: {  	v51 =	vld [tilespmem:s18+$0x1B7C0];
	_ =	sdelay $0x6  }
0x162: {  	v52 =	vld.idx.msk [tilespmem:v52+s0+$0x0], $0xffff  }
0x163: {  	v53 =	vld.idx.msk [tilespmem:v51+s4+$0x0], $0xffff;
	_ =	sdelay $0x4  }
0x164: {  	v53 =	vmax.bf16 v53, v52  }
0x165: {  	[tilespmem:v51+s4+$0x0] =	vst.idx.msk $0xffff, v53  }
0x166: {  	v54 =	vld [tilespmem:s18+$0x1D0D0]  }
0x167: {  	v53 =	vld [tilespmem:s18+$0x1B7D0];
	_ =	sdelay $0x6  }
0x168: {  	v54 =	vld.idx.msk [tilespmem:v54+s0+$0x0], $0xffff  }
0x169: {  	v55 =	vld.idx.msk [tilespmem:v53+s4+$0x0], $0xffff;
	_ =	sdelay $0x4  }
0x16a: {  	v55 =	vmax.bf16 v55, v54  }
0x16b: {  	[tilespmem:v53+s4+$0x0] =	vst.idx.msk $0xffff, v55  }
0x16c: {  	v56 =	vld [tilespmem:s18+$0x1D0E0]  }
0x16d: {  	v55 =	vld [tilespmem:s18+$0x1B7E0];
	_ =	sdelay $0x6  }
0x16e: {  	v56 =	vld.idx.msk [tilespmem:v56+s0+$0x0], $0xffff  }
0x16f: {  	v57 =	vld.idx.msk [tilespmem:v55+s4+$0x0], $0xffff;
	_ =	sdelay $0x4  }
0x170: {  	v57 =	vmax.bf16 v57, v56  }
0x171: {  	[tilespmem:v55+s4+$0x0] =	vst.idx.msk $0xffff, v57  }
0x172: {  	v58 =	vld [tilespmem:s18+$0x1D0F0]  }
0x173: {  	v57 =	vld [tilespmem:s18+$0x1B7F0];
	_ =	sdelay $0x6  }
0x174: {  	v58 =	vld.idx.msk [tilespmem:v58+s0+$0x0], $0xffff  }
0x175: {  	v59 =	vld.idx.msk [tilespmem:v57+s4+$0x0], $0xffff;
	_ =	sdelay $0x4  }
0x176: {  	v59 =	vmax.bf16 v59, v58  }
0x177: {  	[tilespmem:v57+s4+$0x0] =	vst.idx.msk $0xffff, v59  }
0x178: {  	v60 =	vld [tilespmem:s10+$0x1D100]  }
0x179: {  	v59 =	vld [tilespmem:s10+$0x1B800];
	_ =	sdelay $0x6  }
0x17a: {  	v60 =	vld.idx.msk [tilespmem:v60+s0+$0x0], $0xffff  }
0x17b: {  	v61 =	vld.idx.msk [tilespmem:v59+s4+$0x0], $0xffff;
	_ =	sdelay $0x4  }
0x17c: {  	v61 =	vmax.bf16 v61, v60  }
0x17d: {  	[tilespmem:v59+s4+$0x0] =	vst.idx.msk $0xffff, v61  }
0x17e: {  	v61 =	vld.idx.msk [tilespmem:v11+s4+$0x0], $0xffff  }
0x17f: {  	v62 =	vld.idx.msk [tilespmem:v13+s4+$0x0], $0xffff  }
0x180: {  	v63 =	vld.idx.msk [tilespmem:v15+s4+$0x0], $0xffff;
	_ =	sdelay $0x1  }
0x181: {  	v1 =	vld.idx.msk [tilespmem:v17+s4+$0x0], $0xffff;
	_ =	sdelay $0x1  }
0x182: {  	v2 =	vld.idx.msk [tilespmem:v19+s4+$0x0], $0xffff;
	v5 =	vmax.bf16 v61, v12  }
0x183: {  	v6 =	vmax.bf16 v62, v14;
	vm0 =	vne.s32 v61, v5;
	v5 =	vmax.bf16 v63, v16  }
0x184: {  	v3 =	vld.idx.msk [tilespmem:v21+s4+$0x0], $0xffff;
	vm1 =	vne.s32 v62, v6;
	v62 =	vimm.s32 $0x0;
	vm5 =	vne.s32 v63, v5  }
0x185: {  	v61 =	vimm.s32 $0x0;
	v5 =	vmax.bf16 v1, v18;
	v62 =	vsel vm5, $0xFFFFFFFF, v62  }
0x186: {  	v0 =	vld.idx.msk [tilespmem:v23+s4+$0x0], $0xffff;
	v61 =	vsel vm0, $0xFFFFFFFF, v61;
	vm6 =	vne.s32 v1, v5;
	[tilespmem:$0x1FE40] =	vst v62;
	v62 =	vimm.s32 $0x0  }
0x187: {  	[tilespmem:$0x1FE20] =	vst v61;
	v61 =	vimm.s32 $0x0;
	v1 =	vmax.bf16 v2, v20;
	v62 =	vsel vm6, $0xFFFFFFFF, v62  }
0x188: {  	v6 =	vld.idx.msk [tilespmem:v25+s4+$0x0], $0xffff;
	v61 =	vsel vm1, $0xFFFFFFFF, v61;
	vm7 =	vne.s32 v2, v1;
	[tilespmem:$0x1FE50] =	vst v62;
	v62 =	vimm.s32 $0x0  }
0x189: {  	v1 =	vmax.bf16 v3, v22;
	[tilespmem:$0x1FE30] =	vst v61;
	v62 =	vsel vm7, $0xFFFFFFFF, v62  }
0x18a: {  	v61 =	vld.idx.msk [tilespmem:v27+s4+$0x0], $0xffff;
	vm12 =	vne.s32 v3, v1;
	[tilespmem:$0x1FE60] =	vst v62;
	v62 =	vimm.s32 $0x0  }
0x18b: {  	v1 =	vmax.bf16 v0, v24;
	v62 =	vsel vm12, $0xFFFFFFFF, v62  }
0x18c: {  	vm0 =	vmor vm0, vm1;
	v5 =	vld.idx.msk [tilespmem:v29+s4+$0x0], $0xffff;
	vm13 =	vne.s32 v0, v1;
	[tilespmem:$0x1FE70] =	vst v62;
	v62 =	vimm.s32 $0x0  }
0x18d: {  	vm0 =	vmor vm0, vm5;
	v0 =	vmax.bf16 v6, v26;
	v62 =	vsel vm13, $0xFFFFFFFF, v62  }
0x18e: {  	vm0 =	vmor vm0, vm6;
	v2 =	vld.idx.msk [tilespmem:v31+s4+$0x0], $0xffff;
	vm14 =	vne.s32 v6, v0;
	[tilespmem:$0x1FE80] =	vst v62;
	v62 =	vimm.s32 $0x0  }
0x18f: {  	vm0 =	vmor vm0, vm7;
	v0 =	vmax.bf16 v61, v28;
	v62 =	vsel vm14, $0xFFFFFFFF, v62  }
0x190: {  	v3 =	vld.idx.msk [tilespmem:v33+s4+$0x0], $0xffff;
	vm0 =	vmor vm0, vm12;
	vm15 =	vne.s32 v61, v0;
	[tilespmem:$0x1FE90] =	vst v62;
	v62 =	vimm.s32 $0x0  }
0x191: {  	v1 =	vld.idx.msk [tilespmem:v35+s4+$0x0], $0xffff;
	vm0 =	vmor vm0, vm13;
	v0 =	vmax.bf16 v5, v30;
	v62 =	vsel vm15, $0xFFFFFFFF, v62  }
0x192: {  	vm0 =	vmor vm0, vm14;
	vm4 =	vne.s32 v5, v0;
	[tilespmem:$0x1FEA0] =	vst v62;
	v62 =	vimm.s32 $0x0  }
0x193: {  	v6 =	vld.idx.msk [tilespmem:v37+s4+$0x0], $0xffff;
	vm0 =	vmor vm0, vm15;
	v0 =	vmax.bf16 v2, v32;
	v62 =	vsel vm4, $0xFFFFFFFF, v62  }
0x194: {  	v61 =	vld.idx.msk [tilespmem:v39+s4+$0x0], $0xffff;
	vm0 =	vmor vm0, vm4;
	vm5 =	vne.s32 v2, v0;
	[tilespmem:$0x1FEB0] =	vst v62;
	v62 =	vimm.s32 $0x0  }
0x195: {  	v5 =	vld.idx.msk [tilespmem:v41+s4+$0x0], $0xffff;
	v0 =	vmax.bf16 v3, v34;
	vm0 =	vmor vm0, vm5;
	v62 =	vsel vm5, $0xFFFFFFFF, v62  }
0x196: {  	vm6 =	vne.s32 v3, v0;
	v0 =	vmax.bf16 v1, v36;
	[tilespmem:$0x1FEC0] =	vst v62;
	v62 =	vimm.s32 $0x0  }
0x197: {  	vm0 =	vmor vm0, vm6;
	vm7 =	vne.s32 v1, v0;
	v62 =	vsel vm6, $0xFFFFFFFF, v62  }
0x198: {  	v3 =	vld.idx.msk [tilespmem:v45+s4+$0x0], $0xffff;
	v0 =	vmax.bf16 v6, v38;
	vm0 =	vmor vm0, vm7;
	[tilespmem:$0x1FED0] =	vst v62;
	v62 =	vimm.s32 $0x0  }
0x199: {  	v2 =	vld.idx.msk [tilespmem:v43+s4+$0x0], $0xffff;
	vm12 =	vne.s32 v6, v0;
	v0 =	vmax.bf16 v61, v40;
	v62 =	vsel vm7, $0xFFFFFFFF, v62  }
0x19a: {  	vm13 =	vne.s32 v61, v0;
	v0 =	vmax.bf16 v5, v42;
	[tilespmem:$0x1FEE0] =	vst v62;
	v62 =	vimm.s32 $0x0  }
0x19b: {  	v6 =	vld.idx.msk [tilespmem:v49+s4+$0x0], $0xffff;
	vm14 =	vne.s32 v5, v0;
	v0 =	vimm.s32 $0x0;
	v62 =	vsel vm12, $0xFFFFFFFF, v62  }
0x19c: {  	v1 =	vld.idx.msk [tilespmem:v47+s4+$0x0], $0xffff;
	vm0 =	vmor vm0, vm12;
	v0 =	vsel vm14, $0xFFFFFFFF, v0;
	[tilespmem:$0x1FEF0] =	vst v62;
	v62 =	vimm.s32 $0x0  }
0x19d: {  	vm0 =	vmor vm0, vm13;
	[tilespmem:$0x1FF10] =	vst v0;
	v0 =	vmax.bf16 v3, v46;
	v62 =	vsel vm13, $0xFFFFFFFF, v62  }
0x19e: {  	v63 =	vld.idx.msk [tilespmem:v53+s4+$0x0], $0xffff;
	vm4 =	vne.s32 v3, v0;
	v0 =	vimm.s32 $0x0;
	[tilespmem:$0x1FF00] =	vst v62;
	v62 =	vmax.bf16 v2, v44  }
0x19f: {  	v61 =	vld.idx.msk [tilespmem:v51+s4+$0x0], $0xffff;
	v0 =	vsel vm4, $0xFFFFFFFF, v0;
	vm15 =	vne.s32 v2, v62;
	v62 =	vimm.s32 $0x0  }
0x1a0: {  	vm1 =	vmor vm0, vm14;
	[tilespmem:$0x1FF30] =	vst v0;
	v0 =	vmax.bf16 v6, v50;
	v2 =	vsel vm15, $0xFFFFFFFF, v62  }
0x1a1: {  	vm6 =	vne.s32 v6, v0;
	v0 =	vimm.s32 $0x0;
	[tilespmem:$0x1FF20] =	vst v2;
	v2 =	vmax.bf16 v1, v48  }
0x1a2: {  	v5 =	vld.idx.msk [tilespmem:v55+s4+$0x0], $0xffff;
	v0 =	vsel vm6, $0xFFFFFFFF, v0;
	vm5 =	vne.s32 v1, v2;
	v1 =	vimm.s32 $0x0  }
0x1a3: {  	[tilespmem:$0x1FF50] =	vst v0;
	v0 =	vmax.bf16 v63, v54;
	vm2 =	vmor vm1, vm15;
	v62 =	vld.idx.msk [tilespmem:v57+s4+$0x0], $0xffff;
	v1 =	vsel vm5, $0xFFFFFFFF, v1  }
0x1a4: {  	v3 =	vld.idx.msk [tilespmem:v59+s4+$0x0], $0xffff;
	vm12 =	vne.s32 v63, v0;
	vm3 =	vmor vm2, vm4;
	[tilespmem:$0x1FF40] =	vst v1;
	v1 =	vmax.bf16 v61, v52  }
0x1a5: {  	vm4 =	vmor vm3, vm5;
	vm7 =	vne.s32 v61, v1;
	v61 =	vimm.s32 $0x0  }
0x1a6: {  	vm5 =	vmor vm4, vm6;
	v1 =	vsel vm7, $0xFFFFFFFF, v61;
	v61 =	vimm.s32 $0x0  }
0x1a7: {  	vm6 =	vmor vm5, vm7;
	[tilespmem:$0x1FF60] =	vst v1;
	v1 =	vmax.bf16 v5, v56;
	v0 =	vsel vm12, $0xFFFFFFFF, v61  }
0x1a8: {  	vm7 =	vmor vm6, vm12;
	[tilespmem:$0x1FF70] =	vst v0;
	v0 =	vmax.bf16 v62, v58;
	vm13 =	vne.s32 v5, v1  }
0x1a9: {  	v61 =	vmax.bf16 v3, v60;
	vm8 =	vmor vm7, vm13;
	vm10 =	vne.s32 v62, v0  }
0x1aa: {  	vm15 =	vne.s32 v3, v61;
	vm14 =	vmor vm8, vm10  }
0x1ab: {  	v63 =	vimm.s32 $0x0;
	vm9 =	vmor vm14, vm15  }
0x1ac: {  	v1 =	vsel vm13, $0xFFFFFFFF, v63;
	v63 =	vsel vm9, $0x3F800000, v10  }
0x1ad: {  	(xrf0) =	vmax.scan.msk.f32 $0xffff, v63;
	_ =	sdelay $0x1  }
0x1ae: {  	v62 =	vimm.s32 $0x0  }
0x1af: {  	v0 =	vsel vm15, $0xFFFFFFFF, v62;
	_ =	sdelay $0x2  }
0x1b0: {  	[tilespmem:$0x1FF90] =	vst v0;
	v0, _, _ =	vpop (xrf0)  }
0x1b1: {  	(v2sf) =	vpush v0, $0xF;
	_ =	sdelay $0xe  }
0x1b2: {  	s29 =	spop (v2sf)  }
0x1b3: {  	p0 =	sgt.f32 s29, $0.0e+00  }
.Ltmp8:
0x1b4: {  	_ = 	snop;
	(pc) =	sbr.rel @!p0 .LBB2_16-.Ltmp8, $2  }
0x1b5: {  	_ =	sdelay $0x2  }
0x1b6: {  	[tilespmem:$0x1FF80] =	vst v1  }
.LBB2_15:
0x1b7: {  	v1 =	vld [tilespmem:$0x1FE20];
	_ =	sdelay $0x4  }
0x1b8: {  	v62 =	vld.idx.msk [tilespmem:v11+s4+$0x0], $0xffff;
	vm11 =	vnez.u8 v1;
	_ =	sdelay $0x1  }
0x1b9: {  	v63 =	vld [tilespmem:$0x1FE30]  }
0x1ba: {  	v0 =	vimm.s32 $0x0  }
0x1bb: {  	v0 =	vsel vm10, $0xFFFFFFFF, v0  }
0x1bc: {  	[tilespmem:$0x1FE10] =	vst v0;
	v0 =	vmax.bf16 v62, v12  }
0x1bd: {  	[tilespmem:v11+s4+$0x0] =	vst.idx.msk vm11, v0  }
0x1be: {  	vm12 =	vnez.u8 v63;
	v0 =	vld.idx.msk [tilespmem:v13+s4+$0x0], $0xffff;
	_ =	sdelay $0x1  }
0x1bf: {  	v61 =	vld [tilespmem:$0x1FE40];
	_ =	sdelay $0x2  }
0x1c0: {  	v0 =	vmax.bf16 v0, v14  }
0x1c1: {  	[tilespmem:v13+s4+$0x0] =	vst.idx.msk vm12, v0  }
0x1c2: {  	vm13 =	vnez.u8 v61;
	v0 =	vld.idx.msk [tilespmem:v15+s4+$0x0], $0xffff;
	_ =	sdelay $0x1  }
0x1c3: {  	v62 =	vld [tilespmem:$0x1FE50];
	_ =	sdelay $0x2  }
0x1c4: {  	v0 =	vmax.bf16 v0, v16  }
0x1c5: {  	[tilespmem:v15+s4+$0x0] =	vst.idx.msk vm13, v0  }
0x1c6: {  	vm14 =	vnez.u8 v62;
	v0 =	vld.idx.msk [tilespmem:v17+s4+$0x0], $0xffff;
	_ =	sdelay $0x1  }
0x1c7: {  	v63 =	vld [tilespmem:$0x1FE60];
	_ =	sdelay $0x2  }
0x1c8: {  	v0 =	vmax.bf16 v0, v18  }
0x1c9: {  	[tilespmem:v17+s4+$0x0] =	vst.idx.msk vm14, v0  }
0x1ca: {  	vm15 =	vnez.u8 v63;
	v0 =	vld.idx.msk [tilespmem:v19+s4+$0x0], $0xffff;
	_ =	sdelay $0x1  }
0x1cb: {  	v61 =	vld [tilespmem:$0x1FE70];
	_ =	sdelay $0x2  }
0x1cc: {  	v0 =	vmax.bf16 v0, v20  }
0x1cd: {  	[tilespmem:v19+s4+$0x0] =	vst.idx.msk vm15, v0  }
0x1ce: {  	vm0 =	vnez.u8 v61;
	v0 =	vld.idx.msk [tilespmem:v21+s4+$0x0], $0xffff;
	_ =	sdelay $0x1  }
0x1cf: {  	v62 =	vld [tilespmem:$0x1FE80];
	_ =	sdelay $0x2  }
0x1d0: {  	v0 =	vmax.bf16 v0, v22  }
0x1d1: {  	[tilespmem:v21+s4+$0x0] =	vst.idx.msk vm0, v0  }
0x1d2: {  	vm1 =	vnez.u8 v62;
	v0 =	vld.idx.msk [tilespmem:v23+s4+$0x0], $0xffff;
	_ =	sdelay $0x1  }
0x1d3: {  	v63 =	vld [tilespmem:$0x1FE90];
	_ =	sdelay $0x2  }
0x1d4: {  	v0 =	vmax.bf16 v0, v24  }
0x1d5: {  	[tilespmem:v23+s4+$0x0] =	vst.idx.msk vm1, v0  }
0x1d6: {  	vm2 =	vnez.u8 v63;
	v0 =	vld.idx.msk [tilespmem:v25+s4+$0x0], $0xffff;
	_ =	sdelay $0x1  }
0x1d7: {  	v61 =	vld [tilespmem:$0x1FEA0];
	_ =	sdelay $0x2  }
0x1d8: {  	v0 =	vmax.bf16 v0, v26  }
0x1d9: {  	[tilespmem:v25+s4+$0x0] =	vst.idx.msk vm2, v0  }
0x1da: {  	vm3 =	vnez.u8 v61;
	v0 =	vld.idx.msk [tilespmem:v27+s4+$0x0], $0xffff;
	_ =	sdelay $0x1  }
0x1db: {  	v62 =	vld [tilespmem:$0x1FEB0];
	_ =	sdelay $0x2  }
0x1dc: {  	v0 =	vmax.bf16 v0, v28  }
0x1dd: {  	[tilespmem:v27+s4+$0x0] =	vst.idx.msk vm3, v0  }
0x1de: {  	vm4 =	vnez.u8 v62;
	v0 =	vld.idx.msk [tilespmem:v29+s4+$0x0], $0xffff;
	_ =	sdelay $0x1  }
0x1df: {  	v63 =	vld [tilespmem:$0x1FEC0];
	_ =	sdelay $0x2  }
0x1e0: {  	v0 =	vmax.bf16 v0, v30  }
0x1e1: {  	[tilespmem:v29+s4+$0x0] =	vst.idx.msk vm4, v0  }
0x1e2: {  	vm5 =	vnez.u8 v63;
	v0 =	vld.idx.msk [tilespmem:v31+s4+$0x0], $0xffff;
	_ =	sdelay $0x1  }
0x1e3: {  	v61 =	vld [tilespmem:$0x1FED0];
	_ =	sdelay $0x2  }
0x1e4: {  	v0 =	vmax.bf16 v0, v32  }
0x1e5: {  	[tilespmem:v31+s4+$0x0] =	vst.idx.msk vm5, v0  }
0x1e6: {  	vm6 =	vnez.u8 v61;
	v0 =	vld.idx.msk [tilespmem:v33+s4+$0x0], $0xffff;
	_ =	sdelay $0x1  }
0x1e7: {  	v62 =	vld [tilespmem:$0x1FEE0];
	_ =	sdelay $0x2  }
0x1e8: {  	v0 =	vmax.bf16 v0, v34  }
0x1e9: {  	[tilespmem:v33+s4+$0x0] =	vst.idx.msk vm6, v0  }
0x1ea: {  	vm7 =	vnez.u8 v62;
	v0 =	vld.idx.msk [tilespmem:v35+s4+$0x0], $0xffff;
	_ =	sdelay $0x1  }
0x1eb: {  	v63 =	vld [tilespmem:$0x1FEF0];
	_ =	sdelay $0x2  }
0x1ec: {  	v0 =	vmax.bf16 v0, v36  }
0x1ed: {  	[tilespmem:v35+s4+$0x0] =	vst.idx.msk vm7, v0  }
0x1ee: {  	vm8 =	vnez.u8 v63;
	v0 =	vld.idx.msk [tilespmem:v37+s4+$0x0], $0xffff;
	_ =	sdelay $0x1  }
0x1ef: {  	v61 =	vld [tilespmem:$0x1FF00];
	_ =	sdelay $0x2  }
0x1f0: {  	v0 =	vmax.bf16 v0, v38  }
0x1f1: {  	[tilespmem:v37+s4+$0x0] =	vst.idx.msk vm8, v0  }
0x1f2: {  	vm9 =	vnez.u8 v61;
	v0 =	vld.idx.msk [tilespmem:v39+s4+$0x0], $0xffff;
	_ =	sdelay $0x1  }
0x1f3: {  	v63 =	vld [tilespmem:$0x1FF10];
	_ =	sdelay $0x2  }
0x1f4: {  	v0 =	vmax.bf16 v0, v40  }
0x1f5: {  	v62 =	vimm.s32 $0x0;
	[tilespmem:v39+s4+$0x0] =	vst.idx.msk vm9, v0  }
0x1f6: {  	v1 =	vsel vm9, $0xFFFFFFFF, v62;
	vm9 =	vnez.u8 v63;
	v0 =	vld.idx.msk [tilespmem:v41+s4+$0x0], $0xffff;
	_ =	sdelay $0x1  }
0x1f7: {  	v62 =	vld [tilespmem:$0x1FF20];
	_ =	sdelay $0x2  }
0x1f8: {  	v0 =	vmax.bf16 v0, v42  }
0x1f9: {  	v61 =	vimm.s32 $0x0;
	[tilespmem:v41+s4+$0x0] =	vst.idx.msk vm9, v0  }
0x1fa: {  	[tilespmem:$0x1FF00] =	vst v1;
	v1 =	vsel vm9, $0xFFFFFFFF, v61;
	vm9 =	vnez.u8 v62;
	v0 =	vld.idx.msk [tilespmem:v43+s4+$0x0], $0xffff;
	_ =	sdelay $0x1  }
0x1fb: {  	v61 =	vld [tilespmem:$0x1FF30];
	_ =	sdelay $0x2  }
0x1fc: {  	v0 =	vmax.bf16 v0, v44  }
0x1fd: {  	v63 =	vimm.s32 $0x0;
	[tilespmem:v43+s4+$0x0] =	vst.idx.msk vm9, v0  }
0x1fe: {  	[tilespmem:$0x1FF10] =	vst v1;
	v1 =	vsel vm9, $0xFFFFFFFF, v63;
	vm9 =	vnez.u8 v61;
	v0 =	vld.idx.msk [tilespmem:v45+s4+$0x0], $0xffff;
	_ =	sdelay $0x1  }
0x1ff: {  	v63 =	vld [tilespmem:$0x1FF40];
	_ =	sdelay $0x2  }
0x200: {  	v0 =	vmax.bf16 v0, v46  }
0x201: {  	v62 =	vimm.s32 $0x0;
	[tilespmem:v45+s4+$0x0] =	vst.idx.msk vm9, v0  }
0x202: {  	[tilespmem:$0x1FF20] =	vst v1;
	v1 =	vsel vm9, $0xFFFFFFFF, v62;
	vm9 =	vnez.u8 v63;
	v0 =	vld.idx.msk [tilespmem:v47+s4+$0x0], $0xffff;
	_ =	sdelay $0x1  }
0x203: {  	v62 =	vld [tilespmem:$0x1FF50];
	_ =	sdelay $0x2  }
0x204: {  	v0 =	vmax.bf16 v0, v48  }
0x205: {  	v61 =	vimm.s32 $0x0;
	[tilespmem:v47+s4+$0x0] =	vst.idx.msk vm9, v0  }
0x206: {  	[tilespmem:$0x1FF30] =	vst v1;
	v1 =	vsel vm9, $0xFFFFFFFF, v61;
	vm9 =	vnez.u8 v62;
	v0 =	vld.idx.msk [tilespmem:v49+s4+$0x0], $0xffff;
	_ =	sdelay $0x1  }
0x207: {  	v61 =	vld [tilespmem:$0x1FF60];
	_ =	sdelay $0x2  }
0x208: {  	v0 =	vmax.bf16 v0, v50  }
0x209: {  	v63 =	vimm.s32 $0x0;
	[tilespmem:v49+s4+$0x0] =	vst.idx.msk vm9, v0  }
0x20a: {  	[tilespmem:$0x1FF40] =	vst v1;
	v1 =	vsel vm9, $0xFFFFFFFF, v63;
	vm9 =	vnez.u8 v61;
	v0 =	vld.idx.msk [tilespmem:v51+s4+$0x0], $0xffff;
	_ =	sdelay $0x1  }
0x20b: {  	v63 =	vld [tilespmem:$0x1FF70];
	_ =	sdelay $0x2  }
0x20c: {  	v0 =	vmax.bf16 v0, v52  }
0x20d: {  	v62 =	vimm.s32 $0x0;
	[tilespmem:v51+s4+$0x0] =	vst.idx.msk vm9, v0  }
0x20e: {  	[tilespmem:$0x1FF50] =	vst v1;
	v1 =	vsel vm9, $0xFFFFFFFF, v62;
	vm9 =	vnez.u8 v63;
	v0 =	vld.idx.msk [tilespmem:v53+s4+$0x0], $0xffff;
	_ =	sdelay $0x1  }
0x20f: {  	v62 =	vld [tilespmem:$0x1FF80];
	_ =	sdelay $0x2  }
0x210: {  	v0 =	vmax.bf16 v0, v54  }
0x211: {  	v61 =	vimm.s32 $0x0;
	[tilespmem:v53+s4+$0x0] =	vst.idx.msk vm9, v0  }
0x212: {  	[tilespmem:$0x1FF60] =	vst v1;
	v1 =	vsel vm9, $0xFFFFFFFF, v61;
	vm9 =	vnez.u8 v62;
	v0 =	vld.idx.msk [tilespmem:v55+s4+$0x0], $0xffff;
	_ =	sdelay $0x4  }
0x213: {  	v0 =	vmax.bf16 v0, v56  }
0x214: {  	[tilespmem:v55+s4+$0x0] =	vst.idx.msk vm9, v0  }
0x215: {  	v0 =	vld.idx.msk [tilespmem:v57+s4+$0x0], $0xffff;
	_ =	sdelay $0x1  }
0x216: {  	v61 =	vld [tilespmem:$0x1FF90];
	_ =	sdelay $0x2  }
0x217: {  	v0 =	vmax.bf16 v0, v58  }
0x218: {  	v63 =	vimm.s32 $0x0;
	[tilespmem:v57+s4+$0x0] =	vst.idx.msk vm10, v0  }
0x219: {  	[tilespmem:$0x1FF70] =	vst v1;
	v1 =	vsel vm9, $0xFFFFFFFF, v63;
	vm9 =	vnez.u8 v61;
	v0 =	vld.idx.msk [tilespmem:v59+s4+$0x0], $0xffff;
	_ =	sdelay $0x4  }
0x21a: {  	v0 =	vmax.bf16 v0, v60  }
0x21b: {  	v62 =	vimm.s32 $0x0;
	[tilespmem:v59+s4+$0x0] =	vst.idx.msk vm9, v0  }
0x21c: {  	[tilespmem:$0x1FF80] =	vst v1;
	v1 =	vsel vm9, $0xFFFFFFFF, v62;
	v0 =	vld.idx.msk [tilespmem:v11+s4+$0x0], $0xffff  }
0x21d: {  	[tilespmem:$0x1FF90] =	vst v1;
	v1 =	vld.idx.msk [tilespmem:v13+s4+$0x0], $0xffff  }
0x21e: {  	v2 =	vld.idx.msk [tilespmem:v15+s4+$0x0], $0xffff  }
0x21f: {  	v5 =	vld.idx.msk [tilespmem:v19+s4+$0x0], $0xffff  }
0x220: {  	v3 =	vld.idx.msk [tilespmem:v17+s4+$0x0], $0xffff  }
0x221: {  	v61 =	vld.idx.msk [tilespmem:v21+s4+$0x0], $0xffff  }
0x222: {  	v6 =	vmax.bf16 v0, v12  }
0x223: {  	v63 =	vmax.bf16 v1, v14;
	v62 =	vmax.bf16 v2, v16;
	vm9 =	vne.s32 v0, v6  }
0x224: {  	v6 =	vld.idx.msk [tilespmem:v23+s4+$0x0], $0xffff;
	vm10 =	vne.s32 v2, v62;
	v62 =	vmax.bf16 v5, v20;
	vm11 =	vmand vm11, vm9  }
0x225: {  	vm9 =	vne.s32 v1, v63;
	v1 =	vld.idx.msk [tilespmem:v25+s4+$0x0], $0xffff;
	v63 =	vmax.bf16 v3, v18;
	vm13 =	vmand vm13, vm10  }
0x226: {  	v2 =	vld.idx.msk [tilespmem:v27+s4+$0x0], $0xffff;
	vm12 =	vmand vm12, vm9;
	vm9 =	vne.s32 v3, v63;
	v63 =	vmax.bf16 v61, v22  }
0x227: {  	v3 =	vld.idx.msk [tilespmem:v29+s4+$0x0], $0xffff;
	vm14 =	vmand vm14, vm9;
	vm9 =	vne.s32 v5, v62;
	vm10 =	vmor vm11, vm12  }
0x228: {  	vm15 =	vmand vm15, vm9;
	vm9 =	vne.s32 v61, v63;
	v61 =	vimm.s32 $0x0  }
0x229: {  	vm10 =	vmor vm10, vm13;
	v62 =	vmax.bf16 v6, v24;
	vm0 =	vmand vm0, vm9  }
0x22a: {  	vm9 =	vne.s32 v6, v62;
	v63 =	vmax.bf16 v1, v26;
	v6 =	vimm.s32 $0x0  }
0x22b: {  	vm1 =	vmand vm1, vm9;
	vm9 =	vne.s32 v1, v63;
	v1 =	vsel vm13, $0xFFFFFFFF, v61  }
0x22c: {  	v5 =	vld.idx.msk [tilespmem:v31+s4+$0x0], $0xffff;
	v6 =	vsel vm11, $0xFFFFFFFF, v6;
	v62 =	vmax.bf16 v3, v30;
	[tilespmem:$0x1FE40] =	vst v1;
	v1 =	vmax.bf16 v2, v28  }
0x22d: {  	v0 =	vld.idx.msk [tilespmem:v33+s4+$0x0], $0xffff;
	vm2 =	vmand vm2, vm9;
	vm9 =	vmor vm10, vm14;
	vm10 =	vne.s32 v2, v1  }
0x22e: {  	vm3 =	vmand vm3, vm10;
	vm10 =	vne.s32 v3, v62;
	v3 =	vimm.s32 $0x0  }
0x22f: {  	[tilespmem:$0x1FE20] =	vst v6;
	v6 =	vimm.s32 $0x0;
	v3 =	vsel vm15, $0xFFFFFFFF, v3  }
0x230: {  	v61 =	vimm.s32 $0x0;
	v6 =	vsel vm12, $0xFFFFFFFF, v6;
	[tilespmem:$0x1FE60] =	vst v3;
	v3 =	vimm.s32 $0x0  }
0x231: {  	v61 =	vsel vm14, $0xFFFFFFFF, v61;
	v63 =	vmax.bf16 v5, v32;
	[tilespmem:$0x1FE30] =	vst v6;
	v6 =	vld.idx.msk [tilespmem:v35+s4+$0x0], $0xffff;
	v3 =	vsel vm0, $0xFFFFFFFF, v3  }
0x232: {  	v2 =	vld.idx.msk [tilespmem:v37+s4+$0x0], $0xffff;
	vm4 =	vmand vm4, vm10;
	vm10 =	vne.s32 v5, v63;
	[tilespmem:$0x1FE70] =	vst v3;
	v3 =	vmax.bf16 v0, v34  }
0x233: {  	vm5 =	vmand vm5, vm10;
	vm10 =	vne.s32 v0, v3;
	v3 =	vimm.s32 $0x0  }
0x234: {  	[tilespmem:$0x1FE50] =	vst v61;
	v61 =	vimm.s32 $0x0;
	v3 =	vsel vm2, $0xFFFFFFFF, v3  }
0x235: {  	v61 =	vsel vm1, $0xFFFFFFFF, v61;
	[tilespmem:$0x1FE90] =	vst v3;
	v3 =	vimm.s32 $0x0  }
0x236: {  	[tilespmem:$0x1FE80] =	vst v61;
	v61 =	vmax.bf16 v6, v36;
	v3 =	vsel vm3, $0xFFFFFFFF, v3  }
0x237: {  	vm6 =	vmand vm6, vm10;
	vm10 =	vne.s32 v6, v61;
	[tilespmem:$0x1FEA0] =	vst v3;
	v3 =	vmax.bf16 v2, v38  }
0x238: {  	vm7 =	vmand vm7, vm10;
	vm10 =	vne.s32 v2, v3;
	v3 =	vimm.s32 $0x0  }
0x239: {  	v3 =	vsel vm5, $0xFFFFFFFF, v3  }
0x23a: {  	[tilespmem:$0x1FEC0] =	vst v3;
	v3 =	vld [tilespmem:$0x1FF00];
	_ =	sdelay $0x3  }
0x23b: {  	v1 =	vld.idx.msk [tilespmem:v39+s4+$0x0], $0xffff  }
0x23c: {  	v5 =	vld.idx.msk [tilespmem:v41+s4+$0x0], $0xffff;
	vm12 =	vnez.u8 v3;
	v3 =	vimm.s32 $0x0  }
0x23d: {  	v0 =	vld.idx.msk [tilespmem:v43+s4+$0x0], $0xffff;
	v3 =	vsel vm6, $0xFFFFFFFF, v3  }
0x23e: {  	[tilespmem:$0x1FED0] =	vst v3;
	v3 =	vld [tilespmem:$0x1FF10];
	_ =	sdelay $0x1  }
0x23f: {  	vm9 =	vmor vm9, vm15;
	v62 =	vmax.bf16 v1, v40  }
0x240: {  	vm9 =	vmor vm9, vm0;
	vm8 =	vmand vm8, vm10;
	vm10 =	vne.s32 v1, v62  }
0x241: {  	vm9 =	vmor vm9, vm1;
	v63 =	vmax.bf16 v5, v42;
	vm1 =	vmand vm12, vm10  }
0x242: {  	vm10 =	vne.s32 v5, v63;
	vm13 =	vnez.u8 v3;
	v3 =	vmax.bf16 v0, v44  }
0x243: {  	vm0 =	vmand vm13, vm10;
	vm10 =	vne.s32 v0, v3;
	v3 =	vimm.s32 $0x0  }
0x244: {  	v3 =	vsel vm8, $0xFFFFFFFF, v3  }
0x245: {  	[tilespmem:$0x1FEF0] =	vst v3;
	v3 =	vld [tilespmem:$0x1FF20];
	_ =	sdelay $0x4  }
0x246: {  	v6 =	vld.idx.msk [tilespmem:v45+s4+$0x0], $0xffff;
	vm14 =	vnez.u8 v3;
	v3 =	vimm.s32 $0x0  }
0x247: {  	v2 =	vld.idx.msk [tilespmem:v47+s4+$0x0], $0xffff;
	v3 =	vsel vm1, $0xFFFFFFFF, v3  }
0x248: {  	v61 =	vimm.s32 $0x0;
	[tilespmem:$0x1FF00] =	vst v3;
	v3 =	vld [tilespmem:$0x1FF30]  }
0x249: {  	v61 =	vsel vm4, $0xFFFFFFFF, v61  }
0x24a: {  	[tilespmem:$0x1FEB0] =	vst v61;
	v61 =	vimm.s32 $0x0  }
0x24b: {  	v61 =	vsel vm7, $0xFFFFFFFF, v61  }
0x24c: {  	vm9 =	vmor vm9, vm2;
	[tilespmem:$0x1FEE0] =	vst v61;
	v61 =	vmax.bf16 v6, v46;
	vm2 =	vmand vm14, vm10  }
0x24d: {  	vm10 =	vne.s32 v6, v61;
	vm15 =	vnez.u8 v3;
	v3 =	vmax.bf16 v2, v48  }
0x24e: {  	vm9 =	vmor vm9, vm3;
	vm3 =	vmand vm15, vm10;
	vm10 =	vne.s32 v2, v3;
	v3 =	vld [tilespmem:$0x1FF40];
	_ =	sdelay $0x3  }
0x24f: {  	vm9 =	vmor vm9, vm4  }
0x250: {  	vm9 =	vmor vm9, vm5;
	vm5 =	vnez.u8 v3;
	v3 =	vld [tilespmem:$0x1FF50];
	_ =	sdelay $0x4  }
0x251: {  	vm9 =	vmor vm9, vm6;
	vm6 =	vnez.u8 v3;
	v3 =	vimm.s32 $0x0  }
0x252: {  	v1 =	vld.idx.msk [tilespmem:v49+s4+$0x0], $0xffff;
	v3 =	vsel vm2, $0xFFFFFFFF, v3  }
0x253: {  	v5 =	vld.idx.msk [tilespmem:v51+s4+$0x0], $0xffff;
	[tilespmem:$0x1FF20] =	vst v3;
	v3 =	vimm.s32 $0x0  }
0x254: {  	vm9 =	vmor vm9, vm7;
	v0 =	vld.idx.msk [tilespmem:v53+s4+$0x0], $0xffff;
	v3 =	vsel vm3, $0xFFFFFFFF, v3  }
0x255: {  	vm9 =	vmor vm9, vm8;
	[tilespmem:$0x1FF30] =	vst v3;
	v3 =	vld [tilespmem:$0x1FF60]  }
0x256: {  	vm9 =	vmor vm9, vm1  }
0x257: {  	v62 =	vimm.s32 $0x0;
	v63 =	vmax.bf16 v1, v50;
	vm9 =	vmor vm9, vm0  }
0x258: {  	v2 =	vsel vm0, $0xFFFFFFFF, v62;
	vm0 =	vmand vm5, vm10;
	vm10 =	vne.s32 v1, v63  }
0x259: {  	v61 =	vmax.bf16 v5, v52;
	vm1 =	vmand vm6, vm10  }
0x25a: {  	v6 =	vld.idx.msk [tilespmem:v55+s4+$0x0], $0xffff;
	vm10 =	vne.s32 v5, v61;
	vm7 =	vnez.u8 v3;
	v3 =	vmax.bf16 v0, v54  }
0x25b: {  	vm9 =	vmor vm9, vm2;
	vm2 =	vmand vm7, vm10;
	vm10 =	vne.s32 v0, v3;
	v3 =	vld [tilespmem:$0x1FF70];
	_ =	sdelay $0x3  }
0x25c: {  	v62 =	vimm.s32 $0x0;
	vm9 =	vmor vm9, vm3  }
0x25d: {  	v63 =	vmax.bf16 v6, v56;
	vm9 =	vmor vm9, vm0;
	vm12 =	vnez.u8 v3  }
0x25e: {  	v0 =	vsel vm0, $0xFFFFFFFF, v62;
	vm0 =	vmand vm12, vm10;
	vm10 =	vne.s32 v6, v63;
	v63 =	vld [tilespmem:$0x1FF80];
	_ =	sdelay $0x3  }
0x25f: {  	[tilespmem:$0x1FF10] =	vst v2;
	v2 =	vld.idx.msk [tilespmem:v57+s4+$0x0], $0xffff  }
0x260: {  	vm13 =	vnez.u8 v63;
	v63 =	vld [tilespmem:$0x1FE10]  }
0x261: {  	v61 =	vimm.s32 $0x0  }
0x262: {  	v62 =	vimm.s32 $0x0;
	[tilespmem:$0x1FF40] =	vst v0;
	v0 =	vsel vm1, $0xFFFFFFFF, v61  }
0x263: {  	vm9 =	vmor vm9, vm1;
	[tilespmem:$0x1FF50] =	vst v0;
	v0 =	vsel vm2, $0xFFFFFFFF, v62;
	v62 =	vimm.s32 $0x0  }
0x264: {  	vm9 =	vmor vm9, vm2;
	v61 =	vmax.bf16 v2, v58;
	[tilespmem:$0x1FF60] =	vst v0;
	v0 =	vsel vm0, $0xFFFFFFFF, v62  }
0x265: {  	vm1 =	vmand vm13, vm10;
	vm10 =	vne.s32 v2, v61;
	vm14 =	vnez.u8 v63  }
0x266: {  	vm9 =	vmor vm9, vm0;
	v61 =	vimm.s32 $0x0;
	vm0 =	vmand vm14, vm10  }
0x267: {  	v1 =	vld.idx.msk [tilespmem:v59+s4+$0x0], $0xffff;
	v2 =	vsel vm0, $0xFFFFFFFF, v61  }
0x268: {  	v63 =	vld [tilespmem:$0x1FF90];
	[tilespmem:$0x1FE10] =	vst v2  }
0x269: {  	v61 =	vld [tilespmem:$0x1FE10];
	_ =	sdelay $0x2  }
0x26a: {  	[tilespmem:$0x1FF70] =	vst v0;
	v0 =	vmax.bf16 v1, v60  }
0x26b: {  	vm10 =	vne.s32 v1, v0;
	vm15 =	vnez.u8 v63  }
0x26c: {  	vm9 =	vmor vm9, vm1;
	vm0 =	vmand vm15, vm10;
	vm10 =	vnez.u8 v61  }
0x26d: {  	vm9 =	vmor vm9, vm10  }
0x26e: {  	vm9 =	vmor vm9, vm0  }
0x26f: {  	v63 =	vsel vm9, $0x3F800000, v10  }
0x270: {  	(xrf0) =	vmax.scan.msk.f32 $0xffff, v63  }
0x271: {  	v62 =	vimm.s32 $0x0  }
0x272: {  	v2 =	vsel vm1, $0xFFFFFFFF, v62;
	v62 =	vimm.s32 $0x0  }
0x273: {  	v0 =	vsel vm0, $0xFFFFFFFF, v62;
	_ =	sdelay $0x2  }
0x274: {  	[tilespmem:$0x1FF90] =	vst v0;
	v0, _, _ =	vpop (xrf0)  }
0x275: {  	(v2sf) =	vpush v0, $0xF;
	_ =	sdelay $0xe  }
0x276: {  	s10 =	spop (v2sf)  }
0x277: {  	p0 =	sgt.f32 s10, $0.0e+00  }
.Ltmp9:
0x278: {  	_ = 	snop;
	(pc) =	sbr.rel @p0 .LBB2_15-.Ltmp9, $2  }
0x279: {  	_ =	sdelay $0x2  }
0x27a: {  	[tilespmem:$0x1FF80] =	vst v2  }
.Ltmp10:
0x27b: {  	_ = 	snop;
	(pc) =	sbr.rel .LBB2_16-.Ltmp10, $1  }
0x27c: {  	_ =	sdelay $0x3  }
.LBB2_17:
0x27d: {  	s17 =	smul.u32 $0x1900, s13;
	_ =	sdelay $0x1  }
0x27e: {  	s10 =	sadd.s32 s17, s14  }
0x27f: {  	s10 =	sshrl.u32 s10, $0x2  }
0x280: {  	s12 =	sadd.s32 s1, s10  }
0x281: {  	[tilespmem:s26], [sflag:$0x3] =	stream.strided.gather [hbm4b:s12+s21], $0xC80, s25, s21, $0x38;
	[tilespmem:$0x1E880] =	vst v63  }
0x282: {  	s10 =	sadd.s32 s10, s8  }
0x283: {  	[tilespmem:s28], [sflag:$0x3] =	stream.strided.gather [hbm4b:s10+s21], $0xC80, s25, s21, $0x38;
	[tilespmem:$0x1E880] =	vst v63  }
0x284: {  	_ =	swait.ge [sflag:s2], $0xC80  }
.Ltmp11:
0x285: {  	[sflag:s2] =	ssyncset.done $0x0;
	(pc) =	sbr.rel .LBB2_18-.Ltmp11, $4  }
0x286: {  	[sflag:s2] =	ssyncadd.s32 $0xFFFFF380  }
0x287: {  	_ =	swait.ge [sflag:s2], $0xC80  }
0x288: {  	[sflag:s2] =	ssyncset.done $0x0  }
0x289: {  	s18 =	simm.s32 $0x0;
	[sflag:s2] =	ssyncadd.s32 $0xFFFFF380  }
.LBB2_20:
0x28a: {  	s18 =	sadd.s32 $0x1, s18  }
0x28b: {  	p0 =	sne.s32 s18, $0x8  }
.Ltmp12:
0x28c: {  	_ = 	snop;
	(pc) =	sbr.rel @!p0 .LBB2_21-.Ltmp12, $1  }
0x28d: {  	_ =	sdelay $0x3  }
.LBB2_18:
0x28e: {  	s19 =	smul.u32 $0x190, s18;
	_ =	sdelay $0x1  }
0x28f: {  	v0 =	vld [tilespmem:s19+$0x1DC00]  }
0x290: {  	v11 =	vld [tilespmem:s19+$0x1C300];
	_ =	sdelay $0x6  }
0x291: {  	v12 =	vld.idx.msk [tilespmem:v0+s0+$0x0], $0xffff  }
0x292: {  	v39 =	vld.idx.msk [tilespmem:v11+s4+$0x0], $0xffff;
	_ =	sdelay $0x4  }
0x293: {  	v0 =	vmax.bf16 v39, v12  }
0x294: {  	[tilespmem:v11+s4+$0x0] =	vst.idx.msk $0xffff, v0  }
0x295: {  	v0 =	vld [tilespmem:s19+$0x1DC10]  }
0x296: {  	v13 =	vld [tilespmem:s19+$0x1C310];
	_ =	sdelay $0x6  }
0x297: {  	v14 =	vld.idx.msk [tilespmem:v0+s0+$0x0], $0xffff  }
0x298: {  	v40 =	vld.idx.msk [tilespmem:v13+s4+$0x0], $0xffff;
	_ =	sdelay $0x4  }
0x299: {  	v0 =	vmax.bf16 v40, v14  }
0x29a: {  	[tilespmem:v13+s4+$0x0] =	vst.idx.msk $0xffff, v0  }
0x29b: {  	v0 =	vld [tilespmem:s19+$0x1DC20]  }
0x29c: {  	v15 =	vld [tilespmem:s19+$0x1C320];
	_ =	sdelay $0x6  }
0x29d: {  	v16 =	vld.idx.msk [tilespmem:v0+s0+$0x0], $0xffff  }
0x29e: {  	v41 =	vld.idx.msk [tilespmem:v15+s4+$0x0], $0xffff;
	_ =	sdelay $0x4  }
0x29f: {  	v0 =	vmax.bf16 v41, v16  }
0x2a0: {  	[tilespmem:v15+s4+$0x0] =	vst.idx.msk $0xffff, v0  }
0x2a1: {  	v0 =	vld [tilespmem:s19+$0x1DC30]  }
0x2a2: {  	v17 =	vld [tilespmem:s19+$0x1C330];
	_ =	sdelay $0x6  }
0x2a3: {  	v18 =	vld.idx.msk [tilespmem:v0+s0+$0x0], $0xffff  }
0x2a4: {  	v42 =	vld.idx.msk [tilespmem:v17+s4+$0x0], $0xffff;
	_ =	sdelay $0x4  }
0x2a5: {  	v0 =	vmax.bf16 v42, v18  }
0x2a6: {  	[tilespmem:v17+s4+$0x0] =	vst.idx.msk $0xffff, v0  }
0x2a7: {  	v0 =	vld [tilespmem:s19+$0x1DC40]  }
0x2a8: {  	v19 =	vld [tilespmem:s19+$0x1C340];
	_ =	sdelay $0x6  }
0x2a9: {  	v20 =	vld.idx.msk [tilespmem:v0+s0+$0x0], $0xffff  }
0x2aa: {  	v43 =	vld.idx.msk [tilespmem:v19+s4+$0x0], $0xffff;
	_ =	sdelay $0x4  }
0x2ab: {  	v0 =	vmax.bf16 v43, v20  }
0x2ac: {  	[tilespmem:v19+s4+$0x0] =	vst.idx.msk $0xffff, v0  }
0x2ad: {  	v0 =	vld [tilespmem:s19+$0x1DC50]  }
0x2ae: {  	v21 =	vld [tilespmem:s19+$0x1C350];
	_ =	sdelay $0x6  }
0x2af: {  	v22 =	vld.idx.msk [tilespmem:v0+s0+$0x0], $0xffff  }
0x2b0: {  	v44 =	vld.idx.msk [tilespmem:v21+s4+$0x0], $0xffff;
	_ =	sdelay $0x4  }
0x2b1: {  	v0 =	vmax.bf16 v44, v22  }
0x2b2: {  	[tilespmem:v21+s4+$0x0] =	vst.idx.msk $0xffff, v0  }
0x2b3: {  	v0 =	vld [tilespmem:s19+$0x1DC60]  }
0x2b4: {  	v23 =	vld [tilespmem:s19+$0x1C360];
	_ =	sdelay $0x6  }
0x2b5: {  	v24 =	vld.idx.msk [tilespmem:v0+s0+$0x0], $0xffff  }
0x2b6: {  	v45 =	vld.idx.msk [tilespmem:v23+s4+$0x0], $0xffff;
	_ =	sdelay $0x4  }
0x2b7: {  	v0 =	vmax.bf16 v45, v24  }
0x2b8: {  	[tilespmem:v23+s4+$0x0] =	vst.idx.msk $0xffff, v0  }
0x2b9: {  	v0 =	vld [tilespmem:s19+$0x1DC70]  }
0x2ba: {  	v25 =	vld [tilespmem:s19+$0x1C370];
	_ =	sdelay $0x6  }
0x2bb: {  	v26 =	vld.idx.msk [tilespmem:v0+s0+$0x0], $0xffff  }
0x2bc: {  	v46 =	vld.idx.msk [tilespmem:v25+s4+$0x0], $0xffff;
	_ =	sdelay $0x4  }
0x2bd: {  	v0 =	vmax.bf16 v46, v26  }
0x2be: {  	s10 =	sand.u32 $0xFF0, s19;
	[tilespmem:v25+s4+$0x0] =	vst.idx.msk $0xffff, v0  }
0x2bf: {  	v0 =	vld [tilespmem:s10+$0x1DC80]  }
0x2c0: {  	v27 =	vld [tilespmem:s10+$0x1C380];
	_ =	sdelay $0x6  }
0x2c1: {  	v28 =	vld.idx.msk [tilespmem:v0+s0+$0x0], $0xffff  }
0x2c2: {  	v47 =	vld.idx.msk [tilespmem:v27+s4+$0x0], $0xffff;
	_ =	sdelay $0x4  }
0x2c3: {  	v0 =	vmax.bf16 v47, v28  }
0x2c4: {  	[tilespmem:v27+s4+$0x0] =	vst.idx.msk $0xffff, v0  }
0x2c5: {  	v0 =	vld [tilespmem:s19+$0x1DC90]  }
0x2c6: {  	v29 =	vld [tilespmem:s19+$0x1C390];
	_ =	sdelay $0x6  }
0x2c7: {  	v30 =	vld.idx.msk [tilespmem:v0+s0+$0x0], $0xffff  }
0x2c8: {  	v48 =	vld.idx.msk [tilespmem:v29+s4+$0x0], $0xffff;
	_ =	sdelay $0x4  }
0x2c9: {  	v0 =	vmax.bf16 v48, v30  }
0x2ca: {  	[tilespmem:v29+s4+$0x0] =	vst.idx.msk $0xffff, v0  }
0x2cb: {  	v0 =	vld [tilespmem:s19+$0x1DCA0]  }
0x2cc: {  	v31 =	vld [tilespmem:s19+$0x1C3A0];
	_ =	sdelay $0x6  }
0x2cd: {  	v32 =	vld.idx.msk [tilespmem:v0+s0+$0x0], $0xffff  }
0x2ce: {  	v49 =	vld.idx.msk [tilespmem:v31+s4+$0x0], $0xffff;
	_ =	sdelay $0x4  }
0x2cf: {  	v0 =	vmax.bf16 v49, v32  }
0x2d0: {  	[tilespmem:v31+s4+$0x0] =	vst.idx.msk $0xffff, v0  }
0x2d1: {  	v0 =	vld [tilespmem:s19+$0x1DCB0]  }
0x2d2: {  	v33 =	vld [tilespmem:s19+$0x1C3B0];
	_ =	sdelay $0x6  }
0x2d3: {  	v34 =	vld.idx.msk [tilespmem:v0+s0+$0x0], $0xffff  }
0x2d4: {  	v50 =	vld.idx.msk [tilespmem:v33+s4+$0x0], $0xffff;
	_ =	sdelay $0x4  }
0x2d5: {  	v0 =	vmax.bf16 v50, v34  }
0x2d6: {  	[tilespmem:v33+s4+$0x0] =	vst.idx.msk $0xffff, v0  }
0x2d7: {  	v0 =	vld [tilespmem:s19+$0x1DCC0]  }
0x2d8: {  	v35 =	vld [tilespmem:s19+$0x1C3C0];
	_ =	sdelay $0x6  }
0x2d9: {  	v36 =	vld.idx.msk [tilespmem:v0+s0+$0x0], $0xffff  }
0x2da: {  	v51 =	vld.idx.msk [tilespmem:v35+s4+$0x0], $0xffff;
	_ =	sdelay $0x4  }
0x2db: {  	v0 =	vmax.bf16 v51, v36  }
0x2dc: {  	[tilespmem:v35+s4+$0x0] =	vst.idx.msk $0xffff, v0  }
0x2dd: {  	v0 =	vld [tilespmem:s19+$0x1DCD0]  }
0x2de: {  	v37 =	vld [tilespmem:s19+$0x1C3D0];
	_ =	sdelay $0x6  }
0x2df: {  	v38 =	vld.idx.msk [tilespmem:v0+s0+$0x0], $0xffff  }
0x2e0: {  	v52 =	vld.idx.msk [tilespmem:v37+s4+$0x0], $0xffff;
	_ =	sdelay $0x4  }
0x2e1: {  	v0 =	vmax.bf16 v52, v38  }
0x2e2: {  	[tilespmem:v37+s4+$0x0] =	vst.idx.msk $0xffff, v0  }
0x2e3: {  	v0 =	vld [tilespmem:s19+$0x1DCE0]  }
0x2e4: {  	v39 =	vld [tilespmem:s19+$0x1C3E0];
	_ =	sdelay $0x6  }
0x2e5: {  	v40 =	vld.idx.msk [tilespmem:v0+s0+$0x0], $0xffff  }
0x2e6: {  	v53 =	vld.idx.msk [tilespmem:v39+s4+$0x0], $0xffff;
	_ =	sdelay $0x4  }
0x2e7: {  	v0 =	vmax.bf16 v53, v40  }
0x2e8: {  	[tilespmem:v39+s4+$0x0] =	vst.idx.msk $0xffff, v0  }
0x2e9: {  	v0 =	vld [tilespmem:s19+$0x1DCF0]  }
0x2ea: {  	v41 =	vld [tilespmem:s19+$0x1C3F0];
	_ =	sdelay $0x6  }
0x2eb: {  	v42 =	vld.idx.msk [tilespmem:v0+s0+$0x0], $0xffff  }
0x2ec: {  	v54 =	vld.idx.msk [tilespmem:v41+s4+$0x0], $0xffff;
	_ =	sdelay $0x4  }
0x2ed: {  	v0 =	vmax.bf16 v54, v42  }
0x2ee: {  	[tilespmem:v41+s4+$0x0] =	vst.idx.msk $0xffff, v0  }
0x2ef: {  	v0 =	vld [tilespmem:s10+$0x1DD00]  }
0x2f0: {  	v43 =	vld [tilespmem:s10+$0x1C400];
	_ =	sdelay $0x6  }
0x2f1: {  	v44 =	vld.idx.msk [tilespmem:v0+s0+$0x0], $0xffff  }
0x2f2: {  	v55 =	vld.idx.msk [tilespmem:v43+s4+$0x0], $0xffff;
	_ =	sdelay $0x4  }
0x2f3: {  	v0 =	vmax.bf16 v55, v44  }
0x2f4: {  	[tilespmem:v43+s4+$0x0] =	vst.idx.msk $0xffff, v0  }
0x2f5: {  	v0 =	vld [tilespmem:s19+$0x1DD10]  }
0x2f6: {  	v45 =	vld [tilespmem:s19+$0x1C410];
	_ =	sdelay $0x6  }
0x2f7: {  	v46 =	vld.idx.msk [tilespmem:v0+s0+$0x0], $0xffff  }
0x2f8: {  	v56 =	vld.idx.msk [tilespmem:v45+s4+$0x0], $0xffff;
	_ =	sdelay $0x4  }
0x2f9: {  	v0 =	vmax.bf16 v56, v46  }
0x2fa: {  	[tilespmem:v45+s4+$0x0] =	vst.idx.msk $0xffff, v0  }
0x2fb: {  	v0 =	vld [tilespmem:s19+$0x1DD20]  }
0x2fc: {  	v47 =	vld [tilespmem:s19+$0x1C420];
	_ =	sdelay $0x6  }
0x2fd: {  	v48 =	vld.idx.msk [tilespmem:v0+s0+$0x0], $0xffff  }
0x2fe: {  	v57 =	vld.idx.msk [tilespmem:v47+s4+$0x0], $0xffff;
	_ =	sdelay $0x4  }
0x2ff: {  	v0 =	vmax.bf16 v57, v48  }
0x300: {  	[tilespmem:v47+s4+$0x0] =	vst.idx.msk $0xffff, v0  }
0x301: {  	v0 =	vld [tilespmem:s19+$0x1DD30]  }
0x302: {  	v49 =	vld [tilespmem:s19+$0x1C430];
	_ =	sdelay $0x6  }
0x303: {  	v50 =	vld.idx.msk [tilespmem:v0+s0+$0x0], $0xffff  }
0x304: {  	v58 =	vld.idx.msk [tilespmem:v49+s4+$0x0], $0xffff;
	_ =	sdelay $0x4  }
0x305: {  	v0 =	vmax.bf16 v58, v50  }
0x306: {  	[tilespmem:v49+s4+$0x0] =	vst.idx.msk $0xffff, v0  }
0x307: {  	v0 =	vld [tilespmem:s19+$0x1DD40]  }
0x308: {  	v51 =	vld [tilespmem:s19+$0x1C440];
	_ =	sdelay $0x6  }
0x309: {  	v52 =	vld.idx.msk [tilespmem:v0+s0+$0x0], $0xffff  }
0x30a: {  	v59 =	vld.idx.msk [tilespmem:v51+s4+$0x0], $0xffff;
	_ =	sdelay $0x4  }
0x30b: {  	v0 =	vmax.bf16 v59, v52  }
0x30c: {  	[tilespmem:v51+s4+$0x0] =	vst.idx.msk $0xffff, v0  }
0x30d: {  	v0 =	vld [tilespmem:s19+$0x1DD50]  }
0x30e: {  	v53 =	vld [tilespmem:s19+$0x1C450];
	_ =	sdelay $0x6  }
0x30f: {  	v54 =	vld.idx.msk [tilespmem:v0+s0+$0x0], $0xffff  }
0x310: {  	v60 =	vld.idx.msk [tilespmem:v53+s4+$0x0], $0xffff;
	_ =	sdelay $0x4  }
0x311: {  	v0 =	vmax.bf16 v60, v54  }
0x312: {  	[tilespmem:v53+s4+$0x0] =	vst.idx.msk $0xffff, v0  }
0x313: {  	v0 =	vld [tilespmem:s19+$0x1DD60]  }
0x314: {  	v55 =	vld [tilespmem:s19+$0x1C460];
	_ =	sdelay $0x6  }
0x315: {  	v56 =	vld.idx.msk [tilespmem:v0+s0+$0x0], $0xffff  }
0x316: {  	v61 =	vld.idx.msk [tilespmem:v55+s4+$0x0], $0xffff;
	_ =	sdelay $0x4  }
0x317: {  	v0 =	vmax.bf16 v61, v56  }
0x318: {  	[tilespmem:v55+s4+$0x0] =	vst.idx.msk $0xffff, v0  }
0x319: {  	v0 =	vld [tilespmem:s19+$0x1DD70]  }
0x31a: {  	v57 =	vld [tilespmem:s19+$0x1C470];
	_ =	sdelay $0x6  }
0x31b: {  	v58 =	vld.idx.msk [tilespmem:v0+s0+$0x0], $0xffff  }
0x31c: {  	v62 =	vld.idx.msk [tilespmem:v57+s4+$0x0], $0xffff;
	_ =	sdelay $0x4  }
0x31d: {  	v0 =	vmax.bf16 v62, v58  }
0x31e: {  	[tilespmem:v57+s4+$0x0] =	vst.idx.msk $0xffff, v0  }
0x31f: {  	v0 =	vld [tilespmem:s10+$0x1DD80]  }
0x320: {  	v59 =	vld [tilespmem:s10+$0x1C480];
	_ =	sdelay $0x6  }
0x321: {  	v60 =	vld.idx.msk [tilespmem:v0+s0+$0x0], $0xffff  }
0x322: {  	v63 =	vld.idx.msk [tilespmem:v59+s4+$0x0], $0xffff;
	_ =	sdelay $0x4  }
0x323: {  	v0 =	vmax.bf16 v63, v60  }
0x324: {  	[tilespmem:v59+s4+$0x0] =	vst.idx.msk $0xffff, v0  }
0x325: {  	v0 =	vld.idx.msk [tilespmem:v11+s4+$0x0], $0xffff  }
0x326: {  	v1 =	vld.idx.msk [tilespmem:v13+s4+$0x0], $0xffff;
	_ =	sdelay $0x1  }
0x327: {  	v2 =	vld.idx.msk [tilespmem:v15+s4+$0x0], $0xffff  }
0x328: {  	v3 =	vld.idx.msk [tilespmem:v17+s4+$0x0], $0xffff  }
0x329: {  	v5 =	vld.idx.msk [tilespmem:v19+s4+$0x0], $0xffff  }
0x32a: {  	v6 =	vld.idx.msk [tilespmem:v21+s4+$0x0], $0xffff;
	v61 =	vmax.bf16 v0, v12;
	v62 =	vmax.bf16 v1, v14  }
0x32b: {  	v63 =	vld.idx.msk [tilespmem:v23+s4+$0x0], $0xffff;
	vm0 =	vne.s32 v0, v61;
	vm1 =	vne.s32 v1, v62;
	v61 =	vimm.s32 $0x0  }
0x32c: {  	v0 =	vmax.bf16 v2, v16;
	v62 =	vimm.s32 $0x0;
	v61 =	vsel vm0, $0xFFFFFFFF, v61  }
0x32d: {  	v1 =	vld.idx.msk [tilespmem:v25+s4+$0x0], $0xffff;
	vm0 =	vmor vm0, vm1;
	vm5 =	vne.s32 v2, v0;
	v0 =	vmax.bf16 v3, v18  }
0x32e: {  	[tilespmem:$0x1FC90] =	vst v61;
	v61 =	vimm.s32 $0x0;
	vm6 =	vne.s32 v3, v0;
	v0 =	vmax.bf16 v5, v20  }
0x32f: {  	v2 =	vld.idx.msk [tilespmem:v27+s4+$0x0], $0xffff;
	v61 =	vsel vm1, $0xFFFFFFFF, v61;
	vm7 =	vne.s32 v5, v0;
	v0 =	vmax.bf16 v6, v22  }
0x330: {  	[tilespmem:$0x1FCA0] =	vst v61;
	v61 =	vimm.s32 $0x0;
	vm12 =	vne.s32 v6, v0;
	v0 =	vmax.bf16 v63, v24  }
0x331: {  	vm0 =	vmor vm0, vm5;
	v61 =	vsel vm5, $0xFFFFFFFF, v61;
	vm13 =	vne.s32 v63, v0  }
0x332: {  	v3 =	vld.idx.msk [tilespmem:v29+s4+$0x0], $0xffff;
	v0 =	vmax.bf16 v1, v26;
	[tilespmem:$0x1FCB0] =	vst v61;
	v61 =	vimm.s32 $0x0;
	v62 =	vsel vm13, $0xFFFFFFFF, v62  }
0x333: {  	vm14 =	vne.s32 v1, v0;
	v61 =	vsel vm6, $0xFFFFFFFF, v61;
	[tilespmem:$0x1FCF0] =	vst v62;
	v62 =	vimm.s32 $0x0  }
0x334: {  	v5 =	vld.idx.msk [tilespmem:v31+s4+$0x0], $0xffff;
	v0 =	vmax.bf16 v2, v28;
	[tilespmem:$0x1FCC0] =	vst v61;
	v61 =	vimm.s32 $0x0;
	v62 =	vsel vm14, $0xFFFFFFFF, v62  }
0x335: {  	vm15 =	vne.s32 v2, v0;
	v61 =	vsel vm7, $0xFFFFFFFF, v61;
	[tilespmem:$0x1FD00] =	vst v62;
	v62 =	vimm.s32 $0x0  }
0x336: {  	vm0 =	vmor vm0, vm6;
	v6 =	vld.idx.msk [tilespmem:v33+s4+$0x0], $0xffff;
	[tilespmem:$0x1FCD0] =	vst v61;
	v61 =	vimm.s32 $0x0;
	v62 =	vsel vm15, $0xFFFFFFFF, v62  }
0x337: {  	vm0 =	vmor vm0, vm7;
	v0 =	vmax.bf16 v3, v30;
	v61 =	vsel vm12, $0xFFFFFFFF, v61;
	[tilespmem:$0x1FD10] =	vst v62  }
0x338: {  	vm0 =	vmor vm0, vm12;
	vm4 =	vne.s32 v3, v0;
	v62 =	vimm.s32 $0x0;
	[tilespmem:$0x1FCE0] =	vst v61;
	v61 =	vld.idx.msk [tilespmem:v35+s4+$0x0], $0xffff  }
0x339: {  	vm0 =	vmor vm0, vm13;
	v0 =	vmax.bf16 v5, v32;
	v62 =	vsel vm4, $0xFFFFFFFF, v62  }
0x33a: {  	v1 =	vld.idx.msk [tilespmem:v37+s4+$0x0], $0xffff;
	vm0 =	vmor vm0, vm14;
	vm5 =	vne.s32 v5, v0;
	[tilespmem:$0x1FD20] =	vst v62;
	v62 =	vimm.s32 $0x0  }
0x33b: {  	v2 =	vld.idx.msk [tilespmem:v39+s4+$0x0], $0xffff;
	vm0 =	vmor vm0, vm15;
	v0 =	vmax.bf16 v6, v34;
	v62 =	vsel vm5, $0xFFFFFFFF, v62  }
0x33c: {  	v3 =	vld.idx.msk [tilespmem:v41+s4+$0x0], $0xffff;
	vm0 =	vmor vm0, vm4;
	vm6 =	vne.s32 v6, v0;
	[tilespmem:$0x1FD30] =	vst v62;
	v62 =	vimm.s32 $0x0  }
0x33d: {  	vm0 =	vmor vm0, vm5;
	v62 =	vsel vm6, $0xFFFFFFFF, v62;
	v0 =	vmax.bf16 v61, v36  }
0x33e: {  	vm0 =	vmor vm0, vm6;
	[tilespmem:$0x1FD40] =	vst v62;
	v62 =	vimm.s32 $0x0;
	vm7 =	vne.s32 v61, v0  }
0x33f: {  	v6 =	vld.idx.msk [tilespmem:v45+s4+$0x0], $0xffff;
	v0 =	vmax.bf16 v1, v38;
	v62 =	vsel vm7, $0xFFFFFFFF, v62;
	vm0 =	vmor vm0, vm7  }
0x340: {  	v5 =	vld.idx.msk [tilespmem:v43+s4+$0x0], $0xffff;
	vm12 =	vne.s32 v1, v0;
	v0 =	vmax.bf16 v2, v40;
	[tilespmem:$0x1FD50] =	vst v62;
	v62 =	vimm.s32 $0x0  }
0x341: {  	vm0 =	vmor vm0, vm12;
	vm13 =	vne.s32 v2, v0;
	v0 =	vmax.bf16 v3, v42  }
0x342: {  	v61 =	vld.idx.msk [tilespmem:v47+s4+$0x0], $0xffff;
	v62 =	vsel vm12, $0xFFFFFFFF, v62;
	vm14 =	vne.s32 v3, v0;
	v0 =	vimm.s32 $0x0  }
0x343: {  	v1 =	vld.idx.msk [tilespmem:v49+s4+$0x0], $0xffff;
	vm0 =	vmor vm0, vm13;
	[tilespmem:$0x1FD60] =	vst v62;
	v62 =	vimm.s32 $0x0;
	v0 =	vsel vm14, $0xFFFFFFFF, v0  }
0x344: {  	vm1 =	vmor vm0, vm14;
	v62 =	vsel vm13, $0xFFFFFFFF, v62;
	[tilespmem:$0x1FD80] =	vst v0;
	v0 =	vmax.bf16 v6, v46  }
0x345: {  	[tilespmem:$0x1FD70] =	vst v62;
	v62 =	vmax.bf16 v5, v44;
	vm4 =	vne.s32 v6, v0;
	v0 =	vimm.s32 $0x0  }
0x346: {  	v2 =	vld.idx.msk [tilespmem:v51+s4+$0x0], $0xffff;
	vm15 =	vne.s32 v5, v62;
	v5 =	vimm.s32 $0x0;
	v0 =	vsel vm4, $0xFFFFFFFF, v0  }
0x347: {  	v63 =	vld.idx.msk [tilespmem:v53+s4+$0x0], $0xffff;
	v5 =	vsel vm15, $0xFFFFFFFF, v5;
	vm2 =	vmor vm1, vm15;
	[tilespmem:$0x1FDA0] =	vst v0  }
0x348: {  	v0 =	vmax.bf16 v1, v50;
	[tilespmem:$0x1FD90] =	vst v5;
	v5 =	vmax.bf16 v61, v48;
	vm3 =	vmor vm2, vm4  }
0x349: {  	v3 =	vld.idx.msk [tilespmem:v55+s4+$0x0], $0xffff;
	vm6 =	vne.s32 v1, v0;
	vm5 =	vne.s32 v61, v5;
	v5 =	vimm.s32 $0x0  }
0x34a: {  	v62 =	vld.idx.msk [tilespmem:v57+s4+$0x0], $0xffff;
	v61 =	vimm.s32 $0x0;
	v5 =	vsel vm5, $0xFFFFFFFF, v5;
	vm4 =	vmor vm3, vm5  }
0x34b: {  	v6 =	vld.idx.msk [tilespmem:v59+s4+$0x0], $0xffff;
	v0 =	vsel vm6, $0xFFFFFFFF, v61;
	v61 =	vimm.s32 $0x0;
	[tilespmem:$0x1FDB0] =	vst v5;
	v5 =	vmax.bf16 v2, v52  }
0x34c: {  	[tilespmem:$0x1FDC0] =	vst v0;
	vm5 =	vmor vm4, vm6;
	v0 =	vmax.bf16 v63, v54;
	vm7 =	vne.s32 v2, v5  }
0x34d: {  	vm12 =	vne.s32 v63, v0;
	v1 =	vsel vm7, $0xFFFFFFFF, v61;
	v61 =	vimm.s32 $0x0  }
0x34e: {  	vm6 =	vmor vm5, vm7;
	[tilespmem:$0x1FDD0] =	vst v1;
	v1 =	vmax.bf16 v3, v56;
	v0 =	vsel vm12, $0xFFFFFFFF, v61  }
0x34f: {  	vm7 =	vmor vm6, vm12;
	[tilespmem:$0x1FDE0] =	vst v0;
	v0 =	vmax.bf16 v62, v58;
	vm13 =	vne.s32 v3, v1  }
0x350: {  	v61 =	vmax.bf16 v6, v60;
	vm8 =	vmor vm7, vm13;
	vm10 =	vne.s32 v62, v0  }
0x351: {  	vm15 =	vne.s32 v6, v61;
	vm14 =	vmor vm8, vm10  }
0x352: {  	v63 =	vimm.s32 $0x0;
	vm9 =	vmor vm14, vm15  }
0x353: {  	v1 =	vsel vm13, $0xFFFFFFFF, v63;
	v63 =	vsel vm9, $0x3F800000, v10  }
0x354: {  	(xrf0) =	vmax.scan.msk.f32 $0xffff, v63;
	_ =	sdelay $0x1  }
0x355: {  	v62 =	vimm.s32 $0x0  }
0x356: {  	v0 =	vsel vm15, $0xFFFFFFFF, v62;
	_ =	sdelay $0x2  }
0x357: {  	[tilespmem:$0x1FE00] =	vst v0;
	v0, _, _ =	vpop (xrf0)  }
0x358: {  	(v2sf) =	vpush v0, $0xF;
	_ =	sdelay $0xe  }
0x359: {  	s29 =	spop (v2sf)  }
0x35a: {  	p0 =	sgt.f32 s29, $0.0e+00  }
.Ltmp13:
0x35b: {  	_ = 	snop;
	(pc) =	sbr.rel @!p0 .LBB2_20-.Ltmp13, $2  }
0x35c: {  	_ =	sdelay $0x2  }
0x35d: {  	[tilespmem:$0x1FDF0] =	vst v1  }
.LBB2_19:
0x35e: {  	v1 =	vld [tilespmem:$0x1FC90];
	_ =	sdelay $0x4  }
0x35f: {  	v62 =	vld.idx.msk [tilespmem:v11+s4+$0x0], $0xffff;
	vm11 =	vnez.u8 v1;
	_ =	sdelay $0x1  }
0x360: {  	v63 =	vld [tilespmem:$0x1FCA0]  }
0x361: {  	v0 =	vimm.s32 $0x0  }
0x362: {  	v0 =	vsel vm10, $0xFFFFFFFF, v0  }
0x363: {  	[tilespmem:$0x1FC80] =	vst v0;
	v0 =	vmax.bf16 v62, v12  }
0x364: {  	[tilespmem:v11+s4+$0x0] =	vst.idx.msk vm11, v0  }
0x365: {  	vm12 =	vnez.u8 v63;
	v0 =	vld.idx.msk [tilespmem:v13+s4+$0x0], $0xffff;
	_ =	sdelay $0x1  }
0x366: {  	v61 =	vld [tilespmem:$0x1FCB0];
	_ =	sdelay $0x2  }
0x367: {  	v0 =	vmax.bf16 v0, v14  }
0x368: {  	[tilespmem:v13+s4+$0x0] =	vst.idx.msk vm12, v0  }
0x369: {  	vm13 =	vnez.u8 v61;
	v0 =	vld.idx.msk [tilespmem:v15+s4+$0x0], $0xffff;
	_ =	sdelay $0x1  }
0x36a: {  	v62 =	vld [tilespmem:$0x1FCC0];
	_ =	sdelay $0x2  }
0x36b: {  	v0 =	vmax.bf16 v0, v16  }
0x36c: {  	[tilespmem:v15+s4+$0x0] =	vst.idx.msk vm13, v0  }
0x36d: {  	vm14 =	vnez.u8 v62;
	v0 =	vld.idx.msk [tilespmem:v17+s4+$0x0], $0xffff;
	_ =	sdelay $0x1  }
0x36e: {  	v63 =	vld [tilespmem:$0x1FCD0];
	_ =	sdelay $0x2  }
0x36f: {  	v0 =	vmax.bf16 v0, v18  }
0x370: {  	[tilespmem:v17+s4+$0x0] =	vst.idx.msk vm14, v0  }
0x371: {  	vm15 =	vnez.u8 v63;
	v0 =	vld.idx.msk [tilespmem:v19+s4+$0x0], $0xffff;
	_ =	sdelay $0x1  }
0x372: {  	v61 =	vld [tilespmem:$0x1FCE0];
	_ =	sdelay $0x2  }
0x373: {  	v0 =	vmax.bf16 v0, v20  }
0x374: {  	[tilespmem:v19+s4+$0x0] =	vst.idx.msk vm15, v0  }
0x375: {  	vm0 =	vnez.u8 v61;
	v0 =	vld.idx.msk [tilespmem:v21+s4+$0x0], $0xffff;
	_ =	sdelay $0x1  }
0x376: {  	v62 =	vld [tilespmem:$0x1FCF0];
	_ =	sdelay $0x2  }
0x377: {  	v0 =	vmax.bf16 v0, v22  }
0x378: {  	[tilespmem:v21+s4+$0x0] =	vst.idx.msk vm0, v0  }
0x379: {  	vm1 =	vnez.u8 v62;
	v0 =	vld.idx.msk [tilespmem:v23+s4+$0x0], $0xffff;
	_ =	sdelay $0x1  }
0x37a: {  	v63 =	vld [tilespmem:$0x1FD00];
	_ =	sdelay $0x2  }
0x37b: {  	v0 =	vmax.bf16 v0, v24  }
0x37c: {  	[tilespmem:v23+s4+$0x0] =	vst.idx.msk vm1, v0  }
0x37d: {  	vm2 =	vnez.u8 v63;
	v0 =	vld.idx.msk [tilespmem:v25+s4+$0x0], $0xffff;
	_ =	sdelay $0x1  }
0x37e: {  	v61 =	vld [tilespmem:$0x1FD10];
	_ =	sdelay $0x2  }
0x37f: {  	v0 =	vmax.bf16 v0, v26  }
0x380: {  	[tilespmem:v25+s4+$0x0] =	vst.idx.msk vm2, v0  }
0x381: {  	vm3 =	vnez.u8 v61;
	v0 =	vld.idx.msk [tilespmem:v27+s4+$0x0], $0xffff;
	_ =	sdelay $0x1  }
0x382: {  	v62 =	vld [tilespmem:$0x1FD20];
	_ =	sdelay $0x2  }
0x383: {  	v0 =	vmax.bf16 v0, v28  }
0x384: {  	[tilespmem:v27+s4+$0x0] =	vst.idx.msk vm3, v0  }
0x385: {  	vm4 =	vnez.u8 v62;
	v0 =	vld.idx.msk [tilespmem:v29+s4+$0x0], $0xffff;
	_ =	sdelay $0x1  }
0x386: {  	v63 =	vld [tilespmem:$0x1FD30];
	_ =	sdelay $0x2  }
0x387: {  	v0 =	vmax.bf16 v0, v30  }
0x388: {  	[tilespmem:v29+s4+$0x0] =	vst.idx.msk vm4, v0  }
0x389: {  	vm5 =	vnez.u8 v63;
	v0 =	vld.idx.msk [tilespmem:v31+s4+$0x0], $0xffff;
	_ =	sdelay $0x1  }
0x38a: {  	v61 =	vld [tilespmem:$0x1FD40];
	_ =	sdelay $0x2  }
0x38b: {  	v0 =	vmax.bf16 v0, v32  }
0x38c: {  	[tilespmem:v31+s4+$0x0] =	vst.idx.msk vm5, v0  }
0x38d: {  	vm6 =	vnez.u8 v61;
	v0 =	vld.idx.msk [tilespmem:v33+s4+$0x0], $0xffff;
	_ =	sdelay $0x1  }
0x38e: {  	v62 =	vld [tilespmem:$0x1FD50];
	_ =	sdelay $0x2  }
0x38f: {  	v0 =	vmax.bf16 v0, v34  }
0x390: {  	[tilespmem:v33+s4+$0x0] =	vst.idx.msk vm6, v0  }
0x391: {  	vm7 =	vnez.u8 v62;
	v0 =	vld.idx.msk [tilespmem:v35+s4+$0x0], $0xffff;
	_ =	sdelay $0x1  }
0x392: {  	v63 =	vld [tilespmem:$0x1FD60];
	_ =	sdelay $0x2  }
0x393: {  	v0 =	vmax.bf16 v0, v36  }
0x394: {  	[tilespmem:v35+s4+$0x0] =	vst.idx.msk vm7, v0  }
0x395: {  	vm8 =	vnez.u8 v63;
	v0 =	vld.idx.msk [tilespmem:v37+s4+$0x0], $0xffff;
	_ =	sdelay $0x1  }
0x396: {  	v61 =	vld [tilespmem:$0x1FD70];
	_ =	sdelay $0x2  }
0x397: {  	v0 =	vmax.bf16 v0, v38  }
0x398: {  	[tilespmem:v37+s4+$0x0] =	vst.idx.msk vm8, v0  }
0x399: {  	vm9 =	vnez.u8 v61;
	v0 =	vld.idx.msk [tilespmem:v39+s4+$0x0], $0xffff;
	_ =	sdelay $0x1  }
0x39a: {  	v63 =	vld [tilespmem:$0x1FD80];
	_ =	sdelay $0x2  }
0x39b: {  	v0 =	vmax.bf16 v0, v40  }
0x39c: {  	v62 =	vimm.s32 $0x0;
	[tilespmem:v39+s4+$0x0] =	vst.idx.msk vm9, v0  }
0x39d: {  	v1 =	vsel vm9, $0xFFFFFFFF, v62;
	vm9 =	vnez.u8 v63;
	v0 =	vld.idx.msk [tilespmem:v41+s4+$0x0], $0xffff;
	_ =	sdelay $0x1  }
0x39e: {  	v62 =	vld [tilespmem:$0x1FD90];
	_ =	sdelay $0x2  }
0x39f: {  	v0 =	vmax.bf16 v0, v42  }
0x3a0: {  	v61 =	vimm.s32 $0x0;
	[tilespmem:v41+s4+$0x0] =	vst.idx.msk vm9, v0  }
0x3a1: {  	[tilespmem:$0x1FD70] =	vst v1;
	v1 =	vsel vm9, $0xFFFFFFFF, v61;
	vm9 =	vnez.u8 v62;
	v0 =	vld.idx.msk [tilespmem:v43+s4+$0x0], $0xffff;
	_ =	sdelay $0x1  }
0x3a2: {  	v61 =	vld [tilespmem:$0x1FDA0];
	_ =	sdelay $0x2  }
0x3a3: {  	v0 =	vmax.bf16 v0, v44  }
0x3a4: {  	v63 =	vimm.s32 $0x0;
	[tilespmem:v43+s4+$0x0] =	vst.idx.msk vm9, v0  }
0x3a5: {  	[tilespmem:$0x1FD80] =	vst v1;
	v1 =	vsel vm9, $0xFFFFFFFF, v63;
	vm9 =	vnez.u8 v61;
	v0 =	vld.idx.msk [tilespmem:v45+s4+$0x0], $0xffff;
	_ =	sdelay $0x1  }
0x3a6: {  	v63 =	vld [tilespmem:$0x1FDB0];
	_ =	sdelay $0x2  }
0x3a7: {  	v0 =	vmax.bf16 v0, v46  }
0x3a8: {  	v62 =	vimm.s32 $0x0;
	[tilespmem:v45+s4+$0x0] =	vst.idx.msk vm9, v0  }
0x3a9: {  	[tilespmem:$0x1FD90] =	vst v1;
	v1 =	vsel vm9, $0xFFFFFFFF, v62;
	vm9 =	vnez.u8 v63;
	v0 =	vld.idx.msk [tilespmem:v47+s4+$0x0], $0xffff;
	_ =	sdelay $0x1  }
0x3aa: {  	v62 =	vld [tilespmem:$0x1FDC0];
	_ =	sdelay $0x2  }
0x3ab: {  	v0 =	vmax.bf16 v0, v48  }
0x3ac: {  	v61 =	vimm.s32 $0x0;
	[tilespmem:v47+s4+$0x0] =	vst.idx.msk vm9, v0  }
0x3ad: {  	[tilespmem:$0x1FDA0] =	vst v1;
	v1 =	vsel vm9, $0xFFFFFFFF, v61;
	vm9 =	vnez.u8 v62;
	v0 =	vld.idx.msk [tilespmem:v49+s4+$0x0], $0xffff;
	_ =	sdelay $0x1  }
0x3ae: {  	v61 =	vld [tilespmem:$0x1FDD0];
	_ =	sdelay $0x2  }
0x3af: {  	v0 =	vmax.bf16 v0, v50  }
0x3b0: {  	v63 =	vimm.s32 $0x0;
	[tilespmem:v49+s4+$0x0] =	vst.idx.msk vm9, v0  }
0x3b1: {  	[tilespmem:$0x1FDB0] =	vst v1;
	v1 =	vsel vm9, $0xFFFFFFFF, v63;
	vm9 =	vnez.u8 v61;
	v0 =	vld.idx.msk [tilespmem:v51+s4+$0x0], $0xffff;
	_ =	sdelay $0x1  }
0x3b2: {  	v63 =	vld [tilespmem:$0x1FDE0];
	_ =	sdelay $0x2  }
0x3b3: {  	v0 =	vmax.bf16 v0, v52  }
0x3b4: {  	v62 =	vimm.s32 $0x0;
	[tilespmem:v51+s4+$0x0] =	vst.idx.msk vm9, v0  }
0x3b5: {  	[tilespmem:$0x1FDC0] =	vst v1;
	v1 =	vsel vm9, $0xFFFFFFFF, v62;
	vm9 =	vnez.u8 v63;
	v0 =	vld.idx.msk [tilespmem:v53+s4+$0x0], $0xffff;
	_ =	sdelay $0x1  }
0x3b6: {  	v62 =	vld [tilespmem:$0x1FDF0];
	_ =	sdelay $0x2  }
0x3b7: {  	v0 =	vmax.bf16 v0, v54  }
0x3b8: {  	v61 =	vimm.s32 $0x0;
	[tilespmem:v53+s4+$0x0] =	vst.idx.msk vm9, v0  }
0x3b9: {  	[tilespmem:$0x1FDD0] =	vst v1;
	v1 =	vsel vm9, $0xFFFFFFFF, v61;
	vm9 =	vnez.u8 v62;
	v0 =	vld.idx.msk [tilespmem:v55+s4+$0x0], $0xffff;
	_ =	sdelay $0x4  }
0x3ba: {  	v0 =	vmax.bf16 v0, v56  }
0x3bb: {  	[tilespmem:v55+s4+$0x0] =	vst.idx.msk vm9, v0  }
0x3bc: {  	v0 =	vld.idx.msk [tilespmem:v57+s4+$0x0], $0xffff;
	_ =	sdelay $0x1  }
0x3bd: {  	v61 =	vld [tilespmem:$0x1FE00];
	_ =	sdelay $0x2  }
0x3be: {  	v0 =	vmax.bf16 v0, v58  }
0x3bf: {  	v63 =	vimm.s32 $0x0;
	[tilespmem:v57+s4+$0x0] =	vst.idx.msk vm10, v0  }
0x3c0: {  	[tilespmem:$0x1FDE0] =	vst v1;
	v1 =	vsel vm9, $0xFFFFFFFF, v63;
	vm9 =	vnez.u8 v61;
	v0 =	vld.idx.msk [tilespmem:v59+s4+$0x0], $0xffff;
	_ =	sdelay $0x4  }
0x3c1: {  	v0 =	vmax.bf16 v0, v60  }
0x3c2: {  	v62 =	vimm.s32 $0x0;
	[tilespmem:v59+s4+$0x0] =	vst.idx.msk vm9, v0  }
0x3c3: {  	[tilespmem:$0x1FDF0] =	vst v1;
	v1 =	vsel vm9, $0xFFFFFFFF, v62;
	v0 =	vld.idx.msk [tilespmem:v11+s4+$0x0], $0xffff  }
0x3c4: {  	[tilespmem:$0x1FE00] =	vst v1;
	v1 =	vld.idx.msk [tilespmem:v13+s4+$0x0], $0xffff  }
0x3c5: {  	v2 =	vld.idx.msk [tilespmem:v15+s4+$0x0], $0xffff  }
0x3c6: {  	v5 =	vld.idx.msk [tilespmem:v19+s4+$0x0], $0xffff  }
0x3c7: {  	v3 =	vld.idx.msk [tilespmem:v17+s4+$0x0], $0xffff  }
0x3c8: {  	v61 =	vld.idx.msk [tilespmem:v21+s4+$0x0], $0xffff  }
0x3c9: {  	v6 =	vmax.bf16 v0, v12  }
0x3ca: {  	v63 =	vmax.bf16 v1, v14;
	v62 =	vmax.bf16 v2, v16;
	vm9 =	vne.s32 v0, v6  }
0x3cb: {  	v6 =	vld.idx.msk [tilespmem:v23+s4+$0x0], $0xffff;
	vm10 =	vne.s32 v2, v62;
	v62 =	vmax.bf16 v5, v20;
	vm11 =	vmand vm11, vm9  }
0x3cc: {  	vm9 =	vne.s32 v1, v63;
	v1 =	vld.idx.msk [tilespmem:v25+s4+$0x0], $0xffff;
	v63 =	vmax.bf16 v3, v18;
	vm13 =	vmand vm13, vm10  }
0x3cd: {  	v2 =	vld.idx.msk [tilespmem:v27+s4+$0x0], $0xffff;
	vm12 =	vmand vm12, vm9;
	vm9 =	vne.s32 v3, v63;
	v63 =	vmax.bf16 v61, v22  }
0x3ce: {  	v3 =	vld.idx.msk [tilespmem:v29+s4+$0x0], $0xffff;
	vm14 =	vmand vm14, vm9;
	vm9 =	vne.s32 v5, v62;
	vm10 =	vmor vm11, vm12  }
0x3cf: {  	vm15 =	vmand vm15, vm9;
	vm9 =	vne.s32 v61, v63;
	v61 =	vimm.s32 $0x0  }
0x3d0: {  	vm10 =	vmor vm10, vm13;
	v62 =	vmax.bf16 v6, v24;
	vm0 =	vmand vm0, vm9  }
0x3d1: {  	vm9 =	vne.s32 v6, v62;
	v63 =	vmax.bf16 v1, v26;
	v6 =	vimm.s32 $0x0  }
0x3d2: {  	vm1 =	vmand vm1, vm9;
	vm9 =	vne.s32 v1, v63;
	v1 =	vsel vm13, $0xFFFFFFFF, v61  }
0x3d3: {  	v5 =	vld.idx.msk [tilespmem:v31+s4+$0x0], $0xffff;
	v6 =	vsel vm11, $0xFFFFFFFF, v6;
	v62 =	vmax.bf16 v3, v30;
	[tilespmem:$0x1FCB0] =	vst v1;
	v1 =	vmax.bf16 v2, v28  }
0x3d4: {  	v0 =	vld.idx.msk [tilespmem:v33+s4+$0x0], $0xffff;
	vm2 =	vmand vm2, vm9;
	vm9 =	vmor vm10, vm14;
	vm10 =	vne.s32 v2, v1  }
0x3d5: {  	vm3 =	vmand vm3, vm10;
	vm10 =	vne.s32 v3, v62;
	v3 =	vimm.s32 $0x0  }
0x3d6: {  	[tilespmem:$0x1FC90] =	vst v6;
	v6 =	vimm.s32 $0x0;
	v3 =	vsel vm15, $0xFFFFFFFF, v3  }
0x3d7: {  	v61 =	vimm.s32 $0x0;
	v6 =	vsel vm12, $0xFFFFFFFF, v6;
	[tilespmem:$0x1FCD0] =	vst v3;
	v3 =	vimm.s32 $0x0  }
0x3d8: {  	v61 =	vsel vm14, $0xFFFFFFFF, v61;
	v63 =	vmax.bf16 v5, v32;
	[tilespmem:$0x1FCA0] =	vst v6;
	v6 =	vld.idx.msk [tilespmem:v35+s4+$0x0], $0xffff;
	v3 =	vsel vm0, $0xFFFFFFFF, v3  }
0x3d9: {  	v2 =	vld.idx.msk [tilespmem:v37+s4+$0x0], $0xffff;
	vm4 =	vmand vm4, vm10;
	vm10 =	vne.s32 v5, v63;
	[tilespmem:$0x1FCE0] =	vst v3;
	v3 =	vmax.bf16 v0, v34  }
0x3da: {  	vm5 =	vmand vm5, vm10;
	vm10 =	vne.s32 v0, v3;
	v3 =	vimm.s32 $0x0  }
0x3db: {  	[tilespmem:$0x1FCC0] =	vst v61;
	v61 =	vimm.s32 $0x0;
	v3 =	vsel vm2, $0xFFFFFFFF, v3  }
0x3dc: {  	v61 =	vsel vm1, $0xFFFFFFFF, v61;
	[tilespmem:$0x1FD00] =	vst v3;
	v3 =	vimm.s32 $0x0  }
0x3dd: {  	[tilespmem:$0x1FCF0] =	vst v61;
	v61 =	vmax.bf16 v6, v36;
	v3 =	vsel vm3, $0xFFFFFFFF, v3  }
0x3de: {  	vm6 =	vmand vm6, vm10;
	vm10 =	vne.s32 v6, v61;
	[tilespmem:$0x1FD10] =	vst v3;
	v3 =	vmax.bf16 v2, v38  }
0x3df: {  	vm7 =	vmand vm7, vm10;
	vm10 =	vne.s32 v2, v3;
	v3 =	vimm.s32 $0x0  }
0x3e0: {  	v3 =	vsel vm5, $0xFFFFFFFF, v3  }
0x3e1: {  	[tilespmem:$0x1FD30] =	vst v3;
	v3 =	vld [tilespmem:$0x1FD70];
	_ =	sdelay $0x3  }
0x3e2: {  	v1 =	vld.idx.msk [tilespmem:v39+s4+$0x0], $0xffff  }
0x3e3: {  	v5 =	vld.idx.msk [tilespmem:v41+s4+$0x0], $0xffff;
	vm12 =	vnez.u8 v3;
	v3 =	vimm.s32 $0x0  }
0x3e4: {  	v0 =	vld.idx.msk [tilespmem:v43+s4+$0x0], $0xffff;
	v3 =	vsel vm6, $0xFFFFFFFF, v3  }
0x3e5: {  	[tilespmem:$0x1FD40] =	vst v3;
	v3 =	vld [tilespmem:$0x1FD80];
	_ =	sdelay $0x1  }
0x3e6: {  	vm9 =	vmor vm9, vm15;
	v62 =	vmax.bf16 v1, v40  }
0x3e7: {  	vm9 =	vmor vm9, vm0;
	vm8 =	vmand vm8, vm10;
	vm10 =	vne.s32 v1, v62  }
0x3e8: {  	vm9 =	vmor vm9, vm1;
	v63 =	vmax.bf16 v5, v42;
	vm1 =	vmand vm12, vm10  }
0x3e9: {  	vm10 =	vne.s32 v5, v63;
	vm13 =	vnez.u8 v3;
	v3 =	vmax.bf16 v0, v44  }
0x3ea: {  	vm0 =	vmand vm13, vm10;
	vm10 =	vne.s32 v0, v3;
	v3 =	vimm.s32 $0x0  }
0x3eb: {  	v3 =	vsel vm8, $0xFFFFFFFF, v3  }
0x3ec: {  	[tilespmem:$0x1FD60] =	vst v3;
	v3 =	vld [tilespmem:$0x1FD90];
	_ =	sdelay $0x4  }
0x3ed: {  	v6 =	vld.idx.msk [tilespmem:v45+s4+$0x0], $0xffff;
	vm14 =	vnez.u8 v3;
	v3 =	vimm.s32 $0x0  }
0x3ee: {  	v2 =	vld.idx.msk [tilespmem:v47+s4+$0x0], $0xffff;
	v3 =	vsel vm1, $0xFFFFFFFF, v3  }
0x3ef: {  	v61 =	vimm.s32 $0x0;
	[tilespmem:$0x1FD70] =	vst v3;
	v3 =	vld [tilespmem:$0x1FDA0]  }
0x3f0: {  	v61 =	vsel vm4, $0xFFFFFFFF, v61  }
0x3f1: {  	[tilespmem:$0x1FD20] =	vst v61;
	v61 =	vimm.s32 $0x0  }
0x3f2: {  	v61 =	vsel vm7, $0xFFFFFFFF, v61  }
0x3f3: {  	vm9 =	vmor vm9, vm2;
	[tilespmem:$0x1FD50] =	vst v61;
	v61 =	vmax.bf16 v6, v46;
	vm2 =	vmand vm14, vm10  }
0x3f4: {  	vm10 =	vne.s32 v6, v61;
	vm15 =	vnez.u8 v3;
	v3 =	vmax.bf16 v2, v48  }
0x3f5: {  	vm9 =	vmor vm9, vm3;
	vm3 =	vmand vm15, vm10;
	vm10 =	vne.s32 v2, v3;
	v3 =	vld [tilespmem:$0x1FDB0];
	_ =	sdelay $0x3  }
0x3f6: {  	vm9 =	vmor vm9, vm4  }
0x3f7: {  	vm9 =	vmor vm9, vm5;
	vm5 =	vnez.u8 v3;
	v3 =	vld [tilespmem:$0x1FDC0];
	_ =	sdelay $0x4  }
0x3f8: {  	vm9 =	vmor vm9, vm6;
	vm6 =	vnez.u8 v3;
	v3 =	vimm.s32 $0x0  }
0x3f9: {  	v1 =	vld.idx.msk [tilespmem:v49+s4+$0x0], $0xffff;
	v3 =	vsel vm2, $0xFFFFFFFF, v3  }
0x3fa: {  	v5 =	vld.idx.msk [tilespmem:v51+s4+$0x0], $0xffff;
	[tilespmem:$0x1FD90] =	vst v3;
	v3 =	vimm.s32 $0x0  }
0x3fb: {  	vm9 =	vmor vm9, vm7;
	v0 =	vld.idx.msk [tilespmem:v53+s4+$0x0], $0xffff;
	v3 =	vsel vm3, $0xFFFFFFFF, v3  }
0x3fc: {  	vm9 =	vmor vm9, vm8;
	[tilespmem:$0x1FDA0] =	vst v3;
	v3 =	vld [tilespmem:$0x1FDD0]  }
0x3fd: {  	vm9 =	vmor vm9, vm1  }
0x3fe: {  	v62 =	vimm.s32 $0x0;
	v63 =	vmax.bf16 v1, v50;
	vm9 =	vmor vm9, vm0  }
0x3ff: {  	v2 =	vsel vm0, $0xFFFFFFFF, v62;
	vm0 =	vmand vm5, vm10;
	vm10 =	vne.s32 v1, v63  }
0x400: {  	v61 =	vmax.bf16 v5, v52;
	vm1 =	vmand vm6, vm10  }
0x401: {  	v6 =	vld.idx.msk [tilespmem:v55+s4+$0x0], $0xffff;
	vm10 =	vne.s32 v5, v61;
	vm7 =	vnez.u8 v3;
	v3 =	vmax.bf16 v0, v54  }
0x402: {  	vm9 =	vmor vm9, vm2;
	vm2 =	vmand vm7, vm10;
	vm10 =	vne.s32 v0, v3;
	v3 =	vld [tilespmem:$0x1FDE0];
	_ =	sdelay $0x3  }
0x403: {  	v62 =	vimm.s32 $0x0;
	vm9 =	vmor vm9, vm3  }
0x404: {  	v63 =	vmax.bf16 v6, v56;
	vm9 =	vmor vm9, vm0;
	vm12 =	vnez.u8 v3  }
0x405: {  	v0 =	vsel vm0, $0xFFFFFFFF, v62;
	vm0 =	vmand vm12, vm10;
	vm10 =	vne.s32 v6, v63;
	v63 =	vld [tilespmem:$0x1FDF0];
	_ =	sdelay $0x3  }
0x406: {  	[tilespmem:$0x1FD80] =	vst v2;
	v2 =	vld.idx.msk [tilespmem:v57+s4+$0x0], $0xffff  }
0x407: {  	vm13 =	vnez.u8 v63;
	v63 =	vld [tilespmem:$0x1FC80]  }
0x408: {  	v61 =	vimm.s32 $0x0  }
0x409: {  	v62 =	vimm.s32 $0x0;
	[tilespmem:$0x1FDB0] =	vst v0;
	v0 =	vsel vm1, $0xFFFFFFFF, v61  }
0x40a: {  	vm9 =	vmor vm9, vm1;
	[tilespmem:$0x1FDC0] =	vst v0;
	v0 =	vsel vm2, $0xFFFFFFFF, v62;
	v62 =	vimm.s32 $0x0  }
0x40b: {  	vm9 =	vmor vm9, vm2;
	v61 =	vmax.bf16 v2, v58;
	[tilespmem:$0x1FDD0] =	vst v0;
	v0 =	vsel vm0, $0xFFFFFFFF, v62  }
0x40c: {  	vm1 =	vmand vm13, vm10;
	vm10 =	vne.s32 v2, v61;
	vm14 =	vnez.u8 v63  }
0x40d: {  	vm9 =	vmor vm9, vm0;
	v61 =	vimm.s32 $0x0;
	vm0 =	vmand vm14, vm10  }
0x40e: {  	v1 =	vld.idx.msk [tilespmem:v59+s4+$0x0], $0xffff;
	v2 =	vsel vm0, $0xFFFFFFFF, v61  }
0x40f: {  	v63 =	vld [tilespmem:$0x1FE00];
	[tilespmem:$0x1FC80] =	vst v2  }
0x410: {  	v61 =	vld [tilespmem:$0x1FC80];
	_ =	sdelay $0x2  }
0x411: {  	[tilespmem:$0x1FDE0] =	vst v0;
	v0 =	vmax.bf16 v1, v60  }
0x412: {  	vm10 =	vne.s32 v1, v0;
	vm15 =	vnez.u8 v63  }
0x413: {  	vm9 =	vmor vm9, vm1;
	vm0 =	vmand vm15, vm10;
	vm10 =	vnez.u8 v61  }
0x414: {  	vm9 =	vmor vm9, vm10  }
0x415: {  	vm9 =	vmor vm9, vm0  }
0x416: {  	v63 =	vsel vm9, $0x3F800000, v10  }
0x417: {  	(xrf0) =	vmax.scan.msk.f32 $0xffff, v63  }
0x418: {  	v62 =	vimm.s32 $0x0  }
0x419: {  	v2 =	vsel vm1, $0xFFFFFFFF, v62;
	v62 =	vimm.s32 $0x0  }
0x41a: {  	v0 =	vsel vm0, $0xFFFFFFFF, v62;
	_ =	sdelay $0x2  }
0x41b: {  	[tilespmem:$0x1FE00] =	vst v0;
	v0, _, _ =	vpop (xrf0)  }
0x41c: {  	(v2sf) =	vpush v0, $0xF;
	_ =	sdelay $0xe  }
0x41d: {  	s10 =	spop (v2sf)  }
0x41e: {  	p0 =	sgt.f32 s10, $0.0e+00  }
.Ltmp14:
0x41f: {  	_ = 	snop;
	(pc) =	sbr.rel @p0 .LBB2_19-.Ltmp14, $2  }
0x420: {  	_ =	sdelay $0x2  }
0x421: {  	[tilespmem:$0x1FDF0] =	vst v2  }
.Ltmp15:
0x422: {  	_ = 	snop;
	(pc) =	sbr.rel .LBB2_20-.Ltmp15, $1  }
0x423: {  	_ =	sdelay $0x3  }
.LBB2_21:
0x424: {  	p0 =	seq.s32 s13, $0x3D  }
.Ltmp16:
0x425: {  	_ = 	snop;
	(pc) =	sbr.rel @p0 .LBB2_23-.Ltmp16, $1  }
0x426: {  	_ =	sdelay $0x3  }
0x427: {  	s10 =	sadd.s32 s17, s15  }
.Ltmp17:
0x428: {  	s10 =	sshrl.u32 s10, $0x2;
	(pc) =	sbr.rel .LBB2_13-.Ltmp17, $4  }
0x429: {  	s12 =	sadd.s32 s1, s10  }
0x42a: {  	[tilespmem:s20], [sflag:$0x4] =	stream.strided.gather [hbm4b:s12+s21], $0xC80, s25, s21, $0x38;
	[tilespmem:$0x1E880] =	vst v63  }
0x42b: {  	s13 =	sadd.s32 $0x1, s13;
	s10 =	sadd.s32 s10, s8  }
0x42c: {  	[tilespmem:s30], [sflag:$0x4] =	stream.strided.gather [hbm4b:s10+s21], $0xC80, s25, s21, $0x38;
	[tilespmem:$0x1E880] =	vst v63  }
.LBB2_23:
0x42d: {  	_ =	swait.ge [sflag:s31], $0xC80  }
.Ltmp18:
0x42e: {  	[sflag:s31] =	ssyncset.done $0x0;
	(pc) =	sbr.rel .LBB2_24-.Ltmp18, $4  }
0x42f: {  	[sflag:s31] =	ssyncadd.s32 $0xFFFFF380  }
0x430: {  	_ =	swait.ge [sflag:s31], $0xC80  }
0x431: {  	[sflag:s31] =	ssyncset.done $0x0  }
0x432: {  	s13 =	simm.s32 $0x0;
	[sflag:s31] =	ssyncadd.s32 $0xFFFFF380  }
.LBB2_26:
0x433: {  	s13 =	sadd.s32 $0x1, s13  }
0x434: {  	p0 =	sne.s32 s13, $0x8  }
.Ltmp19:
0x435: {  	_ = 	snop;
	(pc) =	sbr.rel @!p0 .LBB2_27-.Ltmp19, $1  }
0x436: {  	_ =	sdelay $0x3  }
.LBB2_24:
0x437: {  	s17 =	smul.u32 $0x190, s13;
	_ =	sdelay $0x1  }
0x438: {  	v0 =	vld [tilespmem:s17+$0x1CF80]  }
0x439: {  	v11 =	vld [tilespmem:s17+$0x1B680];
	_ =	sdelay $0x6  }
0x43a: {  	v12 =	vld.idx.msk [tilespmem:v0+s0+$0x0], $0xffff  }
0x43b: {  	v39 =	vld.idx.msk [tilespmem:v11+s4+$0x0], $0xffff;
	_ =	sdelay $0x4  }
0x43c: {  	v0 =	vmax.bf16 v39, v12  }
0x43d: {  	[tilespmem:v11+s4+$0x0] =	vst.idx.msk $0xffff, v0  }
0x43e: {  	v0 =	vld [tilespmem:s17+$0x1CF90]  }
0x43f: {  	v13 =	vld [tilespmem:s17+$0x1B690];
	_ =	sdelay $0x6  }
0x440: {  	v14 =	vld.idx.msk [tilespmem:v0+s0+$0x0], $0xffff  }
0x441: {  	v40 =	vld.idx.msk [tilespmem:v13+s4+$0x0], $0xffff;
	_ =	sdelay $0x4  }
0x442: {  	v0 =	vmax.bf16 v40, v14  }
0x443: {  	[tilespmem:v13+s4+$0x0] =	vst.idx.msk $0xffff, v0  }
0x444: {  	v0 =	vld [tilespmem:s17+$0x1CFA0]  }
0x445: {  	v15 =	vld [tilespmem:s17+$0x1B6A0];
	_ =	sdelay $0x6  }
0x446: {  	v16 =	vld.idx.msk [tilespmem:v0+s0+$0x0], $0xffff  }
0x447: {  	v41 =	vld.idx.msk [tilespmem:v15+s4+$0x0], $0xffff;
	_ =	sdelay $0x4  }
0x448: {  	v0 =	vmax.bf16 v41, v16  }
0x449: {  	[tilespmem:v15+s4+$0x0] =	vst.idx.msk $0xffff, v0  }
0x44a: {  	v0 =	vld [tilespmem:s17+$0x1CFB0]  }
0x44b: {  	v17 =	vld [tilespmem:s17+$0x1B6B0];
	_ =	sdelay $0x6  }
0x44c: {  	v18 =	vld.idx.msk [tilespmem:v0+s0+$0x0], $0xffff  }
0x44d: {  	v42 =	vld.idx.msk [tilespmem:v17+s4+$0x0], $0xffff;
	_ =	sdelay $0x4  }
0x44e: {  	v0 =	vmax.bf16 v42, v18  }
0x44f: {  	[tilespmem:v17+s4+$0x0] =	vst.idx.msk $0xffff, v0  }
0x450: {  	v0 =	vld [tilespmem:s17+$0x1CFC0]  }
0x451: {  	v19 =	vld [tilespmem:s17+$0x1B6C0];
	_ =	sdelay $0x6  }
0x452: {  	v20 =	vld.idx.msk [tilespmem:v0+s0+$0x0], $0xffff  }
0x453: {  	v43 =	vld.idx.msk [tilespmem:v19+s4+$0x0], $0xffff;
	_ =	sdelay $0x4  }
0x454: {  	v0 =	vmax.bf16 v43, v20  }
0x455: {  	[tilespmem:v19+s4+$0x0] =	vst.idx.msk $0xffff, v0  }
0x456: {  	v0 =	vld [tilespmem:s17+$0x1CFD0]  }
0x457: {  	v21 =	vld [tilespmem:s17+$0x1B6D0];
	_ =	sdelay $0x6  }
0x458: {  	v22 =	vld.idx.msk [tilespmem:v0+s0+$0x0], $0xffff  }
0x459: {  	v44 =	vld.idx.msk [tilespmem:v21+s4+$0x0], $0xffff;
	_ =	sdelay $0x4  }
0x45a: {  	v0 =	vmax.bf16 v44, v22  }
0x45b: {  	[tilespmem:v21+s4+$0x0] =	vst.idx.msk $0xffff, v0  }
0x45c: {  	v0 =	vld [tilespmem:s17+$0x1CFE0]  }
0x45d: {  	v23 =	vld [tilespmem:s17+$0x1B6E0];
	_ =	sdelay $0x6  }
0x45e: {  	v24 =	vld.idx.msk [tilespmem:v0+s0+$0x0], $0xffff  }
0x45f: {  	v45 =	vld.idx.msk [tilespmem:v23+s4+$0x0], $0xffff;
	_ =	sdelay $0x4  }
0x460: {  	v0 =	vmax.bf16 v45, v24  }
0x461: {  	[tilespmem:v23+s4+$0x0] =	vst.idx.msk $0xffff, v0  }
0x462: {  	v0 =	vld [tilespmem:s17+$0x1CFF0]  }
0x463: {  	v25 =	vld [tilespmem:s17+$0x1B6F0];
	_ =	sdelay $0x6  }
0x464: {  	v26 =	vld.idx.msk [tilespmem:v0+s0+$0x0], $0xffff  }
0x465: {  	v46 =	vld.idx.msk [tilespmem:v25+s4+$0x0], $0xffff;
	_ =	sdelay $0x4  }
0x466: {  	v0 =	vmax.bf16 v46, v26  }
0x467: {  	s10 =	sand.u32 $0xFF0, s17;
	[tilespmem:v25+s4+$0x0] =	vst.idx.msk $0xffff, v0  }
0x468: {  	v0 =	vld [tilespmem:s10+$0x1D000]  }
0x469: {  	v27 =	vld [tilespmem:s10+$0x1B700];
	_ =	sdelay $0x6  }
0x46a: {  	v28 =	vld.idx.msk [tilespmem:v0+s0+$0x0], $0xffff  }
0x46b: {  	v47 =	vld.idx.msk [tilespmem:v27+s4+$0x0], $0xffff;
	_ =	sdelay $0x4  }
0x46c: {  	v0 =	vmax.bf16 v47, v28  }
0x46d: {  	[tilespmem:v27+s4+$0x0] =	vst.idx.msk $0xffff, v0  }
0x46e: {  	v0 =	vld [tilespmem:s17+$0x1D010]  }
0x46f: {  	v29 =	vld [tilespmem:s17+$0x1B710];
	_ =	sdelay $0x6  }
0x470: {  	v30 =	vld.idx.msk [tilespmem:v0+s0+$0x0], $0xffff  }
0x471: {  	v48 =	vld.idx.msk [tilespmem:v29+s4+$0x0], $0xffff;
	_ =	sdelay $0x4  }
0x472: {  	v0 =	vmax.bf16 v48, v30  }
0x473: {  	[tilespmem:v29+s4+$0x0] =	vst.idx.msk $0xffff, v0  }
0x474: {  	v0 =	vld [tilespmem:s17+$0x1D020]  }
0x475: {  	v31 =	vld [tilespmem:s17+$0x1B720];
	_ =	sdelay $0x6  }
0x476: {  	v32 =	vld.idx.msk [tilespmem:v0+s0+$0x0], $0xffff  }
0x477: {  	v49 =	vld.idx.msk [tilespmem:v31+s4+$0x0], $0xffff;
	_ =	sdelay $0x4  }
0x478: {  	v0 =	vmax.bf16 v49, v32  }
0x479: {  	[tilespmem:v31+s4+$0x0] =	vst.idx.msk $0xffff, v0  }
0x47a: {  	v0 =	vld [tilespmem:s17+$0x1D030]  }
0x47b: {  	v33 =	vld [tilespmem:s17+$0x1B730];
	_ =	sdelay $0x6  }
0x47c: {  	v34 =	vld.idx.msk [tilespmem:v0+s0+$0x0], $0xffff  }
0x47d: {  	v50 =	vld.idx.msk [tilespmem:v33+s4+$0x0], $0xffff;
	_ =	sdelay $0x4  }
0x47e: {  	v0 =	vmax.bf16 v50, v34  }
0x47f: {  	[tilespmem:v33+s4+$0x0] =	vst.idx.msk $0xffff, v0  }
0x480: {  	v0 =	vld [tilespmem:s17+$0x1D040]  }
0x481: {  	v35 =	vld [tilespmem:s17+$0x1B740];
	_ =	sdelay $0x6  }
0x482: {  	v36 =	vld.idx.msk [tilespmem:v0+s0+$0x0], $0xffff  }
0x483: {  	v51 =	vld.idx.msk [tilespmem:v35+s4+$0x0], $0xffff;
	_ =	sdelay $0x4  }
0x484: {  	v0 =	vmax.bf16 v51, v36  }
0x485: {  	[tilespmem:v35+s4+$0x0] =	vst.idx.msk $0xffff, v0  }
0x486: {  	v0 =	vld [tilespmem:s17+$0x1D050]  }
0x487: {  	v37 =	vld [tilespmem:s17+$0x1B750];
	_ =	sdelay $0x6  }
0x488: {  	v38 =	vld.idx.msk [tilespmem:v0+s0+$0x0], $0xffff  }
0x489: {  	v52 =	vld.idx.msk [tilespmem:v37+s4+$0x0], $0xffff;
	_ =	sdelay $0x4  }
0x48a: {  	v0 =	vmax.bf16 v52, v38  }
0x48b: {  	[tilespmem:v37+s4+$0x0] =	vst.idx.msk $0xffff, v0  }
0x48c: {  	v0 =	vld [tilespmem:s17+$0x1D060]  }
0x48d: {  	v39 =	vld [tilespmem:s17+$0x1B760];
	_ =	sdelay $0x6  }
0x48e: {  	v40 =	vld.idx.msk [tilespmem:v0+s0+$0x0], $0xffff  }
0x48f: {  	v53 =	vld.idx.msk [tilespmem:v39+s4+$0x0], $0xffff;
	_ =	sdelay $0x4  }
0x490: {  	v0 =	vmax.bf16 v53, v40  }
0x491: {  	[tilespmem:v39+s4+$0x0] =	vst.idx.msk $0xffff, v0  }
0x492: {  	v0 =	vld [tilespmem:s17+$0x1D070]  }
0x493: {  	v41 =	vld [tilespmem:s17+$0x1B770];
	_ =	sdelay $0x6  }
0x494: {  	v42 =	vld.idx.msk [tilespmem:v0+s0+$0x0], $0xffff  }
0x495: {  	v54 =	vld.idx.msk [tilespmem:v41+s4+$0x0], $0xffff;
	_ =	sdelay $0x4  }
0x496: {  	v0 =	vmax.bf16 v54, v42  }
0x497: {  	[tilespmem:v41+s4+$0x0] =	vst.idx.msk $0xffff, v0  }
0x498: {  	v0 =	vld [tilespmem:s10+$0x1D080]  }
0x499: {  	v43 =	vld [tilespmem:s10+$0x1B780];
	_ =	sdelay $0x6  }
0x49a: {  	v44 =	vld.idx.msk [tilespmem:v0+s0+$0x0], $0xffff  }
0x49b: {  	v55 =	vld.idx.msk [tilespmem:v43+s4+$0x0], $0xffff;
	_ =	sdelay $0x4  }
0x49c: {  	v0 =	vmax.bf16 v55, v44  }
0x49d: {  	[tilespmem:v43+s4+$0x0] =	vst.idx.msk $0xffff, v0  }
0x49e: {  	v0 =	vld [tilespmem:s17+$0x1D090]  }
0x49f: {  	v45 =	vld [tilespmem:s17+$0x1B790];
	_ =	sdelay $0x6  }
0x4a0: {  	v46 =	vld.idx.msk [tilespmem:v0+s0+$0x0], $0xffff  }
0x4a1: {  	v56 =	vld.idx.msk [tilespmem:v45+s4+$0x0], $0xffff;
	_ =	sdelay $0x4  }
0x4a2: {  	v0 =	vmax.bf16 v56, v46  }
0x4a3: {  	[tilespmem:v45+s4+$0x0] =	vst.idx.msk $0xffff, v0  }
0x4a4: {  	v0 =	vld [tilespmem:s17+$0x1D0A0]  }
0x4a5: {  	v47 =	vld [tilespmem:s17+$0x1B7A0];
	_ =	sdelay $0x6  }
0x4a6: {  	v48 =	vld.idx.msk [tilespmem:v0+s0+$0x0], $0xffff  }
0x4a7: {  	v57 =	vld.idx.msk [tilespmem:v47+s4+$0x0], $0xffff;
	_ =	sdelay $0x4  }
0x4a8: {  	v0 =	vmax.bf16 v57, v48  }
0x4a9: {  	[tilespmem:v47+s4+$0x0] =	vst.idx.msk $0xffff, v0  }
0x4aa: {  	v0 =	vld [tilespmem:s17+$0x1D0B0]  }
0x4ab: {  	v49 =	vld [tilespmem:s17+$0x1B7B0];
	_ =	sdelay $0x6  }
0x4ac: {  	v50 =	vld.idx.msk [tilespmem:v0+s0+$0x0], $0xffff  }
0x4ad: {  	v58 =	vld.idx.msk [tilespmem:v49+s4+$0x0], $0xffff;
	_ =	sdelay $0x4  }
0x4ae: {  	v0 =	vmax.bf16 v58, v50  }
0x4af: {  	[tilespmem:v49+s4+$0x0] =	vst.idx.msk $0xffff, v0  }
0x4b0: {  	v0 =	vld [tilespmem:s17+$0x1D0C0]  }
0x4b1: {  	v51 =	vld [tilespmem:s17+$0x1B7C0];
	_ =	sdelay $0x6  }
0x4b2: {  	v52 =	vld.idx.msk [tilespmem:v0+s0+$0x0], $0xffff  }
0x4b3: {  	v59 =	vld.idx.msk [tilespmem:v51+s4+$0x0], $0xffff;
	_ =	sdelay $0x4  }
0x4b4: {  	v0 =	vmax.bf16 v59, v52  }
0x4b5: {  	[tilespmem:v51+s4+$0x0] =	vst.idx.msk $0xffff, v0  }
0x4b6: {  	v0 =	vld [tilespmem:s17+$0x1D0D0]  }
0x4b7: {  	v53 =	vld [tilespmem:s17+$0x1B7D0];
	_ =	sdelay $0x6  }
0x4b8: {  	v54 =	vld.idx.msk [tilespmem:v0+s0+$0x0], $0xffff  }
0x4b9: {  	v60 =	vld.idx.msk [tilespmem:v53+s4+$0x0], $0xffff;
	_ =	sdelay $0x4  }
0x4ba: {  	v0 =	vmax.bf16 v60, v54  }
0x4bb: {  	[tilespmem:v53+s4+$0x0] =	vst.idx.msk $0xffff, v0  }
0x4bc: {  	v0 =	vld [tilespmem:s17+$0x1D0E0]  }
0x4bd: {  	v55 =	vld [tilespmem:s17+$0x1B7E0];
	_ =	sdelay $0x6  }
0x4be: {  	v56 =	vld.idx.msk [tilespmem:v0+s0+$0x0], $0xffff  }
0x4bf: {  	v61 =	vld.idx.msk [tilespmem:v55+s4+$0x0], $0xffff;
	_ =	sdelay $0x4  }
0x4c0: {  	v0 =	vmax.bf16 v61, v56  }
0x4c1: {  	[tilespmem:v55+s4+$0x0] =	vst.idx.msk $0xffff, v0  }
0x4c2: {  	v0 =	vld [tilespmem:s17+$0x1D0F0]  }
0x4c3: {  	v57 =	vld [tilespmem:s17+$0x1B7F0];
	_ =	sdelay $0x6  }
0x4c4: {  	v58 =	vld.idx.msk [tilespmem:v0+s0+$0x0], $0xffff  }
0x4c5: {  	v62 =	vld.idx.msk [tilespmem:v57+s4+$0x0], $0xffff;
	_ =	sdelay $0x4  }
0x4c6: {  	v0 =	vmax.bf16 v62, v58  }
0x4c7: {  	[tilespmem:v57+s4+$0x0] =	vst.idx.msk $0xffff, v0  }
0x4c8: {  	v0 =	vld [tilespmem:s10+$0x1D100]  }
0x4c9: {  	v59 =	vld [tilespmem:s10+$0x1B800];
	_ =	sdelay $0x6  }
0x4ca: {  	v60 =	vld.idx.msk [tilespmem:v0+s0+$0x0], $0xffff  }
0x4cb: {  	v63 =	vld.idx.msk [tilespmem:v59+s4+$0x0], $0xffff;
	_ =	sdelay $0x4  }
0x4cc: {  	v0 =	vmax.bf16 v63, v60  }
0x4cd: {  	[tilespmem:v59+s4+$0x0] =	vst.idx.msk $0xffff, v0  }
0x4ce: {  	v0 =	vld.idx.msk [tilespmem:v11+s4+$0x0], $0xffff  }
0x4cf: {  	v1 =	vld.idx.msk [tilespmem:v13+s4+$0x0], $0xffff;
	_ =	sdelay $0x1  }
0x4d0: {  	v2 =	vld.idx.msk [tilespmem:v15+s4+$0x0], $0xffff  }
0x4d1: {  	v3 =	vld.idx.msk [tilespmem:v17+s4+$0x0], $0xffff  }
0x4d2: {  	v5 =	vld.idx.msk [tilespmem:v19+s4+$0x0], $0xffff  }
0x4d3: {  	v6 =	vld.idx.msk [tilespmem:v21+s4+$0x0], $0xffff;
	v61 =	vmax.bf16 v0, v12;
	v62 =	vmax.bf16 v1, v14  }
0x4d4: {  	v63 =	vld.idx.msk [tilespmem:v23+s4+$0x0], $0xffff;
	vm0 =	vne.s32 v0, v61;
	vm1 =	vne.s32 v1, v62;
	v61 =	vimm.s32 $0x0  }
0x4d5: {  	v0 =	vmax.bf16 v2, v16;
	v62 =	vimm.s32 $0x0;
	v61 =	vsel vm0, $0xFFFFFFFF, v61  }
0x4d6: {  	v1 =	vld.idx.msk [tilespmem:v25+s4+$0x0], $0xffff;
	vm0 =	vmor vm0, vm1;
	vm5 =	vne.s32 v2, v0;
	v0 =	vmax.bf16 v3, v18  }
0x4d7: {  	[tilespmem:$0x1FB00] =	vst v61;
	v61 =	vimm.s32 $0x0;
	vm6 =	vne.s32 v3, v0;
	v0 =	vmax.bf16 v5, v20  }
0x4d8: {  	v2 =	vld.idx.msk [tilespmem:v27+s4+$0x0], $0xffff;
	v61 =	vsel vm1, $0xFFFFFFFF, v61;
	vm7 =	vne.s32 v5, v0;
	v0 =	vmax.bf16 v6, v22  }
0x4d9: {  	[tilespmem:$0x1FB10] =	vst v61;
	v61 =	vimm.s32 $0x0;
	vm12 =	vne.s32 v6, v0;
	v0 =	vmax.bf16 v63, v24  }
0x4da: {  	vm0 =	vmor vm0, vm5;
	v61 =	vsel vm5, $0xFFFFFFFF, v61;
	vm13 =	vne.s32 v63, v0  }
0x4db: {  	v3 =	vld.idx.msk [tilespmem:v29+s4+$0x0], $0xffff;
	v0 =	vmax.bf16 v1, v26;
	[tilespmem:$0x1FB20] =	vst v61;
	v61 =	vimm.s32 $0x0;
	v62 =	vsel vm13, $0xFFFFFFFF, v62  }
0x4dc: {  	vm14 =	vne.s32 v1, v0;
	v61 =	vsel vm6, $0xFFFFFFFF, v61;
	[tilespmem:$0x1FB60] =	vst v62;
	v62 =	vimm.s32 $0x0  }
0x4dd: {  	v5 =	vld.idx.msk [tilespmem:v31+s4+$0x0], $0xffff;
	v0 =	vmax.bf16 v2, v28;
	[tilespmem:$0x1FB30] =	vst v61;
	v61 =	vimm.s32 $0x0;
	v62 =	vsel vm14, $0xFFFFFFFF, v62  }
0x4de: {  	vm15 =	vne.s32 v2, v0;
	v61 =	vsel vm7, $0xFFFFFFFF, v61;
	[tilespmem:$0x1FB70] =	vst v62;
	v62 =	vimm.s32 $0x0  }
0x4df: {  	vm0 =	vmor vm0, vm6;
	v6 =	vld.idx.msk [tilespmem:v33+s4+$0x0], $0xffff;
	[tilespmem:$0x1FB40] =	vst v61;
	v61 =	vimm.s32 $0x0;
	v62 =	vsel vm15, $0xFFFFFFFF, v62  }
0x4e0: {  	vm0 =	vmor vm0, vm7;
	v0 =	vmax.bf16 v3, v30;
	v61 =	vsel vm12, $0xFFFFFFFF, v61;
	[tilespmem:$0x1FB80] =	vst v62  }
0x4e1: {  	vm0 =	vmor vm0, vm12;
	vm4 =	vne.s32 v3, v0;
	v62 =	vimm.s32 $0x0;
	[tilespmem:$0x1FB50] =	vst v61;
	v61 =	vld.idx.msk [tilespmem:v35+s4+$0x0], $0xffff  }
0x4e2: {  	vm0 =	vmor vm0, vm13;
	v0 =	vmax.bf16 v5, v32;
	v62 =	vsel vm4, $0xFFFFFFFF, v62  }
0x4e3: {  	v1 =	vld.idx.msk [tilespmem:v37+s4+$0x0], $0xffff;
	vm0 =	vmor vm0, vm14;
	vm5 =	vne.s32 v5, v0;
	[tilespmem:$0x1FB90] =	vst v62;
	v62 =	vimm.s32 $0x0  }
0x4e4: {  	v2 =	vld.idx.msk [tilespmem:v39+s4+$0x0], $0xffff;
	vm0 =	vmor vm0, vm15;
	v0 =	vmax.bf16 v6, v34;
	v62 =	vsel vm5, $0xFFFFFFFF, v62  }
0x4e5: {  	v3 =	vld.idx.msk [tilespmem:v41+s4+$0x0], $0xffff;
	vm0 =	vmor vm0, vm4;
	vm6 =	vne.s32 v6, v0;
	[tilespmem:$0x1FBA0] =	vst v62;
	v62 =	vimm.s32 $0x0  }
0x4e6: {  	vm0 =	vmor vm0, vm5;
	v62 =	vsel vm6, $0xFFFFFFFF, v62;
	v0 =	vmax.bf16 v61, v36  }
0x4e7: {  	vm0 =	vmor vm0, vm6;
	[tilespmem:$0x1FBB0] =	vst v62;
	v62 =	vimm.s32 $0x0;
	vm7 =	vne.s32 v61, v0  }
0x4e8: {  	v6 =	vld.idx.msk [tilespmem:v45+s4+$0x0], $0xffff;
	v0 =	vmax.bf16 v1, v38;
	v62 =	vsel vm7, $0xFFFFFFFF, v62;
	vm0 =	vmor vm0, vm7  }
0x4e9: {  	v5 =	vld.idx.msk [tilespmem:v43+s4+$0x0], $0xffff;
	vm12 =	vne.s32 v1, v0;
	v0 =	vmax.bf16 v2, v40;
	[tilespmem:$0x1FBC0] =	vst v62;
	v62 =	vimm.s32 $0x0  }
0x4ea: {  	vm0 =	vmor vm0, vm12;
	vm13 =	vne.s32 v2, v0;
	v0 =	vmax.bf16 v3, v42  }
0x4eb: {  	v61 =	vld.idx.msk [tilespmem:v47+s4+$0x0], $0xffff;
	v62 =	vsel vm12, $0xFFFFFFFF, v62;
	vm14 =	vne.s32 v3, v0;
	v0 =	vimm.s32 $0x0  }
0x4ec: {  	v1 =	vld.idx.msk [tilespmem:v49+s4+$0x0], $0xffff;
	vm0 =	vmor vm0, vm13;
	[tilespmem:$0x1FBD0] =	vst v62;
	v62 =	vimm.s32 $0x0;
	v0 =	vsel vm14, $0xFFFFFFFF, v0  }
0x4ed: {  	vm1 =	vmor vm0, vm14;
	v62 =	vsel vm13, $0xFFFFFFFF, v62;
	[tilespmem:$0x1FBF0] =	vst v0;
	v0 =	vmax.bf16 v6, v46  }
0x4ee: {  	[tilespmem:$0x1FBE0] =	vst v62;
	v62 =	vmax.bf16 v5, v44;
	vm4 =	vne.s32 v6, v0;
	v0 =	vimm.s32 $0x0  }
0x4ef: {  	v2 =	vld.idx.msk [tilespmem:v51+s4+$0x0], $0xffff;
	vm15 =	vne.s32 v5, v62;
	v5 =	vimm.s32 $0x0;
	v0 =	vsel vm4, $0xFFFFFFFF, v0  }
0x4f0: {  	v63 =	vld.idx.msk [tilespmem:v53+s4+$0x0], $0xffff;
	v5 =	vsel vm15, $0xFFFFFFFF, v5;
	vm2 =	vmor vm1, vm15;
	[tilespmem:$0x1FC10] =	vst v0  }
0x4f1: {  	v0 =	vmax.bf16 v1, v50;
	[tilespmem:$0x1FC00] =	vst v5;
	v5 =	vmax.bf16 v61, v48;
	vm3 =	vmor vm2, vm4  }
0x4f2: {  	v3 =	vld.idx.msk [tilespmem:v55+s4+$0x0], $0xffff;
	vm6 =	vne.s32 v1, v0;
	vm5 =	vne.s32 v61, v5;
	v5 =	vimm.s32 $0x0  }
0x4f3: {  	v62 =	vld.idx.msk [tilespmem:v57+s4+$0x0], $0xffff;
	v61 =	vimm.s32 $0x0;
	v5 =	vsel vm5, $0xFFFFFFFF, v5;
	vm4 =	vmor vm3, vm5  }
0x4f4: {  	v6 =	vld.idx.msk [tilespmem:v59+s4+$0x0], $0xffff;
	v0 =	vsel vm6, $0xFFFFFFFF, v61;
	v61 =	vimm.s32 $0x0;
	[tilespmem:$0x1FC20] =	vst v5;
	v5 =	vmax.bf16 v2, v52  }
0x4f5: {  	[tilespmem:$0x1FC30] =	vst v0;
	vm5 =	vmor vm4, vm6;
	v0 =	vmax.bf16 v63, v54;
	vm7 =	vne.s32 v2, v5  }
0x4f6: {  	vm12 =	vne.s32 v63, v0;
	v1 =	vsel vm7, $0xFFFFFFFF, v61;
	v61 =	vimm.s32 $0x0  }
0x4f7: {  	vm6 =	vmor vm5, vm7;
	[tilespmem:$0x1FC40] =	vst v1;
	v1 =	vmax.bf16 v3, v56;
	v0 =	vsel vm12, $0xFFFFFFFF, v61  }
0x4f8: {  	vm7 =	vmor vm6, vm12;
	[tilespmem:$0x1FC50] =	vst v0;
	v0 =	vmax.bf16 v62, v58;
	vm13 =	vne.s32 v3, v1  }
0x4f9: {  	v61 =	vmax.bf16 v6, v60;
	vm8 =	vmor vm7, vm13;
	vm10 =	vne.s32 v62, v0  }
0x4fa: {  	vm15 =	vne.s32 v6, v61;
	vm14 =	vmor vm8, vm10  }
0x4fb: {  	v63 =	vimm.s32 $0x0;
	vm9 =	vmor vm14, vm15  }
0x4fc: {  	v1 =	vsel vm13, $0xFFFFFFFF, v63;
	v63 =	vsel vm9, $0x3F800000, v10  }
0x4fd: {  	(xrf0) =	vmax.scan.msk.f32 $0xffff, v63;
	_ =	sdelay $0x1  }
0x4fe: {  	v62 =	vimm.s32 $0x0  }
0x4ff: {  	v0 =	vsel vm15, $0xFFFFFFFF, v62;
	_ =	sdelay $0x2  }
0x500: {  	[tilespmem:$0x1FC70] =	vst v0;
	v0, _, _ =	vpop (xrf0)  }
0x501: {  	(v2sf) =	vpush v0, $0xF;
	_ =	sdelay $0xe  }
0x502: {  	s29 =	spop (v2sf)  }
0x503: {  	p0 =	sgt.f32 s29, $0.0e+00  }
.Ltmp20:
0x504: {  	_ = 	snop;
	(pc) =	sbr.rel @!p0 .LBB2_26-.Ltmp20, $2  }
0x505: {  	_ =	sdelay $0x2  }
0x506: {  	[tilespmem:$0x1FC60] =	vst v1  }
.LBB2_25:
0x507: {  	v1 =	vld [tilespmem:$0x1FB00];
	_ =	sdelay $0x4  }
0x508: {  	v62 =	vld.idx.msk [tilespmem:v11+s4+$0x0], $0xffff;
	vm11 =	vnez.u8 v1;
	_ =	sdelay $0x1  }
0x509: {  	v63 =	vld [tilespmem:$0x1FB10]  }
0x50a: {  	v0 =	vimm.s32 $0x0  }
0x50b: {  	v0 =	vsel vm10, $0xFFFFFFFF, v0  }
0x50c: {  	[tilespmem:$0x1FAF0] =	vst v0;
	v0 =	vmax.bf16 v62, v12  }
0x50d: {  	[tilespmem:v11+s4+$0x0] =	vst.idx.msk vm11, v0  }
0x50e: {  	vm12 =	vnez.u8 v63;
	v0 =	vld.idx.msk [tilespmem:v13+s4+$0x0], $0xffff;
	_ =	sdelay $0x1  }
0x50f: {  	v61 =	vld [tilespmem:$0x1FB20];
	_ =	sdelay $0x2  }
0x510: {  	v0 =	vmax.bf16 v0, v14  }
0x511: {  	[tilespmem:v13+s4+$0x0] =	vst.idx.msk vm12, v0  }
0x512: {  	vm13 =	vnez.u8 v61;
	v0 =	vld.idx.msk [tilespmem:v15+s4+$0x0], $0xffff;
	_ =	sdelay $0x1  }
0x513: {  	v62 =	vld [tilespmem:$0x1FB30];
	_ =	sdelay $0x2  }
0x514: {  	v0 =	vmax.bf16 v0, v16  }
0x515: {  	[tilespmem:v15+s4+$0x0] =	vst.idx.msk vm13, v0  }
0x516: {  	vm14 =	vnez.u8 v62;
	v0 =	vld.idx.msk [tilespmem:v17+s4+$0x0], $0xffff;
	_ =	sdelay $0x1  }
0x517: {  	v63 =	vld [tilespmem:$0x1FB40];
	_ =	sdelay $0x2  }
0x518: {  	v0 =	vmax.bf16 v0, v18  }
0x519: {  	[tilespmem:v17+s4+$0x0] =	vst.idx.msk vm14, v0  }
0x51a: {  	vm15 =	vnez.u8 v63;
	v0 =	vld.idx.msk [tilespmem:v19+s4+$0x0], $0xffff;
	_ =	sdelay $0x1  }
0x51b: {  	v61 =	vld [tilespmem:$0x1FB50];
	_ =	sdelay $0x2  }
0x51c: {  	v0 =	vmax.bf16 v0, v20  }
0x51d: {  	[tilespmem:v19+s4+$0x0] =	vst.idx.msk vm15, v0  }
0x51e: {  	vm0 =	vnez.u8 v61;
	v0 =	vld.idx.msk [tilespmem:v21+s4+$0x0], $0xffff;
	_ =	sdelay $0x1  }
0x51f: {  	v62 =	vld [tilespmem:$0x1FB60];
	_ =	sdelay $0x2  }
0x520: {  	v0 =	vmax.bf16 v0, v22  }
0x521: {  	[tilespmem:v21+s4+$0x0] =	vst.idx.msk vm0, v0  }
0x522: {  	vm1 =	vnez.u8 v62;
	v0 =	vld.idx.msk [tilespmem:v23+s4+$0x0], $0xffff;
	_ =	sdelay $0x1  }
0x523: {  	v63 =	vld [tilespmem:$0x1FB70];
	_ =	sdelay $0x2  }
0x524: {  	v0 =	vmax.bf16 v0, v24  }
0x525: {  	[tilespmem:v23+s4+$0x0] =	vst.idx.msk vm1, v0  }
0x526: {  	vm2 =	vnez.u8 v63;
	v0 =	vld.idx.msk [tilespmem:v25+s4+$0x0], $0xffff;
	_ =	sdelay $0x1  }
0x527: {  	v61 =	vld [tilespmem:$0x1FB80];
	_ =	sdelay $0x2  }
0x528: {  	v0 =	vmax.bf16 v0, v26  }
0x529: {  	[tilespmem:v25+s4+$0x0] =	vst.idx.msk vm2, v0  }
0x52a: {  	vm3 =	vnez.u8 v61;
	v0 =	vld.idx.msk [tilespmem:v27+s4+$0x0], $0xffff;
	_ =	sdelay $0x1  }
0x52b: {  	v62 =	vld [tilespmem:$0x1FB90];
	_ =	sdelay $0x2  }
0x52c: {  	v0 =	vmax.bf16 v0, v28  }
0x52d: {  	[tilespmem:v27+s4+$0x0] =	vst.idx.msk vm3, v0  }
0x52e: {  	vm4 =	vnez.u8 v62;
	v0 =	vld.idx.msk [tilespmem:v29+s4+$0x0], $0xffff;
	_ =	sdelay $0x1  }
0x52f: {  	v63 =	vld [tilespmem:$0x1FBA0];
	_ =	sdelay $0x2  }
0x530: {  	v0 =	vmax.bf16 v0, v30  }
0x531: {  	[tilespmem:v29+s4+$0x0] =	vst.idx.msk vm4, v0  }
0x532: {  	vm5 =	vnez.u8 v63;
	v0 =	vld.idx.msk [tilespmem:v31+s4+$0x0], $0xffff;
	_ =	sdelay $0x1  }
0x533: {  	v61 =	vld [tilespmem:$0x1FBB0];
	_ =	sdelay $0x2  }
0x534: {  	v0 =	vmax.bf16 v0, v32  }
0x535: {  	[tilespmem:v31+s4+$0x0] =	vst.idx.msk vm5, v0  }
0x536: {  	vm6 =	vnez.u8 v61;
	v0 =	vld.idx.msk [tilespmem:v33+s4+$0x0], $0xffff;
	_ =	sdelay $0x1  }
0x537: {  	v62 =	vld [tilespmem:$0x1FBC0];
	_ =	sdelay $0x2  }
0x538: {  	v0 =	vmax.bf16 v0, v34  }
0x539: {  	[tilespmem:v33+s4+$0x0] =	vst.idx.msk vm6, v0  }
0x53a: {  	vm7 =	vnez.u8 v62;
	v0 =	vld.idx.msk [tilespmem:v35+s4+$0x0], $0xffff;
	_ =	sdelay $0x1  }
0x53b: {  	v63 =	vld [tilespmem:$0x1FBD0];
	_ =	sdelay $0x2  }
0x53c: {  	v0 =	vmax.bf16 v0, v36  }
0x53d: {  	[tilespmem:v35+s4+$0x0] =	vst.idx.msk vm7, v0  }
0x53e: {  	vm8 =	vnez.u8 v63;
	v0 =	vld.idx.msk [tilespmem:v37+s4+$0x0], $0xffff;
	_ =	sdelay $0x1  }
0x53f: {  	v61 =	vld [tilespmem:$0x1FBE0];
	_ =	sdelay $0x2  }
0x540: {  	v0 =	vmax.bf16 v0, v38  }
0x541: {  	[tilespmem:v37+s4+$0x0] =	vst.idx.msk vm8, v0  }
0x542: {  	vm9 =	vnez.u8 v61;
	v0 =	vld.idx.msk [tilespmem:v39+s4+$0x0], $0xffff;
	_ =	sdelay $0x1  }
0x543: {  	v63 =	vld [tilespmem:$0x1FBF0];
	_ =	sdelay $0x2  }
0x544: {  	v0 =	vmax.bf16 v0, v40  }
0x545: {  	v62 =	vimm.s32 $0x0;
	[tilespmem:v39+s4+$0x0] =	vst.idx.msk vm9, v0  }
0x546: {  	v1 =	vsel vm9, $0xFFFFFFFF, v62;
	vm9 =	vnez.u8 v63;
	v0 =	vld.idx.msk [tilespmem:v41+s4+$0x0], $0xffff;
	_ =	sdelay $0x1  }
0x547: {  	v62 =	vld [tilespmem:$0x1FC00];
	_ =	sdelay $0x2  }
0x548: {  	v0 =	vmax.bf16 v0, v42  }
0x549: {  	v61 =	vimm.s32 $0x0;
	[tilespmem:v41+s4+$0x0] =	vst.idx.msk vm9, v0  }
0x54a: {  	[tilespmem:$0x1FBE0] =	vst v1;
	v1 =	vsel vm9, $0xFFFFFFFF, v61;
	vm9 =	vnez.u8 v62;
	v0 =	vld.idx.msk [tilespmem:v43+s4+$0x0], $0xffff;
	_ =	sdelay $0x1  }
0x54b: {  	v61 =	vld [tilespmem:$0x1FC10];
	_ =	sdelay $0x2  }
0x54c: {  	v0 =	vmax.bf16 v0, v44  }
0x54d: {  	v63 =	vimm.s32 $0x0;
	[tilespmem:v43+s4+$0x0] =	vst.idx.msk vm9, v0  }
0x54e: {  	[tilespmem:$0x1FBF0] =	vst v1;
	v1 =	vsel vm9, $0xFFFFFFFF, v63;
	vm9 =	vnez.u8 v61;
	v0 =	vld.idx.msk [tilespmem:v45+s4+$0x0], $0xffff;
	_ =	sdelay $0x1  }
0x54f: {  	v63 =	vld [tilespmem:$0x1FC20];
	_ =	sdelay $0x2  }
0x550: {  	v0 =	vmax.bf16 v0, v46  }
0x551: {  	v62 =	vimm.s32 $0x0;
	[tilespmem:v45+s4+$0x0] =	vst.idx.msk vm9, v0  }
0x552: {  	[tilespmem:$0x1FC00] =	vst v1;
	v1 =	vsel vm9, $0xFFFFFFFF, v62;
	vm9 =	vnez.u8 v63;
	v0 =	vld.idx.msk [tilespmem:v47+s4+$0x0], $0xffff;
	_ =	sdelay $0x1  }
0x553: {  	v62 =	vld [tilespmem:$0x1FC30];
	_ =	sdelay $0x2  }
0x554: {  	v0 =	vmax.bf16 v0, v48  }
0x555: {  	v61 =	vimm.s32 $0x0;
	[tilespmem:v47+s4+$0x0] =	vst.idx.msk vm9, v0  }
0x556: {  	[tilespmem:$0x1FC10] =	vst v1;
	v1 =	vsel vm9, $0xFFFFFFFF, v61;
	vm9 =	vnez.u8 v62;
	v0 =	vld.idx.msk [tilespmem:v49+s4+$0x0], $0xffff;
	_ =	sdelay $0x1  }
0x557: {  	v61 =	vld [tilespmem:$0x1FC40];
	_ =	sdelay $0x2  }
0x558: {  	v0 =	vmax.bf16 v0, v50  }
0x559: {  	v63 =	vimm.s32 $0x0;
	[tilespmem:v49+s4+$0x0] =	vst.idx.msk vm9, v0  }
0x55a: {  	[tilespmem:$0x1FC20] =	vst v1;
	v1 =	vsel vm9, $0xFFFFFFFF, v63;
	vm9 =	vnez.u8 v61;
	v0 =	vld.idx.msk [tilespmem:v51+s4+$0x0], $0xffff;
	_ =	sdelay $0x1  }
0x55b: {  	v63 =	vld [tilespmem:$0x1FC50];
	_ =	sdelay $0x2  }
0x55c: {  	v0 =	vmax.bf16 v0, v52  }
0x55d: {  	v62 =	vimm.s32 $0x0;
	[tilespmem:v51+s4+$0x0] =	vst.idx.msk vm9, v0  }
0x55e: {  	[tilespmem:$0x1FC30] =	vst v1;
	v1 =	vsel vm9, $0xFFFFFFFF, v62;
	vm9 =	vnez.u8 v63;
	v0 =	vld.idx.msk [tilespmem:v53+s4+$0x0], $0xffff;
	_ =	sdelay $0x1  }
0x55f: {  	v62 =	vld [tilespmem:$0x1FC60];
	_ =	sdelay $0x2  }
0x560: {  	v0 =	vmax.bf16 v0, v54  }
0x561: {  	v61 =	vimm.s32 $0x0;
	[tilespmem:v53+s4+$0x0] =	vst.idx.msk vm9, v0  }
0x562: {  	[tilespmem:$0x1FC40] =	vst v1;
	v1 =	vsel vm9, $0xFFFFFFFF, v61;
	vm9 =	vnez.u8 v62;
	v0 =	vld.idx.msk [tilespmem:v55+s4+$0x0], $0xffff;
	_ =	sdelay $0x4  }
0x563: {  	v0 =	vmax.bf16 v0, v56  }
0x564: {  	[tilespmem:v55+s4+$0x0] =	vst.idx.msk vm9, v0  }
0x565: {  	v0 =	vld.idx.msk [tilespmem:v57+s4+$0x0], $0xffff;
	_ =	sdelay $0x1  }
0x566: {  	v61 =	vld [tilespmem:$0x1FC70];
	_ =	sdelay $0x2  }
0x567: {  	v0 =	vmax.bf16 v0, v58  }
0x568: {  	v63 =	vimm.s32 $0x0;
	[tilespmem:v57+s4+$0x0] =	vst.idx.msk vm10, v0  }
0x569: {  	[tilespmem:$0x1FC50] =	vst v1;
	v1 =	vsel vm9, $0xFFFFFFFF, v63;
	vm9 =	vnez.u8 v61;
	v0 =	vld.idx.msk [tilespmem:v59+s4+$0x0], $0xffff;
	_ =	sdelay $0x4  }
0x56a: {  	v0 =	vmax.bf16 v0, v60  }
0x56b: {  	v62 =	vimm.s32 $0x0;
	[tilespmem:v59+s4+$0x0] =	vst.idx.msk vm9, v0  }
0x56c: {  	[tilespmem:$0x1FC60] =	vst v1;
	v1 =	vsel vm9, $0xFFFFFFFF, v62;
	v0 =	vld.idx.msk [tilespmem:v11+s4+$0x0], $0xffff  }
0x56d: {  	[tilespmem:$0x1FC70] =	vst v1;
	v1 =	vld.idx.msk [tilespmem:v13+s4+$0x0], $0xffff  }
0x56e: {  	v2 =	vld.idx.msk [tilespmem:v15+s4+$0x0], $0xffff  }
0x56f: {  	v5 =	vld.idx.msk [tilespmem:v19+s4+$0x0], $0xffff  }
0x570: {  	v3 =	vld.idx.msk [tilespmem:v17+s4+$0x0], $0xffff  }
0x571: {  	v61 =	vld.idx.msk [tilespmem:v21+s4+$0x0], $0xffff  }
0x572: {  	v6 =	vmax.bf16 v0, v12  }
0x573: {  	v63 =	vmax.bf16 v1, v14;
	v62 =	vmax.bf16 v2, v16;
	vm9 =	vne.s32 v0, v6  }
0x574: {  	v6 =	vld.idx.msk [tilespmem:v23+s4+$0x0], $0xffff;
	vm10 =	vne.s32 v2, v62;
	v62 =	vmax.bf16 v5, v20;
	vm11 =	vmand vm11, vm9  }
0x575: {  	vm9 =	vne.s32 v1, v63;
	v1 =	vld.idx.msk [tilespmem:v25+s4+$0x0], $0xffff;
	v63 =	vmax.bf16 v3, v18;
	vm13 =	vmand vm13, vm10  }
0x576: {  	v2 =	vld.idx.msk [tilespmem:v27+s4+$0x0], $0xffff;
	vm12 =	vmand vm12, vm9;
	vm9 =	vne.s32 v3, v63;
	v63 =	vmax.bf16 v61, v22  }
0x577: {  	v3 =	vld.idx.msk [tilespmem:v29+s4+$0x0], $0xffff;
	vm14 =	vmand vm14, vm9;
	vm9 =	vne.s32 v5, v62;
	vm10 =	vmor vm11, vm12  }
0x578: {  	vm15 =	vmand vm15, vm9;
	vm9 =	vne.s32 v61, v63;
	v61 =	vimm.s32 $0x0  }
0x579: {  	vm10 =	vmor vm10, vm13;
	v62 =	vmax.bf16 v6, v24;
	vm0 =	vmand vm0, vm9  }
0x57a: {  	vm9 =	vne.s32 v6, v62;
	v63 =	vmax.bf16 v1, v26;
	v6 =	vimm.s32 $0x0  }
0x57b: {  	vm1 =	vmand vm1, vm9;
	vm9 =	vne.s32 v1, v63;
	v1 =	vsel vm13, $0xFFFFFFFF, v61  }
0x57c: {  	v5 =	vld.idx.msk [tilespmem:v31+s4+$0x0], $0xffff;
	v6 =	vsel vm11, $0xFFFFFFFF, v6;
	v62 =	vmax.bf16 v3, v30;
	[tilespmem:$0x1FB20] =	vst v1;
	v1 =	vmax.bf16 v2, v28  }
0x57d: {  	v0 =	vld.idx.msk [tilespmem:v33+s4+$0x0], $0xffff;
	vm2 =	vmand vm2, vm9;
	vm9 =	vmor vm10, vm14;
	vm10 =	vne.s32 v2, v1  }
0x57e: {  	vm3 =	vmand vm3, vm10;
	vm10 =	vne.s32 v3, v62;
	v3 =	vimm.s32 $0x0  }
0x57f: {  	[tilespmem:$0x1FB00] =	vst v6;
	v6 =	vimm.s32 $0x0;
	v3 =	vsel vm15, $0xFFFFFFFF, v3  }
0x580: {  	v61 =	vimm.s32 $0x0;
	v6 =	vsel vm12, $0xFFFFFFFF, v6;
	[tilespmem:$0x1FB40] =	vst v3;
	v3 =	vimm.s32 $0x0  }
0x581: {  	v61 =	vsel vm14, $0xFFFFFFFF, v61;
	v63 =	vmax.bf16 v5, v32;
	[tilespmem:$0x1FB10] =	vst v6;
	v6 =	vld.idx.msk [tilespmem:v35+s4+$0x0], $0xffff;
	v3 =	vsel vm0, $0xFFFFFFFF, v3  }
0x582: {  	v2 =	vld.idx.msk [tilespmem:v37+s4+$0x0], $0xffff;
	vm4 =	vmand vm4, vm10;
	vm10 =	vne.s32 v5, v63;
	[tilespmem:$0x1FB50] =	vst v3;
	v3 =	vmax.bf16 v0, v34  }
0x583: {  	vm5 =	vmand vm5, vm10;
	vm10 =	vne.s32 v0, v3;
	v3 =	vimm.s32 $0x0  }
0x584: {  	[tilespmem:$0x1FB30] =	vst v61;
	v61 =	vimm.s32 $0x0;
	v3 =	vsel vm2, $0xFFFFFFFF, v3  }
0x585: {  	v61 =	vsel vm1, $0xFFFFFFFF, v61;
	[tilespmem:$0x1FB70] =	vst v3;
	v3 =	vimm.s32 $0x0  }
0x586: {  	[tilespmem:$0x1FB60] =	vst v61;
	v61 =	vmax.bf16 v6, v36;
	v3 =	vsel vm3, $0xFFFFFFFF, v3  }
0x587: {  	vm6 =	vmand vm6, vm10;
	vm10 =	vne.s32 v6, v61;
	[tilespmem:$0x1FB80] =	vst v3;
	v3 =	vmax.bf16 v2, v38  }
0x588: {  	vm7 =	vmand vm7, vm10;
	vm10 =	vne.s32 v2, v3;
	v3 =	vimm.s32 $0x0  }
0x589: {  	v3 =	vsel vm5, $0xFFFFFFFF, v3  }
0x58a: {  	[tilespmem:$0x1FBA0] =	vst v3;
	v3 =	vld [tilespmem:$0x1FBE0];
	_ =	sdelay $0x3  }
0x58b: {  	v1 =	vld.idx.msk [tilespmem:v39+s4+$0x0], $0xffff  }
0x58c: {  	v5 =	vld.idx.msk [tilespmem:v41+s4+$0x0], $0xffff;
	vm12 =	vnez.u8 v3;
	v3 =	vimm.s32 $0x0  }
0x58d: {  	v0 =	vld.idx.msk [tilespmem:v43+s4+$0x0], $0xffff;
	v3 =	vsel vm6, $0xFFFFFFFF, v3  }
0x58e: {  	[tilespmem:$0x1FBB0] =	vst v3;
	v3 =	vld [tilespmem:$0x1FBF0];
	_ =	sdelay $0x1  }
0x58f: {  	vm9 =	vmor vm9, vm15;
	v62 =	vmax.bf16 v1, v40  }
0x590: {  	vm9 =	vmor vm9, vm0;
	vm8 =	vmand vm8, vm10;
	vm10 =	vne.s32 v1, v62  }
0x591: {  	vm9 =	vmor vm9, vm1;
	v63 =	vmax.bf16 v5, v42;
	vm1 =	vmand vm12, vm10  }
0x592: {  	vm10 =	vne.s32 v5, v63;
	vm13 =	vnez.u8 v3;
	v3 =	vmax.bf16 v0, v44  }
0x593: {  	vm0 =	vmand vm13, vm10;
	vm10 =	vne.s32 v0, v3;
	v3 =	vimm.s32 $0x0  }
0x594: {  	v3 =	vsel vm8, $0xFFFFFFFF, v3  }
0x595: {  	[tilespmem:$0x1FBD0] =	vst v3;
	v3 =	vld [tilespmem:$0x1FC00];
	_ =	sdelay $0x4  }
0x596: {  	v6 =	vld.idx.msk [tilespmem:v45+s4+$0x0], $0xffff;
	vm14 =	vnez.u8 v3;
	v3 =	vimm.s32 $0x0  }
0x597: {  	v2 =	vld.idx.msk [tilespmem:v47+s4+$0x0], $0xffff;
	v3 =	vsel vm1, $0xFFFFFFFF, v3  }
0x598: {  	v61 =	vimm.s32 $0x0;
	[tilespmem:$0x1FBE0] =	vst v3;
	v3 =	vld [tilespmem:$0x1FC10]  }
0x599: {  	v61 =	vsel vm4, $0xFFFFFFFF, v61  }
0x59a: {  	[tilespmem:$0x1FB90] =	vst v61;
	v61 =	vimm.s32 $0x0  }
0x59b: {  	v61 =	vsel vm7, $0xFFFFFFFF, v61  }
0x59c: {  	vm9 =	vmor vm9, vm2;
	[tilespmem:$0x1FBC0] =	vst v61;
	v61 =	vmax.bf16 v6, v46;
	vm2 =	vmand vm14, vm10  }
0x59d: {  	vm10 =	vne.s32 v6, v61;
	vm15 =	vnez.u8 v3;
	v3 =	vmax.bf16 v2, v48  }
0x59e: {  	vm9 =	vmor vm9, vm3;
	vm3 =	vmand vm15, vm10;
	vm10 =	vne.s32 v2, v3;
	v3 =	vld [tilespmem:$0x1FC20];
	_ =	sdelay $0x3  }
0x59f: {  	vm9 =	vmor vm9, vm4  }
0x5a0: {  	vm9 =	vmor vm9, vm5;
	vm5 =	vnez.u8 v3;
	v3 =	vld [tilespmem:$0x1FC30];
	_ =	sdelay $0x4  }
0x5a1: {  	vm9 =	vmor vm9, vm6;
	vm6 =	vnez.u8 v3;
	v3 =	vimm.s32 $0x0  }
0x5a2: {  	v1 =	vld.idx.msk [tilespmem:v49+s4+$0x0], $0xffff;
	v3 =	vsel vm2, $0xFFFFFFFF, v3  }
0x5a3: {  	v5 =	vld.idx.msk [tilespmem:v51+s4+$0x0], $0xffff;
	[tilespmem:$0x1FC00] =	vst v3;
	v3 =	vimm.s32 $0x0  }
0x5a4: {  	vm9 =	vmor vm9, vm7;
	v0 =	vld.idx.msk [tilespmem:v53+s4+$0x0], $0xffff;
	v3 =	vsel vm3, $0xFFFFFFFF, v3  }
0x5a5: {  	vm9 =	vmor vm9, vm8;
	[tilespmem:$0x1FC10] =	vst v3;
	v3 =	vld [tilespmem:$0x1FC40]  }
0x5a6: {  	vm9 =	vmor vm9, vm1  }
0x5a7: {  	v62 =	vimm.s32 $0x0;
	v63 =	vmax.bf16 v1, v50;
	vm9 =	vmor vm9, vm0  }
0x5a8: {  	v2 =	vsel vm0, $0xFFFFFFFF, v62;
	vm0 =	vmand vm5, vm10;
	vm10 =	vne.s32 v1, v63  }
0x5a9: {  	v61 =	vmax.bf16 v5, v52;
	vm1 =	vmand vm6, vm10  }
0x5aa: {  	v6 =	vld.idx.msk [tilespmem:v55+s4+$0x0], $0xffff;
	vm10 =	vne.s32 v5, v61;
	vm7 =	vnez.u8 v3;
	v3 =	vmax.bf16 v0, v54  }
0x5ab: {  	vm9 =	vmor vm9, vm2;
	vm2 =	vmand vm7, vm10;
	vm10 =	vne.s32 v0, v3;
	v3 =	vld [tilespmem:$0x1FC50];
	_ =	sdelay $0x3  }
0x5ac: {  	v62 =	vimm.s32 $0x0;
	vm9 =	vmor vm9, vm3  }
0x5ad: {  	v63 =	vmax.bf16 v6, v56;
	vm9 =	vmor vm9, vm0;
	vm12 =	vnez.u8 v3  }
0x5ae: {  	v0 =	vsel vm0, $0xFFFFFFFF, v62;
	vm0 =	vmand vm12, vm10;
	vm10 =	vne.s32 v6, v63;
	v63 =	vld [tilespmem:$0x1FC60];
	_ =	sdelay $0x3  }
0x5af: {  	[tilespmem:$0x1FBF0] =	vst v2;
	v2 =	vld.idx.msk [tilespmem:v57+s4+$0x0], $0xffff  }
0x5b0: {  	vm13 =	vnez.u8 v63;
	v63 =	vld [tilespmem:$0x1FAF0]  }
0x5b1: {  	v61 =	vimm.s32 $0x0  }
0x5b2: {  	v62 =	vimm.s32 $0x0;
	[tilespmem:$0x1FC20] =	vst v0;
	v0 =	vsel vm1, $0xFFFFFFFF, v61  }
0x5b3: {  	vm9 =	vmor vm9, vm1;
	[tilespmem:$0x1FC30] =	vst v0;
	v0 =	vsel vm2, $0xFFFFFFFF, v62;
	v62 =	vimm.s32 $0x0  }
0x5b4: {  	vm9 =	vmor vm9, vm2;
	v61 =	vmax.bf16 v2, v58;
	[tilespmem:$0x1FC40] =	vst v0;
	v0 =	vsel vm0, $0xFFFFFFFF, v62  }
0x5b5: {  	vm1 =	vmand vm13, vm10;
	vm10 =	vne.s32 v2, v61;
	vm14 =	vnez.u8 v63  }
0x5b6: {  	vm9 =	vmor vm9, vm0;
	v61 =	vimm.s32 $0x0;
	vm0 =	vmand vm14, vm10  }
0x5b7: {  	v1 =	vld.idx.msk [tilespmem:v59+s4+$0x0], $0xffff;
	v2 =	vsel vm0, $0xFFFFFFFF, v61  }
0x5b8: {  	v63 =	vld [tilespmem:$0x1FC70];
	[tilespmem:$0x1FAF0] =	vst v2  }
0x5b9: {  	v61 =	vld [tilespmem:$0x1FAF0];
	_ =	sdelay $0x2  }
0x5ba: {  	[tilespmem:$0x1FC50] =	vst v0;
	v0 =	vmax.bf16 v1, v60  }
0x5bb: {  	vm10 =	vne.s32 v1, v0;
	vm15 =	vnez.u8 v63  }
0x5bc: {  	vm9 =	vmor vm9, vm1;
	vm0 =	vmand vm15, vm10;
	vm10 =	vnez.u8 v61  }
0x5bd: {  	vm9 =	vmor vm9, vm10  }
0x5be: {  	vm9 =	vmor vm9, vm0  }
0x5bf: {  	v63 =	vsel vm9, $0x3F800000, v10  }
0x5c0: {  	(xrf0) =	vmax.scan.msk.f32 $0xffff, v63  }
0x5c1: {  	v62 =	vimm.s32 $0x0  }
0x5c2: {  	v2 =	vsel vm1, $0xFFFFFFFF, v62;
	v62 =	vimm.s32 $0x0  }
0x5c3: {  	v0 =	vsel vm0, $0xFFFFFFFF, v62;
	_ =	sdelay $0x2  }
0x5c4: {  	[tilespmem:$0x1FC70] =	vst v0;
	v0, _, _ =	vpop (xrf0)  }
0x5c5: {  	(v2sf) =	vpush v0, $0xF;
	_ =	sdelay $0xe  }
0x5c6: {  	s10 =	spop (v2sf)  }
0x5c7: {  	p0 =	sgt.f32 s10, $0.0e+00  }
.Ltmp21:
0x5c8: {  	_ = 	snop;
	(pc) =	sbr.rel @p0 .LBB2_25-.Ltmp21, $2  }
0x5c9: {  	_ =	sdelay $0x2  }
0x5ca: {  	[tilespmem:$0x1FC60] =	vst v2  }
.Ltmp22:
0x5cb: {  	_ = 	snop;
	(pc) =	sbr.rel .LBB2_26-.Ltmp22, $1  }
0x5cc: {  	_ =	sdelay $0x3  }
.LBB2_27:
0x5cd: {  	s13 =	simm.s32 $0x0;
	s17 =	simm.s32 $0xF300  }
0x5ce: {  	s18 =	simm.s32 $0x2F80;
	s19 =	simm.s32 $0xFAD0;
	s10 =	simm.s32 $0x3750  }
.LBB2_28:
0x5cf: {  	p0 =	seq.s32 s13, $0x0  }
0x5d0: {  	s12 =	simm.s32 @!p0 $0x1  }
0x5d1: {  	_ =	swait.ge @!p0 [sflag:s12], $0x7D0  }
0x5d2: {  	v11 =	vmov s17;
	[sflag:s12] =	ssyncset.done @!p0 $0x0  }
0x5d3: {  	v12 =	vmov s18;
	[sflag:s12] =	ssyncadd.s32 @!p0 $0xFFFFF830  }
0x5d4: {  	_ =	swait.ge @!p0 [sflag:s12], $0x7D0  }
0x5d5: {  	[sflag:s12] =	ssyncset.done @!p0 $0x0  }
0x5d6: {  	[sflag:s12] =	ssyncadd.s32 @!p0 $0xFFFFF830;
	s12 =	simm.s32 $0x0  }
0x5d7: {  	s20 =	smul.u32 $0xFA0, s13;
	s29 =	simm.s32 $0x40;
	v13 =	vld.idx.msk [tilespmem:v11+s12+$0x0 ss:$0x1], $0xffff  }
.LBB2_29:
0x5d8: {  	p1 =	sne.s32 s29, $0x1F00;
	v0 =	vld.idx.msk [tilespmem:v12+s12+$0x0 ss:$0x1], $0xffff;
	_ =	sdelay $0x4  }
0x5d9: {  	v1 =	vshll.u32 v13, $0x10  }
0x5da: {  	v3 =	vand.u32 $0xFFFF0000, v13;
	v2 =	vshll.u32 v0, $0x10;
	v0 =	vand.u32 $0xFFFF0000, v0  }
.Ltmp23:
0x5db: {  	v1 =	vsub.f32 v1, v2;
	v0 =	vsub.f32 v3, v0;
	(pc) =	sbr.rel @p1 .LBB2_29-.Ltmp23, $4  }
0x5dc: {  	_ = 	snop  }
0x5dd: {  	[tilespmem:s12+$0x850] =	vst v0  }
0x5de: {  	[tilespmem:s12+$0x80] =	vst v1;
	s12 =	sshra.s32 s29, $0x2  }
0x5df: {  	s29 =	sadd.s32 $0x40, s29;
	v13 =	vld.idx.msk [tilespmem:v11+s12+$0x0 ss:$0x1], $0xffff  }
0x5e0: {  	_ =	sdelay $0x3  }
0x5e1: {  	v0 =	vld.idx.msk [tilespmem:v12+s12+$0x0 ss:$0x1], $0xffff;
	_ =	sdelay $0x4  }
0x5e2: {  	v1 =	vand.u32 $0xFFFF0000, v13;
	v2 =	vand.u32 $0xFFFF0000, v0  }
0x5e3: {  	v3 =	vshll.u32 v13, $0x10;
	v0 =	vshll.u32 v0, $0x10;
	v1 =	vsub.f32 v1, v2  }
0x5e4: {  	s29 =	sadd.s32 s9, s20;
	v0 =	vsub.f32 v3, v0  }
0x5e5: {  	s29 =	sshrl.u32 s29, $0x3;
	[tilespmem:s12+$0x850] =	vst v1  }
0x5e6: {  	[tilespmem:s12+$0x80] =	vst v0;
	s12 =	sadd.s32 s6, s29  }
0x5e7: {  	[hbm4b:s12+s3] =	stream.linear.scatter [tilespmem:s21], [sflag:$0x1], $0x7D0, $0x38;
	[tilespmem:$0x1E880] =	vst v63  }
0x5e8: {  	s12 =	sadd.s32 s16, s20  }
0x5e9: {  	s12 =	sshrl.u32 s12, $0x3  }
0x5ea: {  	s12 =	sadd.s32 s6, s12  }
0x5eb: {  	[hbm4b:s12+s3] =	stream.linear.scatter [tilespmem:s7], [sflag:$0x1], $0x7D0, $0x38;
	[tilespmem:$0x1E880] =	vst v63  }
0x5ec: {  	s12 =	simm.s32 @!p0 $0x2  }
0x5ed: {  	_ =	swait.ge @!p0 [sflag:s12], $0x7D0  }
0x5ee: {  	v11 =	vmov s19;
	[sflag:s12] =	ssyncset.done @!p0 $0x0  }
0x5ef: {  	v12 =	vmov s10;
	[sflag:s12] =	ssyncadd.s32 @!p0 $0xFFFFF830  }
0x5f0: {  	_ =	swait.ge @!p0 [sflag:s12], $0x7D0  }
0x5f1: {  	[sflag:s12] =	ssyncset.done @!p0 $0x0  }
0x5f2: {  	[sflag:s12] =	ssyncadd.s32 @!p0 $0xFFFFF830;
	s12 =	simm.s32 $0x0  }
0x5f3: {  	s29 =	simm.s32 $0x40;
	s20 =	sadd.s32 $0x7D0, s20;
	v13 =	vld.idx.msk [tilespmem:v11+s12+$0x0 ss:$0x1], $0xffff  }
.LBB2_31:
0x5f4: {  	p0 =	sne.s32 s29, $0x1F00;
	v0 =	vld.idx.msk [tilespmem:v12+s12+$0x0 ss:$0x1], $0xffff;
	_ =	sdelay $0x4  }
0x5f5: {  	v1 =	vshll.u32 v13, $0x10  }
0x5f6: {  	v3 =	vand.u32 $0xFFFF0000, v13;
	v2 =	vshll.u32 v0, $0x10;
	v0 =	vand.u32 $0xFFFF0000, v0  }
.Ltmp24:
0x5f7: {  	v1 =	vsub.f32 v1, v2;
	v0 =	vsub.f32 v3, v0;
	(pc) =	sbr.rel @p0 .LBB2_31-.Ltmp24, $4  }
0x5f8: {  	_ = 	snop  }
0x5f9: {  	[tilespmem:s12+$0x1FD0] =	vst v0  }
0x5fa: {  	[tilespmem:s12+$0x1800] =	vst v1;
	s12 =	sshra.s32 s29, $0x2  }
0x5fb: {  	s29 =	sadd.s32 $0x40, s29;
	v13 =	vld.idx.msk [tilespmem:v11+s12+$0x0 ss:$0x1], $0xffff  }
0x5fc: {  	_ =	sdelay $0x3  }
0x5fd: {  	v0 =	vld.idx.msk [tilespmem:v12+s12+$0x0 ss:$0x1], $0xffff;
	_ =	sdelay $0x4  }
0x5fe: {  	v1 =	vand.u32 $0xFFFF0000, v13;
	v2 =	vand.u32 $0xFFFF0000, v0  }
0x5ff: {  	v3 =	vshll.u32 v13, $0x10;
	v0 =	vshll.u32 v0, $0x10;
	v1 =	vsub.f32 v1, v2  }
0x600: {  	s29 =	sadd.s32 s9, s20;
	v0 =	vsub.f32 v3, v0  }
0x601: {  	s13 =	sadd.s32 $0x1, s13;
	s29 =	sshrl.u32 s29, $0x3;
	[tilespmem:s12+$0x1FD0] =	vst v1  }
0x602: {  	p0 =	sne.s32 s13, $0xC;
	s29 =	sadd.s32 s6, s29;
	[tilespmem:s12+$0x1800] =	vst v0  }
0x603: {  	[hbm4b:s29+s3] =	stream.linear.scatter [tilespmem:s22], [sflag:$0x2], $0x7D0, $0x38;
	[tilespmem:$0x1E880] =	vst v63  }
.Ltmp25:
0x604: {  	_ = 	snop;
	(pc) =	sbr.rel @p0 .LBB2_28-.Ltmp25, $4  }
0x605: {  	s29 =	sadd.s32 s16, s20  }
0x606: {  	s17 =	sadd.s32 $0xFA0, s17;
	s18 =	sadd.s32 $0xFA0, s18;
	s12 =	sshrl.u32 s29, $0x3  }
0x607: {  	s19 =	sadd.s32 $0xFA0, s19;
	s10 =	sadd.s32 $0xFA0, s10;
	s12 =	sadd.s32 s6, s12  }
0x608: {  	[hbm4b:s12+s3] =	stream.linear.scatter [tilespmem:s11], [sflag:$0x2], $0x7D0, $0x38;
	[tilespmem:$0x1E880] =	vst v63  }
0x609: {  	_ =	swait.ge [sflag:s23], $0x7D0  }
0x60a: {  	[sflag:s23] =	ssyncset.done $0x0  }
0x60b: {  	[sflag:s23] =	ssyncadd.s32 $0xFFFFF830  }
0x60c: {  	_ =	swait.ge [sflag:s23], $0x7D0  }
0x60d: {  	s10 =	simm.s32 $0x0;
	[sflag:s23] =	ssyncset.done $0x0  }
0x60e: {  	s10 =	sand.u32 $0x7F0, s10;
	[sflag:s23] =	ssyncadd.s32 $0xFFFFF830  }
0x60f: {  	v0 =	vld [tilespmem:s10+$0x1AE80]  }
0x610: {  	v1 =	vld [tilespmem:s10+$0xEB00];
	_ =	sdelay $0x4  }
0x611: {  	v2 =	vand.u32 $0xFFFF0000, v0;
	v3 =	vand.u32 $0xFFFF0000, v1  }
0x612: {  	v0 =	vshll.u32 v0, $0x10;
	v1 =	vshll.u32 v1, $0x10;
	v2 =	vsub.f32 v2, v3  }
0x613: {  	s10 =	simm.s32 $0x850;
	v0 =	vsub.f32 v0, v1  }
0x614: {  	s12 =	simm.s32 $0x10;
	[tilespmem:s10+$0x0] =	vst v2  }
0x615: {  	s13 =	sand.u32 $0x7F0, s12;
	[tilespmem:s10+$0xFFFFF830] =	vst v0  }
0x616: {  	s12 =	simm.s32 $0x20;
	v11 =	vld [tilespmem:s13+$0x1AE80]  }
.LBB2_34:
0x617: {  	p0 =	sne.s32 s12, $0x7C0;
	v0 =	vld [tilespmem:s13+$0xEB00];
	_ =	sdelay $0x3  }
0x618: {  	v1 =	vshll.u32 v11, $0x10  }
0x619: {  	v3 =	vand.u32 $0xFFFF0000, v11;
	v2 =	vshll.u32 v0, $0x10;
	v0 =	vand.u32 $0xFFFF0000, v0  }
.Ltmp26:
0x61a: {  	v1 =	vsub.f32 v1, v2;
	v0 =	vsub.f32 v3, v0;
	(pc) =	sbr.rel @p0 .LBB2_34-.Ltmp26, $4  }
0x61b: {  	s10 =	sadd.s32 $0x10, s10  }
0x61c: {  	[tilespmem:s10+$0x0] =	vst v0  }
0x61d: {  	s13 =	sand.u32 $0x7F0, s12;
	[tilespmem:s10+$0xFFFFF830] =	vst v1  }
0x61e: {  	s12 =	sadd.s32 $0x10, s12;
	v11 =	vld [tilespmem:s13+$0x1AE80]  }
0x61f: {  	v0 =	vld [tilespmem:s13+$0xEB00];
	_ =	sdelay $0x4  }
0x620: {  	v1 =	vand.u32 $0xFFFF0000, v11;
	v2 =	vand.u32 $0xFFFF0000, v0  }
0x621: {  	v3 =	vshll.u32 v11, $0x10;
	v0 =	vshll.u32 v0, $0x10;
	v1 =	vsub.f32 v1, v2  }
0x622: {  	s10 =	sadd.s32 $0x10, s10;
	v0 =	vsub.f32 v3, v0  }
0x623: {  	[tilespmem:s10+$0x0] =	vst v1  }
0x624: {  	s19 =	rddreg [dreg:$0x9];
	[tilespmem:s10+$0xFFFFF830] =	vst v0  }
0x625: {  	[hbm4b:s19+s3] =	stream.linear.scatter [tilespmem:s21], [sflag:$0x1], $0x7D0, $0x38;
	[tilespmem:$0x1E880] =	vst v63  }
0x626: {  	s20 =	rddreg [dreg:$0xa]  }
0x627: {  	[hbm4b:s20+s3] =	stream.linear.scatter [tilespmem:s7], [sflag:$0x1], $0x7D0, $0x38;
	[tilespmem:$0x1E880] =	vst v63  }
0x628: {  	_ =	swait.ge [sflag:s24], $0x7D0  }
0x629: {  	[sflag:s24] =	ssyncset.done $0x0  }
0x62a: {  	[sflag:s24] =	ssyncadd.s32 $0xFFFFF830  }
0x62b: {  	_ =	swait.ge [sflag:s24], $0x7D0  }
0x62c: {  	[sflag:s24] =	ssyncset.done $0x0  }
0x62d: {  	[sflag:s24] =	ssyncadd.s32 $0xFFFFF830  }
0x62e: {  	_ =	swait.ge [sflag:s23], $0x7D0  }
0x62f: {  	[sflag:s23] =	ssyncset.done $0x0  }
0x630: {  	[sflag:s23] =	ssyncadd.s32 $0xFFFFF830  }
0x631: {  	_ =	swait.ge [sflag:s23], $0x7D0  }
0x632: {  	s12 =	rddreg [dreg:$0xc]  }
0x633: {  	s29 =	rddreg [dreg:$0xb];
	s12 =	sadd.s32 $0x1, s12  }
0x634: {  	p0 =	sne.s32 s12, s29  }
.Ltmp27:
0x635: {  	_ = 	snop;
	(pc) =	sbr.rel @p0 .LBB2_1-.Ltmp27, $3  }
0x636: {  	_ =	sdelay $0x1  }
0x637: {  	[sflag:s23] =	ssyncset.done $0x0  }
0x638: {  	[sflag:s23] =	ssyncadd.s32 $0xFFFFF830  }
0x639: {  	_ =	sfence.sel $0x180000  }
0x63a: {  	[bflag:$0x0] =	sbarrier.arrive $0xFFFF  }
0x63b: {  	_ =	strace $0x90000047  }
0x63c: {  	s0 =	stileid.u32;
	[bflag:$0x2] =	sbarrier.arrive $0xFFFF  }
0x63d: {  	p0 =	sne.s32 s0, $0x0;
	s0 =	rddreg [dreg:$0x3]  }
0x63e: {  	s0 =	sadd.s32 @!p0 $0x100000, s0  }
0x63f: {  	[sflag:s0] =	ssyncadd.tile.s32 @!p0 $0x1;
	_ =	shalt  }
.Lfunc_end2:
_tile_overlayer_lowered:
.L_overlay_start_2:
0x640: {  	(tag) =	ssettag $0x2  }
0x641: {  	s0 =	rddreg [dreg:$0x0];
	s2 =	stileid.u32  }
0x642: {  	s1 =	rddreg [dreg:$0x1];
	p0 =	sne.s32 s2, $0x0  }
0x643: {  	s3 =	rddreg [dreg:$0x2];
	[bflag:$0x3] =	sbarrier.arrive $0xFFFF;
	s2 =	simm.s32 @!p0 $0x1C05  }
0x644: {  	[timem:s3], [sflag:s2] =	dma.local @!p0 [hbm:s0], s1  }
0x645: {  	s0 =	simm.s32 @!p0 $0x5  }
0x646: {  	_ =	swait.ge @!p0 [sflag:s0], s1  }
0x647: {  	s1 =	ssub.s32 @!p0 $0x0, s1;
	[sflag:s0] =	ssyncset.done @!p0 $0x0  }
0x648: {  	[sflag:s0] =	ssyncadd.s32 @!p0 s1  }
0x649: {  	[bflag:$0x3] =	sbarrier.arrive $0xFFFF  }
0x64a: {  	_ =	shalt  }

</sc_bundles>
